<compile_context>
chip_gen: v7x
topology: tpu7x:2x2x1
jax: 0.10.2.dev20260603
libtpu: 0.0.44.dev20260713+nightly
codegen_flags: <defaults>
</compile_context>

<pallas_src>
import functools

import jax
import jax.numpy as jnp
from jax import lax
from jax.experimental import pallas as pl
from jax.experimental.pallas import tpu as pltpu
from jax.experimental.pallas import tpu_sc as plsc

SEQ_LEN = 200
EMBED = 32
BATCH = 4096
LANES = 16

NC, NS = 2, 16
NW = NC * NS
LT = SEQ_LEN // 8
ROWS_PER_TILE = 8 * 128

_mesh = plsc.VectorSubcoreMesh(core_axis_name="c", subcore_axis_name="s")


@functools.partial(
    pl.kernel,
    out_type=jax.ShapeDtypeStruct((SEQ_LEN, 128, 1024), jnp.float32),
    mesh=_mesh,
    scratch_types=[
        pltpu.VMEM((8, 128), jnp.int32),
        pltpu.VMEM((8, 128), jnp.int32),
        pltpu.VMEM((ROWS_PER_TILE, EMBED), jnp.float32),
        pltpu.VMEM((ROWS_PER_TILE, EMBED), jnp.float32),
        pltpu.VMEM((8, 4096), jnp.float32),
        pltpu.VMEM((SEQ_LEN, EMBED), jnp.float32),
        pltpu.SemaphoreType.DMA,
        pltpu.SemaphoreType.DMA,
        pltpu.SemaphoreType.DMA,
        pltpu.SemaphoreType.DMA,
        pltpu.SemaphoreType.DMA,
    ],
    compiler_params=pltpu.CompilerParams(
        use_tc_tiling_on_sc=False, needs_layout_passes=False),
)
def _emb_kernel(idx_hbm, tok_hbm, pos_hbm, out_hbm,
                idx0, idx1, rows0, rows1, tile_v, pos_v,
                g0, g1, i0, i1, osem):
    wid = lax.axis_index("s") * NC + lax.axis_index("c")
    pltpu.sync_copy(pos_hbm, pos_v)

    idx = (idx0, idx1)
    rows = (rows0, rows1)
    gsem = (g0, g1)
    isem = (i0, i1)
    riota = lax.iota(jnp.int32, LANES)

    def issue(lt, b):
        pltpu.make_async_copy(idx_hbm.at[0, 0], idx[b], isem[b]).wait()

        @pl.loop(0, 8)
        def _(li):
            for v in range(8):
                t = idx[b][li, pl.ds(v * LANES, LANES)]
                r = ((t & -_PBLK)
                     | ((t & (_PSUB - 1)) << 2)
                     | ((t >> _PSH) & 3))
                idx[b][li, pl.ds(v * LANES, LANES)] = r

        for li in range(8):
            pltpu.async_copy(
                tok_hbm.at[idx[b].at[li]],
                rows[b].at[pl.ds(li * 128, 128)],
                gsem[b],
            )

    def complete(lt, b, drain_out):
        pltpu.make_async_copy(
            tok_hbm.at[pl.ds(0, ROWS_PER_TILE)], rows[b], gsem[b]).wait()
        @pl.when(lt + 2 < LT)
        def _():
            pltpu.async_copy(idx_hbm.at[lt + 2, wid], idx[b], isem[b])
        drain_out()

        zv = jnp.zeros((LANES,), jnp.int32)

        @pl.loop(0, 8)
        def _(li):
            l = lt * 8 + li
            p0 = pos_v[l, pl.ds(0, LANES)]
            p1 = pos_v[l, pl.ds(LANES, LANES)]
            lrow = li * 4096

            @plsc.parallel_loop(0, LANES, unroll=2)
            def _(k):
                perm = (riota + k) & 15
                p32 = perm << 5
                for h in range(2):
                    gb = p32 + (riota + h * 16)
                    sb = perm + (riota * 128 + h * 2048)
                    ph = (p0, p1)[h]
                    for v in range(8):
                        val = plsc.load_gather(
                            rows[b], [zv, gb + (lrow + v * 512)])
                        plsc.store_scatter(
                            tile_v, [zv, sb + (lrow + v * 16)], val + ph)

        for dt in range(4):
            pltpu.async_copy(
                tile_v.at[:, pl.ds(dt * 1024, 1024)],
                out_hbm.at[pl.ds(lt * 8, 8), dt * 32 + wid],
                osem,
            )

    def drain_tile():
        for _ in range(4):
            pltpu.make_async_copy(
                tile_v.at[:, pl.ds(0, 1024)],
                out_hbm.at[pl.ds(0, 8), 0], osem).wait()

    pltpu.async_copy(idx_hbm.at[0, wid], idx[0], isem[0])
    pltpu.async_copy(idx_hbm.at[1, wid], idx[1], isem[1])
    issue(0, 0)

    @pl.loop(0, (LT - 1) // 2)
    def _(g):
        issue(2 * g + 1, 1)
        complete(2 * g, 0, lambda: pl.when(g > 0)(drain_tile))
        issue(2 * g + 2, 0)
        complete(2 * g + 1, 1, drain_tile)

    complete(LT - 1, 0, drain_tile)
    drain_tile()


_TBLK = 16384
_TGRID = -(-1000000 // _TBLK)
_PBLK = 8192
_PSUB = 2048
_PSH = 11


def _transpose_body(x_ref, o_ref):
    x = x_ref[...]
    x256 = jnp.concatenate(
        [x[:, 2048 * c:2048 * (c + 1)] for c in range(8)], axis=0)
    eye = jnp.eye(256, dtype=jnp.float32)
    y = lax.dot_general(x256, eye, (((0,), (0,)), ((), ())),
                        preferred_element_type=jnp.float32)
    for g in range(2):
        o_ref[2048 * g:2048 * (g + 1), :] = y[:, 128 * g:128 * (g + 1)]


_tok_relayout = pl.pallas_call(
    _transpose_body,
    out_shape=jax.ShapeDtypeStruct((_TGRID * (_TBLK // 4), 128), jnp.float32),
    grid=(_TGRID,),
    in_specs=[pl.BlockSpec((EMBED, _TBLK), lambda i: (0, i))],
    out_specs=pl.BlockSpec((_TBLK // 4, 128), lambda i: (i, 0)),
)


def kernel(inputs, token_table, position_table):
    idx4d = (inputs.astype(jnp.int32).T
             .reshape(LT, 8, 32, 128).transpose(0, 2, 1, 3))
    tok = _tok_relayout(token_table.T).reshape(_TGRID * _TBLK, EMBED)
    out3 = _emb_kernel(idx4d, tok, position_table)
    out5 = out3.reshape(SEQ_LEN, 4, 32, 8, 128)
    return out5.transpose(2, 4, 0, 1, 3).reshape(BATCH, SEQ_LEN, EMBED)

# --- scband reference (transcript-rebuilt; emitter-appended) ---
"""Pipeline reference for scband-positional-embedding-4063039062621 (READ-ONLY COPY).

The authoritative reference and input builder live on the scoring server;
editing this copy changes nothing except your own understanding.
"""

import jax, jax.numpy as jnp
import numpy as np

VOCAB = 1000000
SEQ_LEN = 200
EMBED = 32
BATCH = 4096

def setup_inputs(seed: int = 0) -> dict:
    key = jax.random.key(seed)
    k_idx, k_tok, k_pos = jax.random.split(key, 3)
    inputs = jax.random.randint(k_idx, (BATCH, SEQ_LEN), 0, VOCAB, dtype=jnp.int64 if jax.config.read('jax_enable_x64') else jnp.int32)
    token_table = jax.random.normal(k_tok, (VOCAB, EMBED), dtype=jnp.float32) * 0.05
    position_table = jax.random.normal(k_pos, (SEQ_LEN, EMBED), dtype=jnp.float32) * 0.05
    return {"inputs": inputs, "token_table": token_table, "position_table": position_table}

def reference(inputs, token_table, position_table):
    # token embedding lookup: gather rows of token_table
    embedded_tokens = jnp.take(token_table, inputs, axis=0)  # [B, L, D]
    length = inputs.shape[1]
    positions = jnp.arange(0, length, 1)
    embedded_positions = jnp.take(position_table, positions, axis=0)  # [L, D]
    return embedded_tokens + embedded_positions[None, :, :]

if __name__ == "__main__":
    import jax
    _d = setup_inputs()
    print(jax.jit(kernel)(*tuple(_d.values())))

</pallas_src>

<mosaic_0001>
#map = affine_map<(d0, d1) -> (0, 0, 0, 0)>
#map1 = affine_map<(d0, d1) -> (0, 0)>
#map2 = affine_map<(d0, d1) -> (0, 0, 0)>
module attributes {stable_mosaic.version = 14 : i64} {
  func.func @_emb_kernel(%arg0: i32, %arg1: i32, %arg2: memref<25x32x8x128xi32, #tpu.memory_space<hbm>>, %arg3: memref<1015808x32xf32, #tpu.memory_space<hbm>>, %arg4: memref<200x32xf32, #tpu.memory_space<hbm>>, %arg5: memref<200x128x1024xf32, #tpu.memory_space<hbm>>, %arg6: memref<8x128xi32, #tpu.memory_space<vmem>>, %arg7: memref<8x128xi32, #tpu.memory_space<vmem>>, %arg8: memref<1024x32xf32, #tpu.memory_space<vmem>>, %arg9: memref<1024x32xf32, #tpu.memory_space<vmem>>, %arg10: memref<8x4096xf32, #tpu.memory_space<vmem>>, %arg11: memref<200x32xf32, #tpu.memory_space<vmem>>, %arg12: memref<!tpu.dma_semaphore, #tpu.memory_space<semaphore_mem>>, %arg13: memref<!tpu.dma_semaphore, #tpu.memory_space<semaphore_mem>>, %arg14: memref<!tpu.dma_semaphore, #tpu.memory_space<semaphore_mem>>, %arg15: memref<!tpu.dma_semaphore, #tpu.memory_space<semaphore_mem>>, %arg16: memref<!tpu.dma_semaphore, #tpu.memory_space<semaphore_mem>>) attributes {dimension_semantics = [#tpu.dimension_semantics<core_parallel>, #tpu.dimension_semantics<subcore_parallel>], iteration_bounds = array<i64: 2, 16>, scalar_prefetch = 0 : i64, scratch_operands = 11 : i64, tpu.core_type = #tpu.core_type<sc_vector_subcore>, window_params = [{transform_indices = #map}, {transform_indices = #map1}, {transform_indices = #map1}, {transform_indices = #map2}]} {
    %mul3A = arith.constant 2 : i32
    %mul3A_0 = arith.muli %arg1, %mul3A : i32
    %add3A = arith.addi %mul3A_0, %arg0 : i32
    "tpu.region"() ({
      %run_scoped3A = tpu.sem_alloc : memref<!tpu.dma_semaphore, #tpu.memory_space<semaphore_mem>>
      tpu.enqueue_dma source(%arg4 : memref<200x32xf32, #tpu.memory_space<hbm>>) target(%arg11 : memref<200x32xf32, #tpu.memory_space<vmem>>) target_semaphore(%run_scoped3A : memref<!tpu.dma_semaphore, #tpu.memory_space<semaphore_mem>>)
      tpu.wait_dma2 semaphore(%run_scoped3A : memref<!tpu.dma_semaphore, #tpu.memory_space<semaphore_mem>>) src(%arg4 : memref<200x32xf32, #tpu.memory_space<hbm>>) dst(%arg11 : memref<200x32xf32, #tpu.memory_space<vmem>>)
      tpu.yield
    }) : () -> ()
    %iota3A = tpu.iota {dimensions = array<i32: 0>} : vector<16xi32>
    %dma_start3A = arith.constant 0 : i32
    %dma_start3A_1 = arith.constant 0 : i32
    %dma_start3A_2 = arith.constant 0 : i32
    %dma_start3A_3 = tpu.memref_slice %arg2[%dma_start3A, %add3A, %dma_start3A_1, %dma_start3A_2] : memref<25x32x8x128xi32, #tpu.memory_space<hbm>> -> memref<1x1x8x128xi32, #tpu.memory_space<hbm>>
    %dma_start3A_4 = tpu.memref_squeeze %dma_start3A_3 : memref<1x1x8x128xi32, #tpu.memory_space<hbm>> -> memref<8x128xi32, #tpu.memory_space<hbm>>
    %dma_start3A_5 = arith.constant 0 : i32
    %dma_start3A_6 = arith.constant 0 : i32
    %dma_start3A_7 = tpu.memref_slice %arg2[%dma_start3A, %add3A, %dma_start3A_5, %dma_start3A_6] : memref<25x32x8x128xi32, #tpu.memory_space<hbm>> -> memref<1x1x8x128xi32, #tpu.memory_space<hbm>>
    %dma_start3A_8 = tpu.memref_squeeze %dma_start3A_7 : memref<1x1x8x128xi32, #tpu.memory_space<hbm>> -> memref<8x128xi32, #tpu.memory_space<hbm>>
    tpu.enqueue_dma source(%dma_start3A_8 : memref<8x128xi32, #tpu.memory_space<hbm>>) target(%arg6 : memref<8x128xi32, #tpu.memory_space<vmem>>) target_semaphore(%arg14 : memref<!tpu.dma_semaphore, #tpu.memory_space<semaphore_mem>>)
    %dma_start3A_9 = arith.constant 1 : i32
    %dma_start3A_10 = arith.constant 0 : i32
    %dma_start3A_11 = arith.constant 0 : i32
    %dma_start3A_12 = tpu.memref_slice %arg2[%dma_start3A_9, %add3A, %dma_start3A_10, %dma_start3A_11] : memref<25x32x8x128xi32, #tpu.memory_space<hbm>> -> memref<1x1x8x128xi32, #tpu.memory_space<hbm>>
    %dma_start3A_13 = tpu.memref_squeeze %dma_start3A_12 : memref<1x1x8x128xi32, #tpu.memory_space<hbm>> -> memref<8x128xi32, #tpu.memory_space<hbm>>
    %dma_start3A_14 = arith.constant 0 : i32
    %dma_start3A_15 = arith.constant 0 : i32
    %dma_start3A_16 = tpu.memref_slice %arg2[%dma_start3A_9, %add3A, %dma_start3A_14, %dma_start3A_15] : memref<25x32x8x128xi32, #tpu.memory_space<hbm>> -> memref<1x1x8x128xi32, #tpu.memory_space<hbm>>
    %dma_start3A_17 = tpu.memref_squeeze %dma_start3A_16 : memref<1x1x8x128xi32, #tpu.memory_space<hbm>> -> memref<8x128xi32, #tpu.memory_space<hbm>>
    tpu.enqueue_dma source(%dma_start3A_17 : memref<8x128xi32, #tpu.memory_space<hbm>>) target(%arg7 : memref<8x128xi32, #tpu.memory_space<vmem>>) target_semaphore(%arg15 : memref<!tpu.dma_semaphore, #tpu.memory_space<semaphore_mem>>)
    %dma_wait3A = arith.constant 0 : i32
    %dma_wait3A_18 = arith.constant 0 : i32
    %dma_wait3A_19 = arith.constant 0 : i32
    %dma_wait3A_20 = arith.constant 0 : i32
    %dma_wait3A_21 = tpu.memref_slice %arg2[%dma_wait3A, %dma_wait3A_18, %dma_wait3A_19, %dma_wait3A_20] : memref<25x32x8x128xi32, #tpu.memory_space<hbm>> -> memref<1x1x8x128xi32, #tpu.memory_space<hbm>>
    %dma_wait3A_22 = tpu.memref_squeeze %dma_wait3A_21 : memref<1x1x8x128xi32, #tpu.memory_space<hbm>> -> memref<8x128xi32, #tpu.memory_space<hbm>>
    %dma_wait3A_23 = arith.constant 0 : i32
    %dma_wait3A_24 = arith.constant 0 : i32
    %dma_wait3A_25 = tpu.memref_slice %arg2[%dma_wait3A, %dma_wait3A_18, %dma_wait3A_23, %dma_wait3A_24] : memref<25x32x8x128xi32, #tpu.memory_space<hbm>> -> memref<1x1x8x128xi32, #tpu.memory_space<hbm>>
    %dma_wait3A_26 = tpu.memref_squeeze %dma_wait3A_25 : memref<1x1x8x128xi32, #tpu.memory_space<hbm>> -> memref<8x128xi32, #tpu.memory_space<hbm>>
    tpu.wait_dma2 semaphore(%arg14 : memref<!tpu.dma_semaphore, #tpu.memory_space<semaphore_mem>>) src(%dma_wait3A_26 : memref<8x128xi32, #tpu.memory_space<hbm>>) dst(%arg6 : memref<8x128xi32, #tpu.memory_space<vmem>>)
    %scan3A = arith.constant 0 : i32
    %scan3A_27 = arith.constant 8 : i32
    %scan3A_28 = arith.addi %scan3A, %scan3A_27 : i32
    %scan3A_29 = arith.constant 1 : i32
    scf.for %scan3A_312 = %scan3A to %scan3A_28 step %scan3A_29  : i32 {
      %mul3A_313 = arith.constant 1 : i32
      %mul3A_314 = arith.muli %scan3A_312, %mul3A_313 : i32
      %add3A_315 = arith.constant 0 : i32
      %add3A_316 = arith.addi %add3A_315, %mul3A_314 : i32
      %get3A = arith.index_cast %add3A_316 : i32 to index
      %get3A_317 = arith.constant 0 : index
      %get3A_318 = tpu.vector_load %arg6[%get3A, %get3A_317] {strides = array<i32>} : memref<8x128xi32, #tpu.memory_space<vmem>>, vector<16xi32>,
      %and3A = arith.constant -8192 : i32
      %and3A_319 = vector.broadcast %and3A : i32 to vector<16xi32>
      %and3A_320 = arith.andi %get3A_318, %and3A_319 : vector<16xi32>
      %and3A_321 = arith.constant 2047 : i32
      %and3A_322 = vector.broadcast %and3A_321 : i32 to vector<16xi32>
      %and3A_323 = arith.andi %get3A_318, %and3A_322 : vector<16xi32>
      %shift_left3A = arith.constant 2 : i32
      %shift_left3A_324 = vector.broadcast %shift_left3A : i32 to vector<16xi32>
      %shift_left3A_325 = arith.shli %and3A_323, %shift_left3A_324 : vector<16xi32>
      %or3A = arith.ori %and3A_320, %shift_left3A_325 : vector<16xi32>
      %shift_right_arithmetic3A = arith.constant 11 : i32
      %shift_right_arithmetic3A_326 = vector.broadcast %shift_right_arithmetic3A : i32 to vector<16xi32>
      %shift_right_arithmetic3A_327 = arith.shrsi %get3A_318, %shift_right_arithmetic3A_326 : vector<16xi32>
      %and3A_328 = arith.constant 3 : i32
      %and3A_329 = vector.broadcast %and3A_328 : i32 to vector<16xi32>
      %and3A_330 = arith.andi %shift_right_arithmetic3A_327, %and3A_329 : vector<16xi32>
      %or3A_331 = arith.ori %or3A, %and3A_330 : vector<16xi32>
      %swap3A = arith.index_cast %add3A_316 : i32 to index
      %swap3A_332 = arith.constant 0 : index
      %swap3A_333 = tpu.vector_load %arg6[%swap3A, %swap3A_332] {strides = array<i32>} : memref<8x128xi32, #tpu.memory_space<vmem>>, vector<16xi32>,
      tpu.vector_store %arg6[%swap3A, %swap3A_332], %or3A_331 {strides = array<i32>} : memref<8x128xi32, #tpu.memory_space<vmem>>, vector<16xi32>,
      %get3A_334 = arith.index_cast %add3A_316 : i32 to index
      %get3A_335 = arith.constant 16 : index
      %get3A_336 = tpu.vector_load %arg6[%get3A_334, %get3A_335] {strides = array<i32>} : memref<8x128xi32, #tpu.memory_space<vmem>>, vector<16xi32>,
      %and3A_337 = arith.constant -8192 : i32
      %and3A_338 = vector.broadcast %and3A_337 : i32 to vector<16xi32>
      %and3A_339 = arith.andi %get3A_336, %and3A_338 : vector<16xi32>
      %and3A_340 = arith.constant 2047 : i32
      %and3A_341 = vector.broadcast %and3A_340 : i32 to vector<16xi32>
      %and3A_342 = arith.andi %get3A_336, %and3A_341 : vector<16xi32>
      %shift_left3A_343 = arith.constant 2 : i32
      %shift_left3A_344 = vector.broadcast %shift_left3A_343 : i32 to vector<16xi32>
      %shift_left3A_345 = arith.shli %and3A_342, %shift_left3A_344 : vector<16xi32>
      %or3A_346 = arith.ori %and3A_339, %shift_left3A_345 : vector<16xi32>
      %shift_right_arithmetic3A_347 = arith.constant 11 : i32
      %shift_right_arithmetic3A_348 = vector.broadcast %shift_right_arithmetic3A_347 : i32 to vector<16xi32>
      %shift_right_arithmetic3A_349 = arith.shrsi %get3A_336, %shift_right_arithmetic3A_348 : vector<16xi32>
      %and3A_350 = arith.constant 3 : i32
      %and3A_351 = vector.broadcast %and3A_350 : i32 to vector<16xi32>
      %and3A_352 = arith.andi %shift_right_arithmetic3A_349, %and3A_351 : vector<16xi32>
      %or3A_353 = arith.ori %or3A_346, %and3A_352 : vector<16xi32>
      %swap3A_354 = arith.index_cast %add3A_316 : i32 to index
      %swap3A_355 = arith.constant 16 : index
      %swap3A_356 = tpu.vector_load %arg6[%swap3A_354, %swap3A_355] {strides = array<i32>} : memref<8x128xi32, #tpu.memory_space<vmem>>, vector<16xi32>,
      tpu.vector_store %arg6[%swap3A_354, %swap3A_355], %or3A_353 {strides = array<i32>} : memref<8x128xi32, #tpu.memory_space<vmem>>, vector<16xi32>,
      %get3A_357 = arith.index_cast %add3A_316 : i32 to index
      %get3A_358 = arith.constant 32 : index
      %get3A_359 = tpu.vector_load %arg6[%get3A_357, %get3A_358] {strides = array<i32>} : memref<8x128xi32, #tpu.memory_space<vmem>>, vector<16xi32>,
      %and3A_360 = arith.constant -8192 : i32
      %and3A_361 = vector.broadcast %and3A_360 : i32 to vector<16xi32>
      %and3A_362 = arith.andi %get3A_359, %and3A_361 : vector<16xi32>
      %and3A_363 = arith.constant 2047 : i32
      %and3A_364 = vector.broadcast %and3A_363 : i32 to vector<16xi32>
      %and3A_365 = arith.andi %get3A_359, %and3A_364 : vector<16xi32>
      %shift_left3A_366 = arith.constant 2 : i32
      %shift_left3A_367 = vector.broadcast %shift_left3A_366 : i32 to vector<16xi32>
      %shift_left3A_368 = arith.shli %and3A_365, %shift_left3A_367 : vector<16xi32>
      %or3A_369 = arith.ori %and3A_362, %shift_left3A_368 : vector<16xi32>
      %shift_right_arithmetic3A_370 = arith.constant 11 : i32
      %shift_right_arithmetic3A_371 = vector.broadcast %shift_right_arithmetic3A_370 : i32 to vector<16xi32>
      %shift_right_arithmetic3A_372 = arith.shrsi %get3A_359, %shift_right_arithmetic3A_371 : vector<16xi32>
      %and3A_373 = arith.constant 3 : i32
      %and3A_374 = vector.broadcast %and3A_373 : i32 to vector<16xi32>
      %and3A_375 = arith.andi %shift_right_arithmetic3A_372, %and3A_374 : vector<16xi32>
      %or3A_376 = arith.ori %or3A_369, %and3A_375 : vector<16xi32>
      %swap3A_377 = arith.index_cast %add3A_316 : i32 to index
      %swap3A_378 = arith.constant 32 : index
      %swap3A_379 = tpu.vector_load %arg6[%swap3A_377, %swap3A_378] {strides = array<i32>} : memref<8x128xi32, #tpu.memory_space<vmem>>, vector<16xi32>,
      tpu.vector_store %arg6[%swap3A_377, %swap3A_378], %or3A_376 {strides = array<i32>} : memref<8x128xi32, #tpu.memory_space<vmem>>, vector<16xi32>,
      %get3A_380 = arith.index_cast %add3A_316 : i32 to index
      %get3A_381 = arith.constant 48 : index
      %get3A_382 = tpu.vector_load %arg6[%get3A_380, %get3A_381] {strides = array<i32>} : memref<8x128xi32, #tpu.memory_space<vmem>>, vector<16xi32>,
      %and3A_383 = arith.constant -8192 : i32
      %and3A_384 = vector.broadcast %and3A_383 : i32 to vector<16xi32>
      %and3A_385 = arith.andi %get3A_382, %and3A_384 : vector<16xi32>
      %and3A_386 = arith.constant 2047 : i32
      %and3A_387 = vector.broadcast %and3A_386 : i32 to vector<16xi32>
      %and3A_388 = arith.andi %get3A_382, %and3A_387 : vector<16xi32>
      %shift_left3A_389 = arith.constant 2 : i32
      %shift_left3A_390 = vector.broadcast %shift_left3A_389 : i32 to vector<16xi32>
      %shift_left3A_391 = arith.shli %and3A_388, %shift_left3A_390 : vector<16xi32>
      %or3A_392 = arith.ori %and3A_385, %shift_left3A_391 : vector<16xi32>
      %shift_right_arithmetic3A_393 = arith.constant 11 : i32
      %shift_right_arithmetic3A_394 = vector.broadcast %shift_right_arithmetic3A_393 : i32 to vector<16xi32>
      %shift_right_arithmetic3A_395 = arith.shrsi %get3A_382, %shift_right_arithmetic3A_394 : vector<16xi32>
      %and3A_396 = arith.constant 3 : i32
      %and3A_397 = vector.broadcast %and3A_396 : i32 to vector<16xi32>
      %and3A_398 = arith.andi %shift_right_arithmetic3A_395, %and3A_397 : vector<16xi32>
      %or3A_399 = arith.ori %or3A_392, %and3A_398 : vector<16xi32>
      %swap3A_400 = arith.index_cast %add3A_316 : i32 to index
      %swap3A_401 = arith.constant 48 : index
      %swap3A_402 = tpu.vector_load %arg6[%swap3A_400, %swap3A_401] {strides = array<i32>} : memref<8x128xi32, #tpu.memory_space<vmem>>, vector<16xi32>,
      tpu.vector_store %arg6[%swap3A_400, %swap3A_401], %or3A_399 {strides = array<i32>} : memref<8x128xi32, #tpu.memory_space<vmem>>, vector<16xi32>,
      %get3A_403 = arith.index_cast %add3A_316 : i32 to index
      %get3A_404 = arith.constant 64 : index
      %get3A_405 = tpu.vector_load %arg6[%get3A_403, %get3A_404] {strides = array<i32>} : memref<8x128xi32, #tpu.memory_space<vmem>>, vector<16xi32>,
      %and3A_406 = arith.constant -8192 : i32
      %and3A_407 = vector.broadcast %and3A_406 : i32 to vector<16xi32>
      %and3A_408 = arith.andi %get3A_405, %and3A_407 : vector<16xi32>
      %and3A_409 = arith.constant 2047 : i32
      %and3A_410 = vector.broadcast %and3A_409 : i32 to vector<16xi32>
      %and3A_411 = arith.andi %get3A_405, %and3A_410 : vector<16xi32>
      %shift_left3A_412 = arith.constant 2 : i32
      %shift_left3A_413 = vector.broadcast %shift_left3A_412 : i32 to vector<16xi32>
      %shift_left3A_414 = arith.shli %and3A_411, %shift_left3A_413 : vector<16xi32>
      %or3A_415 = arith.ori %and3A_408, %shift_left3A_414 : vector<16xi32>
      %shift_right_arithmetic3A_416 = arith.constant 11 : i32
      %shift_right_arithmetic3A_417 = vector.broadcast %shift_right_arithmetic3A_416 : i32 to vector<16xi32>
      %shift_right_arithmetic3A_418 = arith.shrsi %get3A_405, %shift_right_arithmetic3A_417 : vector<16xi32>
      %and3A_419 = arith.constant 3 : i32
      %and3A_420 = vector.broadcast %and3A_419 : i32 to vector<16xi32>
      %and3A_421 = arith.andi %shift_right_arithmetic3A_418, %and3A_420 : vector<16xi32>
      %or3A_422 = arith.ori %or3A_415, %and3A_421 : vector<16xi32>
      %swap3A_423 = arith.index_cast %add3A_316 : i32 to index
      %swap3A_424 = arith.constant 64 : index
      %swap3A_425 = tpu.vector_load %arg6[%swap3A_423, %swap3A_424] {strides = array<i32>} : memref<8x128xi32, #tpu.memory_space<vmem>>, vector<16xi32>,
      tpu.vector_store %arg6[%swap3A_423, %swap3A_424], %or3A_422 {strides = array<i32>} : memref<8x128xi32, #tpu.memory_space<vmem>>, vector<16xi32>,
      %get3A_426 = arith.index_cast %add3A_316 : i32 to index
      %get3A_427 = arith.constant 80 : index
      %get3A_428 = tpu.vector_load %arg6[%get3A_426, %get3A_427] {strides = array<i32>} : memref<8x128xi32, #tpu.memory_space<vmem>>, vector<16xi32>,
      %and3A_429 = arith.constant -8192 : i32
      %and3A_430 = vector.broadcast %and3A_429 : i32 to vector<16xi32>
      %and3A_431 = arith.andi %get3A_428, %and3A_430 : vector<16xi32>
      %and3A_432 = arith.constant 2047 : i32
      %and3A_433 = vector.broadcast %and3A_432 : i32 to vector<16xi32>
      %and3A_434 = arith.andi %get3A_428, %and3A_433 : vector<16xi32>
      %shift_left3A_435 = arith.constant 2 : i32
      %shift_left3A_436 = vector.broadcast %shift_left3A_435 : i32 to vector<16xi32>
      %shift_left3A_437 = arith.shli %and3A_434, %shift_left3A_436 : vector<16xi32>
      %or3A_438 = arith.ori %and3A_431, %shift_left3A_437 : vector<16xi32>
      %shift_right_arithmetic3A_439 = arith.constant 11 : i32
      %shift_right_arithmetic3A_440 = vector.broadcast %shift_right_arithmetic3A_439 : i32 to vector<16xi32>
      %shift_right_arithmetic3A_441 = arith.shrsi %get3A_428, %shift_right_arithmetic3A_440 : vector<16xi32>
      %and3A_442 = arith.constant 3 : i32
      %and3A_443 = vector.broadcast %and3A_442 : i32 to vector<16xi32>
      %and3A_444 = arith.andi %shift_right_arithmetic3A_441, %and3A_443 : vector<16xi32>
      %or3A_445 = arith.ori %or3A_438, %and3A_444 : vector<16xi32>
      %swap3A_446 = arith.index_cast %add3A_316 : i32 to index
      %swap3A_447 = arith.constant 80 : index
      %swap3A_448 = tpu.vector_load %arg6[%swap3A_446, %swap3A_447] {strides = array<i32>} : memref<8x128xi32, #tpu.memory_space<vmem>>, vector<16xi32>,
      tpu.vector_store %arg6[%swap3A_446, %swap3A_447], %or3A_445 {strides = array<i32>} : memref<8x128xi32, #tpu.memory_space<vmem>>, vector<16xi32>,
      %get3A_449 = arith.index_cast %add3A_316 : i32 to index
      %get3A_450 = arith.constant 96 : index
      %get3A_451 = tpu.vector_load %arg6[%get3A_449, %get3A_450] {strides = array<i32>} : memref<8x128xi32, #tpu.memory_space<vmem>>, vector<16xi32>,
      %and3A_452 = arith.constant -8192 : i32
      %and3A_453 = vector.broadcast %and3A_452 : i32 to vector<16xi32>
      %and3A_454 = arith.andi %get3A_451, %and3A_453 : vector<16xi32>
      %and3A_455 = arith.constant 2047 : i32
      %and3A_456 = vector.broadcast %and3A_455 : i32 to vector<16xi32>
      %and3A_457 = arith.andi %get3A_451, %and3A_456 : vector<16xi32>
      %shift_left3A_458 = arith.constant 2 : i32
      %shift_left3A_459 = vector.broadcast %shift_left3A_458 : i32 to vector<16xi32>
      %shift_left3A_460 = arith.shli %and3A_457, %shift_left3A_459 : vector<16xi32>
      %or3A_461 = arith.ori %and3A_454, %shift_left3A_460 : vector<16xi32>
      %shift_right_arithmetic3A_462 = arith.constant 11 : i32
      %shift_right_arithmetic3A_463 = vector.broadcast %shift_right_arithmetic3A_462 : i32 to vector<16xi32>
      %shift_right_arithmetic3A_464 = arith.shrsi %get3A_451, %shift_right_arithmetic3A_463 : vector<16xi32>
      %and3A_465 = arith.constant 3 : i32
      %and3A_466 = vector.broadcast %and3A_465 : i32 to vector<16xi32>
      %and3A_467 = arith.andi %shift_right_arithmetic3A_464, %and3A_466 : vector<16xi32>
      %or3A_468 = arith.ori %or3A_461, %and3A_467 : vector<16xi32>
      %swap3A_469 = arith.index_cast %add3A_316 : i32 to index
      %swap3A_470 = arith.constant 96 : index
      %swap3A_471 = tpu.vector_load %arg6[%swap3A_469, %swap3A_470] {strides = array<i32>} : memref<8x128xi32, #tpu.memory_space<vmem>>, vector<16xi32>,
      tpu.vector_store %arg6[%swap3A_469, %swap3A_470], %or3A_468 {strides = array<i32>} : memref<8x128xi32, #tpu.memory_space<vmem>>, vector<16xi32>,
      %get3A_472 = arith.index_cast %add3A_316 : i32 to index
      %get3A_473 = arith.constant 112 : index
      %get3A_474 = tpu.vector_load %arg6[%get3A_472, %get3A_473] {strides = array<i32>} : memref<8x128xi32, #tpu.memory_space<vmem>>, vector<16xi32>,
      %and3A_475 = arith.constant -8192 : i32
      %and3A_476 = vector.broadcast %and3A_475 : i32 to vector<16xi32>
      %and3A_477 = arith.andi %get3A_474, %and3A_476 : vector<16xi32>
      %and3A_478 = arith.constant 2047 : i32
      %and3A_479 = vector.broadcast %and3A_478 : i32 to vector<16xi32>
      %and3A_480 = arith.andi %get3A_474, %and3A_479 : vector<16xi32>
      %shift_left3A_481 = arith.constant 2 : i32
      %shift_left3A_482 = vector.broadcast %shift_left3A_481 : i32 to vector<16xi32>
      %shift_left3A_483 = arith.shli %and3A_480, %shift_left3A_482 : vector<16xi32>
      %or3A_484 = arith.ori %and3A_477, %shift_left3A_483 : vector<16xi32>
      %shift_right_arithmetic3A_485 = arith.constant 11 : i32
      %shift_right_arithmetic3A_486 = vector.broadcast %shift_right_arithmetic3A_485 : i32 to vector<16xi32>
      %shift_right_arithmetic3A_487 = arith.shrsi %get3A_474, %shift_right_arithmetic3A_486 : vector<16xi32>
      %and3A_488 = arith.constant 3 : i32
      %and3A_489 = vector.broadcast %and3A_488 : i32 to vector<16xi32>
      %and3A_490 = arith.andi %shift_right_arithmetic3A_487, %and3A_489 : vector<16xi32>
      %or3A_491 = arith.ori %or3A_484, %and3A_490 : vector<16xi32>
      %swap3A_492 = arith.index_cast %add3A_316 : i32 to index
      %swap3A_493 = arith.constant 112 : index
      %swap3A_494 = tpu.vector_load %arg6[%swap3A_492, %swap3A_493] {strides = array<i32>} : memref<8x128xi32, #tpu.memory_space<vmem>>, vector<16xi32>,
      tpu.vector_store %arg6[%swap3A_492, %swap3A_493], %or3A_491 {strides = array<i32>} : memref<8x128xi32, #tpu.memory_space<vmem>>, vector<16xi32>,
    }
    %scan3A_30 = arith.constant 8 : i32
    %dma_start3A_31 = arith.constant 0 : i32
    %dma_start3A_32 = arith.constant 0 : i32
    %dma_start3A_33 = arith.constant 0 : i32
    %dma_start3A_34 = tpu.memref_slice %arg8[%dma_start3A_32, %dma_start3A_33] : memref<1024x32xf32, #tpu.memory_space<vmem>> -> memref<128x32xf32, #tpu.memory_space<vmem>>
    %dma_start3A_35 = arith.constant 0 : i32
    %dma_start3A_36 = tpu.memref_slice %arg6[%dma_start3A_31, %dma_start3A_35] : memref<8x128xi32, #tpu.memory_space<vmem>> -> memref<1x128xi32, #tpu.memory_space<vmem>>
    %dma_start3A_37 = tpu.memref_squeeze %dma_start3A_36 : memref<1x128xi32, #tpu.memory_space<vmem>> -> memref<128xi32, #tpu.memory_space<vmem>>
    %dma_start3A_38 = arith.constant 0 : i32
    %dma_start3A_39 = arith.constant 0 : i32
    %dma_start3A_40 = tpu.memref_slice %arg3[%dma_start3A_38, %dma_start3A_39] : memref<1015808x32xf32, #tpu.memory_space<hbm>> -> memref<1015808x32xf32, #tpu.memory_space<hbm>>
    tpu.enqueue_indirect_dma source(%dma_start3A_40 : memref<1015808x32xf32, #tpu.memory_space<hbm>>) target(%dma_start3A_34 : memref<128x32xf32, #tpu.memory_space<vmem>>) offsets(%dma_start3A_37 : memref<128xi32, #tpu.memory_space<vmem>>) semaphore(%arg12 : memref<!tpu.dma_semaphore, #tpu.memory_space<semaphore_mem>>)
    %dma_start3A_41 = arith.constant 1 : i32
    %dma_start3A_42 = arith.constant 128 : i32
    %dma_start3A_43 = arith.constant 0 : i32
    %dma_start3A_44 = tpu.memref_slice %arg8[%dma_start3A_42, %dma_start3A_43] : memref<1024x32xf32, #tpu.memory_space<vmem>> -> memref<128x32xf32, #tpu.memory_space<vmem>>
    %dma_start3A_45 = arith.constant 0 : i32
    %dma_start3A_46 = tpu.memref_slice %arg6[%dma_start3A_41, %dma_start3A_45] : memref<8x128xi32, #tpu.memory_space<vmem>> -> memref<1x128xi32, #tpu.memory_space<vmem>>
    %dma_start3A_47 = tpu.memref_squeeze %dma_start3A_46 : memref<1x128xi32, #tpu.memory_space<vmem>> -> memref<128xi32, #tpu.memory_space<vmem>>
    %dma_start3A_48 = arith.constant 0 : i32
    %dma_start3A_49 = arith.constant 0 : i32
    %dma_start3A_50 = tpu.memref_slice %arg3[%dma_start3A_48, %dma_start3A_49] : memref<1015808x32xf32, #tpu.memory_space<hbm>> -> memref<1015808x32xf32, #tpu.memory_space<hbm>>
    tpu.enqueue_indirect_dma source(%dma_start3A_50 : memref<1015808x32xf32, #tpu.memory_space<hbm>>) target(%dma_start3A_44 : memref<128x32xf32, #tpu.memory_space<vmem>>) offsets(%dma_start3A_47 : memref<128xi32, #tpu.memory_space<vmem>>) semaphore(%arg12 : memref<!tpu.dma_semaphore, #tpu.memory_space<semaphore_mem>>)
    %dma_start3A_51 = arith.constant 2 : i32
    %dma_start3A_52 = arith.constant 256 : i32
    %dma_start3A_53 = arith.constant 0 : i32
    %dma_start3A_54 = tpu.memref_slice %arg8[%dma_start3A_52, %dma_start3A_53] : memref<1024x32xf32, #tpu.memory_space<vmem>> -> memref<128x32xf32, #tpu.memory_space<vmem>>
    %dma_start3A_55 = arith.constant 0 : i32
    %dma_start3A_56 = tpu.memref_slice %arg6[%dma_start3A_51, %dma_start3A_55] : memref<8x128xi32, #tpu.memory_space<vmem>> -> memref<1x128xi32, #tpu.memory_space<vmem>>
    %dma_start3A_57 = tpu.memref_squeeze %dma_start3A_56 : memref<1x128xi32, #tpu.memory_space<vmem>> -> memref<128xi32, #tpu.memory_space<vmem>>
    %dma_start3A_58 = arith.constant 0 : i32
    %dma_start3A_59 = arith.constant 0 : i32
    %dma_start3A_60 = tpu.memref_slice %arg3[%dma_start3A_58, %dma_start3A_59] : memref<1015808x32xf32, #tpu.memory_space<hbm>> -> memref<1015808x32xf32, #tpu.memory_space<hbm>>
    tpu.enqueue_indirect_dma source(%dma_start3A_60 : memref<1015808x32xf32, #tpu.memory_space<hbm>>) target(%dma_start3A_54 : memref<128x32xf32, #tpu.memory_space<vmem>>) offsets(%dma_start3A_57 : memref<128xi32, #tpu.memory_space<vmem>>) semaphore(%arg12 : memref<!tpu.dma_semaphore, #tpu.memory_space<semaphore_mem>>)
    %dma_start3A_61 = arith.constant 3 : i32
    %dma_start3A_62 = arith.constant 384 : i32
    %dma_start3A_63 = arith.constant 0 : i32
    %dma_start3A_64 = tpu.memref_slice %arg8[%dma_start3A_62, %dma_start3A_63] : memref<1024x32xf32, #tpu.memory_space<vmem>> -> memref<128x32xf32, #tpu.memory_space<vmem>>
    %dma_start3A_65 = arith.constant 0 : i32
    %dma_start3A_66 = tpu.memref_slice %arg6[%dma_start3A_61, %dma_start3A_65] : memref<8x128xi32, #tpu.memory_space<vmem>> -> memref<1x128xi32, #tpu.memory_space<vmem>>
    %dma_start3A_67 = tpu.memref_squeeze %dma_start3A_66 : memref<1x128xi32, #tpu.memory_space<vmem>> -> memref<128xi32, #tpu.memory_space<vmem>>
    %dma_start3A_68 = arith.constant 0 : i32
    %dma_start3A_69 = arith.constant 0 : i32
    %dma_start3A_70 = tpu.memref_slice %arg3[%dma_start3A_68, %dma_start3A_69] : memref<1015808x32xf32, #tpu.memory_space<hbm>> -> memref<1015808x32xf32, #tpu.memory_space<hbm>>
    tpu.enqueue_indirect_dma source(%dma_start3A_70 : memref<1015808x32xf32, #tpu.memory_space<hbm>>) target(%dma_start3A_64 : memref<128x32xf32, #tpu.memory_space<vmem>>) offsets(%dma_start3A_67 : memref<128xi32, #tpu.memory_space<vmem>>) semaphore(%arg12 : memref<!tpu.dma_semaphore, #tpu.memory_space<semaphore_mem>>)
    %dma_start3A_71 = arith.constant 4 : i32
    %dma_start3A_72 = arith.constant 512 : i32
    %dma_start3A_73 = arith.constant 0 : i32
    %dma_start3A_74 = tpu.memref_slice %arg8[%dma_start3A_72, %dma_start3A_73] : memref<1024x32xf32, #tpu.memory_space<vmem>> -> memref<128x32xf32, #tpu.memory_space<vmem>>
    %dma_start3A_75 = arith.constant 0 : i32
    %dma_start3A_76 = tpu.memref_slice %arg6[%dma_start3A_71, %dma_start3A_75] : memref<8x128xi32, #tpu.memory_space<vmem>> -> memref<1x128xi32, #tpu.memory_space<vmem>>
    %dma_start3A_77 = tpu.memref_squeeze %dma_start3A_76 : memref<1x128xi32, #tpu.memory_space<vmem>> -> memref<128xi32, #tpu.memory_space<vmem>>
    %dma_start3A_78 = arith.constant 0 : i32
    %dma_start3A_79 = arith.constant 0 : i32
    %dma_start3A_80 = tpu.memref_slice %arg3[%dma_start3A_78, %dma_start3A_79] : memref<1015808x32xf32, #tpu.memory_space<hbm>> -> memref<1015808x32xf32, #tpu.memory_space<hbm>>
    tpu.enqueue_indirect_dma source(%dma_start3A_80 : memref<1015808x32xf32, #tpu.memory_space<hbm>>) target(%dma_start3A_74 : memref<128x32xf32, #tpu.memory_space<vmem>>) offsets(%dma_start3A_77 : memref<128xi32, #tpu.memory_space<vmem>>) semaphore(%arg12 : memref<!tpu.dma_semaphore, #tpu.memory_space<semaphore_mem>>)
    %dma_start3A_81 = arith.constant 5 : i32
    %dma_start3A_82 = arith.constant 640 : i32
    %dma_start3A_83 = arith.constant 0 : i32
    %dma_start3A_84 = tpu.memref_slice %arg8[%dma_start3A_82, %dma_start3A_83] : memref<1024x32xf32, #tpu.memory_space<vmem>> -> memref<128x32xf32, #tpu.memory_space<vmem>>
    %dma_start3A_85 = arith.constant 0 : i32
    %dma_start3A_86 = tpu.memref_slice %arg6[%dma_start3A_81, %dma_start3A_85] : memref<8x128xi32, #tpu.memory_space<vmem>> -> memref<1x128xi32, #tpu.memory_space<vmem>>
    %dma_start3A_87 = tpu.memref_squeeze %dma_start3A_86 : memref<1x128xi32, #tpu.memory_space<vmem>> -> memref<128xi32, #tpu.memory_space<vmem>>
    %dma_start3A_88 = arith.constant 0 : i32
    %dma_start3A_89 = arith.constant 0 : i32
    %dma_start3A_90 = tpu.memref_slice %arg3[%dma_start3A_88, %dma_start3A_89] : memref<1015808x32xf32, #tpu.memory_space<hbm>> -> memref<1015808x32xf32, #tpu.memory_space<hbm>>
    tpu.enqueue_indirect_dma source(%dma_start3A_90 : memref<1015808x32xf32, #tpu.memory_space<hbm>>) target(%dma_start3A_84 : memref<128x32xf32, #tpu.memory_space<vmem>>) offsets(%dma_start3A_87 : memref<128xi32, #tpu.memory_space<vmem>>) semaphore(%arg12 : memref<!tpu.dma_semaphore, #tpu.memory_space<semaphore_mem>>)
    %dma_start3A_91 = arith.constant 6 : i32
    %dma_start3A_92 = arith.constant 768 : i32
    %dma_start3A_93 = arith.constant 0 : i32
    %dma_start3A_94 = tpu.memref_slice %arg8[%dma_start3A_92, %dma_start3A_93] : memref<1024x32xf32, #tpu.memory_space<vmem>> -> memref<128x32xf32, #tpu.memory_space<vmem>>
    %dma_start3A_95 = arith.constant 0 : i32
    %dma_start3A_96 = tpu.memref_slice %arg6[%dma_start3A_91, %dma_start3A_95] : memref<8x128xi32, #tpu.memory_space<vmem>> -> memref<1x128xi32, #tpu.memory_space<vmem>>
    %dma_start3A_97 = tpu.memref_squeeze %dma_start3A_96 : memref<1x128xi32, #tpu.memory_space<vmem>> -> memref<128xi32, #tpu.memory_space<vmem>>
    %dma_start3A_98 = arith.constant 0 : i32
    %dma_start3A_99 = arith.constant 0 : i32
    %dma_start3A_100 = tpu.memref_slice %arg3[%dma_start3A_98, %dma_start3A_99] : memref<1015808x32xf32, #tpu.memory_space<hbm>> -> memref<1015808x32xf32, #tpu.memory_space<hbm>>
    tpu.enqueue_indirect_dma source(%dma_start3A_100 : memref<1015808x32xf32, #tpu.memory_space<hbm>>) target(%dma_start3A_94 : memref<128x32xf32, #tpu.memory_space<vmem>>) offsets(%dma_start3A_97 : memref<128xi32, #tpu.memory_space<vmem>>) semaphore(%arg12 : memref<!tpu.dma_semaphore, #tpu.memory_space<semaphore_mem>>)
    %dma_start3A_101 = arith.constant 7 : i32
    %dma_start3A_102 = arith.constant 896 : i32
    %dma_start3A_103 = arith.constant 0 : i32
    %dma_start3A_104 = tpu.memref_slice %arg8[%dma_start3A_102, %dma_start3A_103] : memref<1024x32xf32, #tpu.memory_space<vmem>> -> memref<128x32xf32, #tpu.memory_space<vmem>>
    %dma_start3A_105 = arith.constant 0 : i32
    %dma_start3A_106 = tpu.memref_slice %arg6[%dma_start3A_101, %dma_start3A_105] : memref<8x128xi32, #tpu.memory_space<vmem>> -> memref<1x128xi32, #tpu.memory_space<vmem>>
    %dma_start3A_107 = tpu.memref_squeeze %dma_start3A_106 : memref<1x128xi32, #tpu.memory_space<vmem>> -> memref<128xi32, #tpu.memory_space<vmem>>
    %dma_start3A_108 = arith.constant 0 : i32
    %dma_start3A_109 = arith.constant 0 : i32
    %dma_start3A_110 = tpu.memref_slice %arg3[%dma_start3A_108, %dma_start3A_109] : memref<1015808x32xf32, #tpu.memory_space<hbm>> -> memref<1015808x32xf32, #tpu.memory_space<hbm>>
    tpu.enqueue_indirect_dma source(%dma_start3A_110 : memref<1015808x32xf32, #tpu.memory_space<hbm>>) target(%dma_start3A_104 : memref<128x32xf32, #tpu.memory_space<vmem>>) offsets(%dma_start3A_107 : memref<128xi32, #tpu.memory_space<vmem>>) semaphore(%arg12 : memref<!tpu.dma_semaphore, #tpu.memory_space<semaphore_mem>>)
    %scan3A_111 = arith.constant 0 : i32
    %scan3A_112 = arith.constant 12 : i32
    %scan3A_113 = arith.addi %scan3A_111, %scan3A_112 : i32
    %scan3A_114 = arith.constant 1 : i32
    scf.for %scan3A_312 = %scan3A_111 to %scan3A_113 step %scan3A_114  : i32 {
      %mul3A_313 = arith.constant 1 : i32
      %mul3A_314 = arith.muli %scan3A_312, %mul3A_313 : i32
      %add3A_315 = arith.constant 0 : i32
      %add3A_316 = arith.addi %add3A_315, %mul3A_314 : i32
      %mul3A_317 = arith.constant 2 : i32
      %mul3A_318 = arith.muli %mul3A_317, %add3A_316 : i32
      %add3A_319 = arith.constant 1 : i32
      %add3A_320 = arith.addi %mul3A_318, %add3A_319 : i32
      %dma_wait3A_321 = arith.constant 0 : i32
      %dma_wait3A_322 = arith.constant 0 : i32
      %dma_wait3A_323 = arith.constant 0 : i32
      %dma_wait3A_324 = arith.constant 0 : i32
      %dma_wait3A_325 = tpu.memref_slice %arg2[%dma_wait3A_321, %dma_wait3A_322, %dma_wait3A_323, %dma_wait3A_324] : memref<25x32x8x128xi32, #tpu.memory_space<hbm>> -> memref<1x1x8x128xi32, #tpu.memory_space<hbm>>
      %dma_wait3A_326 = tpu.memref_squeeze %dma_wait3A_325 : memref<1x1x8x128xi32, #tpu.memory_space<hbm>> -> memref<8x128xi32, #tpu.memory_space<hbm>>
      %dma_wait3A_327 = arith.constant 0 : i32
      %dma_wait3A_328 = arith.constant 0 : i32
      %dma_wait3A_329 = tpu.memref_slice %arg2[%dma_wait3A_321, %dma_wait3A_322, %dma_wait3A_327, %dma_wait3A_328] : memref<25x32x8x128xi32, #tpu.memory_space<hbm>> -> memref<1x1x8x128xi32, #tpu.memory_space<hbm>>
      %dma_wait3A_330 = tpu.memref_squeeze %dma_wait3A_329 : memref<1x1x8x128xi32, #tpu.memory_space<hbm>> -> memref<8x128xi32, #tpu.memory_space<hbm>>
      tpu.wait_dma2 semaphore(%arg15 : memref<!tpu.dma_semaphore, #tpu.memory_space<semaphore_mem>>) src(%dma_wait3A_330 : memref<8x128xi32, #tpu.memory_space<hbm>>) dst(%arg7 : memref<8x128xi32, #tpu.memory_space<vmem>>)
      %scan3A_331 = arith.constant 0 : i32
      %scan3A_332 = arith.constant 8 : i32
      %scan3A_333 = arith.addi %scan3A_331, %scan3A_332 : i32
      %scan3A_334 = arith.constant 1 : i32
      scf.for %scan3A_750 = %scan3A_331 to %scan3A_333 step %scan3A_334  : i32 {
        %mul3A_751 = arith.constant 1 : i32
        %mul3A_752 = arith.muli %scan3A_750, %mul3A_751 : i32
        %add3A_753 = arith.constant 0 : i32
        %add3A_754 = arith.addi %add3A_753, %mul3A_752 : i32
        %get3A = arith.index_cast %add3A_754 : i32 to index
        %get3A_755 = arith.constant 0 : index
        %get3A_756 = tpu.vector_load %arg7[%get3A, %get3A_755] {strides = array<i32>} : memref<8x128xi32, #tpu.memory_space<vmem>>, vector<16xi32>,
        %and3A = arith.constant -8192 : i32
        %and3A_757 = vector.broadcast %and3A : i32 to vector<16xi32>
        %and3A_758 = arith.andi %get3A_756, %and3A_757 : vector<16xi32>
        %and3A_759 = arith.constant 2047 : i32
        %and3A_760 = vector.broadcast %and3A_759 : i32 to vector<16xi32>
        %and3A_761 = arith.andi %get3A_756, %and3A_760 : vector<16xi32>
        %shift_left3A = arith.constant 2 : i32
        %shift_left3A_762 = vector.broadcast %shift_left3A : i32 to vector<16xi32>
        %shift_left3A_763 = arith.shli %and3A_761, %shift_left3A_762 : vector<16xi32>
        %or3A = arith.ori %and3A_758, %shift_left3A_763 : vector<16xi32>
        %shift_right_arithmetic3A = arith.constant 11 : i32
        %shift_right_arithmetic3A_764 = vector.broadcast %shift_right_arithmetic3A : i32 to vector<16xi32>
        %shift_right_arithmetic3A_765 = arith.shrsi %get3A_756, %shift_right_arithmetic3A_764 : vector<16xi32>
        %and3A_766 = arith.constant 3 : i32
        %and3A_767 = vector.broadcast %and3A_766 : i32 to vector<16xi32>
        %and3A_768 = arith.andi %shift_right_arithmetic3A_765, %and3A_767 : vector<16xi32>
        %or3A_769 = arith.ori %or3A, %and3A_768 : vector<16xi32>
        %swap3A = arith.index_cast %add3A_754 : i32 to index
        %swap3A_770 = arith.constant 0 : index
        %swap3A_771 = tpu.vector_load %arg7[%swap3A, %swap3A_770] {strides = array<i32>} : memref<8x128xi32, #tpu.memory_space<vmem>>, vector<16xi32>,
        tpu.vector_store %arg7[%swap3A, %swap3A_770], %or3A_769 {strides = array<i32>} : memref<8x128xi32, #tpu.memory_space<vmem>>, vector<16xi32>,
        %get3A_772 = arith.index_cast %add3A_754 : i32 to index
        %get3A_773 = arith.constant 16 : index
        %get3A_774 = tpu.vector_load %arg7[%get3A_772, %get3A_773] {strides = array<i32>} : memref<8x128xi32, #tpu.memory_space<vmem>>, vector<16xi32>,
        %and3A_775 = arith.constant -8192 : i32
        %and3A_776 = vector.broadcast %and3A_775 : i32 to vector<16xi32>
        %and3A_777 = arith.andi %get3A_774, %and3A_776 : vector<16xi32>
        %and3A_778 = arith.constant 2047 : i32
        %and3A_779 = vector.broadcast %and3A_778 : i32 to vector<16xi32>
        %and3A_780 = arith.andi %get3A_774, %and3A_779 : vector<16xi32>
        %shift_left3A_781 = arith.constant 2 : i32
        %shift_left3A_782 = vector.broadcast %shift_left3A_781 : i32 to vector<16xi32>
        %shift_left3A_783 = arith.shli %and3A_780, %shift_left3A_782 : vector<16xi32>
        %or3A_784 = arith.ori %and3A_777, %shift_left3A_783 : vector<16xi32>
        %shift_right_arithmetic3A_785 = arith.constant 11 : i32
        %shift_right_arithmetic3A_786 = vector.broadcast %shift_right_arithmetic3A_785 : i32 to vector<16xi32>
        %shift_right_arithmetic3A_787 = arith.shrsi %get3A_774, %shift_right_arithmetic3A_786 : vector<16xi32>
        %and3A_788 = arith.constant 3 : i32
        %and3A_789 = vector.broadcast %and3A_788 : i32 to vector<16xi32>
        %and3A_790 = arith.andi %shift_right_arithmetic3A_787, %and3A_789 : vector<16xi32>
        %or3A_791 = arith.ori %or3A_784, %and3A_790 : vector<16xi32>
        %swap3A_792 = arith.index_cast %add3A_754 : i32 to index
        %swap3A_793 = arith.constant 16 : index
        %swap3A_794 = tpu.vector_load %arg7[%swap3A_792, %swap3A_793] {strides = array<i32>} : memref<8x128xi32, #tpu.memory_space<vmem>>, vector<16xi32>,
        tpu.vector_store %arg7[%swap3A_792, %swap3A_793], %or3A_791 {strides = array<i32>} : memref<8x128xi32, #tpu.memory_space<vmem>>, vector<16xi32>,
        %get3A_795 = arith.index_cast %add3A_754 : i32 to index
        %get3A_796 = arith.constant 32 : index
        %get3A_797 = tpu.vector_load %arg7[%get3A_795, %get3A_796] {strides = array<i32>} : memref<8x128xi32, #tpu.memory_space<vmem>>, vector<16xi32>,
        %and3A_798 = arith.constant -8192 : i32
        %and3A_799 = vector.broadcast %and3A_798 : i32 to vector<16xi32>
        %and3A_800 = arith.andi %get3A_797, %and3A_799 : vector<16xi32>
        %and3A_801 = arith.constant 2047 : i32
        %and3A_802 = vector.broadcast %and3A_801 : i32 to vector<16xi32>
        %and3A_803 = arith.andi %get3A_797, %and3A_802 : vector<16xi32>
        %shift_left3A_804 = arith.constant 2 : i32
        %shift_left3A_805 = vector.broadcast %shift_left3A_804 : i32 to vector<16xi32>
        %shift_left3A_806 = arith.shli %and3A_803, %shift_left3A_805 : vector<16xi32>
        %or3A_807 = arith.ori %and3A_800, %shift_left3A_806 : vector<16xi32>
        %shift_right_arithmetic3A_808 = arith.constant 11 : i32
        %shift_right_arithmetic3A_809 = vector.broadcast %shift_right_arithmetic3A_808 : i32 to vector<16xi32>
        %shift_right_arithmetic3A_810 = arith.shrsi %get3A_797, %shift_right_arithmetic3A_809 : vector<16xi32>
        %and3A_811 = arith.constant 3 : i32
        %and3A_812 = vector.broadcast %and3A_811 : i32 to vector<16xi32>
        %and3A_813 = arith.andi %shift_right_arithmetic3A_810, %and3A_812 : vector<16xi32>
        %or3A_814 = arith.ori %or3A_807, %and3A_813 : vector<16xi32>
        %swap3A_815 = arith.index_cast %add3A_754 : i32 to index
        %swap3A_816 = arith.constant 32 : index
        %swap3A_817 = tpu.vector_load %arg7[%swap3A_815, %swap3A_816] {strides = array<i32>} : memref<8x128xi32, #tpu.memory_space<vmem>>, vector<16xi32>,
        tpu.vector_store %arg7[%swap3A_815, %swap3A_816], %or3A_814 {strides = array<i32>} : memref<8x128xi32, #tpu.memory_space<vmem>>, vector<16xi32>,
        %get3A_818 = arith.index_cast %add3A_754 : i32 to index
        %get3A_819 = arith.constant 48 : index
        %get3A_820 = tpu.vector_load %arg7[%get3A_818, %get3A_819] {strides = array<i32>} : memref<8x128xi32, #tpu.memory_space<vmem>>, vector<16xi32>,
        %and3A_821 = arith.constant -8192 : i32
        %and3A_822 = vector.broadcast %and3A_821 : i32 to vector<16xi32>
        %and3A_823 = arith.andi %get3A_820, %and3A_822 : vector<16xi32>
        %and3A_824 = arith.constant 2047 : i32
        %and3A_825 = vector.broadcast %and3A_824 : i32 to vector<16xi32>
        %and3A_826 = arith.andi %get3A_820, %and3A_825 : vector<16xi32>
        %shift_left3A_827 = arith.constant 2 : i32
        %shift_left3A_828 = vector.broadcast %shift_left3A_827 : i32 to vector<16xi32>
        %shift_left3A_829 = arith.shli %and3A_826, %shift_left3A_828 : vector<16xi32>
        %or3A_830 = arith.ori %and3A_823, %shift_left3A_829 : vector<16xi32>
        %shift_right_arithmetic3A_831 = arith.constant 11 : i32
        %shift_right_arithmetic3A_832 = vector.broadcast %shift_right_arithmetic3A_831 : i32 to vector<16xi32>
        %shift_right_arithmetic3A_833 = arith.shrsi %get3A_820, %shift_right_arithmetic3A_832 : vector<16xi32>
        %and3A_834 = arith.constant 3 : i32
        %and3A_835 = vector.broadcast %and3A_834 : i32 to vector<16xi32>
        %and3A_836 = arith.andi %shift_right_arithmetic3A_833, %and3A_835 : vector<16xi32>
        %or3A_837 = arith.ori %or3A_830, %and3A_836 : vector<16xi32>
        %swap3A_838 = arith.index_cast %add3A_754 : i32 to index
        %swap3A_839 = arith.constant 48 : index
        %swap3A_840 = tpu.vector_load %arg7[%swap3A_838, %swap3A_839] {strides = array<i32>} : memref<8x128xi32, #tpu.memory_space<vmem>>, vector<16xi32>,
        tpu.vector_store %arg7[%swap3A_838, %swap3A_839], %or3A_837 {strides = array<i32>} : memref<8x128xi32, #tpu.memory_space<vmem>>, vector<16xi32>,
        %get3A_841 = arith.index_cast %add3A_754 : i32 to index
        %get3A_842 = arith.constant 64 : index
        %get3A_843 = tpu.vector_load %arg7[%get3A_841, %get3A_842] {strides = array<i32>} : memref<8x128xi32, #tpu.memory_space<vmem>>, vector<16xi32>,
        %and3A_844 = arith.constant -8192 : i32
        %and3A_845 = vector.broadcast %and3A_844 : i32 to vector<16xi32>
        %and3A_846 = arith.andi %get3A_843, %and3A_845 : vector<16xi32>
        %and3A_847 = arith.constant 2047 : i32
        %and3A_848 = vector.broadcast %and3A_847 : i32 to vector<16xi32>
        %and3A_849 = arith.andi %get3A_843, %and3A_848 : vector<16xi32>
        %shift_left3A_850 = arith.constant 2 : i32
        %shift_left3A_851 = vector.broadcast %shift_left3A_850 : i32 to vector<16xi32>
        %shift_left3A_852 = arith.shli %and3A_849, %shift_left3A_851 : vector<16xi32>
        %or3A_853 = arith.ori %and3A_846, %shift_left3A_852 : vector<16xi32>
        %shift_right_arithmetic3A_854 = arith.constant 11 : i32
        %shift_right_arithmetic3A_855 = vector.broadcast %shift_right_arithmetic3A_854 : i32 to vector<16xi32>
        %shift_right_arithmetic3A_856 = arith.shrsi %get3A_843, %shift_right_arithmetic3A_855 : vector<16xi32>
        %and3A_857 = arith.constant 3 : i32
        %and3A_858 = vector.broadcast %and3A_857 : i32 to vector<16xi32>
        %and3A_859 = arith.andi %shift_right_arithmetic3A_856, %and3A_858 : vector<16xi32>
        %or3A_860 = arith.ori %or3A_853, %and3A_859 : vector<16xi32>
        %swap3A_861 = arith.index_cast %add3A_754 : i32 to index
        %swap3A_862 = arith.constant 64 : index
        %swap3A_863 = tpu.vector_load %arg7[%swap3A_861, %swap3A_862] {strides = array<i32>} : memref<8x128xi32, #tpu.memory_space<vmem>>, vector<16xi32>,
        tpu.vector_store %arg7[%swap3A_861, %swap3A_862], %or3A_860 {strides = array<i32>} : memref<8x128xi32, #tpu.memory_space<vmem>>, vector<16xi32>,
        %get3A_864 = arith.index_cast %add3A_754 : i32 to index
        %get3A_865 = arith.constant 80 : index
        %get3A_866 = tpu.vector_load %arg7[%get3A_864, %get3A_865] {strides = array<i32>} : memref<8x128xi32, #tpu.memory_space<vmem>>, vector<16xi32>,
        %and3A_867 = arith.constant -8192 : i32
        %and3A_868 = vector.broadcast %and3A_867 : i32 to vector<16xi32>
        %and3A_869 = arith.andi %get3A_866, %and3A_868 : vector<16xi32>
        %and3A_870 = arith.constant 2047 : i32
        %and3A_871 = vector.broadcast %and3A_870 : i32 to vector<16xi32>
        %and3A_872 = arith.andi %get3A_866, %and3A_871 : vector<16xi32>
        %shift_left3A_873 = arith.constant 2 : i32
        %shift_left3A_874 = vector.broadcast %shift_left3A_873 : i32 to vector<16xi32>
        %shift_left3A_875 = arith.shli %and3A_872, %shift_left3A_874 : vector<16xi32>
        %or3A_876 = arith.ori %and3A_869, %shift_left3A_875 : vector<16xi32>
        %shift_right_arithmetic3A_877 = arith.constant 11 : i32
        %shift_right_arithmetic3A_878 = vector.broadcast %shift_right_arithmetic3A_877 : i32 to vector<16xi32>
        %shift_right_arithmetic3A_879 = arith.shrsi %get3A_866, %shift_right_arithmetic3A_878 : vector<16xi32>
        %and3A_880 = arith.constant 3 : i32
        %and3A_881 = vector.broadcast %and3A_880 : i32 to vector<16xi32>
        %and3A_882 = arith.andi %shift_right_arithmetic3A_879, %and3A_881 : vector<16xi32>
        %or3A_883 = arith.ori %or3A_876, %and3A_882 : vector<16xi32>
        %swap3A_884 = arith.index_cast %add3A_754 : i32 to index
        %swap3A_885 = arith.constant 80 : index
        %swap3A_886 = tpu.vector_load %arg7[%swap3A_884, %swap3A_885] {strides = array<i32>} : memref<8x128xi32, #tpu.memory_space<vmem>>, vector<16xi32>,
        tpu.vector_store %arg7[%swap3A_884, %swap3A_885], %or3A_883 {strides = array<i32>} : memref<8x128xi32, #tpu.memory_space<vmem>>, vector<16xi32>,
        %get3A_887 = arith.index_cast %add3A_754 : i32 to index
        %get3A_888 = arith.constant 96 : index
        %get3A_889 = tpu.vector_load %arg7[%get3A_887, %get3A_888] {strides = array<i32>} : memref<8x128xi32, #tpu.memory_space<vmem>>, vector<16xi32>,
        %and3A_890 = arith.constant -8192 : i32
        %and3A_891 = vector.broadcast %and3A_890 : i32 to vector<16xi32>
        %and3A_892 = arith.andi %get3A_889, %and3A_891 : vector<16xi32>
        %and3A_893 = arith.constant 2047 : i32
        %and3A_894 = vector.broadcast %and3A_893 : i32 to vector<16xi32>
        %and3A_895 = arith.andi %get3A_889, %and3A_894 : vector<16xi32>
        %shift_left3A_896 = arith.constant 2 : i32
        %shift_left3A_897 = vector.broadcast %shift_left3A_896 : i32 to vector<16xi32>
        %shift_left3A_898 = arith.shli %and3A_895, %shift_left3A_897 : vector<16xi32>
        %or3A_899 = arith.ori %and3A_892, %shift_left3A_898 : vector<16xi32>
        %shift_right_arithmetic3A_900 = arith.constant 11 : i32
        %shift_right_arithmetic3A_901 = vector.broadcast %shift_right_arithmetic3A_900 : i32 to vector<16xi32>
        %shift_right_arithmetic3A_902 = arith.shrsi %get3A_889, %shift_right_arithmetic3A_901 : vector<16xi32>
        %and3A_903 = arith.constant 3 : i32
        %and3A_904 = vector.broadcast %and3A_903 : i32 to vector<16xi32>
        %and3A_905 = arith.andi %shift_right_arithmetic3A_902, %and3A_904 : vector<16xi32>
        %or3A_906 = arith.ori %or3A_899, %and3A_905 : vector<16xi32>
        %swap3A_907 = arith.index_cast %add3A_754 : i32 to index
        %swap3A_908 = arith.constant 96 : index
        %swap3A_909 = tpu.vector_load %arg7[%swap3A_907, %swap3A_908] {strides = array<i32>} : memref<8x128xi32, #tpu.memory_space<vmem>>, vector<16xi32>,
        tpu.vector_store %arg7[%swap3A_907, %swap3A_908], %or3A_906 {strides = array<i32>} : memref<8x128xi32, #tpu.memory_space<vmem>>, vector<16xi32>,
        %get3A_910 = arith.index_cast %add3A_754 : i32 to index
        %get3A_911 = arith.constant 112 : index
        %get3A_912 = tpu.vector_load %arg7[%get3A_910, %get3A_911] {strides = array<i32>} : memref<8x128xi32, #tpu.memory_space<vmem>>, vector<16xi32>,
        %and3A_913 = arith.constant -8192 : i32
        %and3A_914 = vector.broadcast %and3A_913 : i32 to vector<16xi32>
        %and3A_915 = arith.andi %get3A_912, %and3A_914 : vector<16xi32>
        %and3A_916 = arith.constant 2047 : i32
        %and3A_917 = vector.broadcast %and3A_916 : i32 to vector<16xi32>
        %and3A_918 = arith.andi %get3A_912, %and3A_917 : vector<16xi32>
        %shift_left3A_919 = arith.constant 2 : i32
        %shift_left3A_920 = vector.broadcast %shift_left3A_919 : i32 to vector<16xi32>
        %shift_left3A_921 = arith.shli %and3A_918, %shift_left3A_920 : vector<16xi32>
        %or3A_922 = arith.ori %and3A_915, %shift_left3A_921 : vector<16xi32>
        %shift_right_arithmetic3A_923 = arith.constant 11 : i32
        %shift_right_arithmetic3A_924 = vector.broadcast %shift_right_arithmetic3A_923 : i32 to vector<16xi32>
        %shift_right_arithmetic3A_925 = arith.shrsi %get3A_912, %shift_right_arithmetic3A_924 : vector<16xi32>
        %and3A_926 = arith.constant 3 : i32
        %and3A_927 = vector.broadcast %and3A_926 : i32 to vector<16xi32>
        %and3A_928 = arith.andi %shift_right_arithmetic3A_925, %and3A_927 : vector<16xi32>
        %or3A_929 = arith.ori %or3A_922, %and3A_928 : vector<16xi32>
        %swap3A_930 = arith.index_cast %add3A_754 : i32 to index
        %swap3A_931 = arith.constant 112 : index
        %swap3A_932 = tpu.vector_load %arg7[%swap3A_930, %swap3A_931] {strides = array<i32>} : memref<8x128xi32, #tpu.memory_space<vmem>>, vector<16xi32>,
        tpu.vector_store %arg7[%swap3A_930, %swap3A_931], %or3A_929 {strides = array<i32>} : memref<8x128xi32, #tpu.memory_space<vmem>>, vector<16xi32>,
      }
      %scan3A_335 = arith.constant 8 : i32
      %dma_start3A_336 = arith.constant 0 : i32
      %dma_start3A_337 = arith.constant 0 : i32
      %dma_start3A_338 = arith.constant 0 : i32
      %dma_start3A_339 = tpu.memref_slice %arg9[%dma_start3A_337, %dma_start3A_338] : memref<1024x32xf32, #tpu.memory_space<vmem>> -> memref<128x32xf32, #tpu.memory_space<vmem>>
      %dma_start3A_340 = arith.constant 0 : i32
      %dma_start3A_341 = tpu.memref_slice %arg7[%dma_start3A_336, %dma_start3A_340] : memref<8x128xi32, #tpu.memory_space<vmem>> -> memref<1x128xi32, #tpu.memory_space<vmem>>
      %dma_start3A_342 = tpu.memref_squeeze %dma_start3A_341 : memref<1x128xi32, #tpu.memory_space<vmem>> -> memref<128xi32, #tpu.memory_space<vmem>>
      %dma_start3A_343 = arith.constant 0 : i32
      %dma_start3A_344 = arith.constant 0 : i32
      %dma_start3A_345 = tpu.memref_slice %arg3[%dma_start3A_343, %dma_start3A_344] : memref<1015808x32xf32, #tpu.memory_space<hbm>> -> memref<1015808x32xf32, #tpu.memory_space<hbm>>
      tpu.enqueue_indirect_dma source(%dma_start3A_345 : memref<1015808x32xf32, #tpu.memory_space<hbm>>) target(%dma_start3A_339 : memref<128x32xf32, #tpu.memory_space<vmem>>) offsets(%dma_start3A_342 : memref<128xi32, #tpu.memory_space<vmem>>) semaphore(%arg13 : memref<!tpu.dma_semaphore, #tpu.memory_space<semaphore_mem>>)
      %dma_start3A_346 = arith.constant 1 : i32
      %dma_start3A_347 = arith.constant 128 : i32
      %dma_start3A_348 = arith.constant 0 : i32
      %dma_start3A_349 = tpu.memref_slice %arg9[%dma_start3A_347, %dma_start3A_348] : memref<1024x32xf32, #tpu.memory_space<vmem>> -> memref<128x32xf32, #tpu.memory_space<vmem>>
      %dma_start3A_350 = arith.constant 0 : i32
      %dma_start3A_351 = tpu.memref_slice %arg7[%dma_start3A_346, %dma_start3A_350] : memref<8x128xi32, #tpu.memory_space<vmem>> -> memref<1x128xi32, #tpu.memory_space<vmem>>
      %dma_start3A_352 = tpu.memref_squeeze %dma_start3A_351 : memref<1x128xi32, #tpu.memory_space<vmem>> -> memref<128xi32, #tpu.memory_space<vmem>>
      %dma_start3A_353 = arith.constant 0 : i32
      %dma_start3A_354 = arith.constant 0 : i32
      %dma_start3A_355 = tpu.memref_slice %arg3[%dma_start3A_353, %dma_start3A_354] : memref<1015808x32xf32, #tpu.memory_space<hbm>> -> memref<1015808x32xf32, #tpu.memory_space<hbm>>
      tpu.enqueue_indirect_dma source(%dma_start3A_355 : memref<1015808x32xf32, #tpu.memory_space<hbm>>) target(%dma_start3A_349 : memref<128x32xf32, #tpu.memory_space<vmem>>) offsets(%dma_start3A_352 : memref<128xi32, #tpu.memory_space<vmem>>) semaphore(%arg13 : memref<!tpu.dma_semaphore, #tpu.memory_space<semaphore_mem>>)
      %dma_start3A_356 = arith.constant 2 : i32
      %dma_start3A_357 = arith.constant 256 : i32
      %dma_start3A_358 = arith.constant 0 : i32
      %dma_start3A_359 = tpu.memref_slice %arg9[%dma_start3A_357, %dma_start3A_358] : memref<1024x32xf32, #tpu.memory_space<vmem>> -> memref<128x32xf32, #tpu.memory_space<vmem>>
      %dma_start3A_360 = arith.constant 0 : i32
      %dma_start3A_361 = tpu.memref_slice %arg7[%dma_start3A_356, %dma_start3A_360] : memref<8x128xi32, #tpu.memory_space<vmem>> -> memref<1x128xi32, #tpu.memory_space<vmem>>
      %dma_start3A_362 = tpu.memref_squeeze %dma_start3A_361 : memref<1x128xi32, #tpu.memory_space<vmem>> -> memref<128xi32, #tpu.memory_space<vmem>>
      %dma_start3A_363 = arith.constant 0 : i32
      %dma_start3A_364 = arith.constant 0 : i32
      %dma_start3A_365 = tpu.memref_slice %arg3[%dma_start3A_363, %dma_start3A_364] : memref<1015808x32xf32, #tpu.memory_space<hbm>> -> memref<1015808x32xf32, #tpu.memory_space<hbm>>
      tpu.enqueue_indirect_dma source(%dma_start3A_365 : memref<1015808x32xf32, #tpu.memory_space<hbm>>) target(%dma_start3A_359 : memref<128x32xf32, #tpu.memory_space<vmem>>) offsets(%dma_start3A_362 : memref<128xi32, #tpu.memory_space<vmem>>) semaphore(%arg13 : memref<!tpu.dma_semaphore, #tpu.memory_space<semaphore_mem>>)
      %dma_start3A_366 = arith.constant 3 : i32
      %dma_start3A_367 = arith.constant 384 : i32
      %dma_start3A_368 = arith.constant 0 : i32
      %dma_start3A_369 = tpu.memref_slice %arg9[%dma_start3A_367, %dma_start3A_368] : memref<1024x32xf32, #tpu.memory_space<vmem>> -> memref<128x32xf32, #tpu.memory_space<vmem>>
      %dma_start3A_370 = arith.constant 0 : i32
      %dma_start3A_371 = tpu.memref_slice %arg7[%dma_start3A_366, %dma_start3A_370] : memref<8x128xi32, #tpu.memory_space<vmem>> -> memref<1x128xi32, #tpu.memory_space<vmem>>
      %dma_start3A_372 = tpu.memref_squeeze %dma_start3A_371 : memref<1x128xi32, #tpu.memory_space<vmem>> -> memref<128xi32, #tpu.memory_space<vmem>>
      %dma_start3A_373 = arith.constant 0 : i32
      %dma_start3A_374 = arith.constant 0 : i32
      %dma_start3A_375 = tpu.memref_slice %arg3[%dma_start3A_373, %dma_start3A_374] : memref<1015808x32xf32, #tpu.memory_space<hbm>> -> memref<1015808x32xf32, #tpu.memory_space<hbm>>
      tpu.enqueue_indirect_dma source(%dma_start3A_375 : memref<1015808x32xf32, #tpu.memory_space<hbm>>) target(%dma_start3A_369 : memref<128x32xf32, #tpu.memory_space<vmem>>) offsets(%dma_start3A_372 : memref<128xi32, #tpu.memory_space<vmem>>) semaphore(%arg13 : memref<!tpu.dma_semaphore, #tpu.memory_space<semaphore_mem>>)
      %dma_start3A_376 = arith.constant 4 : i32
      %dma_start3A_377 = arith.constant 512 : i32
      %dma_start3A_378 = arith.constant 0 : i32
      %dma_start3A_379 = tpu.memref_slice %arg9[%dma_start3A_377, %dma_start3A_378] : memref<1024x32xf32, #tpu.memory_space<vmem>> -> memref<128x32xf32, #tpu.memory_space<vmem>>
      %dma_start3A_380 = arith.constant 0 : i32
      %dma_start3A_381 = tpu.memref_slice %arg7[%dma_start3A_376, %dma_start3A_380] : memref<8x128xi32, #tpu.memory_space<vmem>> -> memref<1x128xi32, #tpu.memory_space<vmem>>
      %dma_start3A_382 = tpu.memref_squeeze %dma_start3A_381 : memref<1x128xi32, #tpu.memory_space<vmem>> -> memref<128xi32, #tpu.memory_space<vmem>>
      %dma_start3A_383 = arith.constant 0 : i32
      %dma_start3A_384 = arith.constant 0 : i32
      %dma_start3A_385 = tpu.memref_slice %arg3[%dma_start3A_383, %dma_start3A_384] : memref<1015808x32xf32, #tpu.memory_space<hbm>> -> memref<1015808x32xf32, #tpu.memory_space<hbm>>
      tpu.enqueue_indirect_dma source(%dma_start3A_385 : memref<1015808x32xf32, #tpu.memory_space<hbm>>) target(%dma_start3A_379 : memref<128x32xf32, #tpu.memory_space<vmem>>) offsets(%dma_start3A_382 : memref<128xi32, #tpu.memory_space<vmem>>) semaphore(%arg13 : memref<!tpu.dma_semaphore, #tpu.memory_space<semaphore_mem>>)
      %dma_start3A_386 = arith.constant 5 : i32
      %dma_start3A_387 = arith.constant 640 : i32
      %dma_start3A_388 = arith.constant 0 : i32
      %dma_start3A_389 = tpu.memref_slice %arg9[%dma_start3A_387, %dma_start3A_388] : memref<1024x32xf32, #tpu.memory_space<vmem>> -> memref<128x32xf32, #tpu.memory_space<vmem>>
      %dma_start3A_390 = arith.constant 0 : i32
      %dma_start3A_391 = tpu.memref_slice %arg7[%dma_start3A_386, %dma_start3A_390] : memref<8x128xi32, #tpu.memory_space<vmem>> -> memref<1x128xi32, #tpu.memory_space<vmem>>
      %dma_start3A_392 = tpu.memref_squeeze %dma_start3A_391 : memref<1x128xi32, #tpu.memory_space<vmem>> -> memref<128xi32, #tpu.memory_space<vmem>>
      %dma_start3A_393 = arith.constant 0 : i32
      %dma_start3A_394 = arith.constant 0 : i32
      %dma_start3A_395 = tpu.memref_slice %arg3[%dma_start3A_393, %dma_start3A_394] : memref<1015808x32xf32, #tpu.memory_space<hbm>> -> memref<1015808x32xf32, #tpu.memory_space<hbm>>
      tpu.enqueue_indirect_dma source(%dma_start3A_395 : memref<1015808x32xf32, #tpu.memory_space<hbm>>) target(%dma_start3A_389 : memref<128x32xf32, #tpu.memory_space<vmem>>) offsets(%dma_start3A_392 : memref<128xi32, #tpu.memory_space<vmem>>) semaphore(%arg13 : memref<!tpu.dma_semaphore, #tpu.memory_space<semaphore_mem>>)
      %dma_start3A_396 = arith.constant 6 : i32
      %dma_start3A_397 = arith.constant 768 : i32
      %dma_start3A_398 = arith.constant 0 : i32
      %dma_start3A_399 = tpu.memref_slice %arg9[%dma_start3A_397, %dma_start3A_398] : memref<1024x32xf32, #tpu.memory_space<vmem>> -> memref<128x32xf32, #tpu.memory_space<vmem>>
      %dma_start3A_400 = arith.constant 0 : i32
      %dma_start3A_401 = tpu.memref_slice %arg7[%dma_start3A_396, %dma_start3A_400] : memref<8x128xi32, #tpu.memory_space<vmem>> -> memref<1x128xi32, #tpu.memory_space<vmem>>
      %dma_start3A_402 = tpu.memref_squeeze %dma_start3A_401 : memref<1x128xi32, #tpu.memory_space<vmem>> -> memref<128xi32, #tpu.memory_space<vmem>>
      %dma_start3A_403 = arith.constant 0 : i32
      %dma_start3A_404 = arith.constant 0 : i32
      %dma_start3A_405 = tpu.memref_slice %arg3[%dma_start3A_403, %dma_start3A_404] : memref<1015808x32xf32, #tpu.memory_space<hbm>> -> memref<1015808x32xf32, #tpu.memory_space<hbm>>
      tpu.enqueue_indirect_dma source(%dma_start3A_405 : memref<1015808x32xf32, #tpu.memory_space<hbm>>) target(%dma_start3A_399 : memref<128x32xf32, #tpu.memory_space<vmem>>) offsets(%dma_start3A_402 : memref<128xi32, #tpu.memory_space<vmem>>) semaphore(%arg13 : memref<!tpu.dma_semaphore, #tpu.memory_space<semaphore_mem>>)
      %dma_start3A_406 = arith.constant 7 : i32
      %dma_start3A_407 = arith.constant 896 : i32
      %dma_start3A_408 = arith.constant 0 : i32
      %dma_start3A_409 = tpu.memref_slice %arg9[%dma_start3A_407, %dma_start3A_408] : memref<1024x32xf32, #tpu.memory_space<vmem>> -> memref<128x32xf32, #tpu.memory_space<vmem>>
      %dma_start3A_410 = arith.constant 0 : i32
      %dma_start3A_411 = tpu.memref_slice %arg7[%dma_start3A_406, %dma_start3A_410] : memref<8x128xi32, #tpu.memory_space<vmem>> -> memref<1x128xi32, #tpu.memory_space<vmem>>
      %dma_start3A_412 = tpu.memref_squeeze %dma_start3A_411 : memref<1x128xi32, #tpu.memory_space<vmem>> -> memref<128xi32, #tpu.memory_space<vmem>>
      %dma_start3A_413 = arith.constant 0 : i32
      %dma_start3A_414 = arith.constant 0 : i32
      %dma_start3A_415 = tpu.memref_slice %arg3[%dma_start3A_413, %dma_start3A_414] : memref<1015808x32xf32, #tpu.memory_space<hbm>> -> memref<1015808x32xf32, #tpu.memory_space<hbm>>
      tpu.enqueue_indirect_dma source(%dma_start3A_415 : memref<1015808x32xf32, #tpu.memory_space<hbm>>) target(%dma_start3A_409 : memref<128x32xf32, #tpu.memory_space<vmem>>) offsets(%dma_start3A_412 : memref<128xi32, #tpu.memory_space<vmem>>) semaphore(%arg13 : memref<!tpu.dma_semaphore, #tpu.memory_space<semaphore_mem>>)
      %mul3A_416 = arith.constant 2 : i32
      %mul3A_417 = arith.muli %mul3A_416, %add3A_316 : i32
      %dma_wait3A_418 = arith.constant 0 : i32
      %dma_wait3A_419 = arith.constant 0 : i32
      %dma_wait3A_420 = tpu.memref_slice %arg3[%dma_wait3A_418, %dma_wait3A_419] : memref<1015808x32xf32, #tpu.memory_space<hbm>> -> memref<1024x32xf32, #tpu.memory_space<hbm>>
      %dma_wait3A_421 = arith.constant 0 : i32
      %dma_wait3A_422 = arith.constant 0 : i32
      %dma_wait3A_423 = tpu.memref_slice %arg3[%dma_wait3A_421, %dma_wait3A_422] : memref<1015808x32xf32, #tpu.memory_space<hbm>> -> memref<1024x32xf32, #tpu.memory_space<hbm>>
      tpu.wait_dma2 semaphore(%arg12 : memref<!tpu.dma_semaphore, #tpu.memory_space<semaphore_mem>>) src(%dma_wait3A_423 : memref<1024x32xf32, #tpu.memory_space<hbm>>) dst(%arg8 : memref<1024x32xf32, #tpu.memory_space<vmem>>)
      %add3A_424 = arith.constant 2 : i32
      %add3A_425 = arith.addi %mul3A_417, %add3A_424 : i32
      %lt3A = arith.constant 25 : i32
      %lt3A_426 = arith.cmpi slt, %add3A_425, %lt3A : i32
      %convert_element_type3A = arith.extui %lt3A_426 : i1 to i32
      %cond3A = arith.constant 0 : i32
      %cond3A_427 = arith.cmpi ne, %convert_element_type3A, %cond3A : i32
      scf.if %cond3A_427 {
        %add3A_750 = arith.constant 2 : i32
        %add3A_751 = arith.addi %mul3A_417, %add3A_750 : i32
        %dma_start3A_752 = arith.constant 0 : i32
        %dma_start3A_753 = arith.constant 0 : i32
        %dma_start3A_754 = tpu.memref_slice %arg2[%add3A_751, %add3A, %dma_start3A_752, %dma_start3A_753] : memref<25x32x8x128xi32, #tpu.memory_space<hbm>> -> memref<1x1x8x128xi32, #tpu.memory_space<hbm>>
        %dma_start3A_755 = tpu.memref_squeeze %dma_start3A_754 : memref<1x1x8x128xi32, #tpu.memory_space<hbm>> -> memref<8x128xi32, #tpu.memory_space<hbm>>
        %dma_start3A_756 = arith.constant 0 : i32
        %dma_start3A_757 = arith.constant 0 : i32
        %dma_start3A_758 = tpu.memref_slice %arg2[%add3A_751, %add3A, %dma_start3A_756, %dma_start3A_757] : memref<25x32x8x128xi32, #tpu.memory_space<hbm>> -> memref<1x1x8x128xi32, #tpu.memory_space<hbm>>
        %dma_start3A_759 = tpu.memref_squeeze %dma_start3A_758 : memref<1x1x8x128xi32, #tpu.memory_space<hbm>> -> memref<8x128xi32, #tpu.memory_space<hbm>>
        tpu.enqueue_dma source(%dma_start3A_759 : memref<8x128xi32, #tpu.memory_space<hbm>>) target(%arg6 : memref<8x128xi32, #tpu.memory_space<vmem>>) target_semaphore(%arg14 : memref<!tpu.dma_semaphore, #tpu.memory_space<semaphore_mem>>)
      } else {
      }
      %gt3A = arith.constant 0 : i32
      %gt3A_428 = arith.cmpi sgt, %add3A_316, %gt3A : i32
      %convert_element_type3A_429 = arith.extui %gt3A_428 : i1 to i32
      %cond3A_430 = arith.constant 0 : i32
      %cond3A_431 = arith.cmpi ne, %convert_element_type3A_429, %cond3A_430 : i32
      scf.if %cond3A_431 {
        %dma_wait3A_750 = arith.constant 0 : i32
        %dma_wait3A_751 = arith.constant 0 : i32
        %dma_wait3A_752 = arith.constant 0 : i32
        %dma_wait3A_753 = tpu.memref_slice %arg10[%dma_wait3A_751, %dma_wait3A_752] : memref<8x4096xf32, #tpu.memory_space<vmem>> -> memref<8x1024xf32, #tpu.memory_space<vmem>>
        %dma_wait3A_754 = arith.constant 0 : i32
        %dma_wait3A_755 = arith.constant 0 : i32
        %dma_wait3A_756 = tpu.memref_slice %arg5[%dma_wait3A_754, %dma_wait3A_750, %dma_wait3A_755] : memref<200x128x1024xf32, #tpu.memory_space<hbm>> -> memref<8x1x1024xf32, #tpu.memory_space<hbm>>
        %dma_wait3A_757 = tpu.memref_squeeze %dma_wait3A_756 : memref<8x1x1024xf32, #tpu.memory_space<hbm>> -> memref<8x1024xf32, #tpu.memory_space<hbm>>
        %dma_wait3A_758 = arith.constant 0 : i32
        %dma_wait3A_759 = arith.constant 0 : i32
        %dma_wait3A_760 = tpu.memref_slice %arg5[%dma_wait3A_758, %dma_wait3A_750, %dma_wait3A_759] : memref<200x128x1024xf32, #tpu.memory_space<hbm>> -> memref<8x1x1024xf32, #tpu.memory_space<hbm>>
        %dma_wait3A_761 = tpu.memref_squeeze %dma_wait3A_760 : memref<8x1x1024xf32, #tpu.memory_space<hbm>> -> memref<8x1024xf32, #tpu.memory_space<hbm>>
        %dma_wait3A_762 = arith.constant 0 : i32
        %dma_wait3A_763 = arith.constant 0 : i32
        %dma_wait3A_764 = tpu.memref_slice %arg10[%dma_wait3A_762, %dma_wait3A_763] : memref<8x4096xf32, #tpu.memory_space<vmem>> -> memref<8x1024xf32, #tpu.memory_space<vmem>>
        tpu.wait_dma2 semaphore(%arg16 : memref<!tpu.dma_semaphore, #tpu.memory_space<semaphore_mem>>) src(%dma_wait3A_764 : memref<8x1024xf32, #tpu.memory_space<vmem>>) dst(%dma_wait3A_761 : memref<8x1024xf32, #tpu.memory_space<hbm>>)
        %dma_wait3A_765 = arith.constant 0 : i32
        %dma_wait3A_766 = arith.constant 0 : i32
        %dma_wait3A_767 = arith.constant 0 : i32
        %dma_wait3A_768 = tpu.memref_slice %arg10[%dma_wait3A_766, %dma_wait3A_767] : memref<8x4096xf32, #tpu.memory_space<vmem>> -> memref<8x1024xf32, #tpu.memory_space<vmem>>
        %dma_wait3A_769 = arith.constant 0 : i32
        %dma_wait3A_770 = arith.constant 0 : i32
        %dma_wait3A_771 = tpu.memref_slice %arg5[%dma_wait3A_769, %dma_wait3A_765, %dma_wait3A_770] : memref<200x128x1024xf32, #tpu.memory_space<hbm>> -> memref<8x1x1024xf32, #tpu.memory_space<hbm>>
        %dma_wait3A_772 = tpu.memref_squeeze %dma_wait3A_771 : memref<8x1x1024xf32, #tpu.memory_space<hbm>> -> memref<8x1024xf32, #tpu.memory_space<hbm>>
        %dma_wait3A_773 = arith.constant 0 : i32
        %dma_wait3A_774 = arith.constant 0 : i32
        %dma_wait3A_775 = tpu.memref_slice %arg5[%dma_wait3A_773, %dma_wait3A_765, %dma_wait3A_774] : memref<200x128x1024xf32, #tpu.memory_space<hbm>> -> memref<8x1x1024xf32, #tpu.memory_space<hbm>>
        %dma_wait3A_776 = tpu.memref_squeeze %dma_wait3A_775 : memref<8x1x1024xf32, #tpu.memory_space<hbm>> -> memref<8x1024xf32, #tpu.memory_space<hbm>>
        %dma_wait3A_777 = arith.constant 0 : i32
        %dma_wait3A_778 = arith.constant 0 : i32
        %dma_wait3A_779 = tpu.memref_slice %arg10[%dma_wait3A_777, %dma_wait3A_778] : memref<8x4096xf32, #tpu.memory_space<vmem>> -> memref<8x1024xf32, #tpu.memory_space<vmem>>
        tpu.wait_dma2 semaphore(%arg16 : memref<!tpu.dma_semaphore, #tpu.memory_space<semaphore_mem>>) src(%dma_wait3A_779 : memref<8x1024xf32, #tpu.memory_space<vmem>>) dst(%dma_wait3A_776 : memref<8x1024xf32, #tpu.memory_space<hbm>>)
        %dma_wait3A_780 = arith.constant 0 : i32
        %dma_wait3A_781 = arith.constant 0 : i32
        %dma_wait3A_782 = arith.constant 0 : i32
        %dma_wait3A_783 = tpu.memref_slice %arg10[%dma_wait3A_781, %dma_wait3A_782] : memref<8x4096xf32, #tpu.memory_space<vmem>> -> memref<8x1024xf32, #tpu.memory_space<vmem>>
        %dma_wait3A_784 = arith.constant 0 : i32
        %dma_wait3A_785 = arith.constant 0 : i32
        %dma_wait3A_786 = tpu.memref_slice %arg5[%dma_wait3A_784, %dma_wait3A_780, %dma_wait3A_785] : memref<200x128x1024xf32, #tpu.memory_space<hbm>> -> memref<8x1x1024xf32, #tpu.memory_space<hbm>>
        %dma_wait3A_787 = tpu.memref_squeeze %dma_wait3A_786 : memref<8x1x1024xf32, #tpu.memory_space<hbm>> -> memref<8x1024xf32, #tpu.memory_space<hbm>>
        %dma_wait3A_788 = arith.constant 0 : i32
        %dma_wait3A_789 = arith.constant 0 : i32
        %dma_wait3A_790 = tpu.memref_slice %arg5[%dma_wait3A_788, %dma_wait3A_780, %dma_wait3A_789] : memref<200x128x1024xf32, #tpu.memory_space<hbm>> -> memref<8x1x1024xf32, #tpu.memory_space<hbm>>
        %dma_wait3A_791 = tpu.memref_squeeze %dma_wait3A_790 : memref<8x1x1024xf32, #tpu.memory_space<hbm>> -> memref<8x1024xf32, #tpu.memory_space<hbm>>
        %dma_wait3A_792 = arith.constant 0 : i32
        %dma_wait3A_793 = arith.constant 0 : i32
        %dma_wait3A_794 = tpu.memref_slice %arg10[%dma_wait3A_792, %dma_wait3A_793] : memref<8x4096xf32, #tpu.memory_space<vmem>> -> memref<8x1024xf32, #tpu.memory_space<vmem>>
        tpu.wait_dma2 semaphore(%arg16 : memref<!tpu.dma_semaphore, #tpu.memory_space<semaphore_mem>>) src(%dma_wait3A_794 : memref<8x1024xf32, #tpu.memory_space<vmem>>) dst(%dma_wait3A_791 : memref<8x1024xf32, #tpu.memory_space<hbm>>)
        %dma_wait3A_795 = arith.constant 0 : i32
        %dma_wait3A_796 = arith.constant 0 : i32
        %dma_wait3A_797 = arith.constant 0 : i32
        %dma_wait3A_798 = tpu.memref_slice %arg10[%dma_wait3A_796, %dma_wait3A_797] : memref<8x4096xf32, #tpu.memory_space<vmem>> -> memref<8x1024xf32, #tpu.memory_space<vmem>>
        %dma_wait3A_799 = arith.constant 0 : i32
        %dma_wait3A_800 = arith.constant 0 : i32
        %dma_wait3A_801 = tpu.memref_slice %arg5[%dma_wait3A_799, %dma_wait3A_795, %dma_wait3A_800] : memref<200x128x1024xf32, #tpu.memory_space<hbm>> -> memref<8x1x1024xf32, #tpu.memory_space<hbm>>
        %dma_wait3A_802 = tpu.memref_squeeze %dma_wait3A_801 : memref<8x1x1024xf32, #tpu.memory_space<hbm>> -> memref<8x1024xf32, #tpu.memory_space<hbm>>
        %dma_wait3A_803 = arith.constant 0 : i32
        %dma_wait3A_804 = arith.constant 0 : i32
        %dma_wait3A_805 = tpu.memref_slice %arg5[%dma_wait3A_803, %dma_wait3A_795, %dma_wait3A_804] : memref<200x128x1024xf32, #tpu.memory_space<hbm>> -> memref<8x1x1024xf32, #tpu.memory_space<hbm>>
        %dma_wait3A_806 = tpu.memref_squeeze %dma_wait3A_805 : memref<8x1x1024xf32, #tpu.memory_space<hbm>> -> memref<8x1024xf32, #tpu.memory_space<hbm>>
        %dma_wait3A_807 = arith.constant 0 : i32
        %dma_wait3A_808 = arith.constant 0 : i32
        %dma_wait3A_809 = tpu.memref_slice %arg10[%dma_wait3A_807, %dma_wait3A_808] : memref<8x4096xf32, #tpu.memory_space<vmem>> -> memref<8x1024xf32, #tpu.memory_space<vmem>>
        tpu.wait_dma2 semaphore(%arg16 : memref<!tpu.dma_semaphore, #tpu.memory_space<semaphore_mem>>) src(%dma_wait3A_809 : memref<8x1024xf32, #tpu.memory_space<vmem>>) dst(%dma_wait3A_806 : memref<8x1024xf32, #tpu.memory_space<hbm>>)
      } else {
      }
      %broadcast_in_dim3A_432 = arith.constant 0 : i32
      %broadcast_in_dim3A_433 = vector.broadcast %broadcast_in_dim3A_432 : i32 to vector<16xi32>
      %scan3A_434 = arith.constant 0 : i32
      %scan3A_435 = arith.constant 8 : i32
      %scan3A_436 = arith.addi %scan3A_434, %scan3A_435 : i32
      %scan3A_437 = arith.constant 1 : i32
      scf.for %scan3A_750 = %scan3A_434 to %scan3A_436 step %scan3A_437  : i32 {
        %mul3A_751 = arith.constant 1 : i32
        %mul3A_752 = arith.muli %scan3A_750, %mul3A_751 : i32
        %add3A_753 = arith.constant 0 : i32
        %add3A_754 = arith.addi %add3A_753, %mul3A_752 : i32
        %mul3A_755 = arith.constant 8 : i32
        %mul3A_756 = arith.muli %mul3A_417, %mul3A_755 : i32
        %add3A_757 = arith.addi %mul3A_756, %add3A_754 : i32
        %get3A = arith.index_cast %add3A_757 : i32 to index
        %get3A_758 = arith.constant 0 : index
        %get3A_759 = tpu.vector_load %arg11[%get3A, %get3A_758] {strides = array<i32>} : memref<200x32xf32, #tpu.memory_space<vmem>>, vector<16xf32>,
        %get3A_760 = arith.index_cast %add3A_757 : i32 to index
        %get3A_761 = arith.constant 16 : index
        %get3A_762 = tpu.vector_load %arg11[%get3A_760, %get3A_761] {strides = array<i32>} : memref<200x32xf32, #tpu.memory_space<vmem>>, vector<16xf32>,
        %mul3A_763 = arith.constant 4096 : i32
        %mul3A_764 = arith.muli %add3A_754, %mul3A_763 : i32
        %parallel_loop3A = arith.constant 0 : i32
        %parallel_loop3A_765 = arith.constant 16 : i32
        %parallel_loop3A_766 = arith.constant 1 : i32
        scf.for %parallel_loop3A_767 = %parallel_loop3A to %parallel_loop3A_765 step %parallel_loop3A_766  : i32 {
          %parallel_loop3A_768 = vector.broadcast %parallel_loop3A_767 : i32 to vector<16xi32>
          %parallel_loop3A_769 = arith.addi %iota3A, %parallel_loop3A_768 : vector<16xi32>
          %parallel_loop3A_770 = arith.constant 15 : i32
          %parallel_loop3A_771 = vector.broadcast %parallel_loop3A_770 : i32 to vector<16xi32>
          %parallel_loop3A_772 = arith.andi %parallel_loop3A_769, %parallel_loop3A_771 : vector<16xi32>
          %parallel_loop3A_773 = arith.constant 5 : i32
          %parallel_loop3A_774 = vector.broadcast %parallel_loop3A_773 : i32 to vector<16xi32>
          %parallel_loop3A_775 = arith.shli %parallel_loop3A_772, %parallel_loop3A_774 : vector<16xi32>
          %parallel_loop3A_776 = arith.constant 0 : i32
          %parallel_loop3A_777 = vector.broadcast %parallel_loop3A_776 : i32 to vector<16xi32>
          %parallel_loop3A_778 = arith.addi %iota3A, %parallel_loop3A_777 : vector<16xi32>
          %parallel_loop3A_779 = arith.addi %parallel_loop3A_775, %parallel_loop3A_778 : vector<16xi32>
          %parallel_loop3A_780 = arith.constant 128 : i32
          %parallel_loop3A_781 = vector.broadcast %parallel_loop3A_780 : i32 to vector<16xi32>
          %parallel_loop3A_782 = arith.muli %iota3A, %parallel_loop3A_781 : vector<16xi32>
          %parallel_loop3A_783 = arith.constant 0 : i32
          %parallel_loop3A_784 = vector.broadcast %parallel_loop3A_783 : i32 to vector<16xi32>
          %parallel_loop3A_785 = arith.addi %parallel_loop3A_782, %parallel_loop3A_784 : vector<16xi32>
          %parallel_loop3A_786 = arith.addi %parallel_loop3A_772, %parallel_loop3A_785 : vector<16xi32>
          %parallel_loop3A_787 = arith.constant 0 : i32
          %parallel_loop3A_788 = arith.addi %mul3A_764, %parallel_loop3A_787 : i32
          %parallel_loop3A_789 = vector.broadcast %parallel_loop3A_788 : i32 to vector<16xi32>
          %parallel_loop3A_790 = arith.addi %parallel_loop3A_779, %parallel_loop3A_789 : vector<16xi32>
          %parallel_loop3A_791 = tpu.vector_load_idx %arg8[%broadcast_in_dim3A_433, %parallel_loop3A_790] : memref<1024x32xf32, #tpu.memory_space<vmem>>[vector<16xi32>, vector<16xi32>], vector<16xf32>,
          %parallel_loop3A_792 = arith.constant 0 : i32
          %parallel_loop3A_793 = arith.addi %mul3A_764, %parallel_loop3A_792 : i32
          %parallel_loop3A_794 = vector.broadcast %parallel_loop3A_793 : i32 to vector<16xi32>
          %parallel_loop3A_795 = arith.addi %parallel_loop3A_786, %parallel_loop3A_794 : vector<16xi32>
          %parallel_loop3A_796 = arith.addf %parallel_loop3A_791, %get3A_759 : vector<16xf32>
          tpu.vector_store_idx %arg10[%broadcast_in_dim3A_433, %parallel_loop3A_795], %parallel_loop3A_796 : memref<8x4096xf32, #tpu.memory_space<vmem>>[vector<16xi32>, vector<16xi32>], vector<16xf32>,
          %parallel_loop3A_797 = arith.constant 512 : i32
          %parallel_loop3A_798 = arith.addi %mul3A_764, %parallel_loop3A_797 : i32
          %parallel_loop3A_799 = vector.broadcast %parallel_loop3A_798 : i32 to vector<16xi32>
          %parallel_loop3A_800 = arith.addi %parallel_loop3A_779, %parallel_loop3A_799 : vector<16xi32>
          %parallel_loop3A_801 = tpu.vector_load_idx %arg8[%broadcast_in_dim3A_433, %parallel_loop3A_800] : memref<1024x32xf32, #tpu.memory_space<vmem>>[vector<16xi32>, vector<16xi32>], vector<16xf32>,
          %parallel_loop3A_802 = arith.constant 16 : i32
          %parallel_loop3A_803 = arith.addi %mul3A_764, %parallel_loop3A_802 : i32
          %parallel_loop3A_804 = vector.broadcast %parallel_loop3A_803 : i32 to vector<16xi32>
          %parallel_loop3A_805 = arith.addi %parallel_loop3A_786, %parallel_loop3A_804 : vector<16xi32>
          %parallel_loop3A_806 = arith.addf %parallel_loop3A_801, %get3A_759 : vector<16xf32>
          tpu.vector_store_idx %arg10[%broadcast_in_dim3A_433, %parallel_loop3A_805], %parallel_loop3A_806 : memref<8x4096xf32, #tpu.memory_space<vmem>>[vector<16xi32>, vector<16xi32>], vector<16xf32>,
          %parallel_loop3A_807 = arith.constant 1024 : i32
          %parallel_loop3A_808 = arith.addi %mul3A_764, %parallel_loop3A_807 : i32
          %parallel_loop3A_809 = vector.broadcast %parallel_loop3A_808 : i32 to vector<16xi32>
          %parallel_loop3A_810 = arith.addi %parallel_loop3A_779, %parallel_loop3A_809 : vector<16xi32>
          %parallel_loop3A_811 = tpu.vector_load_idx %arg8[%broadcast_in_dim3A_433, %parallel_loop3A_810] : memref<1024x32xf32, #tpu.memory_space<vmem>>[vector<16xi32>, vector<16xi32>], vector<16xf32>,
          %parallel_loop3A_812 = arith.constant 32 : i32
          %parallel_loop3A_813 = arith.addi %mul3A_764, %parallel_loop3A_812 : i32
          %parallel_loop3A_814 = vector.broadcast %parallel_loop3A_813 : i32 to vector<16xi32>
          %parallel_loop3A_815 = arith.addi %parallel_loop3A_786, %parallel_loop3A_814 : vector<16xi32>
          %parallel_loop3A_816 = arith.addf %parallel_loop3A_811, %get3A_759 : vector<16xf32>
          tpu.vector_store_idx %arg10[%broadcast_in_dim3A_433, %parallel_loop3A_815], %parallel_loop3A_816 : memref<8x4096xf32, #tpu.memory_space<vmem>>[vector<16xi32>, vector<16xi32>], vector<16xf32>,
          %parallel_loop3A_817 = arith.constant 1536 : i32
          %parallel_loop3A_818 = arith.addi %mul3A_764, %parallel_loop3A_817 : i32
          %parallel_loop3A_819 = vector.broadcast %parallel_loop3A_818 : i32 to vector<16xi32>
          %parallel_loop3A_820 = arith.addi %parallel_loop3A_779, %parallel_loop3A_819 : vector<16xi32>
          %parallel_loop3A_821 = tpu.vector_load_idx %arg8[%broadcast_in_dim3A_433, %parallel_loop3A_820] : memref<1024x32xf32, #tpu.memory_space<vmem>>[vector<16xi32>, vector<16xi32>], vector<16xf32>,
          %parallel_loop3A_822 = arith.constant 48 : i32
          %parallel_loop3A_823 = arith.addi %mul3A_764, %parallel_loop3A_822 : i32
          %parallel_loop3A_824 = vector.broadcast %parallel_loop3A_823 : i32 to vector<16xi32>
          %parallel_loop3A_825 = arith.addi %parallel_loop3A_786, %parallel_loop3A_824 : vector<16xi32>
          %parallel_loop3A_826 = arith.addf %parallel_loop3A_821, %get3A_759 : vector<16xf32>
          tpu.vector_store_idx %arg10[%broadcast_in_dim3A_433, %parallel_loop3A_825], %parallel_loop3A_826 : memref<8x4096xf32, #tpu.memory_space<vmem>>[vector<16xi32>, vector<16xi32>], vector<16xf32>,
          %parallel_loop3A_827 = arith.constant 2048 : i32
          %parallel_loop3A_828 = arith.addi %mul3A_764, %parallel_loop3A_827 : i32
          %parallel_loop3A_829 = vector.broadcast %parallel_loop3A_828 : i32 to vector<16xi32>
          %parallel_loop3A_830 = arith.addi %parallel_loop3A_779, %parallel_loop3A_829 : vector<16xi32>
          %parallel_loop3A_831 = tpu.vector_load_idx %arg8[%broadcast_in_dim3A_433, %parallel_loop3A_830] : memref<1024x32xf32, #tpu.memory_space<vmem>>[vector<16xi32>, vector<16xi32>], vector<16xf32>,
          %parallel_loop3A_832 = arith.constant 64 : i32
          %parallel_loop3A_833 = arith.addi %mul3A_764, %parallel_loop3A_832 : i32
          %parallel_loop3A_834 = vector.broadcast %parallel_loop3A_833 : i32 to vector<16xi32>
          %parallel_loop3A_835 = arith.addi %parallel_loop3A_786, %parallel_loop3A_834 : vector<16xi32>
          %parallel_loop3A_836 = arith.addf %parallel_loop3A_831, %get3A_759 : vector<16xf32>
          tpu.vector_store_idx %arg10[%broadcast_in_dim3A_433, %parallel_loop3A_835], %parallel_loop3A_836 : memref<8x4096xf32, #tpu.memory_space<vmem>>[vector<16xi32>, vector<16xi32>], vector<16xf32>,
          %parallel_loop3A_837 = arith.constant 2560 : i32
          %parallel_loop3A_838 = arith.addi %mul3A_764, %parallel_loop3A_837 : i32
          %parallel_loop3A_839 = vector.broadcast %parallel_loop3A_838 : i32 to vector<16xi32>
          %parallel_loop3A_840 = arith.addi %parallel_loop3A_779, %parallel_loop3A_839 : vector<16xi32>
          %parallel_loop3A_841 = tpu.vector_load_idx %arg8[%broadcast_in_dim3A_433, %parallel_loop3A_840] : memref<1024x32xf32, #tpu.memory_space<vmem>>[vector<16xi32>, vector<16xi32>], vector<16xf32>,
          %parallel_loop3A_842 = arith.constant 80 : i32
          %parallel_loop3A_843 = arith.addi %mul3A_764, %parallel_loop3A_842 : i32
          %parallel_loop3A_844 = vector.broadcast %parallel_loop3A_843 : i32 to vector<16xi32>
          %parallel_loop3A_845 = arith.addi %parallel_loop3A_786, %parallel_loop3A_844 : vector<16xi32>
          %parallel_loop3A_846 = arith.addf %parallel_loop3A_841, %get3A_759 : vector<16xf32>
          tpu.vector_store_idx %arg10[%broadcast_in_dim3A_433, %parallel_loop3A_845], %parallel_loop3A_846 : memref<8x4096xf32, #tpu.memory_space<vmem>>[vector<16xi32>, vector<16xi32>], vector<16xf32>,
          %parallel_loop3A_847 = arith.constant 3072 : i32
          %parallel_loop3A_848 = arith.addi %mul3A_764, %parallel_loop3A_847 : i32
          %parallel_loop3A_849 = vector.broadcast %parallel_loop3A_848 : i32 to vector<16xi32>
          %parallel_loop3A_850 = arith.addi %parallel_loop3A_779, %parallel_loop3A_849 : vector<16xi32>
          %parallel_loop3A_851 = tpu.vector_load_idx %arg8[%broadcast_in_dim3A_433, %parallel_loop3A_850] : memref<1024x32xf32, #tpu.memory_space<vmem>>[vector<16xi32>, vector<16xi32>], vector<16xf32>,
          %parallel_loop3A_852 = arith.constant 96 : i32
          %parallel_loop3A_853 = arith.addi %mul3A_764, %parallel_loop3A_852 : i32
          %parallel_loop3A_854 = vector.broadcast %parallel_loop3A_853 : i32 to vector<16xi32>
          %parallel_loop3A_855 = arith.addi %parallel_loop3A_786, %parallel_loop3A_854 : vector<16xi32>
          %parallel_loop3A_856 = arith.addf %parallel_loop3A_851, %get3A_759 : vector<16xf32>
          tpu.vector_store_idx %arg10[%broadcast_in_dim3A_433, %parallel_loop3A_855], %parallel_loop3A_856 : memref<8x4096xf32, #tpu.memory_space<vmem>>[vector<16xi32>, vector<16xi32>], vector<16xf32>,
          %parallel_loop3A_857 = arith.constant 3584 : i32
          %parallel_loop3A_858 = arith.addi %mul3A_764, %parallel_loop3A_857 : i32
          %parallel_loop3A_859 = vector.broadcast %parallel_loop3A_858 : i32 to vector<16xi32>
          %parallel_loop3A_860 = arith.addi %parallel_loop3A_779, %parallel_loop3A_859 : vector<16xi32>
          %parallel_loop3A_861 = tpu.vector_load_idx %arg8[%broadcast_in_dim3A_433, %parallel_loop3A_860] : memref<1024x32xf32, #tpu.memory_space<vmem>>[vector<16xi32>, vector<16xi32>], vector<16xf32>,
          %parallel_loop3A_862 = arith.constant 112 : i32
          %parallel_loop3A_863 = arith.addi %mul3A_764, %parallel_loop3A_862 : i32
          %parallel_loop3A_864 = vector.broadcast %parallel_loop3A_863 : i32 to vector<16xi32>
          %parallel_loop3A_865 = arith.addi %parallel_loop3A_786, %parallel_loop3A_864 : vector<16xi32>
          %parallel_loop3A_866 = arith.addf %parallel_loop3A_861, %get3A_759 : vector<16xf32>
          tpu.vector_store_idx %arg10[%broadcast_in_dim3A_433, %parallel_loop3A_865], %parallel_loop3A_866 : memref<8x4096xf32, #tpu.memory_space<vmem>>[vector<16xi32>, vector<16xi32>], vector<16xf32>,
          %parallel_loop3A_867 = arith.constant 16 : i32
          %parallel_loop3A_868 = vector.broadcast %parallel_loop3A_867 : i32 to vector<16xi32>
          %parallel_loop3A_869 = arith.addi %iota3A, %parallel_loop3A_868 : vector<16xi32>
          %parallel_loop3A_870 = arith.addi %parallel_loop3A_775, %parallel_loop3A_869 : vector<16xi32>
          %parallel_loop3A_871 = arith.constant 128 : i32
          %parallel_loop3A_872 = vector.broadcast %parallel_loop3A_871 : i32 to vector<16xi32>
          %parallel_loop3A_873 = arith.muli %iota3A, %parallel_loop3A_872 : vector<16xi32>
          %parallel_loop3A_874 = arith.constant 2048 : i32
          %parallel_loop3A_875 = vector.broadcast %parallel_loop3A_874 : i32 to vector<16xi32>
          %parallel_loop3A_876 = arith.addi %parallel_loop3A_873, %parallel_loop3A_875 : vector<16xi32>
          %parallel_loop3A_877 = arith.addi %parallel_loop3A_772, %parallel_loop3A_876 : vector<16xi32>
          %parallel_loop3A_878 = arith.constant 0 : i32
          %parallel_loop3A_879 = arith.addi %mul3A_764, %parallel_loop3A_878 : i32
          %parallel_loop3A_880 = vector.broadcast %parallel_loop3A_879 : i32 to vector<16xi32>
          %parallel_loop3A_881 = arith.addi %parallel_loop3A_870, %parallel_loop3A_880 : vector<16xi32>
          %parallel_loop3A_882 = tpu.vector_load_idx %arg8[%broadcast_in_dim3A_433, %parallel_loop3A_881] : memref<1024x32xf32, #tpu.memory_space<vmem>>[vector<16xi32>, vector<16xi32>], vector<16xf32>,
          %parallel_loop3A_883 = arith.constant 0 : i32
          %parallel_loop3A_884 = arith.addi %mul3A_764, %parallel_loop3A_883 : i32
          %parallel_loop3A_885 = vector.broadcast %parallel_loop3A_884 : i32 to vector<16xi32>
          %parallel_loop3A_886 = arith.addi %parallel_loop3A_877, %parallel_loop3A_885 : vector<16xi32>
          %parallel_loop3A_887 = arith.addf %parallel_loop3A_882, %get3A_762 : vector<16xf32>
          tpu.vector_store_idx %arg10[%broadcast_in_dim3A_433, %parallel_loop3A_886], %parallel_loop3A_887 : memref<8x4096xf32, #tpu.memory_space<vmem>>[vector<16xi32>, vector<16xi32>], vector<16xf32>,
          %parallel_loop3A_888 = arith.constant 512 : i32
          %parallel_loop3A_889 = arith.addi %mul3A_764, %parallel_loop3A_888 : i32
          %parallel_loop3A_890 = vector.broadcast %parallel_loop3A_889 : i32 to vector<16xi32>
          %parallel_loop3A_891 = arith.addi %parallel_loop3A_870, %parallel_loop3A_890 : vector<16xi32>
          %parallel_loop3A_892 = tpu.vector_load_idx %arg8[%broadcast_in_dim3A_433, %parallel_loop3A_891] : memref<1024x32xf32, #tpu.memory_space<vmem>>[vector<16xi32>, vector<16xi32>], vector<16xf32>,
          %parallel_loop3A_893 = arith.constant 16 : i32
          %parallel_loop3A_894 = arith.addi %mul3A_764, %parallel_loop3A_893 : i32
          %parallel_loop3A_895 = vector.broadcast %parallel_loop3A_894 : i32 to vector<16xi32>
          %parallel_loop3A_896 = arith.addi %parallel_loop3A_877, %parallel_loop3A_895 : vector<16xi32>
          %parallel_loop3A_897 = arith.addf %parallel_loop3A_892, %get3A_762 : vector<16xf32>
          tpu.vector_store_idx %arg10[%broadcast_in_dim3A_433, %parallel_loop3A_896], %parallel_loop3A_897 : memref<8x4096xf32, #tpu.memory_space<vmem>>[vector<16xi32>, vector<16xi32>], vector<16xf32>,
          %parallel_loop3A_898 = arith.constant 1024 : i32
          %parallel_loop3A_899 = arith.addi %mul3A_764, %parallel_loop3A_898 : i32
          %parallel_loop3A_900 = vector.broadcast %parallel_loop3A_899 : i32 to vector<16xi32>
          %parallel_loop3A_901 = arith.addi %parallel_loop3A_870, %parallel_loop3A_900 : vector<16xi32>
          %parallel_loop3A_902 = tpu.vector_load_idx %arg8[%broadcast_in_dim3A_433, %parallel_loop3A_901] : memref<1024x32xf32, #tpu.memory_space<vmem>>[vector<16xi32>, vector<16xi32>], vector<16xf32>,
          %parallel_loop3A_903 = arith.constant 32 : i32
          %parallel_loop3A_904 = arith.addi %mul3A_764, %parallel_loop3A_903 : i32
          %parallel_loop3A_905 = vector.broadcast %parallel_loop3A_904 : i32 to vector<16xi32>
          %parallel_loop3A_906 = arith.addi %parallel_loop3A_877, %parallel_loop3A_905 : vector<16xi32>
          %parallel_loop3A_907 = arith.addf %parallel_loop3A_902, %get3A_762 : vector<16xf32>
          tpu.vector_store_idx %arg10[%broadcast_in_dim3A_433, %parallel_loop3A_906], %parallel_loop3A_907 : memref<8x4096xf32, #tpu.memory_space<vmem>>[vector<16xi32>, vector<16xi32>], vector<16xf32>,
          %parallel_loop3A_908 = arith.constant 1536 : i32
          %parallel_loop3A_909 = arith.addi %mul3A_764, %parallel_loop3A_908 : i32
          %parallel_loop3A_910 = vector.broadcast %parallel_loop3A_909 : i32 to vector<16xi32>
          %parallel_loop3A_911 = arith.addi %parallel_loop3A_870, %parallel_loop3A_910 : vector<16xi32>
          %parallel_loop3A_912 = tpu.vector_load_idx %arg8[%broadcast_in_dim3A_433, %parallel_loop3A_911] : memref<1024x32xf32, #tpu.memory_space<vmem>>[vector<16xi32>, vector<16xi32>], vector<16xf32>,
          %parallel_loop3A_913 = arith.constant 48 : i32
          %parallel_loop3A_914 = arith.addi %mul3A_764, %parallel_loop3A_913 : i32
          %parallel_loop3A_915 = vector.broadcast %parallel_loop3A_914 : i32 to vector<16xi32>
          %parallel_loop3A_916 = arith.addi %parallel_loop3A_877, %parallel_loop3A_915 : vector<16xi32>
          %parallel_loop3A_917 = arith.addf %parallel_loop3A_912, %get3A_762 : vector<16xf32>
          tpu.vector_store_idx %arg10[%broadcast_in_dim3A_433, %parallel_loop3A_916], %parallel_loop3A_917 : memref<8x4096xf32, #tpu.memory_space<vmem>>[vector<16xi32>, vector<16xi32>], vector<16xf32>,
          %parallel_loop3A_918 = arith.constant 2048 : i32
          %parallel_loop3A_919 = arith.addi %mul3A_764, %parallel_loop3A_918 : i32
          %parallel_loop3A_920 = vector.broadcast %parallel_loop3A_919 : i32 to vector<16xi32>
          %parallel_loop3A_921 = arith.addi %parallel_loop3A_870, %parallel_loop3A_920 : vector<16xi32>
          %parallel_loop3A_922 = tpu.vector_load_idx %arg8[%broadcast_in_dim3A_433, %parallel_loop3A_921] : memref<1024x32xf32, #tpu.memory_space<vmem>>[vector<16xi32>, vector<16xi32>], vector<16xf32>,
          %parallel_loop3A_923 = arith.constant 64 : i32
          %parallel_loop3A_924 = arith.addi %mul3A_764, %parallel_loop3A_923 : i32
          %parallel_loop3A_925 = vector.broadcast %parallel_loop3A_924 : i32 to vector<16xi32>
          %parallel_loop3A_926 = arith.addi %parallel_loop3A_877, %parallel_loop3A_925 : vector<16xi32>
          %parallel_loop3A_927 = arith.addf %parallel_loop3A_922, %get3A_762 : vector<16xf32>
          tpu.vector_store_idx %arg10[%broadcast_in_dim3A_433, %parallel_loop3A_926], %parallel_loop3A_927 : memref<8x4096xf32, #tpu.memory_space<vmem>>[vector<16xi32>, vector<16xi32>], vector<16xf32>,
          %parallel_loop3A_928 = arith.constant 2560 : i32
          %parallel_loop3A_929 = arith.addi %mul3A_764, %parallel_loop3A_928 : i32
          %parallel_loop3A_930 = vector.broadcast %parallel_loop3A_929 : i32 to vector<16xi32>
          %parallel_loop3A_931 = arith.addi %parallel_loop3A_870, %parallel_loop3A_930 : vector<16xi32>
          %parallel_loop3A_932 = tpu.vector_load_idx %arg8[%broadcast_in_dim3A_433, %parallel_loop3A_931] : memref<1024x32xf32, #tpu.memory_space<vmem>>[vector<16xi32>, vector<16xi32>], vector<16xf32>,
          %parallel_loop3A_933 = arith.constant 80 : i32
          %parallel_loop3A_934 = arith.addi %mul3A_764, %parallel_loop3A_933 : i32
          %parallel_loop3A_935 = vector.broadcast %parallel_loop3A_934 : i32 to vector<16xi32>
          %parallel_loop3A_936 = arith.addi %parallel_loop3A_877, %parallel_loop3A_935 : vector<16xi32>
          %parallel_loop3A_937 = arith.addf %parallel_loop3A_932, %get3A_762 : vector<16xf32>
          tpu.vector_store_idx %arg10[%broadcast_in_dim3A_433, %parallel_loop3A_936], %parallel_loop3A_937 : memref<8x4096xf32, #tpu.memory_space<vmem>>[vector<16xi32>, vector<16xi32>], vector<16xf32>,
          %parallel_loop3A_938 = arith.constant 3072 : i32
          %parallel_loop3A_939 = arith.addi %mul3A_764, %parallel_loop3A_938 : i32
          %parallel_loop3A_940 = vector.broadcast %parallel_loop3A_939 : i32 to vector<16xi32>
          %parallel_loop3A_941 = arith.addi %parallel_loop3A_870, %parallel_loop3A_940 : vector<16xi32>
          %parallel_loop3A_942 = tpu.vector_load_idx %arg8[%broadcast_in_dim3A_433, %parallel_loop3A_941] : memref<1024x32xf32, #tpu.memory_space<vmem>>[vector<16xi32>, vector<16xi32>], vector<16xf32>,
          %parallel_loop3A_943 = arith.constant 96 : i32
          %parallel_loop3A_944 = arith.addi %mul3A_764, %parallel_loop3A_943 : i32
          %parallel_loop3A_945 = vector.broadcast %parallel_loop3A_944 : i32 to vector<16xi32>
          %parallel_loop3A_946 = arith.addi %parallel_loop3A_877, %parallel_loop3A_945 : vector<16xi32>
          %parallel_loop3A_947 = arith.addf %parallel_loop3A_942, %get3A_762 : vector<16xf32>
          tpu.vector_store_idx %arg10[%broadcast_in_dim3A_433, %parallel_loop3A_946], %parallel_loop3A_947 : memref<8x4096xf32, #tpu.memory_space<vmem>>[vector<16xi32>, vector<16xi32>], vector<16xf32>,
          %parallel_loop3A_948 = arith.constant 3584 : i32
          %parallel_loop3A_949 = arith.addi %mul3A_764, %parallel_loop3A_948 : i32
          %parallel_loop3A_950 = vector.broadcast %parallel_loop3A_949 : i32 to vector<16xi32>
          %parallel_loop3A_951 = arith.addi %parallel_loop3A_870, %parallel_loop3A_950 : vector<16xi32>
          %parallel_loop3A_952 = tpu.vector_load_idx %arg8[%broadcast_in_dim3A_433, %parallel_loop3A_951] : memref<1024x32xf32, #tpu.memory_space<vmem>>[vector<16xi32>, vector<16xi32>], vector<16xf32>,
          %parallel_loop3A_953 = arith.constant 112 : i32
          %parallel_loop3A_954 = arith.addi %mul3A_764, %parallel_loop3A_953 : i32
          %parallel_loop3A_955 = vector.broadcast %parallel_loop3A_954 : i32 to vector<16xi32>
          %parallel_loop3A_956 = arith.addi %parallel_loop3A_877, %parallel_loop3A_955 : vector<16xi32>
          %parallel_loop3A_957 = arith.addf %parallel_loop3A_952, %get3A_762 : vector<16xf32>
          tpu.vector_store_idx %arg10[%broadcast_in_dim3A_433, %parallel_loop3A_956], %parallel_loop3A_957 : memref<8x4096xf32, #tpu.memory_space<vmem>>[vector<16xi32>, vector<16xi32>], vector<16xf32>,
        } {sc.loop_unroll_factor = 2 : i64, sc.parallel_access}
      }
      %scan3A_438 = arith.constant 8 : i32
      %mul3A_439 = arith.constant 8 : i32
      %mul3A_440 = arith.muli %mul3A_417, %mul3A_439 : i32
      %add3A_441 = arith.constant 0 : i32
      %add3A_442 = arith.addi %add3A_441, %add3A : i32
      %dma_start3A_443 = arith.constant 0 : i32
      %dma_start3A_444 = arith.constant 0 : i32
      %dma_start3A_445 = tpu.memref_slice %arg10[%dma_start3A_443, %dma_start3A_444] : memref<8x4096xf32, #tpu.memory_space<vmem>> -> memref<8x1024xf32, #tpu.memory_space<vmem>>
      %dma_start3A_446 = arith.constant 0 : i32
      %dma_start3A_447 = tpu.memref_slice %arg5[%mul3A_440, %add3A_442, %dma_start3A_446] : memref<200x128x1024xf32, #tpu.memory_space<hbm>> -> memref<8x1x1024xf32, #tpu.memory_space<hbm>>
      %dma_start3A_448 = tpu.memref_squeeze %dma_start3A_447 : memref<8x1x1024xf32, #tpu.memory_space<hbm>> -> memref<8x1024xf32, #tpu.memory_space<hbm>>
      %dma_start3A_449 = arith.constant 0 : i32
      %dma_start3A_450 = tpu.memref_slice %arg5[%mul3A_440, %add3A_442, %dma_start3A_449] : memref<200x128x1024xf32, #tpu.memory_space<hbm>> -> memref<8x1x1024xf32, #tpu.memory_space<hbm>>
      %dma_start3A_451 = tpu.memref_squeeze %dma_start3A_450 : memref<8x1x1024xf32, #tpu.memory_space<hbm>> -> memref<8x1024xf32, #tpu.memory_space<hbm>>
      %dma_start3A_452 = arith.constant 0 : i32
      %dma_start3A_453 = arith.constant 0 : i32
      %dma_start3A_454 = tpu.memref_slice %arg10[%dma_start3A_452, %dma_start3A_453] : memref<8x4096xf32, #tpu.memory_space<vmem>> -> memref<8x1024xf32, #tpu.memory_space<vmem>>
      tpu.enqueue_dma source(%dma_start3A_454 : memref<8x1024xf32, #tpu.memory_space<vmem>>) target(%dma_start3A_451 : memref<8x1024xf32, #tpu.memory_space<hbm>>) target_semaphore(%arg16 : memref<!tpu.dma_semaphore, #tpu.memory_space<semaphore_mem>>)
      %mul3A_455 = arith.constant 8 : i32
      %mul3A_456 = arith.muli %mul3A_417, %mul3A_455 : i32
      %add3A_457 = arith.constant 32 : i32
      %add3A_458 = arith.addi %add3A_457, %add3A : i32
      %dma_start3A_459 = arith.constant 0 : i32
      %dma_start3A_460 = arith.constant 1024 : i32
      %dma_start3A_461 = tpu.memref_slice %arg10[%dma_start3A_459, %dma_start3A_460] : memref<8x4096xf32, #tpu.memory_space<vmem>> -> memref<8x1024xf32, #tpu.memory_space<vmem>>
      %dma_start3A_462 = arith.constant 0 : i32
      %dma_start3A_463 = tpu.memref_slice %arg5[%mul3A_456, %add3A_458, %dma_start3A_462] : memref<200x128x1024xf32, #tpu.memory_space<hbm>> -> memref<8x1x1024xf32, #tpu.memory_space<hbm>>
      %dma_start3A_464 = tpu.memref_squeeze %dma_start3A_463 : memref<8x1x1024xf32, #tpu.memory_space<hbm>> -> memref<8x1024xf32, #tpu.memory_space<hbm>>
      %dma_start3A_465 = arith.constant 0 : i32
      %dma_start3A_466 = tpu.memref_slice %arg5[%mul3A_456, %add3A_458, %dma_start3A_465] : memref<200x128x1024xf32, #tpu.memory_space<hbm>> -> memref<8x1x1024xf32, #tpu.memory_space<hbm>>
      %dma_start3A_467 = tpu.memref_squeeze %dma_start3A_466 : memref<8x1x1024xf32, #tpu.memory_space<hbm>> -> memref<8x1024xf32, #tpu.memory_space<hbm>>
      %dma_start3A_468 = arith.constant 0 : i32
      %dma_start3A_469 = arith.constant 1024 : i32
      %dma_start3A_470 = tpu.memref_slice %arg10[%dma_start3A_468, %dma_start3A_469] : memref<8x4096xf32, #tpu.memory_space<vmem>> -> memref<8x1024xf32, #tpu.memory_space<vmem>>
      tpu.enqueue_dma source(%dma_start3A_470 : memref<8x1024xf32, #tpu.memory_space<vmem>>) target(%dma_start3A_467 : memref<8x1024xf32, #tpu.memory_space<hbm>>) target_semaphore(%arg16 : memref<!tpu.dma_semaphore, #tpu.memory_space<semaphore_mem>>)
      %mul3A_471 = arith.constant 8 : i32
      %mul3A_472 = arith.muli %mul3A_417, %mul3A_471 : i32
      %add3A_473 = arith.constant 64 : i32
      %add3A_474 = arith.addi %add3A_473, %add3A : i32
      %dma_start3A_475 = arith.constant 0 : i32
      %dma_start3A_476 = arith.constant 2048 : i32
      %dma_start3A_477 = tpu.memref_slice %arg10[%dma_start3A_475, %dma_start3A_476] : memref<8x4096xf32, #tpu.memory_space<vmem>> -> memref<8x1024xf32, #tpu.memory_space<vmem>>
      %dma_start3A_478 = arith.constant 0 : i32
      %dma_start3A_479 = tpu.memref_slice %arg5[%mul3A_472, %add3A_474, %dma_start3A_478] : memref<200x128x1024xf32, #tpu.memory_space<hbm>> -> memref<8x1x1024xf32, #tpu.memory_space<hbm>>
      %dma_start3A_480 = tpu.memref_squeeze %dma_start3A_479 : memref<8x1x1024xf32, #tpu.memory_space<hbm>> -> memref<8x1024xf32, #tpu.memory_space<hbm>>
      %dma_start3A_481 = arith.constant 0 : i32
      %dma_start3A_482 = tpu.memref_slice %arg5[%mul3A_472, %add3A_474, %dma_start3A_481] : memref<200x128x1024xf32, #tpu.memory_space<hbm>> -> memref<8x1x1024xf32, #tpu.memory_space<hbm>>
      %dma_start3A_483 = tpu.memref_squeeze %dma_start3A_482 : memref<8x1x1024xf32, #tpu.memory_space<hbm>> -> memref<8x1024xf32, #tpu.memory_space<hbm>>
      %dma_start3A_484 = arith.constant 0 : i32
      %dma_start3A_485 = arith.constant 2048 : i32
      %dma_start3A_486 = tpu.memref_slice %arg10[%dma_start3A_484, %dma_start3A_485] : memref<8x4096xf32, #tpu.memory_space<vmem>> -> memref<8x1024xf32, #tpu.memory_space<vmem>>
      tpu.enqueue_dma source(%dma_start3A_486 : memref<8x1024xf32, #tpu.memory_space<vmem>>) target(%dma_start3A_483 : memref<8x1024xf32, #tpu.memory_space<hbm>>) target_semaphore(%arg16 : memref<!tpu.dma_semaphore, #tpu.memory_space<semaphore_mem>>)
      %mul3A_487 = arith.constant 8 : i32
      %mul3A_488 = arith.muli %mul3A_417, %mul3A_487 : i32
      %add3A_489 = arith.constant 96 : i32
      %add3A_490 = arith.addi %add3A_489, %add3A : i32
      %dma_start3A_491 = arith.constant 0 : i32
      %dma_start3A_492 = arith.constant 3072 : i32
      %dma_start3A_493 = tpu.memref_slice %arg10[%dma_start3A_491, %dma_start3A_492] : memref<8x4096xf32, #tpu.memory_space<vmem>> -> memref<8x1024xf32, #tpu.memory_space<vmem>>
      %dma_start3A_494 = arith.constant 0 : i32
      %dma_start3A_495 = tpu.memref_slice %arg5[%mul3A_488, %add3A_490, %dma_start3A_494] : memref<200x128x1024xf32, #tpu.memory_space<hbm>> -> memref<8x1x1024xf32, #tpu.memory_space<hbm>>
      %dma_start3A_496 = tpu.memref_squeeze %dma_start3A_495 : memref<8x1x1024xf32, #tpu.memory_space<hbm>> -> memref<8x1024xf32, #tpu.memory_space<hbm>>
      %dma_start3A_497 = arith.constant 0 : i32
      %dma_start3A_498 = tpu.memref_slice %arg5[%mul3A_488, %add3A_490, %dma_start3A_497] : memref<200x128x1024xf32, #tpu.memory_space<hbm>> -> memref<8x1x1024xf32, #tpu.memory_space<hbm>>
      %dma_start3A_499 = tpu.memref_squeeze %dma_start3A_498 : memref<8x1x1024xf32, #tpu.memory_space<hbm>> -> memref<8x1024xf32, #tpu.memory_space<hbm>>
      %dma_start3A_500 = arith.constant 0 : i32
      %dma_start3A_501 = arith.constant 3072 : i32
      %dma_start3A_502 = tpu.memref_slice %arg10[%dma_start3A_500, %dma_start3A_501] : memref<8x4096xf32, #tpu.memory_space<vmem>> -> memref<8x1024xf32, #tpu.memory_space<vmem>>
      tpu.enqueue_dma source(%dma_start3A_502 : memref<8x1024xf32, #tpu.memory_space<vmem>>) target(%dma_start3A_499 : memref<8x1024xf32, #tpu.memory_space<hbm>>) target_semaphore(%arg16 : memref<!tpu.dma_semaphore, #tpu.memory_space<semaphore_mem>>)
      %mul3A_503 = arith.constant 2 : i32
      %mul3A_504 = arith.muli %mul3A_503, %add3A_316 : i32
      %add3A_505 = arith.constant 2 : i32
      %add3A_506 = arith.addi %mul3A_504, %add3A_505 : i32
      %dma_wait3A_507 = arith.constant 0 : i32
      %dma_wait3A_508 = arith.constant 0 : i32
      %dma_wait3A_509 = arith.constant 0 : i32
      %dma_wait3A_510 = arith.constant 0 : i32
      %dma_wait3A_511 = tpu.memref_slice %arg2[%dma_wait3A_507, %dma_wait3A_508, %dma_wait3A_509, %dma_wait3A_510] : memref<25x32x8x128xi32, #tpu.memory_space<hbm>> -> memref<1x1x8x128xi32, #tpu.memory_space<hbm>>
      %dma_wait3A_512 = tpu.memref_squeeze %dma_wait3A_511 : memref<1x1x8x128xi32, #tpu.memory_space<hbm>> -> memref<8x128xi32, #tpu.memory_space<hbm>>
      %dma_wait3A_513 = arith.constant 0 : i32
      %dma_wait3A_514 = arith.constant 0 : i32
      %dma_wait3A_515 = tpu.memref_slice %arg2[%dma_wait3A_507, %dma_wait3A_508, %dma_wait3A_513, %dma_wait3A_514] : memref<25x32x8x128xi32, #tpu.memory_space<hbm>> -> memref<1x1x8x128xi32, #tpu.memory_space<hbm>>
      %dma_wait3A_516 = tpu.memref_squeeze %dma_wait3A_515 : memref<1x1x8x128xi32, #tpu.memory_space<hbm>> -> memref<8x128xi32, #tpu.memory_space<hbm>>
      tpu.wait_dma2 semaphore(%arg14 : memref<!tpu.dma_semaphore, #tpu.memory_space<semaphore_mem>>) src(%dma_wait3A_516 : memref<8x128xi32, #tpu.memory_space<hbm>>) dst(%arg6 : memref<8x128xi32, #tpu.memory_space<vmem>>)
      %scan3A_517 = arith.constant 0 : i32
      %scan3A_518 = arith.constant 8 : i32
      %scan3A_519 = arith.addi %scan3A_517, %scan3A_518 : i32
      %scan3A_520 = arith.constant 1 : i32
      scf.for %scan3A_750 = %scan3A_517 to %scan3A_519 step %scan3A_520  : i32 {
        %mul3A_751 = arith.constant 1 : i32
        %mul3A_752 = arith.muli %scan3A_750, %mul3A_751 : i32
        %add3A_753 = arith.constant 0 : i32
        %add3A_754 = arith.addi %add3A_753, %mul3A_752 : i32
        %get3A = arith.index_cast %add3A_754 : i32 to index
        %get3A_755 = arith.constant 0 : index
        %get3A_756 = tpu.vector_load %arg6[%get3A, %get3A_755] {strides = array<i32>} : memref<8x128xi32, #tpu.memory_space<vmem>>, vector<16xi32>,
        %and3A = arith.constant -8192 : i32
        %and3A_757 = vector.broadcast %and3A : i32 to vector<16xi32>
        %and3A_758 = arith.andi %get3A_756, %and3A_757 : vector<16xi32>
        %and3A_759 = arith.constant 2047 : i32
        %and3A_760 = vector.broadcast %and3A_759 : i32 to vector<16xi32>
        %and3A_761 = arith.andi %get3A_756, %and3A_760 : vector<16xi32>
        %shift_left3A = arith.constant 2 : i32
        %shift_left3A_762 = vector.broadcast %shift_left3A : i32 to vector<16xi32>
        %shift_left3A_763 = arith.shli %and3A_761, %shift_left3A_762 : vector<16xi32>
        %or3A = arith.ori %and3A_758, %shift_left3A_763 : vector<16xi32>
        %shift_right_arithmetic3A = arith.constant 11 : i32
        %shift_right_arithmetic3A_764 = vector.broadcast %shift_right_arithmetic3A : i32 to vector<16xi32>
        %shift_right_arithmetic3A_765 = arith.shrsi %get3A_756, %shift_right_arithmetic3A_764 : vector<16xi32>
        %and3A_766 = arith.constant 3 : i32
        %and3A_767 = vector.broadcast %and3A_766 : i32 to vector<16xi32>
        %and3A_768 = arith.andi %shift_right_arithmetic3A_765, %and3A_767 : vector<16xi32>
        %or3A_769 = arith.ori %or3A, %and3A_768 : vector<16xi32>
        %swap3A = arith.index_cast %add3A_754 : i32 to index
        %swap3A_770 = arith.constant 0 : index
        %swap3A_771 = tpu.vector_load %arg6[%swap3A, %swap3A_770] {strides = array<i32>} : memref<8x128xi32, #tpu.memory_space<vmem>>, vector<16xi32>,
        tpu.vector_store %arg6[%swap3A, %swap3A_770], %or3A_769 {strides = array<i32>} : memref<8x128xi32, #tpu.memory_space<vmem>>, vector<16xi32>,
        %get3A_772 = arith.index_cast %add3A_754 : i32 to index
        %get3A_773 = arith.constant 16 : index
        %get3A_774 = tpu.vector_load %arg6[%get3A_772, %get3A_773] {strides = array<i32>} : memref<8x128xi32, #tpu.memory_space<vmem>>, vector<16xi32>,
        %and3A_775 = arith.constant -8192 : i32
        %and3A_776 = vector.broadcast %and3A_775 : i32 to vector<16xi32>
        %and3A_777 = arith.andi %get3A_774, %and3A_776 : vector<16xi32>
        %and3A_778 = arith.constant 2047 : i32
        %and3A_779 = vector.broadcast %and3A_778 : i32 to vector<16xi32>
        %and3A_780 = arith.andi %get3A_774, %and3A_779 : vector<16xi32>
        %shift_left3A_781 = arith.constant 2 : i32
        %shift_left3A_782 = vector.broadcast %shift_left3A_781 : i32 to vector<16xi32>
        %shift_left3A_783 = arith.shli %and3A_780, %shift_left3A_782 : vector<16xi32>
        %or3A_784 = arith.ori %and3A_777, %shift_left3A_783 : vector<16xi32>
        %shift_right_arithmetic3A_785 = arith.constant 11 : i32
        %shift_right_arithmetic3A_786 = vector.broadcast %shift_right_arithmetic3A_785 : i32 to vector<16xi32>
        %shift_right_arithmetic3A_787 = arith.shrsi %get3A_774, %shift_right_arithmetic3A_786 : vector<16xi32>
        %and3A_788 = arith.constant 3 : i32
        %and3A_789 = vector.broadcast %and3A_788 : i32 to vector<16xi32>
        %and3A_790 = arith.andi %shift_right_arithmetic3A_787, %and3A_789 : vector<16xi32>
        %or3A_791 = arith.ori %or3A_784, %and3A_790 : vector<16xi32>
        %swap3A_792 = arith.index_cast %add3A_754 : i32 to index
        %swap3A_793 = arith.constant 16 : index
        %swap3A_794 = tpu.vector_load %arg6[%swap3A_792, %swap3A_793] {strides = array<i32>} : memref<8x128xi32, #tpu.memory_space<vmem>>, vector<16xi32>,
        tpu.vector_store %arg6[%swap3A_792, %swap3A_793], %or3A_791 {strides = array<i32>} : memref<8x128xi32, #tpu.memory_space<vmem>>, vector<16xi32>,
        %get3A_795 = arith.index_cast %add3A_754 : i32 to index
        %get3A_796 = arith.constant 32 : index
        %get3A_797 = tpu.vector_load %arg6[%get3A_795, %get3A_796] {strides = array<i32>} : memref<8x128xi32, #tpu.memory_space<vmem>>, vector<16xi32>,
        %and3A_798 = arith.constant -8192 : i32
        %and3A_799 = vector.broadcast %and3A_798 : i32 to vector<16xi32>
        %and3A_800 = arith.andi %get3A_797, %and3A_799 : vector<16xi32>
        %and3A_801 = arith.constant 2047 : i32
        %and3A_802 = vector.broadcast %and3A_801 : i32 to vector<16xi32>
        %and3A_803 = arith.andi %get3A_797, %and3A_802 : vector<16xi32>
        %shift_left3A_804 = arith.constant 2 : i32
        %shift_left3A_805 = vector.broadcast %shift_left3A_804 : i32 to vector<16xi32>
        %shift_left3A_806 = arith.shli %and3A_803, %shift_left3A_805 : vector<16xi32>
        %or3A_807 = arith.ori %and3A_800, %shift_left3A_806 : vector<16xi32>
        %shift_right_arithmetic3A_808 = arith.constant 11 : i32
        %shift_right_arithmetic3A_809 = vector.broadcast %shift_right_arithmetic3A_808 : i32 to vector<16xi32>
        %shift_right_arithmetic3A_810 = arith.shrsi %get3A_797, %shift_right_arithmetic3A_809 : vector<16xi32>
        %and3A_811 = arith.constant 3 : i32
        %and3A_812 = vector.broadcast %and3A_811 : i32 to vector<16xi32>
        %and3A_813 = arith.andi %shift_right_arithmetic3A_810, %and3A_812 : vector<16xi32>
        %or3A_814 = arith.ori %or3A_807, %and3A_813 : vector<16xi32>
        %swap3A_815 = arith.index_cast %add3A_754 : i32 to index
        %swap3A_816 = arith.constant 32 : index
        %swap3A_817 = tpu.vector_load %arg6[%swap3A_815, %swap3A_816] {strides = array<i32>} : memref<8x128xi32, #tpu.memory_space<vmem>>, vector<16xi32>,
        tpu.vector_store %arg6[%swap3A_815, %swap3A_816], %or3A_814 {strides = array<i32>} : memref<8x128xi32, #tpu.memory_space<vmem>>, vector<16xi32>,
        %get3A_818 = arith.index_cast %add3A_754 : i32 to index
        %get3A_819 = arith.constant 48 : index
        %get3A_820 = tpu.vector_load %arg6[%get3A_818, %get3A_819] {strides = array<i32>} : memref<8x128xi32, #tpu.memory_space<vmem>>, vector<16xi32>,
        %and3A_821 = arith.constant -8192 : i32
        %and3A_822 = vector.broadcast %and3A_821 : i32 to vector<16xi32>
        %and3A_823 = arith.andi %get3A_820, %and3A_822 : vector<16xi32>
        %and3A_824 = arith.constant 2047 : i32
        %and3A_825 = vector.broadcast %and3A_824 : i32 to vector<16xi32>
        %and3A_826 = arith.andi %get3A_820, %and3A_825 : vector<16xi32>
        %shift_left3A_827 = arith.constant 2 : i32
        %shift_left3A_828 = vector.broadcast %shift_left3A_827 : i32 to vector<16xi32>
        %shift_left3A_829 = arith.shli %and3A_826, %shift_left3A_828 : vector<16xi32>
        %or3A_830 = arith.ori %and3A_823, %shift_left3A_829 : vector<16xi32>
        %shift_right_arithmetic3A_831 = arith.constant 11 : i32
        %shift_right_arithmetic3A_832 = vector.broadcast %shift_right_arithmetic3A_831 : i32 to vector<16xi32>
        %shift_right_arithmetic3A_833 = arith.shrsi %get3A_820, %shift_right_arithmetic3A_832 : vector<16xi32>
        %and3A_834 = arith.constant 3 : i32
        %and3A_835 = vector.broadcast %and3A_834 : i32 to vector<16xi32>
        %and3A_836 = arith.andi %shift_right_arithmetic3A_833, %and3A_835 : vector<16xi32>
        %or3A_837 = arith.ori %or3A_830, %and3A_836 : vector<16xi32>
        %swap3A_838 = arith.index_cast %add3A_754 : i32 to index
        %swap3A_839 = arith.constant 48 : index
        %swap3A_840 = tpu.vector_load %arg6[%swap3A_838, %swap3A_839] {strides = array<i32>} : memref<8x128xi32, #tpu.memory_space<vmem>>, vector<16xi32>,
        tpu.vector_store %arg6[%swap3A_838, %swap3A_839], %or3A_837 {strides = array<i32>} : memref<8x128xi32, #tpu.memory_space<vmem>>, vector<16xi32>,
        %get3A_841 = arith.index_cast %add3A_754 : i32 to index
        %get3A_842 = arith.constant 64 : index
        %get3A_843 = tpu.vector_load %arg6[%get3A_841, %get3A_842] {strides = array<i32>} : memref<8x128xi32, #tpu.memory_space<vmem>>, vector<16xi32>,
        %and3A_844 = arith.constant -8192 : i32
        %and3A_845 = vector.broadcast %and3A_844 : i32 to vector<16xi32>
        %and3A_846 = arith.andi %get3A_843, %and3A_845 : vector<16xi32>
        %and3A_847 = arith.constant 2047 : i32
        %and3A_848 = vector.broadcast %and3A_847 : i32 to vector<16xi32>
        %and3A_849 = arith.andi %get3A_843, %and3A_848 : vector<16xi32>
        %shift_left3A_850 = arith.constant 2 : i32
        %shift_left3A_851 = vector.broadcast %shift_left3A_850 : i32 to vector<16xi32>
        %shift_left3A_852 = arith.shli %and3A_849, %shift_left3A_851 : vector<16xi32>
        %or3A_853 = arith.ori %and3A_846, %shift_left3A_852 : vector<16xi32>
        %shift_right_arithmetic3A_854 = arith.constant 11 : i32
        %shift_right_arithmetic3A_855 = vector.broadcast %shift_right_arithmetic3A_854 : i32 to vector<16xi32>
        %shift_right_arithmetic3A_856 = arith.shrsi %get3A_843, %shift_right_arithmetic3A_855 : vector<16xi32>
        %and3A_857 = arith.constant 3 : i32
        %and3A_858 = vector.broadcast %and3A_857 : i32 to vector<16xi32>
        %and3A_859 = arith.andi %shift_right_arithmetic3A_856, %and3A_858 : vector<16xi32>
        %or3A_860 = arith.ori %or3A_853, %and3A_859 : vector<16xi32>
        %swap3A_861 = arith.index_cast %add3A_754 : i32 to index
        %swap3A_862 = arith.constant 64 : index
        %swap3A_863 = tpu.vector_load %arg6[%swap3A_861, %swap3A_862] {strides = array<i32>} : memref<8x128xi32, #tpu.memory_space<vmem>>, vector<16xi32>,
        tpu.vector_store %arg6[%swap3A_861, %swap3A_862], %or3A_860 {strides = array<i32>} : memref<8x128xi32, #tpu.memory_space<vmem>>, vector<16xi32>,
        %get3A_864 = arith.index_cast %add3A_754 : i32 to index
        %get3A_865 = arith.constant 80 : index
        %get3A_866 = tpu.vector_load %arg6[%get3A_864, %get3A_865] {strides = array<i32>} : memref<8x128xi32, #tpu.memory_space<vmem>>, vector<16xi32>,
        %and3A_867 = arith.constant -8192 : i32
        %and3A_868 = vector.broadcast %and3A_867 : i32 to vector<16xi32>
        %and3A_869 = arith.andi %get3A_866, %and3A_868 : vector<16xi32>
        %and3A_870 = arith.constant 2047 : i32
        %and3A_871 = vector.broadcast %and3A_870 : i32 to vector<16xi32>
        %and3A_872 = arith.andi %get3A_866, %and3A_871 : vector<16xi32>
        %shift_left3A_873 = arith.constant 2 : i32
        %shift_left3A_874 = vector.broadcast %shift_left3A_873 : i32 to vector<16xi32>
        %shift_left3A_875 = arith.shli %and3A_872, %shift_left3A_874 : vector<16xi32>
        %or3A_876 = arith.ori %and3A_869, %shift_left3A_875 : vector<16xi32>
        %shift_right_arithmetic3A_877 = arith.constant 11 : i32
        %shift_right_arithmetic3A_878 = vector.broadcast %shift_right_arithmetic3A_877 : i32 to vector<16xi32>
        %shift_right_arithmetic3A_879 = arith.shrsi %get3A_866, %shift_right_arithmetic3A_878 : vector<16xi32>
        %and3A_880 = arith.constant 3 : i32
        %and3A_881 = vector.broadcast %and3A_880 : i32 to vector<16xi32>
        %and3A_882 = arith.andi %shift_right_arithmetic3A_879, %and3A_881 : vector<16xi32>
        %or3A_883 = arith.ori %or3A_876, %and3A_882 : vector<16xi32>
        %swap3A_884 = arith.index_cast %add3A_754 : i32 to index
        %swap3A_885 = arith.constant 80 : index
        %swap3A_886 = tpu.vector_load %arg6[%swap3A_884, %swap3A_885] {strides = array<i32>} : memref<8x128xi32, #tpu.memory_space<vmem>>, vector<16xi32>,
        tpu.vector_store %arg6[%swap3A_884, %swap3A_885], %or3A_883 {strides = array<i32>} : memref<8x128xi32, #tpu.memory_space<vmem>>, vector<16xi32>,
        %get3A_887 = arith.index_cast %add3A_754 : i32 to index
        %get3A_888 = arith.constant 96 : index
        %get3A_889 = tpu.vector_load %arg6[%get3A_887, %get3A_888] {strides = array<i32>} : memref<8x128xi32, #tpu.memory_space<vmem>>, vector<16xi32>,
        %and3A_890 = arith.constant -8192 : i32
        %and3A_891 = vector.broadcast %and3A_890 : i32 to vector<16xi32>
        %and3A_892 = arith.andi %get3A_889, %and3A_891 : vector<16xi32>
        %and3A_893 = arith.constant 2047 : i32
        %and3A_894 = vector.broadcast %and3A_893 : i32 to vector<16xi32>
        %and3A_895 = arith.andi %get3A_889, %and3A_894 : vector<16xi32>
        %shift_left3A_896 = arith.constant 2 : i32
        %shift_left3A_897 = vector.broadcast %shift_left3A_896 : i32 to vector<16xi32>
        %shift_left3A_898 = arith.shli %and3A_895, %shift_left3A_897 : vector<16xi32>
        %or3A_899 = arith.ori %and3A_892, %shift_left3A_898 : vector<16xi32>
        %shift_right_arithmetic3A_900 = arith.constant 11 : i32
        %shift_right_arithmetic3A_901 = vector.broadcast %shift_right_arithmetic3A_900 : i32 to vector<16xi32>
        %shift_right_arithmetic3A_902 = arith.shrsi %get3A_889, %shift_right_arithmetic3A_901 : vector<16xi32>
        %and3A_903 = arith.constant 3 : i32
        %and3A_904 = vector.broadcast %and3A_903 : i32 to vector<16xi32>
        %and3A_905 = arith.andi %shift_right_arithmetic3A_902, %and3A_904 : vector<16xi32>
        %or3A_906 = arith.ori %or3A_899, %and3A_905 : vector<16xi32>
        %swap3A_907 = arith.index_cast %add3A_754 : i32 to index
        %swap3A_908 = arith.constant 96 : index
        %swap3A_909 = tpu.vector_load %arg6[%swap3A_907, %swap3A_908] {strides = array<i32>} : memref<8x128xi32, #tpu.memory_space<vmem>>, vector<16xi32>,
        tpu.vector_store %arg6[%swap3A_907, %swap3A_908], %or3A_906 {strides = array<i32>} : memref<8x128xi32, #tpu.memory_space<vmem>>, vector<16xi32>,
        %get3A_910 = arith.index_cast %add3A_754 : i32 to index
        %get3A_911 = arith.constant 112 : index
        %get3A_912 = tpu.vector_load %arg6[%get3A_910, %get3A_911] {strides = array<i32>} : memref<8x128xi32, #tpu.memory_space<vmem>>, vector<16xi32>,
        %and3A_913 = arith.constant -8192 : i32
        %and3A_914 = vector.broadcast %and3A_913 : i32 to vector<16xi32>
        %and3A_915 = arith.andi %get3A_912, %and3A_914 : vector<16xi32>
        %and3A_916 = arith.constant 2047 : i32
        %and3A_917 = vector.broadcast %and3A_916 : i32 to vector<16xi32>
        %and3A_918 = arith.andi %get3A_912, %and3A_917 : vector<16xi32>
        %shift_left3A_919 = arith.constant 2 : i32
        %shift_left3A_920 = vector.broadcast %shift_left3A_919 : i32 to vector<16xi32>
        %shift_left3A_921 = arith.shli %and3A_918, %shift_left3A_920 : vector<16xi32>
        %or3A_922 = arith.ori %and3A_915, %shift_left3A_921 : vector<16xi32>
        %shift_right_arithmetic3A_923 = arith.constant 11 : i32
        %shift_right_arithmetic3A_924 = vector.broadcast %shift_right_arithmetic3A_923 : i32 to vector<16xi32>
        %shift_right_arithmetic3A_925 = arith.shrsi %get3A_912, %shift_right_arithmetic3A_924 : vector<16xi32>
        %and3A_926 = arith.constant 3 : i32
        %and3A_927 = vector.broadcast %and3A_926 : i32 to vector<16xi32>
        %and3A_928 = arith.andi %shift_right_arithmetic3A_925, %and3A_927 : vector<16xi32>
        %or3A_929 = arith.ori %or3A_922, %and3A_928 : vector<16xi32>
        %swap3A_930 = arith.index_cast %add3A_754 : i32 to index
        %swap3A_931 = arith.constant 112 : index
        %swap3A_932 = tpu.vector_load %arg6[%swap3A_930, %swap3A_931] {strides = array<i32>} : memref<8x128xi32, #tpu.memory_space<vmem>>, vector<16xi32>,
        tpu.vector_store %arg6[%swap3A_930, %swap3A_931], %or3A_929 {strides = array<i32>} : memref<8x128xi32, #tpu.memory_space<vmem>>, vector<16xi32>,
      }
      %scan3A_521 = arith.constant 8 : i32
      %dma_start3A_522 = arith.constant 0 : i32
      %dma_start3A_523 = arith.constant 0 : i32
      %dma_start3A_524 = arith.constant 0 : i32
      %dma_start3A_525 = tpu.memref_slice %arg8[%dma_start3A_523, %dma_start3A_524] : memref<1024x32xf32, #tpu.memory_space<vmem>> -> memref<128x32xf32, #tpu.memory_space<vmem>>
      %dma_start3A_526 = arith.constant 0 : i32
      %dma_start3A_527 = tpu.memref_slice %arg6[%dma_start3A_522, %dma_start3A_526] : memref<8x128xi32, #tpu.memory_space<vmem>> -> memref<1x128xi32, #tpu.memory_space<vmem>>
      %dma_start3A_528 = tpu.memref_squeeze %dma_start3A_527 : memref<1x128xi32, #tpu.memory_space<vmem>> -> memref<128xi32, #tpu.memory_space<vmem>>
      %dma_start3A_529 = arith.constant 0 : i32
      %dma_start3A_530 = arith.constant 0 : i32
      %dma_start3A_531 = tpu.memref_slice %arg3[%dma_start3A_529, %dma_start3A_530] : memref<1015808x32xf32, #tpu.memory_space<hbm>> -> memref<1015808x32xf32, #tpu.memory_space<hbm>>
      tpu.enqueue_indirect_dma source(%dma_start3A_531 : memref<1015808x32xf32, #tpu.memory_space<hbm>>) target(%dma_start3A_525 : memref<128x32xf32, #tpu.memory_space<vmem>>) offsets(%dma_start3A_528 : memref<128xi32, #tpu.memory_space<vmem>>) semaphore(%arg12 : memref<!tpu.dma_semaphore, #tpu.memory_space<semaphore_mem>>)
      %dma_start3A_532 = arith.constant 1 : i32
      %dma_start3A_533 = arith.constant 128 : i32
      %dma_start3A_534 = arith.constant 0 : i32
      %dma_start3A_535 = tpu.memref_slice %arg8[%dma_start3A_533, %dma_start3A_534] : memref<1024x32xf32, #tpu.memory_space<vmem>> -> memref<128x32xf32, #tpu.memory_space<vmem>>
      %dma_start3A_536 = arith.constant 0 : i32
      %dma_start3A_537 = tpu.memref_slice %arg6[%dma_start3A_532, %dma_start3A_536] : memref<8x128xi32, #tpu.memory_space<vmem>> -> memref<1x128xi32, #tpu.memory_space<vmem>>
      %dma_start3A_538 = tpu.memref_squeeze %dma_start3A_537 : memref<1x128xi32, #tpu.memory_space<vmem>> -> memref<128xi32, #tpu.memory_space<vmem>>
      %dma_start3A_539 = arith.constant 0 : i32
      %dma_start3A_540 = arith.constant 0 : i32
      %dma_start3A_541 = tpu.memref_slice %arg3[%dma_start3A_539, %dma_start3A_540] : memref<1015808x32xf32, #tpu.memory_space<hbm>> -> memref<1015808x32xf32, #tpu.memory_space<hbm>>
      tpu.enqueue_indirect_dma source(%dma_start3A_541 : memref<1015808x32xf32, #tpu.memory_space<hbm>>) target(%dma_start3A_535 : memref<128x32xf32, #tpu.memory_space<vmem>>) offsets(%dma_start3A_538 : memref<128xi32, #tpu.memory_space<vmem>>) semaphore(%arg12 : memref<!tpu.dma_semaphore, #tpu.memory_space<semaphore_mem>>)
      %dma_start3A_542 = arith.constant 2 : i32
      %dma_start3A_543 = arith.constant 256 : i32
      %dma_start3A_544 = arith.constant 0 : i32
      %dma_start3A_545 = tpu.memref_slice %arg8[%dma_start3A_543, %dma_start3A_544] : memref<1024x32xf32, #tpu.memory_space<vmem>> -> memref<128x32xf32, #tpu.memory_space<vmem>>
      %dma_start3A_546 = arith.constant 0 : i32
      %dma_start3A_547 = tpu.memref_slice %arg6[%dma_start3A_542, %dma_start3A_546] : memref<8x128xi32, #tpu.memory_space<vmem>> -> memref<1x128xi32, #tpu.memory_space<vmem>>
      %dma_start3A_548 = tpu.memref_squeeze %dma_start3A_547 : memref<1x128xi32, #tpu.memory_space<vmem>> -> memref<128xi32, #tpu.memory_space<vmem>>
      %dma_start3A_549 = arith.constant 0 : i32
      %dma_start3A_550 = arith.constant 0 : i32
      %dma_start3A_551 = tpu.memref_slice %arg3[%dma_start3A_549, %dma_start3A_550] : memref<1015808x32xf32, #tpu.memory_space<hbm>> -> memref<1015808x32xf32, #tpu.memory_space<hbm>>
      tpu.enqueue_indirect_dma source(%dma_start3A_551 : memref<1015808x32xf32, #tpu.memory_space<hbm>>) target(%dma_start3A_545 : memref<128x32xf32, #tpu.memory_space<vmem>>) offsets(%dma_start3A_548 : memref<128xi32, #tpu.memory_space<vmem>>) semaphore(%arg12 : memref<!tpu.dma_semaphore, #tpu.memory_space<semaphore_mem>>)
      %dma_start3A_552 = arith.constant 3 : i32
      %dma_start3A_553 = arith.constant 384 : i32
      %dma_start3A_554 = arith.constant 0 : i32
      %dma_start3A_555 = tpu.memref_slice %arg8[%dma_start3A_553, %dma_start3A_554] : memref<1024x32xf32, #tpu.memory_space<vmem>> -> memref<128x32xf32, #tpu.memory_space<vmem>>
      %dma_start3A_556 = arith.constant 0 : i32
      %dma_start3A_557 = tpu.memref_slice %arg6[%dma_start3A_552, %dma_start3A_556] : memref<8x128xi32, #tpu.memory_space<vmem>> -> memref<1x128xi32, #tpu.memory_space<vmem>>
      %dma_start3A_558 = tpu.memref_squeeze %dma_start3A_557 : memref<1x128xi32, #tpu.memory_space<vmem>> -> memref<128xi32, #tpu.memory_space<vmem>>
      %dma_start3A_559 = arith.constant 0 : i32
      %dma_start3A_560 = arith.constant 0 : i32
      %dma_start3A_561 = tpu.memref_slice %arg3[%dma_start3A_559, %dma_start3A_560] : memref<1015808x32xf32, #tpu.memory_space<hbm>> -> memref<1015808x32xf32, #tpu.memory_space<hbm>>
      tpu.enqueue_indirect_dma source(%dma_start3A_561 : memref<1015808x32xf32, #tpu.memory_space<hbm>>) target(%dma_start3A_555 : memref<128x32xf32, #tpu.memory_space<vmem>>) offsets(%dma_start3A_558 : memref<128xi32, #tpu.memory_space<vmem>>) semaphore(%arg12 : memref<!tpu.dma_semaphore, #tpu.memory_space<semaphore_mem>>)
      %dma_start3A_562 = arith.constant 4 : i32
      %dma_start3A_563 = arith.constant 512 : i32
      %dma_start3A_564 = arith.constant 0 : i32
      %dma_start3A_565 = tpu.memref_slice %arg8[%dma_start3A_563, %dma_start3A_564] : memref<1024x32xf32, #tpu.memory_space<vmem>> -> memref<128x32xf32, #tpu.memory_space<vmem>>
      %dma_start3A_566 = arith.constant 0 : i32
      %dma_start3A_567 = tpu.memref_slice %arg6[%dma_start3A_562, %dma_start3A_566] : memref<8x128xi32, #tpu.memory_space<vmem>> -> memref<1x128xi32, #tpu.memory_space<vmem>>
      %dma_start3A_568 = tpu.memref_squeeze %dma_start3A_567 : memref<1x128xi32, #tpu.memory_space<vmem>> -> memref<128xi32, #tpu.memory_space<vmem>>
      %dma_start3A_569 = arith.constant 0 : i32
      %dma_start3A_570 = arith.constant 0 : i32
      %dma_start3A_571 = tpu.memref_slice %arg3[%dma_start3A_569, %dma_start3A_570] : memref<1015808x32xf32, #tpu.memory_space<hbm>> -> memref<1015808x32xf32, #tpu.memory_space<hbm>>
      tpu.enqueue_indirect_dma source(%dma_start3A_571 : memref<1015808x32xf32, #tpu.memory_space<hbm>>) target(%dma_start3A_565 : memref<128x32xf32, #tpu.memory_space<vmem>>) offsets(%dma_start3A_568 : memref<128xi32, #tpu.memory_space<vmem>>) semaphore(%arg12 : memref<!tpu.dma_semaphore, #tpu.memory_space<semaphore_mem>>)
      %dma_start3A_572 = arith.constant 5 : i32
      %dma_start3A_573 = arith.constant 640 : i32
      %dma_start3A_574 = arith.constant 0 : i32
      %dma_start3A_575 = tpu.memref_slice %arg8[%dma_start3A_573, %dma_start3A_574] : memref<1024x32xf32, #tpu.memory_space<vmem>> -> memref<128x32xf32, #tpu.memory_space<vmem>>
      %dma_start3A_576 = arith.constant 0 : i32
      %dma_start3A_577 = tpu.memref_slice %arg6[%dma_start3A_572, %dma_start3A_576] : memref<8x128xi32, #tpu.memory_space<vmem>> -> memref<1x128xi32, #tpu.memory_space<vmem>>
      %dma_start3A_578 = tpu.memref_squeeze %dma_start3A_577 : memref<1x128xi32, #tpu.memory_space<vmem>> -> memref<128xi32, #tpu.memory_space<vmem>>
      %dma_start3A_579 = arith.constant 0 : i32
      %dma_start3A_580 = arith.constant 0 : i32
      %dma_start3A_581 = tpu.memref_slice %arg3[%dma_start3A_579, %dma_start3A_580] : memref<1015808x32xf32, #tpu.memory_space<hbm>> -> memref<1015808x32xf32, #tpu.memory_space<hbm>>
      tpu.enqueue_indirect_dma source(%dma_start3A_581 : memref<1015808x32xf32, #tpu.memory_space<hbm>>) target(%dma_start3A_575 : memref<128x32xf32, #tpu.memory_space<vmem>>) offsets(%dma_start3A_578 : memref<128xi32, #tpu.memory_space<vmem>>) semaphore(%arg12 : memref<!tpu.dma_semaphore, #tpu.memory_space<semaphore_mem>>)
      %dma_start3A_582 = arith.constant 6 : i32
      %dma_start3A_583 = arith.constant 768 : i32
      %dma_start3A_584 = arith.constant 0 : i32
      %dma_start3A_585 = tpu.memref_slice %arg8[%dma_start3A_583, %dma_start3A_584] : memref<1024x32xf32, #tpu.memory_space<vmem>> -> memref<128x32xf32, #tpu.memory_space<vmem>>
      %dma_start3A_586 = arith.constant 0 : i32
      %dma_start3A_587 = tpu.memref_slice %arg6[%dma_start3A_582, %dma_start3A_586] : memref<8x128xi32, #tpu.memory_space<vmem>> -> memref<1x128xi32, #tpu.memory_space<vmem>>
      %dma_start3A_588 = tpu.memref_squeeze %dma_start3A_587 : memref<1x128xi32, #tpu.memory_space<vmem>> -> memref<128xi32, #tpu.memory_space<vmem>>
      %dma_start3A_589 = arith.constant 0 : i32
      %dma_start3A_590 = arith.constant 0 : i32
      %dma_start3A_591 = tpu.memref_slice %arg3[%dma_start3A_589, %dma_start3A_590] : memref<1015808x32xf32, #tpu.memory_space<hbm>> -> memref<1015808x32xf32, #tpu.memory_space<hbm>>
      tpu.enqueue_indirect_dma source(%dma_start3A_591 : memref<1015808x32xf32, #tpu.memory_space<hbm>>) target(%dma_start3A_585 : memref<128x32xf32, #tpu.memory_space<vmem>>) offsets(%dma_start3A_588 : memref<128xi32, #tpu.memory_space<vmem>>) semaphore(%arg12 : memref<!tpu.dma_semaphore, #tpu.memory_space<semaphore_mem>>)
      %dma_start3A_592 = arith.constant 7 : i32
      %dma_start3A_593 = arith.constant 896 : i32
      %dma_start3A_594 = arith.constant 0 : i32
      %dma_start3A_595 = tpu.memref_slice %arg8[%dma_start3A_593, %dma_start3A_594] : memref<1024x32xf32, #tpu.memory_space<vmem>> -> memref<128x32xf32, #tpu.memory_space<vmem>>
      %dma_start3A_596 = arith.constant 0 : i32
      %dma_start3A_597 = tpu.memref_slice %arg6[%dma_start3A_592, %dma_start3A_596] : memref<8x128xi32, #tpu.memory_space<vmem>> -> memref<1x128xi32, #tpu.memory_space<vmem>>
      %dma_start3A_598 = tpu.memref_squeeze %dma_start3A_597 : memref<1x128xi32, #tpu.memory_space<vmem>> -> memref<128xi32, #tpu.memory_space<vmem>>
      %dma_start3A_599 = arith.constant 0 : i32
      %dma_start3A_600 = arith.constant 0 : i32
      %dma_start3A_601 = tpu.memref_slice %arg3[%dma_start3A_599, %dma_start3A_600] : memref<1015808x32xf32, #tpu.memory_space<hbm>> -> memref<1015808x32xf32, #tpu.memory_space<hbm>>
      tpu.enqueue_indirect_dma source(%dma_start3A_601 : memref<1015808x32xf32, #tpu.memory_space<hbm>>) target(%dma_start3A_595 : memref<128x32xf32, #tpu.memory_space<vmem>>) offsets(%dma_start3A_598 : memref<128xi32, #tpu.memory_space<vmem>>) semaphore(%arg12 : memref<!tpu.dma_semaphore, #tpu.memory_space<semaphore_mem>>)
      %mul3A_602 = arith.constant 2 : i32
      %mul3A_603 = arith.muli %mul3A_602, %add3A_316 : i32
      %add3A_604 = arith.constant 1 : i32
      %add3A_605 = arith.addi %mul3A_603, %add3A_604 : i32
      %dma_wait3A_606 = arith.constant 0 : i32
      %dma_wait3A_607 = arith.constant 0 : i32
      %dma_wait3A_608 = tpu.memref_slice %arg3[%dma_wait3A_606, %dma_wait3A_607] : memref<1015808x32xf32, #tpu.memory_space<hbm>> -> memref<1024x32xf32, #tpu.memory_space<hbm>>
      %dma_wait3A_609 = arith.constant 0 : i32
      %dma_wait3A_610 = arith.constant 0 : i32
      %dma_wait3A_611 = tpu.memref_slice %arg3[%dma_wait3A_609, %dma_wait3A_610] : memref<1015808x32xf32, #tpu.memory_space<hbm>> -> memref<1024x32xf32, #tpu.memory_space<hbm>>
      tpu.wait_dma2 semaphore(%arg13 : memref<!tpu.dma_semaphore, #tpu.memory_space<semaphore_mem>>) src(%dma_wait3A_611 : memref<1024x32xf32, #tpu.memory_space<hbm>>) dst(%arg9 : memref<1024x32xf32, #tpu.memory_space<vmem>>)
      %add3A_612 = arith.constant 2 : i32
      %add3A_613 = arith.addi %add3A_605, %add3A_612 : i32
      %lt3A_614 = arith.constant 25 : i32
      %lt3A_615 = arith.cmpi slt, %add3A_613, %lt3A_614 : i32
      %convert_element_type3A_616 = arith.extui %lt3A_615 : i1 to i32
      %cond3A_617 = arith.constant 0 : i32
      %cond3A_618 = arith.cmpi ne, %convert_element_type3A_616, %cond3A_617 : i32
      scf.if %cond3A_618 {
        %add3A_750 = arith.constant 2 : i32
        %add3A_751 = arith.addi %add3A_605, %add3A_750 : i32
        %dma_start3A_752 = arith.constant 0 : i32
        %dma_start3A_753 = arith.constant 0 : i32
        %dma_start3A_754 = tpu.memref_slice %arg2[%add3A_751, %add3A, %dma_start3A_752, %dma_start3A_753] : memref<25x32x8x128xi32, #tpu.memory_space<hbm>> -> memref<1x1x8x128xi32, #tpu.memory_space<hbm>>
        %dma_start3A_755 = tpu.memref_squeeze %dma_start3A_754 : memref<1x1x8x128xi32, #tpu.memory_space<hbm>> -> memref<8x128xi32, #tpu.memory_space<hbm>>
        %dma_start3A_756 = arith.constant 0 : i32
        %dma_start3A_757 = arith.constant 0 : i32
        %dma_start3A_758 = tpu.memref_slice %arg2[%add3A_751, %add3A, %dma_start3A_756, %dma_start3A_757] : memref<25x32x8x128xi32, #tpu.memory_space<hbm>> -> memref<1x1x8x128xi32, #tpu.memory_space<hbm>>
        %dma_start3A_759 = tpu.memref_squeeze %dma_start3A_758 : memref<1x1x8x128xi32, #tpu.memory_space<hbm>> -> memref<8x128xi32, #tpu.memory_space<hbm>>
        tpu.enqueue_dma source(%dma_start3A_759 : memref<8x128xi32, #tpu.memory_space<hbm>>) target(%arg7 : memref<8x128xi32, #tpu.memory_space<vmem>>) target_semaphore(%arg15 : memref<!tpu.dma_semaphore, #tpu.memory_space<semaphore_mem>>)
      } else {
      }
      %dma_wait3A_619 = arith.constant 0 : i32
      %dma_wait3A_620 = arith.constant 0 : i32
      %dma_wait3A_621 = arith.constant 0 : i32
      %dma_wait3A_622 = tpu.memref_slice %arg10[%dma_wait3A_620, %dma_wait3A_621] : memref<8x4096xf32, #tpu.memory_space<vmem>> -> memref<8x1024xf32, #tpu.memory_space<vmem>>
      %dma_wait3A_623 = arith.constant 0 : i32
      %dma_wait3A_624 = arith.constant 0 : i32
      %dma_wait3A_625 = tpu.memref_slice %arg5[%dma_wait3A_623, %dma_wait3A_619, %dma_wait3A_624] : memref<200x128x1024xf32, #tpu.memory_space<hbm>> -> memref<8x1x1024xf32, #tpu.memory_space<hbm>>
      %dma_wait3A_626 = tpu.memref_squeeze %dma_wait3A_625 : memref<8x1x1024xf32, #tpu.memory_space<hbm>> -> memref<8x1024xf32, #tpu.memory_space<hbm>>
      %dma_wait3A_627 = arith.constant 0 : i32
      %dma_wait3A_628 = arith.constant 0 : i32
      %dma_wait3A_629 = tpu.memref_slice %arg5[%dma_wait3A_627, %dma_wait3A_619, %dma_wait3A_628] : memref<200x128x1024xf32, #tpu.memory_space<hbm>> -> memref<8x1x1024xf32, #tpu.memory_space<hbm>>
      %dma_wait3A_630 = tpu.memref_squeeze %dma_wait3A_629 : memref<8x1x1024xf32, #tpu.memory_space<hbm>> -> memref<8x1024xf32, #tpu.memory_space<hbm>>
      %dma_wait3A_631 = arith.constant 0 : i32
      %dma_wait3A_632 = arith.constant 0 : i32
      %dma_wait3A_633 = tpu.memref_slice %arg10[%dma_wait3A_631, %dma_wait3A_632] : memref<8x4096xf32, #tpu.memory_space<vmem>> -> memref<8x1024xf32, #tpu.memory_space<vmem>>
      tpu.wait_dma2 semaphore(%arg16 : memref<!tpu.dma_semaphore, #tpu.memory_space<semaphore_mem>>) src(%dma_wait3A_633 : memref<8x1024xf32, #tpu.memory_space<vmem>>) dst(%dma_wait3A_630 : memref<8x1024xf32, #tpu.memory_space<hbm>>)
      %dma_wait3A_634 = arith.constant 0 : i32
      %dma_wait3A_635 = arith.constant 0 : i32
      %dma_wait3A_636 = arith.constant 0 : i32
      %dma_wait3A_637 = tpu.memref_slice %arg10[%dma_wait3A_635, %dma_wait3A_636] : memref<8x4096xf32, #tpu.memory_space<vmem>> -> memref<8x1024xf32, #tpu.memory_space<vmem>>
      %dma_wait3A_638 = arith.constant 0 : i32
      %dma_wait3A_639 = arith.constant 0 : i32
      %dma_wait3A_640 = tpu.memref_slice %arg5[%dma_wait3A_638, %dma_wait3A_634, %dma_wait3A_639] : memref<200x128x1024xf32, #tpu.memory_space<hbm>> -> memref<8x1x1024xf32, #tpu.memory_space<hbm>>
      %dma_wait3A_641 = tpu.memref_squeeze %dma_wait3A_640 : memref<8x1x1024xf32, #tpu.memory_space<hbm>> -> memref<8x1024xf32, #tpu.memory_space<hbm>>
      %dma_wait3A_642 = arith.constant 0 : i32
      %dma_wait3A_643 = arith.constant 0 : i32
      %dma_wait3A_644 = tpu.memref_slice %arg5[%dma_wait3A_642, %dma_wait3A_634, %dma_wait3A_643] : memref<200x128x1024xf32, #tpu.memory_space<hbm>> -> memref<8x1x1024xf32, #tpu.memory_space<hbm>>
      %dma_wait3A_645 = tpu.memref_squeeze %dma_wait3A_644 : memref<8x1x1024xf32, #tpu.memory_space<hbm>> -> memref<8x1024xf32, #tpu.memory_space<hbm>>
      %dma_wait3A_646 = arith.constant 0 : i32
      %dma_wait3A_647 = arith.constant 0 : i32
      %dma_wait3A_648 = tpu.memref_slice %arg10[%dma_wait3A_646, %dma_wait3A_647] : memref<8x4096xf32, #tpu.memory_space<vmem>> -> memref<8x1024xf32, #tpu.memory_space<vmem>>
      tpu.wait_dma2 semaphore(%arg16 : memref<!tpu.dma_semaphore, #tpu.memory_space<semaphore_mem>>) src(%dma_wait3A_648 : memref<8x1024xf32, #tpu.memory_space<vmem>>) dst(%dma_wait3A_645 : memref<8x1024xf32, #tpu.memory_space<hbm>>)
      %dma_wait3A_649 = arith.constant 0 : i32
      %dma_wait3A_650 = arith.constant 0 : i32
      %dma_wait3A_651 = arith.constant 0 : i32
      %dma_wait3A_652 = tpu.memref_slice %arg10[%dma_wait3A_650, %dma_wait3A_651] : memref<8x4096xf32, #tpu.memory_space<vmem>> -> memref<8x1024xf32, #tpu.memory_space<vmem>>
      %dma_wait3A_653 = arith.constant 0 : i32
      %dma_wait3A_654 = arith.constant 0 : i32
      %dma_wait3A_655 = tpu.memref_slice %arg5[%dma_wait3A_653, %dma_wait3A_649, %dma_wait3A_654] : memref<200x128x1024xf32, #tpu.memory_space<hbm>> -> memref<8x1x1024xf32, #tpu.memory_space<hbm>>
      %dma_wait3A_656 = tpu.memref_squeeze %dma_wait3A_655 : memref<8x1x1024xf32, #tpu.memory_space<hbm>> -> memref<8x1024xf32, #tpu.memory_space<hbm>>
      %dma_wait3A_657 = arith.constant 0 : i32
      %dma_wait3A_658 = arith.constant 0 : i32
      %dma_wait3A_659 = tpu.memref_slice %arg5[%dma_wait3A_657, %dma_wait3A_649, %dma_wait3A_658] : memref<200x128x1024xf32, #tpu.memory_space<hbm>> -> memref<8x1x1024xf32, #tpu.memory_space<hbm>>
      %dma_wait3A_660 = tpu.memref_squeeze %dma_wait3A_659 : memref<8x1x1024xf32, #tpu.memory_space<hbm>> -> memref<8x1024xf32, #tpu.memory_space<hbm>>
      %dma_wait3A_661 = arith.constant 0 : i32
      %dma_wait3A_662 = arith.constant 0 : i32
      %dma_wait3A_663 = tpu.memref_slice %arg10[%dma_wait3A_661, %dma_wait3A_662] : memref<8x4096xf32, #tpu.memory_space<vmem>> -> memref<8x1024xf32, #tpu.memory_space<vmem>>
      tpu.wait_dma2 semaphore(%arg16 : memref<!tpu.dma_semaphore, #tpu.memory_space<semaphore_mem>>) src(%dma_wait3A_663 : memref<8x1024xf32, #tpu.memory_space<vmem>>) dst(%dma_wait3A_660 : memref<8x1024xf32, #tpu.memory_space<hbm>>)
      %dma_wait3A_664 = arith.constant 0 : i32
      %dma_wait3A_665 = arith.constant 0 : i32
      %dma_wait3A_666 = arith.constant 0 : i32
      %dma_wait3A_667 = tpu.memref_slice %arg10[%dma_wait3A_665, %dma_wait3A_666] : memref<8x4096xf32, #tpu.memory_space<vmem>> -> memref<8x1024xf32, #tpu.memory_space<vmem>>
      %dma_wait3A_668 = arith.constant 0 : i32
      %dma_wait3A_669 = arith.constant 0 : i32
      %dma_wait3A_670 = tpu.memref_slice %arg5[%dma_wait3A_668, %dma_wait3A_664, %dma_wait3A_669] : memref<200x128x1024xf32, #tpu.memory_space<hbm>> -> memref<8x1x1024xf32, #tpu.memory_space<hbm>>
      %dma_wait3A_671 = tpu.memref_squeeze %dma_wait3A_670 : memref<8x1x1024xf32, #tpu.memory_space<hbm>> -> memref<8x1024xf32, #tpu.memory_space<hbm>>
      %dma_wait3A_672 = arith.constant 0 : i32
      %dma_wait3A_673 = arith.constant 0 : i32
      %dma_wait3A_674 = tpu.memref_slice %arg5[%dma_wait3A_672, %dma_wait3A_664, %dma_wait3A_673] : memref<200x128x1024xf32, #tpu.memory_space<hbm>> -> memref<8x1x1024xf32, #tpu.memory_space<hbm>>
      %dma_wait3A_675 = tpu.memref_squeeze %dma_wait3A_674 : memref<8x1x1024xf32, #tpu.memory_space<hbm>> -> memref<8x1024xf32, #tpu.memory_space<hbm>>
      %dma_wait3A_676 = arith.constant 0 : i32
      %dma_wait3A_677 = arith.constant 0 : i32
      %dma_wait3A_678 = tpu.memref_slice %arg10[%dma_wait3A_676, %dma_wait3A_677] : memref<8x4096xf32, #tpu.memory_space<vmem>> -> memref<8x1024xf32, #tpu.memory_space<vmem>>
      tpu.wait_dma2 semaphore(%arg16 : memref<!tpu.dma_semaphore, #tpu.memory_space<semaphore_mem>>) src(%dma_wait3A_678 : memref<8x1024xf32, #tpu.memory_space<vmem>>) dst(%dma_wait3A_675 : memref<8x1024xf32, #tpu.memory_space<hbm>>)
      %broadcast_in_dim3A_679 = arith.constant 0 : i32
      %broadcast_in_dim3A_680 = vector.broadcast %broadcast_in_dim3A_679 : i32 to vector<16xi32>
      %scan3A_681 = arith.constant 0 : i32
      %scan3A_682 = arith.constant 8 : i32
      %scan3A_683 = arith.addi %scan3A_681, %scan3A_682 : i32
      %scan3A_684 = arith.constant 1 : i32
      scf.for %scan3A_750 = %scan3A_681 to %scan3A_683 step %scan3A_684  : i32 {
        %mul3A_751 = arith.constant 1 : i32
        %mul3A_752 = arith.muli %scan3A_750, %mul3A_751 : i32
        %add3A_753 = arith.constant 0 : i32
        %add3A_754 = arith.addi %add3A_753, %mul3A_752 : i32
        %mul3A_755 = arith.constant 8 : i32
        %mul3A_756 = arith.muli %add3A_605, %mul3A_755 : i32
        %add3A_757 = arith.addi %mul3A_756, %add3A_754 : i32
        %get3A = arith.index_cast %add3A_757 : i32 to index
        %get3A_758 = arith.constant 0 : index
        %get3A_759 = tpu.vector_load %arg11[%get3A, %get3A_758] {strides = array<i32>} : memref<200x32xf32, #tpu.memory_space<vmem>>, vector<16xf32>,
        %get3A_760 = arith.index_cast %add3A_757 : i32 to index
        %get3A_761 = arith.constant 16 : index
        %get3A_762 = tpu.vector_load %arg11[%get3A_760, %get3A_761] {strides = array<i32>} : memref<200x32xf32, #tpu.memory_space<vmem>>, vector<16xf32>,
        %mul3A_763 = arith.constant 4096 : i32
        %mul3A_764 = arith.muli %add3A_754, %mul3A_763 : i32
        %parallel_loop3A = arith.constant 0 : i32
        %parallel_loop3A_765 = arith.constant 16 : i32
        %parallel_loop3A_766 = arith.constant 1 : i32
        scf.for %parallel_loop3A_767 = %parallel_loop3A to %parallel_loop3A_765 step %parallel_loop3A_766  : i32 {
          %parallel_loop3A_768 = vector.broadcast %parallel_loop3A_767 : i32 to vector<16xi32>
          %parallel_loop3A_769 = arith.addi %iota3A, %parallel_loop3A_768 : vector<16xi32>
          %parallel_loop3A_770 = arith.constant 15 : i32
          %parallel_loop3A_771 = vector.broadcast %parallel_loop3A_770 : i32 to vector<16xi32>
          %parallel_loop3A_772 = arith.andi %parallel_loop3A_769, %parallel_loop3A_771 : vector<16xi32>
          %parallel_loop3A_773 = arith.constant 5 : i32
          %parallel_loop3A_774 = vector.broadcast %parallel_loop3A_773 : i32 to vector<16xi32>
          %parallel_loop3A_775 = arith.shli %parallel_loop3A_772, %parallel_loop3A_774 : vector<16xi32>
          %parallel_loop3A_776 = arith.constant 0 : i32
          %parallel_loop3A_777 = vector.broadcast %parallel_loop3A_776 : i32 to vector<16xi32>
          %parallel_loop3A_778 = arith.addi %iota3A, %parallel_loop3A_777 : vector<16xi32>
          %parallel_loop3A_779 = arith.addi %parallel_loop3A_775, %parallel_loop3A_778 : vector<16xi32>
          %parallel_loop3A_780 = arith.constant 128 : i32
          %parallel_loop3A_781 = vector.broadcast %parallel_loop3A_780 : i32 to vector<16xi32>
          %parallel_loop3A_782 = arith.muli %iota3A, %parallel_loop3A_781 : vector<16xi32>
          %parallel_loop3A_783 = arith.constant 0 : i32
          %parallel_loop3A_784 = vector.broadcast %parallel_loop3A_783 : i32 to vector<16xi32>
          %parallel_loop3A_785 = arith.addi %parallel_loop3A_782, %parallel_loop3A_784 : vector<16xi32>
          %parallel_loop3A_786 = arith.addi %parallel_loop3A_772, %parallel_loop3A_785 : vector<16xi32>
          %parallel_loop3A_787 = arith.constant 0 : i32
          %parallel_loop3A_788 = arith.addi %mul3A_764, %parallel_loop3A_787 : i32
          %parallel_loop3A_789 = vector.broadcast %parallel_loop3A_788 : i32 to vector<16xi32>
          %parallel_loop3A_790 = arith.addi %parallel_loop3A_779, %parallel_loop3A_789 : vector<16xi32>
          %parallel_loop3A_791 = tpu.vector_load_idx %arg9[%broadcast_in_dim3A_680, %parallel_loop3A_790] : memref<1024x32xf32, #tpu.memory_space<vmem>>[vector<16xi32>, vector<16xi32>], vector<16xf32>,
          %parallel_loop3A_792 = arith.constant 0 : i32
          %parallel_loop3A_793 = arith.addi %mul3A_764, %parallel_loop3A_792 : i32
          %parallel_loop3A_794 = vector.broadcast %parallel_loop3A_793 : i32 to vector<16xi32>
          %parallel_loop3A_795 = arith.addi %parallel_loop3A_786, %parallel_loop3A_794 : vector<16xi32>
          %parallel_loop3A_796 = arith.addf %parallel_loop3A_791, %get3A_759 : vector<16xf32>
          tpu.vector_store_idx %arg10[%broadcast_in_dim3A_680, %parallel_loop3A_795], %parallel_loop3A_796 : memref<8x4096xf32, #tpu.memory_space<vmem>>[vector<16xi32>, vector<16xi32>], vector<16xf32>,
          %parallel_loop3A_797 = arith.constant 512 : i32
          %parallel_loop3A_798 = arith.addi %mul3A_764, %parallel_loop3A_797 : i32
          %parallel_loop3A_799 = vector.broadcast %parallel_loop3A_798 : i32 to vector<16xi32>
          %parallel_loop3A_800 = arith.addi %parallel_loop3A_779, %parallel_loop3A_799 : vector<16xi32>
          %parallel_loop3A_801 = tpu.vector_load_idx %arg9[%broadcast_in_dim3A_680, %parallel_loop3A_800] : memref<1024x32xf32, #tpu.memory_space<vmem>>[vector<16xi32>, vector<16xi32>], vector<16xf32>,
          %parallel_loop3A_802 = arith.constant 16 : i32
          %parallel_loop3A_803 = arith.addi %mul3A_764, %parallel_loop3A_802 : i32
          %parallel_loop3A_804 = vector.broadcast %parallel_loop3A_803 : i32 to vector<16xi32>
          %parallel_loop3A_805 = arith.addi %parallel_loop3A_786, %parallel_loop3A_804 : vector<16xi32>
          %parallel_loop3A_806 = arith.addf %parallel_loop3A_801, %get3A_759 : vector<16xf32>
          tpu.vector_store_idx %arg10[%broadcast_in_dim3A_680, %parallel_loop3A_805], %parallel_loop3A_806 : memref<8x4096xf32, #tpu.memory_space<vmem>>[vector<16xi32>, vector<16xi32>], vector<16xf32>,
          %parallel_loop3A_807 = arith.constant 1024 : i32
          %parallel_loop3A_808 = arith.addi %mul3A_764, %parallel_loop3A_807 : i32
          %parallel_loop3A_809 = vector.broadcast %parallel_loop3A_808 : i32 to vector<16xi32>
          %parallel_loop3A_810 = arith.addi %parallel_loop3A_779, %parallel_loop3A_809 : vector<16xi32>
          %parallel_loop3A_811 = tpu.vector_load_idx %arg9[%broadcast_in_dim3A_680, %parallel_loop3A_810] : memref<1024x32xf32, #tpu.memory_space<vmem>>[vector<16xi32>, vector<16xi32>], vector<16xf32>,
          %parallel_loop3A_812 = arith.constant 32 : i32
          %parallel_loop3A_813 = arith.addi %mul3A_764, %parallel_loop3A_812 : i32
          %parallel_loop3A_814 = vector.broadcast %parallel_loop3A_813 : i32 to vector<16xi32>
          %parallel_loop3A_815 = arith.addi %parallel_loop3A_786, %parallel_loop3A_814 : vector<16xi32>
          %parallel_loop3A_816 = arith.addf %parallel_loop3A_811, %get3A_759 : vector<16xf32>
          tpu.vector_store_idx %arg10[%broadcast_in_dim3A_680, %parallel_loop3A_815], %parallel_loop3A_816 : memref<8x4096xf32, #tpu.memory_space<vmem>>[vector<16xi32>, vector<16xi32>], vector<16xf32>,
          %parallel_loop3A_817 = arith.constant 1536 : i32
          %parallel_loop3A_818 = arith.addi %mul3A_764, %parallel_loop3A_817 : i32
          %parallel_loop3A_819 = vector.broadcast %parallel_loop3A_818 : i32 to vector<16xi32>
          %parallel_loop3A_820 = arith.addi %parallel_loop3A_779, %parallel_loop3A_819 : vector<16xi32>
          %parallel_loop3A_821 = tpu.vector_load_idx %arg9[%broadcast_in_dim3A_680, %parallel_loop3A_820] : memref<1024x32xf32, #tpu.memory_space<vmem>>[vector<16xi32>, vector<16xi32>], vector<16xf32>,
          %parallel_loop3A_822 = arith.constant 48 : i32
          %parallel_loop3A_823 = arith.addi %mul3A_764, %parallel_loop3A_822 : i32
          %parallel_loop3A_824 = vector.broadcast %parallel_loop3A_823 : i32 to vector<16xi32>
          %parallel_loop3A_825 = arith.addi %parallel_loop3A_786, %parallel_loop3A_824 : vector<16xi32>
          %parallel_loop3A_826 = arith.addf %parallel_loop3A_821, %get3A_759 : vector<16xf32>
          tpu.vector_store_idx %arg10[%broadcast_in_dim3A_680, %parallel_loop3A_825], %parallel_loop3A_826 : memref<8x4096xf32, #tpu.memory_space<vmem>>[vector<16xi32>, vector<16xi32>], vector<16xf32>,
          %parallel_loop3A_827 = arith.constant 2048 : i32
          %parallel_loop3A_828 = arith.addi %mul3A_764, %parallel_loop3A_827 : i32
          %parallel_loop3A_829 = vector.broadcast %parallel_loop3A_828 : i32 to vector<16xi32>
          %parallel_loop3A_830 = arith.addi %parallel_loop3A_779, %parallel_loop3A_829 : vector<16xi32>
          %parallel_loop3A_831 = tpu.vector_load_idx %arg9[%broadcast_in_dim3A_680, %parallel_loop3A_830] : memref<1024x32xf32, #tpu.memory_space<vmem>>[vector<16xi32>, vector<16xi32>], vector<16xf32>,
          %parallel_loop3A_832 = arith.constant 64 : i32
          %parallel_loop3A_833 = arith.addi %mul3A_764, %parallel_loop3A_832 : i32
          %parallel_loop3A_834 = vector.broadcast %parallel_loop3A_833 : i32 to vector<16xi32>
          %parallel_loop3A_835 = arith.addi %parallel_loop3A_786, %parallel_loop3A_834 : vector<16xi32>
          %parallel_loop3A_836 = arith.addf %parallel_loop3A_831, %get3A_759 : vector<16xf32>
          tpu.vector_store_idx %arg10[%broadcast_in_dim3A_680, %parallel_loop3A_835], %parallel_loop3A_836 : memref<8x4096xf32, #tpu.memory_space<vmem>>[vector<16xi32>, vector<16xi32>], vector<16xf32>,
          %parallel_loop3A_837 = arith.constant 2560 : i32
          %parallel_loop3A_838 = arith.addi %mul3A_764, %parallel_loop3A_837 : i32
          %parallel_loop3A_839 = vector.broadcast %parallel_loop3A_838 : i32 to vector<16xi32>
          %parallel_loop3A_840 = arith.addi %parallel_loop3A_779, %parallel_loop3A_839 : vector<16xi32>
          %parallel_loop3A_841 = tpu.vector_load_idx %arg9[%broadcast_in_dim3A_680, %parallel_loop3A_840] : memref<1024x32xf32, #tpu.memory_space<vmem>>[vector<16xi32>, vector<16xi32>], vector<16xf32>,
          %parallel_loop3A_842 = arith.constant 80 : i32
          %parallel_loop3A_843 = arith.addi %mul3A_764, %parallel_loop3A_842 : i32
          %parallel_loop3A_844 = vector.broadcast %parallel_loop3A_843 : i32 to vector<16xi32>
          %parallel_loop3A_845 = arith.addi %parallel_loop3A_786, %parallel_loop3A_844 : vector<16xi32>
          %parallel_loop3A_846 = arith.addf %parallel_loop3A_841, %get3A_759 : vector<16xf32>
          tpu.vector_store_idx %arg10[%broadcast_in_dim3A_680, %parallel_loop3A_845], %parallel_loop3A_846 : memref<8x4096xf32, #tpu.memory_space<vmem>>[vector<16xi32>, vector<16xi32>], vector<16xf32>,
          %parallel_loop3A_847 = arith.constant 3072 : i32
          %parallel_loop3A_848 = arith.addi %mul3A_764, %parallel_loop3A_847 : i32
          %parallel_loop3A_849 = vector.broadcast %parallel_loop3A_848 : i32 to vector<16xi32>
          %parallel_loop3A_850 = arith.addi %parallel_loop3A_779, %parallel_loop3A_849 : vector<16xi32>
          %parallel_loop3A_851 = tpu.vector_load_idx %arg9[%broadcast_in_dim3A_680, %parallel_loop3A_850] : memref<1024x32xf32, #tpu.memory_space<vmem>>[vector<16xi32>, vector<16xi32>], vector<16xf32>,
          %parallel_loop3A_852 = arith.constant 96 : i32
          %parallel_loop3A_853 = arith.addi %mul3A_764, %parallel_loop3A_852 : i32
          %parallel_loop3A_854 = vector.broadcast %parallel_loop3A_853 : i32 to vector<16xi32>
          %parallel_loop3A_855 = arith.addi %parallel_loop3A_786, %parallel_loop3A_854 : vector<16xi32>
          %parallel_loop3A_856 = arith.addf %parallel_loop3A_851, %get3A_759 : vector<16xf32>
          tpu.vector_store_idx %arg10[%broadcast_in_dim3A_680, %parallel_loop3A_855], %parallel_loop3A_856 : memref<8x4096xf32, #tpu.memory_space<vmem>>[vector<16xi32>, vector<16xi32>], vector<16xf32>,
          %parallel_loop3A_857 = arith.constant 3584 : i32
          %parallel_loop3A_858 = arith.addi %mul3A_764, %parallel_loop3A_857 : i32
          %parallel_loop3A_859 = vector.broadcast %parallel_loop3A_858 : i32 to vector<16xi32>
          %parallel_loop3A_860 = arith.addi %parallel_loop3A_779, %parallel_loop3A_859 : vector<16xi32>
          %parallel_loop3A_861 = tpu.vector_load_idx %arg9[%broadcast_in_dim3A_680, %parallel_loop3A_860] : memref<1024x32xf32, #tpu.memory_space<vmem>>[vector<16xi32>, vector<16xi32>], vector<16xf32>,
          %parallel_loop3A_862 = arith.constant 112 : i32
          %parallel_loop3A_863 = arith.addi %mul3A_764, %parallel_loop3A_862 : i32
          %parallel_loop3A_864 = vector.broadcast %parallel_loop3A_863 : i32 to vector<16xi32>
          %parallel_loop3A_865 = arith.addi %parallel_loop3A_786, %parallel_loop3A_864 : vector<16xi32>
          %parallel_loop3A_866 = arith.addf %parallel_loop3A_861, %get3A_759 : vector<16xf32>
          tpu.vector_store_idx %arg10[%broadcast_in_dim3A_680, %parallel_loop3A_865], %parallel_loop3A_866 : memref<8x4096xf32, #tpu.memory_space<vmem>>[vector<16xi32>, vector<16xi32>], vector<16xf32>,
          %parallel_loop3A_867 = arith.constant 16 : i32
          %parallel_loop3A_868 = vector.broadcast %parallel_loop3A_867 : i32 to vector<16xi32>
          %parallel_loop3A_869 = arith.addi %iota3A, %parallel_loop3A_868 : vector<16xi32>
          %parallel_loop3A_870 = arith.addi %parallel_loop3A_775, %parallel_loop3A_869 : vector<16xi32>
          %parallel_loop3A_871 = arith.constant 128 : i32
          %parallel_loop3A_872 = vector.broadcast %parallel_loop3A_871 : i32 to vector<16xi32>
          %parallel_loop3A_873 = arith.muli %iota3A, %parallel_loop3A_872 : vector<16xi32>
          %parallel_loop3A_874 = arith.constant 2048 : i32
          %parallel_loop3A_875 = vector.broadcast %parallel_loop3A_874 : i32 to vector<16xi32>
          %parallel_loop3A_876 = arith.addi %parallel_loop3A_873, %parallel_loop3A_875 : vector<16xi32>
          %parallel_loop3A_877 = arith.addi %parallel_loop3A_772, %parallel_loop3A_876 : vector<16xi32>
          %parallel_loop3A_878 = arith.constant 0 : i32
          %parallel_loop3A_879 = arith.addi %mul3A_764, %parallel_loop3A_878 : i32
          %parallel_loop3A_880 = vector.broadcast %parallel_loop3A_879 : i32 to vector<16xi32>
          %parallel_loop3A_881 = arith.addi %parallel_loop3A_870, %parallel_loop3A_880 : vector<16xi32>
          %parallel_loop3A_882 = tpu.vector_load_idx %arg9[%broadcast_in_dim3A_680, %parallel_loop3A_881] : memref<1024x32xf32, #tpu.memory_space<vmem>>[vector<16xi32>, vector<16xi32>], vector<16xf32>,
          %parallel_loop3A_883 = arith.constant 0 : i32
          %parallel_loop3A_884 = arith.addi %mul3A_764, %parallel_loop3A_883 : i32
          %parallel_loop3A_885 = vector.broadcast %parallel_loop3A_884 : i32 to vector<16xi32>
          %parallel_loop3A_886 = arith.addi %parallel_loop3A_877, %parallel_loop3A_885 : vector<16xi32>
          %parallel_loop3A_887 = arith.addf %parallel_loop3A_882, %get3A_762 : vector<16xf32>
          tpu.vector_store_idx %arg10[%broadcast_in_dim3A_680, %parallel_loop3A_886], %parallel_loop3A_887 : memref<8x4096xf32, #tpu.memory_space<vmem>>[vector<16xi32>, vector<16xi32>], vector<16xf32>,
          %parallel_loop3A_888 = arith.constant 512 : i32
          %parallel_loop3A_889 = arith.addi %mul3A_764, %parallel_loop3A_888 : i32
          %parallel_loop3A_890 = vector.broadcast %parallel_loop3A_889 : i32 to vector<16xi32>
          %parallel_loop3A_891 = arith.addi %parallel_loop3A_870, %parallel_loop3A_890 : vector<16xi32>
          %parallel_loop3A_892 = tpu.vector_load_idx %arg9[%broadcast_in_dim3A_680, %parallel_loop3A_891] : memref<1024x32xf32, #tpu.memory_space<vmem>>[vector<16xi32>, vector<16xi32>], vector<16xf32>,
          %parallel_loop3A_893 = arith.constant 16 : i32
          %parallel_loop3A_894 = arith.addi %mul3A_764, %parallel_loop3A_893 : i32
          %parallel_loop3A_895 = vector.broadcast %parallel_loop3A_894 : i32 to vector<16xi32>
          %parallel_loop3A_896 = arith.addi %parallel_loop3A_877, %parallel_loop3A_895 : vector<16xi32>
          %parallel_loop3A_897 = arith.addf %parallel_loop3A_892, %get3A_762 : vector<16xf32>
          tpu.vector_store_idx %arg10[%broadcast_in_dim3A_680, %parallel_loop3A_896], %parallel_loop3A_897 : memref<8x4096xf32, #tpu.memory_space<vmem>>[vector<16xi32>, vector<16xi32>], vector<16xf32>,
          %parallel_loop3A_898 = arith.constant 1024 : i32
          %parallel_loop3A_899 = arith.addi %mul3A_764, %parallel_loop3A_898 : i32
          %parallel_loop3A_900 = vector.broadcast %parallel_loop3A_899 : i32 to vector<16xi32>
          %parallel_loop3A_901 = arith.addi %parallel_loop3A_870, %parallel_loop3A_900 : vector<16xi32>
          %parallel_loop3A_902 = tpu.vector_load_idx %arg9[%broadcast_in_dim3A_680, %parallel_loop3A_901] : memref<1024x32xf32, #tpu.memory_space<vmem>>[vector<16xi32>, vector<16xi32>], vector<16xf32>,
          %parallel_loop3A_903 = arith.constant 32 : i32
          %parallel_loop3A_904 = arith.addi %mul3A_764, %parallel_loop3A_903 : i32
          %parallel_loop3A_905 = vector.broadcast %parallel_loop3A_904 : i32 to vector<16xi32>
          %parallel_loop3A_906 = arith.addi %parallel_loop3A_877, %parallel_loop3A_905 : vector<16xi32>
          %parallel_loop3A_907 = arith.addf %parallel_loop3A_902, %get3A_762 : vector<16xf32>
          tpu.vector_store_idx %arg10[%broadcast_in_dim3A_680, %parallel_loop3A_906], %parallel_loop3A_907 : memref<8x4096xf32, #tpu.memory_space<vmem>>[vector<16xi32>, vector<16xi32>], vector<16xf32>,
          %parallel_loop3A_908 = arith.constant 1536 : i32
          %parallel_loop3A_909 = arith.addi %mul3A_764, %parallel_loop3A_908 : i32
          %parallel_loop3A_910 = vector.broadcast %parallel_loop3A_909 : i32 to vector<16xi32>
          %parallel_loop3A_911 = arith.addi %parallel_loop3A_870, %parallel_loop3A_910 : vector<16xi32>
          %parallel_loop3A_912 = tpu.vector_load_idx %arg9[%broadcast_in_dim3A_680, %parallel_loop3A_911] : memref<1024x32xf32, #tpu.memory_space<vmem>>[vector<16xi32>, vector<16xi32>], vector<16xf32>,
          %parallel_loop3A_913 = arith.constant 48 : i32
          %parallel_loop3A_914 = arith.addi %mul3A_764, %parallel_loop3A_913 : i32
          %parallel_loop3A_915 = vector.broadcast %parallel_loop3A_914 : i32 to vector<16xi32>
          %parallel_loop3A_916 = arith.addi %parallel_loop3A_877, %parallel_loop3A_915 : vector<16xi32>
          %parallel_loop3A_917 = arith.addf %parallel_loop3A_912, %get3A_762 : vector<16xf32>
          tpu.vector_store_idx %arg10[%broadcast_in_dim3A_680, %parallel_loop3A_916], %parallel_loop3A_917 : memref<8x4096xf32, #tpu.memory_space<vmem>>[vector<16xi32>, vector<16xi32>], vector<16xf32>,
          %parallel_loop3A_918 = arith.constant 2048 : i32
          %parallel_loop3A_919 = arith.addi %mul3A_764, %parallel_loop3A_918 : i32
          %parallel_loop3A_920 = vector.broadcast %parallel_loop3A_919 : i32 to vector<16xi32>
          %parallel_loop3A_921 = arith.addi %parallel_loop3A_870, %parallel_loop3A_920 : vector<16xi32>
          %parallel_loop3A_922 = tpu.vector_load_idx %arg9[%broadcast_in_dim3A_680, %parallel_loop3A_921] : memref<1024x32xf32, #tpu.memory_space<vmem>>[vector<16xi32>, vector<16xi32>], vector<16xf32>,
          %parallel_loop3A_923 = arith.constant 64 : i32
          %parallel_loop3A_924 = arith.addi %mul3A_764, %parallel_loop3A_923 : i32
          %parallel_loop3A_925 = vector.broadcast %parallel_loop3A_924 : i32 to vector<16xi32>
          %parallel_loop3A_926 = arith.addi %parallel_loop3A_877, %parallel_loop3A_925 : vector<16xi32>
          %parallel_loop3A_927 = arith.addf %parallel_loop3A_922, %get3A_762 : vector<16xf32>
          tpu.vector_store_idx %arg10[%broadcast_in_dim3A_680, %parallel_loop3A_926], %parallel_loop3A_927 : memref<8x4096xf32, #tpu.memory_space<vmem>>[vector<16xi32>, vector<16xi32>], vector<16xf32>,
          %parallel_loop3A_928 = arith.constant 2560 : i32
          %parallel_loop3A_929 = arith.addi %mul3A_764, %parallel_loop3A_928 : i32
          %parallel_loop3A_930 = vector.broadcast %parallel_loop3A_929 : i32 to vector<16xi32>
          %parallel_loop3A_931 = arith.addi %parallel_loop3A_870, %parallel_loop3A_930 : vector<16xi32>
          %parallel_loop3A_932 = tpu.vector_load_idx %arg9[%broadcast_in_dim3A_680, %parallel_loop3A_931] : memref<1024x32xf32, #tpu.memory_space<vmem>>[vector<16xi32>, vector<16xi32>], vector<16xf32>,
          %parallel_loop3A_933 = arith.constant 80 : i32
          %parallel_loop3A_934 = arith.addi %mul3A_764, %parallel_loop3A_933 : i32
          %parallel_loop3A_935 = vector.broadcast %parallel_loop3A_934 : i32 to vector<16xi32>
          %parallel_loop3A_936 = arith.addi %parallel_loop3A_877, %parallel_loop3A_935 : vector<16xi32>
          %parallel_loop3A_937 = arith.addf %parallel_loop3A_932, %get3A_762 : vector<16xf32>
          tpu.vector_store_idx %arg10[%broadcast_in_dim3A_680, %parallel_loop3A_936], %parallel_loop3A_937 : memref<8x4096xf32, #tpu.memory_space<vmem>>[vector<16xi32>, vector<16xi32>], vector<16xf32>,
          %parallel_loop3A_938 = arith.constant 3072 : i32
          %parallel_loop3A_939 = arith.addi %mul3A_764, %parallel_loop3A_938 : i32
          %parallel_loop3A_940 = vector.broadcast %parallel_loop3A_939 : i32 to vector<16xi32>
          %parallel_loop3A_941 = arith.addi %parallel_loop3A_870, %parallel_loop3A_940 : vector<16xi32>
          %parallel_loop3A_942 = tpu.vector_load_idx %arg9[%broadcast_in_dim3A_680, %parallel_loop3A_941] : memref<1024x32xf32, #tpu.memory_space<vmem>>[vector<16xi32>, vector<16xi32>], vector<16xf32>,
          %parallel_loop3A_943 = arith.constant 96 : i32
          %parallel_loop3A_944 = arith.addi %mul3A_764, %parallel_loop3A_943 : i32
          %parallel_loop3A_945 = vector.broadcast %parallel_loop3A_944 : i32 to vector<16xi32>
          %parallel_loop3A_946 = arith.addi %parallel_loop3A_877, %parallel_loop3A_945 : vector<16xi32>
          %parallel_loop3A_947 = arith.addf %parallel_loop3A_942, %get3A_762 : vector<16xf32>
          tpu.vector_store_idx %arg10[%broadcast_in_dim3A_680, %parallel_loop3A_946], %parallel_loop3A_947 : memref<8x4096xf32, #tpu.memory_space<vmem>>[vector<16xi32>, vector<16xi32>], vector<16xf32>,
          %parallel_loop3A_948 = arith.constant 3584 : i32
          %parallel_loop3A_949 = arith.addi %mul3A_764, %parallel_loop3A_948 : i32
          %parallel_loop3A_950 = vector.broadcast %parallel_loop3A_949 : i32 to vector<16xi32>
          %parallel_loop3A_951 = arith.addi %parallel_loop3A_870, %parallel_loop3A_950 : vector<16xi32>
          %parallel_loop3A_952 = tpu.vector_load_idx %arg9[%broadcast_in_dim3A_680, %parallel_loop3A_951] : memref<1024x32xf32, #tpu.memory_space<vmem>>[vector<16xi32>, vector<16xi32>], vector<16xf32>,
          %parallel_loop3A_953 = arith.constant 112 : i32
          %parallel_loop3A_954 = arith.addi %mul3A_764, %parallel_loop3A_953 : i32
          %parallel_loop3A_955 = vector.broadcast %parallel_loop3A_954 : i32 to vector<16xi32>
          %parallel_loop3A_956 = arith.addi %parallel_loop3A_877, %parallel_loop3A_955 : vector<16xi32>
          %parallel_loop3A_957 = arith.addf %parallel_loop3A_952, %get3A_762 : vector<16xf32>
          tpu.vector_store_idx %arg10[%broadcast_in_dim3A_680, %parallel_loop3A_956], %parallel_loop3A_957 : memref<8x4096xf32, #tpu.memory_space<vmem>>[vector<16xi32>, vector<16xi32>], vector<16xf32>,
        } {sc.loop_unroll_factor = 2 : i64, sc.parallel_access}
      }
      %scan3A_685 = arith.constant 8 : i32
      %mul3A_686 = arith.constant 8 : i32
      %mul3A_687 = arith.muli %add3A_605, %mul3A_686 : i32
      %add3A_688 = arith.constant 0 : i32
      %add3A_689 = arith.addi %add3A_688, %add3A : i32
      %dma_start3A_690 = arith.constant 0 : i32
      %dma_start3A_691 = arith.constant 0 : i32
      %dma_start3A_692 = tpu.memref_slice %arg10[%dma_start3A_690, %dma_start3A_691] : memref<8x4096xf32, #tpu.memory_space<vmem>> -> memref<8x1024xf32, #tpu.memory_space<vmem>>
      %dma_start3A_693 = arith.constant 0 : i32
      %dma_start3A_694 = tpu.memref_slice %arg5[%mul3A_687, %add3A_689, %dma_start3A_693] : memref<200x128x1024xf32, #tpu.memory_space<hbm>> -> memref<8x1x1024xf32, #tpu.memory_space<hbm>>
      %dma_start3A_695 = tpu.memref_squeeze %dma_start3A_694 : memref<8x1x1024xf32, #tpu.memory_space<hbm>> -> memref<8x1024xf32, #tpu.memory_space<hbm>>
      %dma_start3A_696 = arith.constant 0 : i32
      %dma_start3A_697 = tpu.memref_slice %arg5[%mul3A_687, %add3A_689, %dma_start3A_696] : memref<200x128x1024xf32, #tpu.memory_space<hbm>> -> memref<8x1x1024xf32, #tpu.memory_space<hbm>>
      %dma_start3A_698 = tpu.memref_squeeze %dma_start3A_697 : memref<8x1x1024xf32, #tpu.memory_space<hbm>> -> memref<8x1024xf32, #tpu.memory_space<hbm>>
      %dma_start3A_699 = arith.constant 0 : i32
      %dma_start3A_700 = arith.constant 0 : i32
      %dma_start3A_701 = tpu.memref_slice %arg10[%dma_start3A_699, %dma_start3A_700] : memref<8x4096xf32, #tpu.memory_space<vmem>> -> memref<8x1024xf32, #tpu.memory_space<vmem>>
      tpu.enqueue_dma source(%dma_start3A_701 : memref<8x1024xf32, #tpu.memory_space<vmem>>) target(%dma_start3A_698 : memref<8x1024xf32, #tpu.memory_space<hbm>>) target_semaphore(%arg16 : memref<!tpu.dma_semaphore, #tpu.memory_space<semaphore_mem>>)
      %mul3A_702 = arith.constant 8 : i32
      %mul3A_703 = arith.muli %add3A_605, %mul3A_702 : i32
      %add3A_704 = arith.constant 32 : i32
      %add3A_705 = arith.addi %add3A_704, %add3A : i32
      %dma_start3A_706 = arith.constant 0 : i32
      %dma_start3A_707 = arith.constant 1024 : i32
      %dma_start3A_708 = tpu.memref_slice %arg10[%dma_start3A_706, %dma_start3A_707] : memref<8x4096xf32, #tpu.memory_space<vmem>> -> memref<8x1024xf32, #tpu.memory_space<vmem>>
      %dma_start3A_709 = arith.constant 0 : i32
      %dma_start3A_710 = tpu.memref_slice %arg5[%mul3A_703, %add3A_705, %dma_start3A_709] : memref<200x128x1024xf32, #tpu.memory_space<hbm>> -> memref<8x1x1024xf32, #tpu.memory_space<hbm>>
      %dma_start3A_711 = tpu.memref_squeeze %dma_start3A_710 : memref<8x1x1024xf32, #tpu.memory_space<hbm>> -> memref<8x1024xf32, #tpu.memory_space<hbm>>
      %dma_start3A_712 = arith.constant 0 : i32
      %dma_start3A_713 = tpu.memref_slice %arg5[%mul3A_703, %add3A_705, %dma_start3A_712] : memref<200x128x1024xf32, #tpu.memory_space<hbm>> -> memref<8x1x1024xf32, #tpu.memory_space<hbm>>
      %dma_start3A_714 = tpu.memref_squeeze %dma_start3A_713 : memref<8x1x1024xf32, #tpu.memory_space<hbm>> -> memref<8x1024xf32, #tpu.memory_space<hbm>>
      %dma_start3A_715 = arith.constant 0 : i32
      %dma_start3A_716 = arith.constant 1024 : i32
      %dma_start3A_717 = tpu.memref_slice %arg10[%dma_start3A_715, %dma_start3A_716] : memref<8x4096xf32, #tpu.memory_space<vmem>> -> memref<8x1024xf32, #tpu.memory_space<vmem>>
      tpu.enqueue_dma source(%dma_start3A_717 : memref<8x1024xf32, #tpu.memory_space<vmem>>) target(%dma_start3A_714 : memref<8x1024xf32, #tpu.memory_space<hbm>>) target_semaphore(%arg16 : memref<!tpu.dma_semaphore, #tpu.memory_space<semaphore_mem>>)
      %mul3A_718 = arith.constant 8 : i32
      %mul3A_719 = arith.muli %add3A_605, %mul3A_718 : i32
      %add3A_720 = arith.constant 64 : i32
      %add3A_721 = arith.addi %add3A_720, %add3A : i32
      %dma_start3A_722 = arith.constant 0 : i32
      %dma_start3A_723 = arith.constant 2048 : i32
      %dma_start3A_724 = tpu.memref_slice %arg10[%dma_start3A_722, %dma_start3A_723] : memref<8x4096xf32, #tpu.memory_space<vmem>> -> memref<8x1024xf32, #tpu.memory_space<vmem>>
      %dma_start3A_725 = arith.constant 0 : i32
      %dma_start3A_726 = tpu.memref_slice %arg5[%mul3A_719, %add3A_721, %dma_start3A_725] : memref<200x128x1024xf32, #tpu.memory_space<hbm>> -> memref<8x1x1024xf32, #tpu.memory_space<hbm>>
      %dma_start3A_727 = tpu.memref_squeeze %dma_start3A_726 : memref<8x1x1024xf32, #tpu.memory_space<hbm>> -> memref<8x1024xf32, #tpu.memory_space<hbm>>
      %dma_start3A_728 = arith.constant 0 : i32
      %dma_start3A_729 = tpu.memref_slice %arg5[%mul3A_719, %add3A_721, %dma_start3A_728] : memref<200x128x1024xf32, #tpu.memory_space<hbm>> -> memref<8x1x1024xf32, #tpu.memory_space<hbm>>
      %dma_start3A_730 = tpu.memref_squeeze %dma_start3A_729 : memref<8x1x1024xf32, #tpu.memory_space<hbm>> -> memref<8x1024xf32, #tpu.memory_space<hbm>>
      %dma_start3A_731 = arith.constant 0 : i32
      %dma_start3A_732 = arith.constant 2048 : i32
      %dma_start3A_733 = tpu.memref_slice %arg10[%dma_start3A_731, %dma_start3A_732] : memref<8x4096xf32, #tpu.memory_space<vmem>> -> memref<8x1024xf32, #tpu.memory_space<vmem>>
      tpu.enqueue_dma source(%dma_start3A_733 : memref<8x1024xf32, #tpu.memory_space<vmem>>) target(%dma_start3A_730 : memref<8x1024xf32, #tpu.memory_space<hbm>>) target_semaphore(%arg16 : memref<!tpu.dma_semaphore, #tpu.memory_space<semaphore_mem>>)
      %mul3A_734 = arith.constant 8 : i32
      %mul3A_735 = arith.muli %add3A_605, %mul3A_734 : i32
      %add3A_736 = arith.constant 96 : i32
      %add3A_737 = arith.addi %add3A_736, %add3A : i32
      %dma_start3A_738 = arith.constant 0 : i32
      %dma_start3A_739 = arith.constant 3072 : i32
      %dma_start3A_740 = tpu.memref_slice %arg10[%dma_start3A_738, %dma_start3A_739] : memref<8x4096xf32, #tpu.memory_space<vmem>> -> memref<8x1024xf32, #tpu.memory_space<vmem>>
      %dma_start3A_741 = arith.constant 0 : i32
      %dma_start3A_742 = tpu.memref_slice %arg5[%mul3A_735, %add3A_737, %dma_start3A_741] : memref<200x128x1024xf32, #tpu.memory_space<hbm>> -> memref<8x1x1024xf32, #tpu.memory_space<hbm>>
      %dma_start3A_743 = tpu.memref_squeeze %dma_start3A_742 : memref<8x1x1024xf32, #tpu.memory_space<hbm>> -> memref<8x1024xf32, #tpu.memory_space<hbm>>
      %dma_start3A_744 = arith.constant 0 : i32
      %dma_start3A_745 = tpu.memref_slice %arg5[%mul3A_735, %add3A_737, %dma_start3A_744] : memref<200x128x1024xf32, #tpu.memory_space<hbm>> -> memref<8x1x1024xf32, #tpu.memory_space<hbm>>
      %dma_start3A_746 = tpu.memref_squeeze %dma_start3A_745 : memref<8x1x1024xf32, #tpu.memory_space<hbm>> -> memref<8x1024xf32, #tpu.memory_space<hbm>>
      %dma_start3A_747 = arith.constant 0 : i32
      %dma_start3A_748 = arith.constant 3072 : i32
      %dma_start3A_749 = tpu.memref_slice %arg10[%dma_start3A_747, %dma_start3A_748] : memref<8x4096xf32, #tpu.memory_space<vmem>> -> memref<8x1024xf32, #tpu.memory_space<vmem>>
      tpu.enqueue_dma source(%dma_start3A_749 : memref<8x1024xf32, #tpu.memory_space<vmem>>) target(%dma_start3A_746 : memref<8x1024xf32, #tpu.memory_space<hbm>>) target_semaphore(%arg16 : memref<!tpu.dma_semaphore, #tpu.memory_space<semaphore_mem>>)
    }
    %scan3A_115 = arith.constant 12 : i32
    %dma_wait3A_116 = arith.constant 0 : i32
    %dma_wait3A_117 = arith.constant 0 : i32
    %dma_wait3A_118 = tpu.memref_slice %arg3[%dma_wait3A_116, %dma_wait3A_117] : memref<1015808x32xf32, #tpu.memory_space<hbm>> -> memref<1024x32xf32, #tpu.memory_space<hbm>>
    %dma_wait3A_119 = arith.constant 0 : i32
    %dma_wait3A_120 = arith.constant 0 : i32
    %dma_wait3A_121 = tpu.memref_slice %arg3[%dma_wait3A_119, %dma_wait3A_120] : memref<1015808x32xf32, #tpu.memory_space<hbm>> -> memref<1024x32xf32, #tpu.memory_space<hbm>>
    tpu.wait_dma2 semaphore(%arg12 : memref<!tpu.dma_semaphore, #tpu.memory_space<semaphore_mem>>) src(%dma_wait3A_121 : memref<1024x32xf32, #tpu.memory_space<hbm>>) dst(%arg8 : memref<1024x32xf32, #tpu.memory_space<vmem>>)
    %dma_wait3A_122 = arith.constant 0 : i32
    %dma_wait3A_123 = arith.constant 0 : i32
    %dma_wait3A_124 = arith.constant 0 : i32
    %dma_wait3A_125 = tpu.memref_slice %arg10[%dma_wait3A_123, %dma_wait3A_124] : memref<8x4096xf32, #tpu.memory_space<vmem>> -> memref<8x1024xf32, #tpu.memory_space<vmem>>
    %dma_wait3A_126 = arith.constant 0 : i32
    %dma_wait3A_127 = arith.constant 0 : i32
    %dma_wait3A_128 = tpu.memref_slice %arg5[%dma_wait3A_126, %dma_wait3A_122, %dma_wait3A_127] : memref<200x128x1024xf32, #tpu.memory_space<hbm>> -> memref<8x1x1024xf32, #tpu.memory_space<hbm>>
    %dma_wait3A_129 = tpu.memref_squeeze %dma_wait3A_128 : memref<8x1x1024xf32, #tpu.memory_space<hbm>> -> memref<8x1024xf32, #tpu.memory_space<hbm>>
    %dma_wait3A_130 = arith.constant 0 : i32
    %dma_wait3A_131 = arith.constant 0 : i32
    %dma_wait3A_132 = tpu.memref_slice %arg5[%dma_wait3A_130, %dma_wait3A_122, %dma_wait3A_131] : memref<200x128x1024xf32, #tpu.memory_space<hbm>> -> memref<8x1x1024xf32, #tpu.memory_space<hbm>>
    %dma_wait3A_133 = tpu.memref_squeeze %dma_wait3A_132 : memref<8x1x1024xf32, #tpu.memory_space<hbm>> -> memref<8x1024xf32, #tpu.memory_space<hbm>>
    %dma_wait3A_134 = arith.constant 0 : i32
    %dma_wait3A_135 = arith.constant 0 : i32
    %dma_wait3A_136 = tpu.memref_slice %arg10[%dma_wait3A_134, %dma_wait3A_135] : memref<8x4096xf32, #tpu.memory_space<vmem>> -> memref<8x1024xf32, #tpu.memory_space<vmem>>
    tpu.wait_dma2 semaphore(%arg16 : memref<!tpu.dma_semaphore, #tpu.memory_space<semaphore_mem>>) src(%dma_wait3A_136 : memref<8x1024xf32, #tpu.memory_space<vmem>>) dst(%dma_wait3A_133 : memref<8x1024xf32, #tpu.memory_space<hbm>>)
    %dma_wait3A_137 = arith.constant 0 : i32
    %dma_wait3A_138 = arith.constant 0 : i32
    %dma_wait3A_139 = arith.constant 0 : i32
    %dma_wait3A_140 = tpu.memref_slice %arg10[%dma_wait3A_138, %dma_wait3A_139] : memref<8x4096xf32, #tpu.memory_space<vmem>> -> memref<8x1024xf32, #tpu.memory_space<vmem>>
    %dma_wait3A_141 = arith.constant 0 : i32
    %dma_wait3A_142 = arith.constant 0 : i32
    %dma_wait3A_143 = tpu.memref_slice %arg5[%dma_wait3A_141, %dma_wait3A_137, %dma_wait3A_142] : memref<200x128x1024xf32, #tpu.memory_space<hbm>> -> memref<8x1x1024xf32, #tpu.memory_space<hbm>>
    %dma_wait3A_144 = tpu.memref_squeeze %dma_wait3A_143 : memref<8x1x1024xf32, #tpu.memory_space<hbm>> -> memref<8x1024xf32, #tpu.memory_space<hbm>>
    %dma_wait3A_145 = arith.constant 0 : i32
    %dma_wait3A_146 = arith.constant 0 : i32
    %dma_wait3A_147 = tpu.memref_slice %arg5[%dma_wait3A_145, %dma_wait3A_137, %dma_wait3A_146] : memref<200x128x1024xf32, #tpu.memory_space<hbm>> -> memref<8x1x1024xf32, #tpu.memory_space<hbm>>
    %dma_wait3A_148 = tpu.memref_squeeze %dma_wait3A_147 : memref<8x1x1024xf32, #tpu.memory_space<hbm>> -> memref<8x1024xf32, #tpu.memory_space<hbm>>
    %dma_wait3A_149 = arith.constant 0 : i32
    %dma_wait3A_150 = arith.constant 0 : i32
    %dma_wait3A_151 = tpu.memref_slice %arg10[%dma_wait3A_149, %dma_wait3A_150] : memref<8x4096xf32, #tpu.memory_space<vmem>> -> memref<8x1024xf32, #tpu.memory_space<vmem>>
    tpu.wait_dma2 semaphore(%arg16 : memref<!tpu.dma_semaphore, #tpu.memory_space<semaphore_mem>>) src(%dma_wait3A_151 : memref<8x1024xf32, #tpu.memory_space<vmem>>) dst(%dma_wait3A_148 : memref<8x1024xf32, #tpu.memory_space<hbm>>)
    %dma_wait3A_152 = arith.constant 0 : i32
    %dma_wait3A_153 = arith.constant 0 : i32
    %dma_wait3A_154 = arith.constant 0 : i32
    %dma_wait3A_155 = tpu.memref_slice %arg10[%dma_wait3A_153, %dma_wait3A_154] : memref<8x4096xf32, #tpu.memory_space<vmem>> -> memref<8x1024xf32, #tpu.memory_space<vmem>>
    %dma_wait3A_156 = arith.constant 0 : i32
    %dma_wait3A_157 = arith.constant 0 : i32
    %dma_wait3A_158 = tpu.memref_slice %arg5[%dma_wait3A_156, %dma_wait3A_152, %dma_wait3A_157] : memref<200x128x1024xf32, #tpu.memory_space<hbm>> -> memref<8x1x1024xf32, #tpu.memory_space<hbm>>
    %dma_wait3A_159 = tpu.memref_squeeze %dma_wait3A_158 : memref<8x1x1024xf32, #tpu.memory_space<hbm>> -> memref<8x1024xf32, #tpu.memory_space<hbm>>
    %dma_wait3A_160 = arith.constant 0 : i32
    %dma_wait3A_161 = arith.constant 0 : i32
    %dma_wait3A_162 = tpu.memref_slice %arg5[%dma_wait3A_160, %dma_wait3A_152, %dma_wait3A_161] : memref<200x128x1024xf32, #tpu.memory_space<hbm>> -> memref<8x1x1024xf32, #tpu.memory_space<hbm>>
    %dma_wait3A_163 = tpu.memref_squeeze %dma_wait3A_162 : memref<8x1x1024xf32, #tpu.memory_space<hbm>> -> memref<8x1024xf32, #tpu.memory_space<hbm>>
    %dma_wait3A_164 = arith.constant 0 : i32
    %dma_wait3A_165 = arith.constant 0 : i32
    %dma_wait3A_166 = tpu.memref_slice %arg10[%dma_wait3A_164, %dma_wait3A_165] : memref<8x4096xf32, #tpu.memory_space<vmem>> -> memref<8x1024xf32, #tpu.memory_space<vmem>>
    tpu.wait_dma2 semaphore(%arg16 : memref<!tpu.dma_semaphore, #tpu.memory_space<semaphore_mem>>) src(%dma_wait3A_166 : memref<8x1024xf32, #tpu.memory_space<vmem>>) dst(%dma_wait3A_163 : memref<8x1024xf32, #tpu.memory_space<hbm>>)
    %dma_wait3A_167 = arith.constant 0 : i32
    %dma_wait3A_168 = arith.constant 0 : i32
    %dma_wait3A_169 = arith.constant 0 : i32
    %dma_wait3A_170 = tpu.memref_slice %arg10[%dma_wait3A_168, %dma_wait3A_169] : memref<8x4096xf32, #tpu.memory_space<vmem>> -> memref<8x1024xf32, #tpu.memory_space<vmem>>
    %dma_wait3A_171 = arith.constant 0 : i32
    %dma_wait3A_172 = arith.constant 0 : i32
    %dma_wait3A_173 = tpu.memref_slice %arg5[%dma_wait3A_171, %dma_wait3A_167, %dma_wait3A_172] : memref<200x128x1024xf32, #tpu.memory_space<hbm>> -> memref<8x1x1024xf32, #tpu.memory_space<hbm>>
    %dma_wait3A_174 = tpu.memref_squeeze %dma_wait3A_173 : memref<8x1x1024xf32, #tpu.memory_space<hbm>> -> memref<8x1024xf32, #tpu.memory_space<hbm>>
    %dma_wait3A_175 = arith.constant 0 : i32
    %dma_wait3A_176 = arith.constant 0 : i32
    %dma_wait3A_177 = tpu.memref_slice %arg5[%dma_wait3A_175, %dma_wait3A_167, %dma_wait3A_176] : memref<200x128x1024xf32, #tpu.memory_space<hbm>> -> memref<8x1x1024xf32, #tpu.memory_space<hbm>>
    %dma_wait3A_178 = tpu.memref_squeeze %dma_wait3A_177 : memref<8x1x1024xf32, #tpu.memory_space<hbm>> -> memref<8x1024xf32, #tpu.memory_space<hbm>>
    %dma_wait3A_179 = arith.constant 0 : i32
    %dma_wait3A_180 = arith.constant 0 : i32
    %dma_wait3A_181 = tpu.memref_slice %arg10[%dma_wait3A_179, %dma_wait3A_180] : memref<8x4096xf32, #tpu.memory_space<vmem>> -> memref<8x1024xf32, #tpu.memory_space<vmem>>
    tpu.wait_dma2 semaphore(%arg16 : memref<!tpu.dma_semaphore, #tpu.memory_space<semaphore_mem>>) src(%dma_wait3A_181 : memref<8x1024xf32, #tpu.memory_space<vmem>>) dst(%dma_wait3A_178 : memref<8x1024xf32, #tpu.memory_space<hbm>>)
    %broadcast_in_dim3A = arith.constant 0 : i32
    %broadcast_in_dim3A_182 = vector.broadcast %broadcast_in_dim3A : i32 to vector<16xi32>
    %scan3A_183 = arith.constant 0 : i32
    %scan3A_184 = arith.constant 8 : i32
    %scan3A_185 = arith.addi %scan3A_183, %scan3A_184 : i32
    %scan3A_186 = arith.constant 1 : i32
    scf.for %scan3A_312 = %scan3A_183 to %scan3A_185 step %scan3A_186  : i32 {
      %mul3A_313 = arith.constant 1 : i32
      %mul3A_314 = arith.muli %scan3A_312, %mul3A_313 : i32
      %add3A_315 = arith.constant 0 : i32
      %add3A_316 = arith.addi %add3A_315, %mul3A_314 : i32
      %add3A_317 = arith.constant 192 : i32
      %add3A_318 = arith.addi %add3A_317, %add3A_316 : i32
      %get3A = arith.index_cast %add3A_318 : i32 to index
      %get3A_319 = arith.constant 0 : index
      %get3A_320 = tpu.vector_load %arg11[%get3A, %get3A_319] {strides = array<i32>} : memref<200x32xf32, #tpu.memory_space<vmem>>, vector<16xf32>,
      %get3A_321 = arith.index_cast %add3A_318 : i32 to index
      %get3A_322 = arith.constant 16 : index
      %get3A_323 = tpu.vector_load %arg11[%get3A_321, %get3A_322] {strides = array<i32>} : memref<200x32xf32, #tpu.memory_space<vmem>>, vector<16xf32>,
      %mul3A_324 = arith.constant 4096 : i32
      %mul3A_325 = arith.muli %add3A_316, %mul3A_324 : i32
      %parallel_loop3A = arith.constant 0 : i32
      %parallel_loop3A_326 = arith.constant 16 : i32
      %parallel_loop3A_327 = arith.constant 1 : i32
      scf.for %parallel_loop3A_328 = %parallel_loop3A to %parallel_loop3A_326 step %parallel_loop3A_327  : i32 {
        %parallel_loop3A_329 = vector.broadcast %parallel_loop3A_328 : i32 to vector<16xi32>
        %parallel_loop3A_330 = arith.addi %iota3A, %parallel_loop3A_329 : vector<16xi32>
        %parallel_loop3A_331 = arith.constant 15 : i32
        %parallel_loop3A_332 = vector.broadcast %parallel_loop3A_331 : i32 to vector<16xi32>
        %parallel_loop3A_333 = arith.andi %parallel_loop3A_330, %parallel_loop3A_332 : vector<16xi32>
        %parallel_loop3A_334 = arith.constant 5 : i32
        %parallel_loop3A_335 = vector.broadcast %parallel_loop3A_334 : i32 to vector<16xi32>
        %parallel_loop3A_336 = arith.shli %parallel_loop3A_333, %parallel_loop3A_335 : vector<16xi32>
        %parallel_loop3A_337 = arith.constant 0 : i32
        %parallel_loop3A_338 = vector.broadcast %parallel_loop3A_337 : i32 to vector<16xi32>
        %parallel_loop3A_339 = arith.addi %iota3A, %parallel_loop3A_338 : vector<16xi32>
        %parallel_loop3A_340 = arith.addi %parallel_loop3A_336, %parallel_loop3A_339 : vector<16xi32>
        %parallel_loop3A_341 = arith.constant 128 : i32
        %parallel_loop3A_342 = vector.broadcast %parallel_loop3A_341 : i32 to vector<16xi32>
        %parallel_loop3A_343 = arith.muli %iota3A, %parallel_loop3A_342 : vector<16xi32>
        %parallel_loop3A_344 = arith.constant 0 : i32
        %parallel_loop3A_345 = vector.broadcast %parallel_loop3A_344 : i32 to vector<16xi32>
        %parallel_loop3A_346 = arith.addi %parallel_loop3A_343, %parallel_loop3A_345 : vector<16xi32>
        %parallel_loop3A_347 = arith.addi %parallel_loop3A_333, %parallel_loop3A_346 : vector<16xi32>
        %parallel_loop3A_348 = arith.constant 0 : i32
        %parallel_loop3A_349 = arith.addi %mul3A_325, %parallel_loop3A_348 : i32
        %parallel_loop3A_350 = vector.broadcast %parallel_loop3A_349 : i32 to vector<16xi32>
        %parallel_loop3A_351 = arith.addi %parallel_loop3A_340, %parallel_loop3A_350 : vector<16xi32>
        %parallel_loop3A_352 = tpu.vector_load_idx %arg8[%broadcast_in_dim3A_182, %parallel_loop3A_351] : memref<1024x32xf32, #tpu.memory_space<vmem>>[vector<16xi32>, vector<16xi32>], vector<16xf32>,
        %parallel_loop3A_353 = arith.constant 0 : i32
        %parallel_loop3A_354 = arith.addi %mul3A_325, %parallel_loop3A_353 : i32
        %parallel_loop3A_355 = vector.broadcast %parallel_loop3A_354 : i32 to vector<16xi32>
        %parallel_loop3A_356 = arith.addi %parallel_loop3A_347, %parallel_loop3A_355 : vector<16xi32>
        %parallel_loop3A_357 = arith.addf %parallel_loop3A_352, %get3A_320 : vector<16xf32>
        tpu.vector_store_idx %arg10[%broadcast_in_dim3A_182, %parallel_loop3A_356], %parallel_loop3A_357 : memref<8x4096xf32, #tpu.memory_space<vmem>>[vector<16xi32>, vector<16xi32>], vector<16xf32>,
        %parallel_loop3A_358 = arith.constant 512 : i32
        %parallel_loop3A_359 = arith.addi %mul3A_325, %parallel_loop3A_358 : i32
        %parallel_loop3A_360 = vector.broadcast %parallel_loop3A_359 : i32 to vector<16xi32>
        %parallel_loop3A_361 = arith.addi %parallel_loop3A_340, %parallel_loop3A_360 : vector<16xi32>
        %parallel_loop3A_362 = tpu.vector_load_idx %arg8[%broadcast_in_dim3A_182, %parallel_loop3A_361] : memref<1024x32xf32, #tpu.memory_space<vmem>>[vector<16xi32>, vector<16xi32>], vector<16xf32>,
        %parallel_loop3A_363 = arith.constant 16 : i32
        %parallel_loop3A_364 = arith.addi %mul3A_325, %parallel_loop3A_363 : i32
        %parallel_loop3A_365 = vector.broadcast %parallel_loop3A_364 : i32 to vector<16xi32>
        %parallel_loop3A_366 = arith.addi %parallel_loop3A_347, %parallel_loop3A_365 : vector<16xi32>
        %parallel_loop3A_367 = arith.addf %parallel_loop3A_362, %get3A_320 : vector<16xf32>
        tpu.vector_store_idx %arg10[%broadcast_in_dim3A_182, %parallel_loop3A_366], %parallel_loop3A_367 : memref<8x4096xf32, #tpu.memory_space<vmem>>[vector<16xi32>, vector<16xi32>], vector<16xf32>,
        %parallel_loop3A_368 = arith.constant 1024 : i32
        %parallel_loop3A_369 = arith.addi %mul3A_325, %parallel_loop3A_368 : i32
        %parallel_loop3A_370 = vector.broadcast %parallel_loop3A_369 : i32 to vector<16xi32>
        %parallel_loop3A_371 = arith.addi %parallel_loop3A_340, %parallel_loop3A_370 : vector<16xi32>
        %parallel_loop3A_372 = tpu.vector_load_idx %arg8[%broadcast_in_dim3A_182, %parallel_loop3A_371] : memref<1024x32xf32, #tpu.memory_space<vmem>>[vector<16xi32>, vector<16xi32>], vector<16xf32>,
        %parallel_loop3A_373 = arith.constant 32 : i32
        %parallel_loop3A_374 = arith.addi %mul3A_325, %parallel_loop3A_373 : i32
        %parallel_loop3A_375 = vector.broadcast %parallel_loop3A_374 : i32 to vector<16xi32>
        %parallel_loop3A_376 = arith.addi %parallel_loop3A_347, %parallel_loop3A_375 : vector<16xi32>
        %parallel_loop3A_377 = arith.addf %parallel_loop3A_372, %get3A_320 : vector<16xf32>
        tpu.vector_store_idx %arg10[%broadcast_in_dim3A_182, %parallel_loop3A_376], %parallel_loop3A_377 : memref<8x4096xf32, #tpu.memory_space<vmem>>[vector<16xi32>, vector<16xi32>], vector<16xf32>,
        %parallel_loop3A_378 = arith.constant 1536 : i32
        %parallel_loop3A_379 = arith.addi %mul3A_325, %parallel_loop3A_378 : i32
        %parallel_loop3A_380 = vector.broadcast %parallel_loop3A_379 : i32 to vector<16xi32>
        %parallel_loop3A_381 = arith.addi %parallel_loop3A_340, %parallel_loop3A_380 : vector<16xi32>
        %parallel_loop3A_382 = tpu.vector_load_idx %arg8[%broadcast_in_dim3A_182, %parallel_loop3A_381] : memref<1024x32xf32, #tpu.memory_space<vmem>>[vector<16xi32>, vector<16xi32>], vector<16xf32>,
        %parallel_loop3A_383 = arith.constant 48 : i32
        %parallel_loop3A_384 = arith.addi %mul3A_325, %parallel_loop3A_383 : i32
        %parallel_loop3A_385 = vector.broadcast %parallel_loop3A_384 : i32 to vector<16xi32>
        %parallel_loop3A_386 = arith.addi %parallel_loop3A_347, %parallel_loop3A_385 : vector<16xi32>
        %parallel_loop3A_387 = arith.addf %parallel_loop3A_382, %get3A_320 : vector<16xf32>
        tpu.vector_store_idx %arg10[%broadcast_in_dim3A_182, %parallel_loop3A_386], %parallel_loop3A_387 : memref<8x4096xf32, #tpu.memory_space<vmem>>[vector<16xi32>, vector<16xi32>], vector<16xf32>,
        %parallel_loop3A_388 = arith.constant 2048 : i32
        %parallel_loop3A_389 = arith.addi %mul3A_325, %parallel_loop3A_388 : i32
        %parallel_loop3A_390 = vector.broadcast %parallel_loop3A_389 : i32 to vector<16xi32>
        %parallel_loop3A_391 = arith.addi %parallel_loop3A_340, %parallel_loop3A_390 : vector<16xi32>
        %parallel_loop3A_392 = tpu.vector_load_idx %arg8[%broadcast_in_dim3A_182, %parallel_loop3A_391] : memref<1024x32xf32, #tpu.memory_space<vmem>>[vector<16xi32>, vector<16xi32>], vector<16xf32>,
        %parallel_loop3A_393 = arith.constant 64 : i32
        %parallel_loop3A_394 = arith.addi %mul3A_325, %parallel_loop3A_393 : i32
        %parallel_loop3A_395 = vector.broadcast %parallel_loop3A_394 : i32 to vector<16xi32>
        %parallel_loop3A_396 = arith.addi %parallel_loop3A_347, %parallel_loop3A_395 : vector<16xi32>
        %parallel_loop3A_397 = arith.addf %parallel_loop3A_392, %get3A_320 : vector<16xf32>
        tpu.vector_store_idx %arg10[%broadcast_in_dim3A_182, %parallel_loop3A_396], %parallel_loop3A_397 : memref<8x4096xf32, #tpu.memory_space<vmem>>[vector<16xi32>, vector<16xi32>], vector<16xf32>,
        %parallel_loop3A_398 = arith.constant 2560 : i32
        %parallel_loop3A_399 = arith.addi %mul3A_325, %parallel_loop3A_398 : i32
        %parallel_loop3A_400 = vector.broadcast %parallel_loop3A_399 : i32 to vector<16xi32>
        %parallel_loop3A_401 = arith.addi %parallel_loop3A_340, %parallel_loop3A_400 : vector<16xi32>
        %parallel_loop3A_402 = tpu.vector_load_idx %arg8[%broadcast_in_dim3A_182, %parallel_loop3A_401] : memref<1024x32xf32, #tpu.memory_space<vmem>>[vector<16xi32>, vector<16xi32>], vector<16xf32>,
        %parallel_loop3A_403 = arith.constant 80 : i32
        %parallel_loop3A_404 = arith.addi %mul3A_325, %parallel_loop3A_403 : i32
        %parallel_loop3A_405 = vector.broadcast %parallel_loop3A_404 : i32 to vector<16xi32>
        %parallel_loop3A_406 = arith.addi %parallel_loop3A_347, %parallel_loop3A_405 : vector<16xi32>
        %parallel_loop3A_407 = arith.addf %parallel_loop3A_402, %get3A_320 : vector<16xf32>
        tpu.vector_store_idx %arg10[%broadcast_in_dim3A_182, %parallel_loop3A_406], %parallel_loop3A_407 : memref<8x4096xf32, #tpu.memory_space<vmem>>[vector<16xi32>, vector<16xi32>], vector<16xf32>,
        %parallel_loop3A_408 = arith.constant 3072 : i32
        %parallel_loop3A_409 = arith.addi %mul3A_325, %parallel_loop3A_408 : i32
        %parallel_loop3A_410 = vector.broadcast %parallel_loop3A_409 : i32 to vector<16xi32>
        %parallel_loop3A_411 = arith.addi %parallel_loop3A_340, %parallel_loop3A_410 : vector<16xi32>
        %parallel_loop3A_412 = tpu.vector_load_idx %arg8[%broadcast_in_dim3A_182, %parallel_loop3A_411] : memref<1024x32xf32, #tpu.memory_space<vmem>>[vector<16xi32>, vector<16xi32>], vector<16xf32>,
        %parallel_loop3A_413 = arith.constant 96 : i32
        %parallel_loop3A_414 = arith.addi %mul3A_325, %parallel_loop3A_413 : i32
        %parallel_loop3A_415 = vector.broadcast %parallel_loop3A_414 : i32 to vector<16xi32>
        %parallel_loop3A_416 = arith.addi %parallel_loop3A_347, %parallel_loop3A_415 : vector<16xi32>
        %parallel_loop3A_417 = arith.addf %parallel_loop3A_412, %get3A_320 : vector<16xf32>
        tpu.vector_store_idx %arg10[%broadcast_in_dim3A_182, %parallel_loop3A_416], %parallel_loop3A_417 : memref<8x4096xf32, #tpu.memory_space<vmem>>[vector<16xi32>, vector<16xi32>], vector<16xf32>,
        %parallel_loop3A_418 = arith.constant 3584 : i32
        %parallel_loop3A_419 = arith.addi %mul3A_325, %parallel_loop3A_418 : i32
        %parallel_loop3A_420 = vector.broadcast %parallel_loop3A_419 : i32 to vector<16xi32>
        %parallel_loop3A_421 = arith.addi %parallel_loop3A_340, %parallel_loop3A_420 : vector<16xi32>
        %parallel_loop3A_422 = tpu.vector_load_idx %arg8[%broadcast_in_dim3A_182, %parallel_loop3A_421] : memref<1024x32xf32, #tpu.memory_space<vmem>>[vector<16xi32>, vector<16xi32>], vector<16xf32>,
        %parallel_loop3A_423 = arith.constant 112 : i32
        %parallel_loop3A_424 = arith.addi %mul3A_325, %parallel_loop3A_423 : i32
        %parallel_loop3A_425 = vector.broadcast %parallel_loop3A_424 : i32 to vector<16xi32>
        %parallel_loop3A_426 = arith.addi %parallel_loop3A_347, %parallel_loop3A_425 : vector<16xi32>
        %parallel_loop3A_427 = arith.addf %parallel_loop3A_422, %get3A_320 : vector<16xf32>
        tpu.vector_store_idx %arg10[%broadcast_in_dim3A_182, %parallel_loop3A_426], %parallel_loop3A_427 : memref<8x4096xf32, #tpu.memory_space<vmem>>[vector<16xi32>, vector<16xi32>], vector<16xf32>,
        %parallel_loop3A_428 = arith.constant 16 : i32
        %parallel_loop3A_429 = vector.broadcast %parallel_loop3A_428 : i32 to vector<16xi32>
        %parallel_loop3A_430 = arith.addi %iota3A, %parallel_loop3A_429 : vector<16xi32>
        %parallel_loop3A_431 = arith.addi %parallel_loop3A_336, %parallel_loop3A_430 : vector<16xi32>
        %parallel_loop3A_432 = arith.constant 128 : i32
        %parallel_loop3A_433 = vector.broadcast %parallel_loop3A_432 : i32 to vector<16xi32>
        %parallel_loop3A_434 = arith.muli %iota3A, %parallel_loop3A_433 : vector<16xi32>
        %parallel_loop3A_435 = arith.constant 2048 : i32
        %parallel_loop3A_436 = vector.broadcast %parallel_loop3A_435 : i32 to vector<16xi32>
        %parallel_loop3A_437 = arith.addi %parallel_loop3A_434, %parallel_loop3A_436 : vector<16xi32>
        %parallel_loop3A_438 = arith.addi %parallel_loop3A_333, %parallel_loop3A_437 : vector<16xi32>
        %parallel_loop3A_439 = arith.constant 0 : i32
        %parallel_loop3A_440 = arith.addi %mul3A_325, %parallel_loop3A_439 : i32
        %parallel_loop3A_441 = vector.broadcast %parallel_loop3A_440 : i32 to vector<16xi32>
        %parallel_loop3A_442 = arith.addi %parallel_loop3A_431, %parallel_loop3A_441 : vector<16xi32>
        %parallel_loop3A_443 = tpu.vector_load_idx %arg8[%broadcast_in_dim3A_182, %parallel_loop3A_442] : memref<1024x32xf32, #tpu.memory_space<vmem>>[vector<16xi32>, vector<16xi32>], vector<16xf32>,
        %parallel_loop3A_444 = arith.constant 0 : i32
        %parallel_loop3A_445 = arith.addi %mul3A_325, %parallel_loop3A_444 : i32
        %parallel_loop3A_446 = vector.broadcast %parallel_loop3A_445 : i32 to vector<16xi32>
        %parallel_loop3A_447 = arith.addi %parallel_loop3A_438, %parallel_loop3A_446 : vector<16xi32>
        %parallel_loop3A_448 = arith.addf %parallel_loop3A_443, %get3A_323 : vector<16xf32>
        tpu.vector_store_idx %arg10[%broadcast_in_dim3A_182, %parallel_loop3A_447], %parallel_loop3A_448 : memref<8x4096xf32, #tpu.memory_space<vmem>>[vector<16xi32>, vector<16xi32>], vector<16xf32>,
        %parallel_loop3A_449 = arith.constant 512 : i32
        %parallel_loop3A_450 = arith.addi %mul3A_325, %parallel_loop3A_449 : i32
        %parallel_loop3A_451 = vector.broadcast %parallel_loop3A_450 : i32 to vector<16xi32>
        %parallel_loop3A_452 = arith.addi %parallel_loop3A_431, %parallel_loop3A_451 : vector<16xi32>
        %parallel_loop3A_453 = tpu.vector_load_idx %arg8[%broadcast_in_dim3A_182, %parallel_loop3A_452] : memref<1024x32xf32, #tpu.memory_space<vmem>>[vector<16xi32>, vector<16xi32>], vector<16xf32>,
        %parallel_loop3A_454 = arith.constant 16 : i32
        %parallel_loop3A_455 = arith.addi %mul3A_325, %parallel_loop3A_454 : i32
        %parallel_loop3A_456 = vector.broadcast %parallel_loop3A_455 : i32 to vector<16xi32>
        %parallel_loop3A_457 = arith.addi %parallel_loop3A_438, %parallel_loop3A_456 : vector<16xi32>
        %parallel_loop3A_458 = arith.addf %parallel_loop3A_453, %get3A_323 : vector<16xf32>
        tpu.vector_store_idx %arg10[%broadcast_in_dim3A_182, %parallel_loop3A_457], %parallel_loop3A_458 : memref<8x4096xf32, #tpu.memory_space<vmem>>[vector<16xi32>, vector<16xi32>], vector<16xf32>,
        %parallel_loop3A_459 = arith.constant 1024 : i32
        %parallel_loop3A_460 = arith.addi %mul3A_325, %parallel_loop3A_459 : i32
        %parallel_loop3A_461 = vector.broadcast %parallel_loop3A_460 : i32 to vector<16xi32>
        %parallel_loop3A_462 = arith.addi %parallel_loop3A_431, %parallel_loop3A_461 : vector<16xi32>
        %parallel_loop3A_463 = tpu.vector_load_idx %arg8[%broadcast_in_dim3A_182, %parallel_loop3A_462] : memref<1024x32xf32, #tpu.memory_space<vmem>>[vector<16xi32>, vector<16xi32>], vector<16xf32>,
        %parallel_loop3A_464 = arith.constant 32 : i32
        %parallel_loop3A_465 = arith.addi %mul3A_325, %parallel_loop3A_464 : i32
        %parallel_loop3A_466 = vector.broadcast %parallel_loop3A_465 : i32 to vector<16xi32>
        %parallel_loop3A_467 = arith.addi %parallel_loop3A_438, %parallel_loop3A_466 : vector<16xi32>
        %parallel_loop3A_468 = arith.addf %parallel_loop3A_463, %get3A_323 : vector<16xf32>
        tpu.vector_store_idx %arg10[%broadcast_in_dim3A_182, %parallel_loop3A_467], %parallel_loop3A_468 : memref<8x4096xf32, #tpu.memory_space<vmem>>[vector<16xi32>, vector<16xi32>], vector<16xf32>,
        %parallel_loop3A_469 = arith.constant 1536 : i32
        %parallel_loop3A_470 = arith.addi %mul3A_325, %parallel_loop3A_469 : i32
        %parallel_loop3A_471 = vector.broadcast %parallel_loop3A_470 : i32 to vector<16xi32>
        %parallel_loop3A_472 = arith.addi %parallel_loop3A_431, %parallel_loop3A_471 : vector<16xi32>
        %parallel_loop3A_473 = tpu.vector_load_idx %arg8[%broadcast_in_dim3A_182, %parallel_loop3A_472] : memref<1024x32xf32, #tpu.memory_space<vmem>>[vector<16xi32>, vector<16xi32>], vector<16xf32>,
        %parallel_loop3A_474 = arith.constant 48 : i32
        %parallel_loop3A_475 = arith.addi %mul3A_325, %parallel_loop3A_474 : i32
        %parallel_loop3A_476 = vector.broadcast %parallel_loop3A_475 : i32 to vector<16xi32>
        %parallel_loop3A_477 = arith.addi %parallel_loop3A_438, %parallel_loop3A_476 : vector<16xi32>
        %parallel_loop3A_478 = arith.addf %parallel_loop3A_473, %get3A_323 : vector<16xf32>
        tpu.vector_store_idx %arg10[%broadcast_in_dim3A_182, %parallel_loop3A_477], %parallel_loop3A_478 : memref<8x4096xf32, #tpu.memory_space<vmem>>[vector<16xi32>, vector<16xi32>], vector<16xf32>,
        %parallel_loop3A_479 = arith.constant 2048 : i32
        %parallel_loop3A_480 = arith.addi %mul3A_325, %parallel_loop3A_479 : i32
        %parallel_loop3A_481 = vector.broadcast %parallel_loop3A_480 : i32 to vector<16xi32>
        %parallel_loop3A_482 = arith.addi %parallel_loop3A_431, %parallel_loop3A_481 : vector<16xi32>
        %parallel_loop3A_483 = tpu.vector_load_idx %arg8[%broadcast_in_dim3A_182, %parallel_loop3A_482] : memref<1024x32xf32, #tpu.memory_space<vmem>>[vector<16xi32>, vector<16xi32>], vector<16xf32>,
        %parallel_loop3A_484 = arith.constant 64 : i32
        %parallel_loop3A_485 = arith.addi %mul3A_325, %parallel_loop3A_484 : i32
        %parallel_loop3A_486 = vector.broadcast %parallel_loop3A_485 : i32 to vector<16xi32>
        %parallel_loop3A_487 = arith.addi %parallel_loop3A_438, %parallel_loop3A_486 : vector<16xi32>
        %parallel_loop3A_488 = arith.addf %parallel_loop3A_483, %get3A_323 : vector<16xf32>
        tpu.vector_store_idx %arg10[%broadcast_in_dim3A_182, %parallel_loop3A_487], %parallel_loop3A_488 : memref<8x4096xf32, #tpu.memory_space<vmem>>[vector<16xi32>, vector<16xi32>], vector<16xf32>,
        %parallel_loop3A_489 = arith.constant 2560 : i32
        %parallel_loop3A_490 = arith.addi %mul3A_325, %parallel_loop3A_489 : i32
        %parallel_loop3A_491 = vector.broadcast %parallel_loop3A_490 : i32 to vector<16xi32>
        %parallel_loop3A_492 = arith.addi %parallel_loop3A_431, %parallel_loop3A_491 : vector<16xi32>
        %parallel_loop3A_493 = tpu.vector_load_idx %arg8[%broadcast_in_dim3A_182, %parallel_loop3A_492] : memref<1024x32xf32, #tpu.memory_space<vmem>>[vector<16xi32>, vector<16xi32>], vector<16xf32>,
        %parallel_loop3A_494 = arith.constant 80 : i32
        %parallel_loop3A_495 = arith.addi %mul3A_325, %parallel_loop3A_494 : i32
        %parallel_loop3A_496 = vector.broadcast %parallel_loop3A_495 : i32 to vector<16xi32>
        %parallel_loop3A_497 = arith.addi %parallel_loop3A_438, %parallel_loop3A_496 : vector<16xi32>
        %parallel_loop3A_498 = arith.addf %parallel_loop3A_493, %get3A_323 : vector<16xf32>
        tpu.vector_store_idx %arg10[%broadcast_in_dim3A_182, %parallel_loop3A_497], %parallel_loop3A_498 : memref<8x4096xf32, #tpu.memory_space<vmem>>[vector<16xi32>, vector<16xi32>], vector<16xf32>,
        %parallel_loop3A_499 = arith.constant 3072 : i32
        %parallel_loop3A_500 = arith.addi %mul3A_325, %parallel_loop3A_499 : i32
        %parallel_loop3A_501 = vector.broadcast %parallel_loop3A_500 : i32 to vector<16xi32>
        %parallel_loop3A_502 = arith.addi %parallel_loop3A_431, %parallel_loop3A_501 : vector<16xi32>
        %parallel_loop3A_503 = tpu.vector_load_idx %arg8[%broadcast_in_dim3A_182, %parallel_loop3A_502] : memref<1024x32xf32, #tpu.memory_space<vmem>>[vector<16xi32>, vector<16xi32>], vector<16xf32>,
        %parallel_loop3A_504 = arith.constant 96 : i32
        %parallel_loop3A_505 = arith.addi %mul3A_325, %parallel_loop3A_504 : i32
        %parallel_loop3A_506 = vector.broadcast %parallel_loop3A_505 : i32 to vector<16xi32>
        %parallel_loop3A_507 = arith.addi %parallel_loop3A_438, %parallel_loop3A_506 : vector<16xi32>
        %parallel_loop3A_508 = arith.addf %parallel_loop3A_503, %get3A_323 : vector<16xf32>
        tpu.vector_store_idx %arg10[%broadcast_in_dim3A_182, %parallel_loop3A_507], %parallel_loop3A_508 : memref<8x4096xf32, #tpu.memory_space<vmem>>[vector<16xi32>, vector<16xi32>], vector<16xf32>,
        %parallel_loop3A_509 = arith.constant 3584 : i32
        %parallel_loop3A_510 = arith.addi %mul3A_325, %parallel_loop3A_509 : i32
        %parallel_loop3A_511 = vector.broadcast %parallel_loop3A_510 : i32 to vector<16xi32>
        %parallel_loop3A_512 = arith.addi %parallel_loop3A_431, %parallel_loop3A_511 : vector<16xi32>
        %parallel_loop3A_513 = tpu.vector_load_idx %arg8[%broadcast_in_dim3A_182, %parallel_loop3A_512] : memref<1024x32xf32, #tpu.memory_space<vmem>>[vector<16xi32>, vector<16xi32>], vector<16xf32>,
        %parallel_loop3A_514 = arith.constant 112 : i32
        %parallel_loop3A_515 = arith.addi %mul3A_325, %parallel_loop3A_514 : i32
        %parallel_loop3A_516 = vector.broadcast %parallel_loop3A_515 : i32 to vector<16xi32>
        %parallel_loop3A_517 = arith.addi %parallel_loop3A_438, %parallel_loop3A_516 : vector<16xi32>
        %parallel_loop3A_518 = arith.addf %parallel_loop3A_513, %get3A_323 : vector<16xf32>
        tpu.vector_store_idx %arg10[%broadcast_in_dim3A_182, %parallel_loop3A_517], %parallel_loop3A_518 : memref<8x4096xf32, #tpu.memory_space<vmem>>[vector<16xi32>, vector<16xi32>], vector<16xf32>,
      } {sc.loop_unroll_factor = 2 : i64, sc.parallel_access}
    }
    %scan3A_187 = arith.constant 8 : i32
    %add3A_188 = arith.constant 0 : i32
    %add3A_189 = arith.addi %add3A_188, %add3A : i32
    %dma_start3A_190 = arith.constant 0 : i32
    %dma_start3A_191 = arith.constant 0 : i32
    %dma_start3A_192 = tpu.memref_slice %arg10[%dma_start3A_190, %dma_start3A_191] : memref<8x4096xf32, #tpu.memory_space<vmem>> -> memref<8x1024xf32, #tpu.memory_space<vmem>>
    %dma_start3A_193 = arith.constant 192 : i32
    %dma_start3A_194 = arith.constant 0 : i32
    %dma_start3A_195 = tpu.memref_slice %arg5[%dma_start3A_193, %add3A_189, %dma_start3A_194] : memref<200x128x1024xf32, #tpu.memory_space<hbm>> -> memref<8x1x1024xf32, #tpu.memory_space<hbm>>
    %dma_start3A_196 = tpu.memref_squeeze %dma_start3A_195 : memref<8x1x1024xf32, #tpu.memory_space<hbm>> -> memref<8x1024xf32, #tpu.memory_space<hbm>>
    %dma_start3A_197 = arith.constant 192 : i32
    %dma_start3A_198 = arith.constant 0 : i32
    %dma_start3A_199 = tpu.memref_slice %arg5[%dma_start3A_197, %add3A_189, %dma_start3A_198] : memref<200x128x1024xf32, #tpu.memory_space<hbm>> -> memref<8x1x1024xf32, #tpu.memory_space<hbm>>
    %dma_start3A_200 = tpu.memref_squeeze %dma_start3A_199 : memref<8x1x1024xf32, #tpu.memory_space<hbm>> -> memref<8x1024xf32, #tpu.memory_space<hbm>>
    %dma_start3A_201 = arith.constant 0 : i32
    %dma_start3A_202 = arith.constant 0 : i32
    %dma_start3A_203 = tpu.memref_slice %arg10[%dma_start3A_201, %dma_start3A_202] : memref<8x4096xf32, #tpu.memory_space<vmem>> -> memref<8x1024xf32, #tpu.memory_space<vmem>>
    tpu.enqueue_dma source(%dma_start3A_203 : memref<8x1024xf32, #tpu.memory_space<vmem>>) target(%dma_start3A_200 : memref<8x1024xf32, #tpu.memory_space<hbm>>) target_semaphore(%arg16 : memref<!tpu.dma_semaphore, #tpu.memory_space<semaphore_mem>>)
    %add3A_204 = arith.constant 32 : i32
    %add3A_205 = arith.addi %add3A_204, %add3A : i32
    %dma_start3A_206 = arith.constant 0 : i32
    %dma_start3A_207 = arith.constant 1024 : i32
    %dma_start3A_208 = tpu.memref_slice %arg10[%dma_start3A_206, %dma_start3A_207] : memref<8x4096xf32, #tpu.memory_space<vmem>> -> memref<8x1024xf32, #tpu.memory_space<vmem>>
    %dma_start3A_209 = arith.constant 192 : i32
    %dma_start3A_210 = arith.constant 0 : i32
    %dma_start3A_211 = tpu.memref_slice %arg5[%dma_start3A_209, %add3A_205, %dma_start3A_210] : memref<200x128x1024xf32, #tpu.memory_space<hbm>> -> memref<8x1x1024xf32, #tpu.memory_space<hbm>>
    %dma_start3A_212 = tpu.memref_squeeze %dma_start3A_211 : memref<8x1x1024xf32, #tpu.memory_space<hbm>> -> memref<8x1024xf32, #tpu.memory_space<hbm>>
    %dma_start3A_213 = arith.constant 192 : i32
    %dma_start3A_214 = arith.constant 0 : i32
    %dma_start3A_215 = tpu.memref_slice %arg5[%dma_start3A_213, %add3A_205, %dma_start3A_214] : memref<200x128x1024xf32, #tpu.memory_space<hbm>> -> memref<8x1x1024xf32, #tpu.memory_space<hbm>>
    %dma_start3A_216 = tpu.memref_squeeze %dma_start3A_215 : memref<8x1x1024xf32, #tpu.memory_space<hbm>> -> memref<8x1024xf32, #tpu.memory_space<hbm>>
    %dma_start3A_217 = arith.constant 0 : i32
    %dma_start3A_218 = arith.constant 1024 : i32
    %dma_start3A_219 = tpu.memref_slice %arg10[%dma_start3A_217, %dma_start3A_218] : memref<8x4096xf32, #tpu.memory_space<vmem>> -> memref<8x1024xf32, #tpu.memory_space<vmem>>
    tpu.enqueue_dma source(%dma_start3A_219 : memref<8x1024xf32, #tpu.memory_space<vmem>>) target(%dma_start3A_216 : memref<8x1024xf32, #tpu.memory_space<hbm>>) target_semaphore(%arg16 : memref<!tpu.dma_semaphore, #tpu.memory_space<semaphore_mem>>)
    %add3A_220 = arith.constant 64 : i32
    %add3A_221 = arith.addi %add3A_220, %add3A : i32
    %dma_start3A_222 = arith.constant 0 : i32
    %dma_start3A_223 = arith.constant 2048 : i32
    %dma_start3A_224 = tpu.memref_slice %arg10[%dma_start3A_222, %dma_start3A_223] : memref<8x4096xf32, #tpu.memory_space<vmem>> -> memref<8x1024xf32, #tpu.memory_space<vmem>>
    %dma_start3A_225 = arith.constant 192 : i32
    %dma_start3A_226 = arith.constant 0 : i32
    %dma_start3A_227 = tpu.memref_slice %arg5[%dma_start3A_225, %add3A_221, %dma_start3A_226] : memref<200x128x1024xf32, #tpu.memory_space<hbm>> -> memref<8x1x1024xf32, #tpu.memory_space<hbm>>
    %dma_start3A_228 = tpu.memref_squeeze %dma_start3A_227 : memref<8x1x1024xf32, #tpu.memory_space<hbm>> -> memref<8x1024xf32, #tpu.memory_space<hbm>>
    %dma_start3A_229 = arith.constant 192 : i32
    %dma_start3A_230 = arith.constant 0 : i32
    %dma_start3A_231 = tpu.memref_slice %arg5[%dma_start3A_229, %add3A_221, %dma_start3A_230] : memref<200x128x1024xf32, #tpu.memory_space<hbm>> -> memref<8x1x1024xf32, #tpu.memory_space<hbm>>
    %dma_start3A_232 = tpu.memref_squeeze %dma_start3A_231 : memref<8x1x1024xf32, #tpu.memory_space<hbm>> -> memref<8x1024xf32, #tpu.memory_space<hbm>>
    %dma_start3A_233 = arith.constant 0 : i32
    %dma_start3A_234 = arith.constant 2048 : i32
    %dma_start3A_235 = tpu.memref_slice %arg10[%dma_start3A_233, %dma_start3A_234] : memref<8x4096xf32, #tpu.memory_space<vmem>> -> memref<8x1024xf32, #tpu.memory_space<vmem>>
    tpu.enqueue_dma source(%dma_start3A_235 : memref<8x1024xf32, #tpu.memory_space<vmem>>) target(%dma_start3A_232 : memref<8x1024xf32, #tpu.memory_space<hbm>>) target_semaphore(%arg16 : memref<!tpu.dma_semaphore, #tpu.memory_space<semaphore_mem>>)
    %add3A_236 = arith.constant 96 : i32
    %add3A_237 = arith.addi %add3A_236, %add3A : i32
    %dma_start3A_238 = arith.constant 0 : i32
    %dma_start3A_239 = arith.constant 3072 : i32
    %dma_start3A_240 = tpu.memref_slice %arg10[%dma_start3A_238, %dma_start3A_239] : memref<8x4096xf32, #tpu.memory_space<vmem>> -> memref<8x1024xf32, #tpu.memory_space<vmem>>
    %dma_start3A_241 = arith.constant 192 : i32
    %dma_start3A_242 = arith.constant 0 : i32
    %dma_start3A_243 = tpu.memref_slice %arg5[%dma_start3A_241, %add3A_237, %dma_start3A_242] : memref<200x128x1024xf32, #tpu.memory_space<hbm>> -> memref<8x1x1024xf32, #tpu.memory_space<hbm>>
    %dma_start3A_244 = tpu.memref_squeeze %dma_start3A_243 : memref<8x1x1024xf32, #tpu.memory_space<hbm>> -> memref<8x1024xf32, #tpu.memory_space<hbm>>
    %dma_start3A_245 = arith.constant 192 : i32
    %dma_start3A_246 = arith.constant 0 : i32
    %dma_start3A_247 = tpu.memref_slice %arg5[%dma_start3A_245, %add3A_237, %dma_start3A_246] : memref<200x128x1024xf32, #tpu.memory_space<hbm>> -> memref<8x1x1024xf32, #tpu.memory_space<hbm>>
    %dma_start3A_248 = tpu.memref_squeeze %dma_start3A_247 : memref<8x1x1024xf32, #tpu.memory_space<hbm>> -> memref<8x1024xf32, #tpu.memory_space<hbm>>
    %dma_start3A_249 = arith.constant 0 : i32
    %dma_start3A_250 = arith.constant 3072 : i32
    %dma_start3A_251 = tpu.memref_slice %arg10[%dma_start3A_249, %dma_start3A_250] : memref<8x4096xf32, #tpu.memory_space<vmem>> -> memref<8x1024xf32, #tpu.memory_space<vmem>>
    tpu.enqueue_dma source(%dma_start3A_251 : memref<8x1024xf32, #tpu.memory_space<vmem>>) target(%dma_start3A_248 : memref<8x1024xf32, #tpu.memory_space<hbm>>) target_semaphore(%arg16 : memref<!tpu.dma_semaphore, #tpu.memory_space<semaphore_mem>>)
    %dma_wait3A_252 = arith.constant 0 : i32
    %dma_wait3A_253 = arith.constant 0 : i32
    %dma_wait3A_254 = arith.constant 0 : i32
    %dma_wait3A_255 = tpu.memref_slice %arg10[%dma_wait3A_253, %dma_wait3A_254] : memref<8x4096xf32, #tpu.memory_space<vmem>> -> memref<8x1024xf32, #tpu.memory_space<vmem>>
    %dma_wait3A_256 = arith.constant 0 : i32
    %dma_wait3A_257 = arith.constant 0 : i32
    %dma_wait3A_258 = tpu.memref_slice %arg5[%dma_wait3A_256, %dma_wait3A_252, %dma_wait3A_257] : memref<200x128x1024xf32, #tpu.memory_space<hbm>> -> memref<8x1x1024xf32, #tpu.memory_space<hbm>>
    %dma_wait3A_259 = tpu.memref_squeeze %dma_wait3A_258 : memref<8x1x1024xf32, #tpu.memory_space<hbm>> -> memref<8x1024xf32, #tpu.memory_space<hbm>>
    %dma_wait3A_260 = arith.constant 0 : i32
    %dma_wait3A_261 = arith.constant 0 : i32
    %dma_wait3A_262 = tpu.memref_slice %arg5[%dma_wait3A_260, %dma_wait3A_252, %dma_wait3A_261] : memref<200x128x1024xf32, #tpu.memory_space<hbm>> -> memref<8x1x1024xf32, #tpu.memory_space<hbm>>
    %dma_wait3A_263 = tpu.memref_squeeze %dma_wait3A_262 : memref<8x1x1024xf32, #tpu.memory_space<hbm>> -> memref<8x1024xf32, #tpu.memory_space<hbm>>
    %dma_wait3A_264 = arith.constant 0 : i32
    %dma_wait3A_265 = arith.constant 0 : i32
    %dma_wait3A_266 = tpu.memref_slice %arg10[%dma_wait3A_264, %dma_wait3A_265] : memref<8x4096xf32, #tpu.memory_space<vmem>> -> memref<8x1024xf32, #tpu.memory_space<vmem>>
    tpu.wait_dma2 semaphore(%arg16 : memref<!tpu.dma_semaphore, #tpu.memory_space<semaphore_mem>>) src(%dma_wait3A_266 : memref<8x1024xf32, #tpu.memory_space<vmem>>) dst(%dma_wait3A_263 : memref<8x1024xf32, #tpu.memory_space<hbm>>)
    %dma_wait3A_267 = arith.constant 0 : i32
    %dma_wait3A_268 = arith.constant 0 : i32
    %dma_wait3A_269 = arith.constant 0 : i32
    %dma_wait3A_270 = tpu.memref_slice %arg10[%dma_wait3A_268, %dma_wait3A_269] : memref<8x4096xf32, #tpu.memory_space<vmem>> -> memref<8x1024xf32, #tpu.memory_space<vmem>>
    %dma_wait3A_271 = arith.constant 0 : i32
    %dma_wait3A_272 = arith.constant 0 : i32
    %dma_wait3A_273 = tpu.memref_slice %arg5[%dma_wait3A_271, %dma_wait3A_267, %dma_wait3A_272] : memref<200x128x1024xf32, #tpu.memory_space<hbm>> -> memref<8x1x1024xf32, #tpu.memory_space<hbm>>
    %dma_wait3A_274 = tpu.memref_squeeze %dma_wait3A_273 : memref<8x1x1024xf32, #tpu.memory_space<hbm>> -> memref<8x1024xf32, #tpu.memory_space<hbm>>
    %dma_wait3A_275 = arith.constant 0 : i32
    %dma_wait3A_276 = arith.constant 0 : i32
    %dma_wait3A_277 = tpu.memref_slice %arg5[%dma_wait3A_275, %dma_wait3A_267, %dma_wait3A_276] : memref<200x128x1024xf32, #tpu.memory_space<hbm>> -> memref<8x1x1024xf32, #tpu.memory_space<hbm>>
    %dma_wait3A_278 = tpu.memref_squeeze %dma_wait3A_277 : memref<8x1x1024xf32, #tpu.memory_space<hbm>> -> memref<8x1024xf32, #tpu.memory_space<hbm>>
    %dma_wait3A_279 = arith.constant 0 : i32
    %dma_wait3A_280 = arith.constant 0 : i32
    %dma_wait3A_281 = tpu.memref_slice %arg10[%dma_wait3A_279, %dma_wait3A_280] : memref<8x4096xf32, #tpu.memory_space<vmem>> -> memref<8x1024xf32, #tpu.memory_space<vmem>>
    tpu.wait_dma2 semaphore(%arg16 : memref<!tpu.dma_semaphore, #tpu.memory_space<semaphore_mem>>) src(%dma_wait3A_281 : memref<8x1024xf32, #tpu.memory_space<vmem>>) dst(%dma_wait3A_278 : memref<8x1024xf32, #tpu.memory_space<hbm>>)
    %dma_wait3A_282 = arith.constant 0 : i32
    %dma_wait3A_283 = arith.constant 0 : i32
    %dma_wait3A_284 = arith.constant 0 : i32
    %dma_wait3A_285 = tpu.memref_slice %arg10[%dma_wait3A_283, %dma_wait3A_284] : memref<8x4096xf32, #tpu.memory_space<vmem>> -> memref<8x1024xf32, #tpu.memory_space<vmem>>
    %dma_wait3A_286 = arith.constant 0 : i32
    %dma_wait3A_287 = arith.constant 0 : i32
    %dma_wait3A_288 = tpu.memref_slice %arg5[%dma_wait3A_286, %dma_wait3A_282, %dma_wait3A_287] : memref<200x128x1024xf32, #tpu.memory_space<hbm>> -> memref<8x1x1024xf32, #tpu.memory_space<hbm>>
    %dma_wait3A_289 = tpu.memref_squeeze %dma_wait3A_288 : memref<8x1x1024xf32, #tpu.memory_space<hbm>> -> memref<8x1024xf32, #tpu.memory_space<hbm>>
    %dma_wait3A_290 = arith.constant 0 : i32
    %dma_wait3A_291 = arith.constant 0 : i32
    %dma_wait3A_292 = tpu.memref_slice %arg5[%dma_wait3A_290, %dma_wait3A_282, %dma_wait3A_291] : memref<200x128x1024xf32, #tpu.memory_space<hbm>> -> memref<8x1x1024xf32, #tpu.memory_space<hbm>>
    %dma_wait3A_293 = tpu.memref_squeeze %dma_wait3A_292 : memref<8x1x1024xf32, #tpu.memory_space<hbm>> -> memref<8x1024xf32, #tpu.memory_space<hbm>>
    %dma_wait3A_294 = arith.constant 0 : i32
    %dma_wait3A_295 = arith.constant 0 : i32
    %dma_wait3A_296 = tpu.memref_slice %arg10[%dma_wait3A_294, %dma_wait3A_295] : memref<8x4096xf32, #tpu.memory_space<vmem>> -> memref<8x1024xf32, #tpu.memory_space<vmem>>
    tpu.wait_dma2 semaphore(%arg16 : memref<!tpu.dma_semaphore, #tpu.memory_space<semaphore_mem>>) src(%dma_wait3A_296 : memref<8x1024xf32, #tpu.memory_space<vmem>>) dst(%dma_wait3A_293 : memref<8x1024xf32, #tpu.memory_space<hbm>>)
    %dma_wait3A_297 = arith.constant 0 : i32
    %dma_wait3A_298 = arith.constant 0 : i32
    %dma_wait3A_299 = arith.constant 0 : i32
    %dma_wait3A_300 = tpu.memref_slice %arg10[%dma_wait3A_298, %dma_wait3A_299] : memref<8x4096xf32, #tpu.memory_space<vmem>> -> memref<8x1024xf32, #tpu.memory_space<vmem>>
    %dma_wait3A_301 = arith.constant 0 : i32
    %dma_wait3A_302 = arith.constant 0 : i32
    %dma_wait3A_303 = tpu.memref_slice %arg5[%dma_wait3A_301, %dma_wait3A_297, %dma_wait3A_302] : memref<200x128x1024xf32, #tpu.memory_space<hbm>> -> memref<8x1x1024xf32, #tpu.memory_space<hbm>>
    %dma_wait3A_304 = tpu.memref_squeeze %dma_wait3A_303 : memref<8x1x1024xf32, #tpu.memory_space<hbm>> -> memref<8x1024xf32, #tpu.memory_space<hbm>>
    %dma_wait3A_305 = arith.constant 0 : i32
    %dma_wait3A_306 = arith.constant 0 : i32
    %dma_wait3A_307 = tpu.memref_slice %arg5[%dma_wait3A_305, %dma_wait3A_297, %dma_wait3A_306] : memref<200x128x1024xf32, #tpu.memory_space<hbm>> -> memref<8x1x1024xf32, #tpu.memory_space<hbm>>
    %dma_wait3A_308 = tpu.memref_squeeze %dma_wait3A_307 : memref<8x1x1024xf32, #tpu.memory_space<hbm>> -> memref<8x1024xf32, #tpu.memory_space<hbm>>
    %dma_wait3A_309 = arith.constant 0 : i32
    %dma_wait3A_310 = arith.constant 0 : i32
    %dma_wait3A_311 = tpu.memref_slice %arg10[%dma_wait3A_309, %dma_wait3A_310] : memref<8x4096xf32, #tpu.memory_space<vmem>> -> memref<8x1024xf32, #tpu.memory_space<vmem>>
    tpu.wait_dma2 semaphore(%arg16 : memref<!tpu.dma_semaphore, #tpu.memory_space<semaphore_mem>>) src(%dma_wait3A_311 : memref<8x1024xf32, #tpu.memory_space<vmem>>) dst(%dma_wait3A_308 : memref<8x1024xf32, #tpu.memory_space<hbm>>)
    return
  }
}

module attributes {stable_mosaic.version = 14 : i64} {
  func.func @_transpose_body(%arg0: i32, %arg1: memref<32x16384xf32, #tpu.memory_space<vmem>>, %arg2: memref<4096x128xf32, #tpu.memory_space<vmem>>) attributes {dimension_semantics = [#tpu.dimension_semantics<arbitrary>], iteration_bounds = array<i64: 62>, scalar_prefetch = 0 : i64, scratch_operands = 0 : i64, tpu.core_type = #tpu.core_type<tc>, window_params = [{transform_indices = @transform_0, window_bounds = array<i64: 32, 16384>}, {transform_indices = @transform_1, window_bounds = array<i64: 4096, 128>}]} {
    %get3A = arith.constant 0 : index
    %get3A_0 = arith.constant 0 : index
    %get3A_1 = vector.load %arg1[%get3A, %get3A_0] : memref<32x16384xf32, #tpu.memory_space<vmem>>, vector<32x16384xf32>
    %slice3A = vector.extract_strided_slice %get3A_1 {offsets = [0, 0], sizes = [32, 2048], strides = [1, 1]} : vector<32x16384xf32> to vector<32x2048xf32>
    %slice3A_2 = vector.extract_strided_slice %get3A_1 {offsets = [0, 2048], sizes = [32, 2048], strides = [1, 1]} : vector<32x16384xf32> to vector<32x2048xf32>
    %slice3A_3 = vector.extract_strided_slice %get3A_1 {offsets = [0, 4096], sizes = [32, 2048], strides = [1, 1]} : vector<32x16384xf32> to vector<32x2048xf32>
    %slice3A_4 = vector.extract_strided_slice %get3A_1 {offsets = [0, 6144], sizes = [32, 2048], strides = [1, 1]} : vector<32x16384xf32> to vector<32x2048xf32>
    %slice3A_5 = vector.extract_strided_slice %get3A_1 {offsets = [0, 8192], sizes = [32, 2048], strides = [1, 1]} : vector<32x16384xf32> to vector<32x2048xf32>
    %slice3A_6 = vector.extract_strided_slice %get3A_1 {offsets = [0, 10240], sizes = [32, 2048], strides = [1, 1]} : vector<32x16384xf32> to vector<32x2048xf32>
    %slice3A_7 = vector.extract_strided_slice %get3A_1 {offsets = [0, 12288], sizes = [32, 2048], strides = [1, 1]} : vector<32x16384xf32> to vector<32x2048xf32>
    %slice3A_8 = vector.extract_strided_slice %get3A_1 {offsets = [0, 14336], sizes = [32, 2048], strides = [1, 1]} : vector<32x16384xf32> to vector<32x2048xf32>
    %concatenate3A = tpu.concatenate %slice3A, %slice3A_2, %slice3A_3, %slice3A_4, %slice3A_5, %slice3A_6, %slice3A_7, %slice3A_8 in 0 : vector<32x2048xf32>, vector<32x2048xf32>, vector<32x2048xf32>, vector<32x2048xf32>, vector<32x2048xf32>, vector<32x2048xf32>, vector<32x2048xf32>, vector<32x2048xf32> -> vector<256x2048xf32>
    %iota3A = tpu.iota {dimensions = array<i32: 0>} : vector<256x256xi32>
    %iota3A_9 = tpu.iota {dimensions = array<i32: 1>} : vector<256x256xi32>
    %add3A = arith.constant 0 : i32
    %add3A_10 = vector.broadcast %add3A : i32 to vector<256x256xi32>
    %add3A_11 = arith.addi %iota3A, %add3A_10 : vector<256x256xi32>
    %eq3A = arith.cmpi eq, %add3A_11, %iota3A_9 : vector<256x256xi32>
    %convert_element_type3A = arith.extui %eq3A : vector<256x256xi1> to vector<256x256xi32>
    %convert_element_type3A_12 = arith.sitofp %convert_element_type3A : vector<256x256xi32> to vector<256x256xf32>
    %dot_general3A = arith.constant dense<0.000000e+00> : vector<2048x256xf32>
    %dot_general3A_13 = tpu.matmul %concatenate3A, %convert_element_type3A_12, %dot_general3A {dimension_numbers = #tpu.dot_dimension_numbers<[0], [0], [1], [1], [0, 1, 1, 1], [], []>, transpose_lhs_hint = false} : vector<256x2048xf32>, vector<256x256xf32>, vector<2048x256xf32> -> vector<2048x256xf32>
    %slice3A_14 = vector.extract_strided_slice %dot_general3A_13 {offsets = [0, 0], sizes = [2048, 128], strides = [1, 1]} : vector<2048x256xf32> to vector<2048x128xf32>
    %swap3A = arith.constant 0 : index
    %swap3A_15 = arith.constant 0 : index
    %swap3A_16 = vector.load %arg2[%swap3A, %swap3A_15] : memref<4096x128xf32, #tpu.memory_space<vmem>>, vector<2048x128xf32>
    tpu.vector_store %arg2[%swap3A, %swap3A_15], %slice3A_14 {strides = array<i32>} : memref<4096x128xf32, #tpu.memory_space<vmem>>, vector<2048x128xf32>,
    %slice3A_17 = vector.extract_strided_slice %dot_general3A_13 {offsets = [0, 128], sizes = [2048, 128], strides = [1, 1]} : vector<2048x256xf32> to vector<2048x128xf32>
    %swap3A_18 = arith.constant 2048 : index
    %swap3A_19 = arith.constant 0 : index
    %swap3A_20 = vector.load %arg2[%swap3A_18, %swap3A_19] : memref<4096x128xf32, #tpu.memory_space<vmem>>, vector<2048x128xf32>
    tpu.vector_store %arg2[%swap3A_18, %swap3A_19], %slice3A_17 {strides = array<i32>} : memref<4096x128xf32, #tpu.memory_space<vmem>>, vector<2048x128xf32>,
    return
  }
  func.func @transform_0(%arg0: i32) -> (i32, i32) {
    %c0_i32 = arith.constant 0 : i32
    %c0_i32_0 = arith.constant 0 : i32
    return %c0_i32, %arg0 : i32, i32
  }
  func.func @transform_1(%arg0: i32) -> (i32, i32) {
    %c0_i32 = arith.constant 0 : i32
    %c0_i32_0 = arith.constant 0 : i32
    return %arg0, %c0_i32 : i32, i32
  }
}

</mosaic_0001>

<sc_bundles>
// kernel: kernel.4.cloned.1.call-start
scs
__scs_entry_jumppad:
0x0: {  	(pc) =	sbr.rel $0x88, $3  }
0x1: {  	(tag) =	ssettag $0x0;
	lr =	simm.s32 $0x1  }
0x2: {  	[smem:$0x3F9E] =	sst lr;
	_ =	strace $0xD0000000  }
0x3: {  	_ = 	snop  }
0x4: {  	_ = 	snop  }
0x5: {  	_ = 	snop  }
0x6: {  	_ = 	snop  }
0x7: {  	_ = 	snop  }
__scs_overlays_trampoline_lowered:
0x8: {  	[smem:$0x3FAD] =	sst s0  }
0x9: {  	[smem:$0x3FAE] =	sst s1  }
0xa: {  	[smem:$0x3FAF] =	sst s2  }
0xb: {  	[smem:$0x3FB0] =	sst s3  }
0xc: {  	[smem:$0x3FB1] =	sst s4  }
0xd: {  	[smem:$0x3FB2] =	sst s5  }
0xe: {  	[smem:$0x3FB3] =	sst s6  }
0xf: {  	[smem:$0x3FB4] =	sst s7  }
0x10: {  	[smem:$0x3FB5] =	sst s8  }
0x11: {  	[smem:$0x3FB6] =	sst s9;
	s0 =	simm.s32 @!p0 $0x0  }
0x12: {  	s1 =	sld [smem:$0x3F9C];
	s0 =	simm.s32 @p0 $0x1  }
0x13: {  	[smem:$0x3FB7] =	sst s0;
	s0 =	simm.s32 @!p1 $0x0  }
0x14: {  	s2 =	sld [smem:$0x3F9B];
	s0 =	simm.s32 @p1 $0x1  }
0x15: {  	[smem:$0x3FB8] =	sst s0;
	s0 =	simm.s32 @!p2 $0x0  }
0x16: {  	s3 =	sld [smem:$0x3FDB];
	s0 =	simm.s32 @p2 $0x1  }
0x17: {  	s4 =	simm.s32 $0x1BF5;
	[smem:$0x3FBA] =	sst s0  }
0x18: {  	s0 =	sld [smem:$0x3F9D];
	_ =	swait.ge [sflag:s4], $0x0  }
0x19: {  	s7 =	sld [smem:$0x3F9E]  }
0x1a: {  	s8 =	sadd.s32 $0xFFFFE003, lr  }
0x1b: {  	s9 =	sadd.s32 $0xFFFFFEF7, lr;
	s5 =	simm.s32 $0xFFFFFFFF;
	p2 =	slt.u32 s8, $0xFFFFF086  }
0x1c: {  	p1 =	slt.u32 s9, $0xF7A;
	s5 =	simm.s32 @!p2 $0x0  }
0x1d: {  	s5 =	simm.s32 @p1 $0x1;
	p0 =	seq.s32 s7, s2  }
0x1e: {  	s7 =	smul.u32 @!p0 $0xF7A, s2;
	p2 =	seq.s32 @!p0 s5, $0x0  }
0x1f: {  	s9 =	smul.u32 $0xF7A, s1;
	s8 =	simm.s32 @!p0 $0x1BF5;
	p2 =	por !p2, p0  }
0x20: {  	[sflag:s8] =	ssyncset.s32 @!p0 $0xFFFFF086;
	s6 =	sadd.s32 @!p0 s3, s7;
	s7 =	simm.s32 @!p0 $0x108  }
0x21: {  	s3 =	sadd.s32 s3, s9;
	s6 =	sadd.s32 @!p0 $0x88, s6;
	s7 =	simm.s32 @p2 $0x1082  }
0x22: {  	[simem:s7], [sflag:s8] =	dma.local @!p0 [hbm:s6], $0xF7A  }
0x23: {  	s9 =	sor.u32 $0xD0000000, s2;
	s6 =	simm.s32 $0x108;
	_ =	swait.ge @!p0 [sflag:s8], $0x0  }
0x24: {  	s3 =	sadd.s32 $0x88, s3;
	s6 =	simm.s32 @!p1 $0x1082;
	[sflag:s4] =	ssyncset.s32 $0xFFFFF086  }
0x25: {  	[simem:s6], [sflag:s4] =	dma.local [hbm:s3], $0xF7A  }
0x26: {  	[smem:$0x3F9E] =	sst s1;
	(tag) =	ssettag s2;
	_ =	strace s9  }
0x27: {  	s1 =	sld [smem:$0x3FAE]  }
0x28: {  	s2 =	sld [smem:$0x3FAF]  }
0x29: {  	s4 =	sld [smem:$0x3FB1]  }
0x2a: {  	p0 =	seq.s32 s5, $0x0;
	s5 =	sld [smem:$0x3FB2]  }
0x2b: {  	s6 =	sld [smem:$0x3FB3]  }
0x2c: {  	s7 =	sld [smem:$0x3FB4]  }
0x2d: {  	s3 =	simm.s32 $0x108;
	s8 =	sld [smem:$0x3FB5]  }
0x2e: {  	s3 =	simm.s32 @!p0 $0x1082;
	s9 =	sld [smem:$0x3FB6]  }
0x2f: {  	lr =	sadd.s32 s0, s3;
	s0 =	sld [smem:$0x3FAD]  }
0x30: {  	s3 =	sld [smem:$0x3FB0]  }
0x31: {  	[smem:$0x3FB9] =	sst s10  }
0x32: {  	s10 =	sld [smem:$0x3FB7];
	_ =	sdelay $0x3  }
0x33: {  	p0 =	seq.s32 s10, $0x1;
	s10 =	sld [smem:$0x3FB9];
	_ =	sdelay $0x3  }
0x34: {  	[smem:$0x3FB9] =	sst s10  }
0x35: {  	s10 =	sld [smem:$0x3FB8];
	_ =	sdelay $0x3  }
0x36: {  	p1 =	seq.s32 s10, $0x1;
	s10 =	sld [smem:$0x3FB9];
	_ =	sdelay $0x3  }
0x37: {  	[smem:$0x3FB9] =	sst s10  }
0x38: {  	s10 =	sld [smem:$0x3FBA]  }
0x39: {  	_ = 	snop;
	(pc) =	sbr.ind lr, $3  }
0x3a: {  	_ = 	snop  }
0x3b: {  	_ = 	snop  }
0x3c: {  	p2 =	seq.s32 s10, $0x1;
	s10 =	sld [smem:$0x3FB9]  }
0x3d: {  	_ =	shalt  }
0x3e: {  	_ =	shalt  }
0x3f: {  	_ =	shalt  }
0x40: {  	_ =	shalt  }
0x41: {  	_ =	shalt  }
0x42: {  	_ =	shalt  }
0x43: {  	_ =	shalt  }
0x44: {  	_ =	shalt  }
0x45: {  	_ =	shalt  }
0x46: {  	_ =	shalt  }
0x47: {  	_ =	shalt  }
0x48: {  	_ =	shalt  }
0x49: {  	_ =	shalt  }
0x4a: {  	_ =	shalt  }
0x4b: {  	_ =	shalt  }
0x4c: {  	_ =	shalt  }
0x4d: {  	_ =	shalt  }
0x4e: {  	_ =	shalt  }
0x4f: {  	_ =	shalt  }
0x50: {  	_ =	shalt  }
0x51: {  	_ =	shalt  }
0x52: {  	_ =	shalt  }
0x53: {  	_ =	shalt  }
0x54: {  	_ =	shalt  }
0x55: {  	_ =	shalt  }
0x56: {  	_ =	shalt  }
0x57: {  	_ =	shalt  }
0x58: {  	_ =	shalt  }
0x59: {  	_ =	shalt  }
0x5a: {  	_ =	shalt  }
0x5b: {  	_ =	shalt  }
0x5c: {  	_ =	shalt  }
0x5d: {  	_ =	shalt  }
0x5e: {  	_ =	shalt  }
0x5f: {  	_ =	shalt  }
0x60: {  	_ =	shalt  }
0x61: {  	_ =	shalt  }
0x62: {  	_ =	shalt  }
0x63: {  	_ =	shalt  }
0x64: {  	_ =	shalt  }
0x65: {  	_ =	shalt  }
0x66: {  	_ =	shalt  }
0x67: {  	_ =	shalt  }
0x68: {  	_ =	shalt  }
0x69: {  	_ =	shalt  }
0x6a: {  	_ =	shalt  }
0x6b: {  	_ =	shalt  }
0x6c: {  	_ =	shalt  }
0x6d: {  	_ =	shalt  }
0x6e: {  	_ =	shalt  }
0x6f: {  	_ =	shalt  }
0x70: {  	_ =	shalt  }
0x71: {  	_ =	shalt  }
0x72: {  	_ =	shalt  }
0x73: {  	_ =	shalt  }
0x74: {  	_ =	shalt  }
0x75: {  	_ =	shalt  }
0x76: {  	_ =	shalt  }
0x77: {  	_ =	shalt  }
0x78: {  	_ =	shalt  }
0x79: {  	_ =	shalt  }
0x7a: {  	_ =	shalt  }
0x7b: {  	_ =	shalt  }
0x7c: {  	_ =	shalt  }
0x7d: {  	_ =	shalt  }
0x7e: {  	_ =	shalt  }
0x7f: {  	_ =	shalt  }
0x80: {  	_ =	shalt  }
0x81: {  	_ =	shalt  }
0x82: {  	_ =	shalt  }
0x83: {  	_ =	shalt  }
0x84: {  	_ =	shalt  }
0x85: {  	_ =	shalt  }
0x86: {  	_ =	shalt  }
0x87: {  	_ =	shalt  }
.Lfunc_end0:
.L_simem_size_0:
called_computation_lowered:
.L_overlay_start_0:
0x88: {  	s2 =	sld [smem:$0x3FD9]  }
0x89: {  	s3 =	sld [smem:$0x3FFE];
	_ =	sdelay $0x1  }
0x8a: {  	s1 =	srdreg.scid  }
0x8b: {  	s0 =	sand.u32 $0x1, s1  }
0x8c: {  	s17 =	sshll.u32 s0, $0xA;
	s2 =	sadd.s32 s3, s2  }
0x8d: {  	s2 =	sadd.s32 s2, s17  }
0x8e: {  	[smem:$0x3FC5] =	sst s2  }
0x8f: {  	_ = 	snop  }
0x90: {  	s2 =	sld [smem:$0x3FC9]  }
0x91: {  	s18 =	sld [smem:$0x3FD0];
	(tm) =	ssettm $0x1  }
0x92: {  	s4 =	sld [smem:$0x3FFB];
	_ =	sdelay $0x3  }
0x93: {  	_ =	strace s4  }
0x94: {  	s4 =	sld [smem:$0x3FFC];
	_ =	sdelay $0x3  }
0x95: {  	_ =	strace s4  }
0x96: {  	s4 =	sld [smem:$0x3FFD];
	_ =	sdelay $0x3  }
0x97: {  	_ =	strace s4  }
0x98: {  	_ =	strace $0x8FFFFFFF  }
0x99: {  	s19 =	sld [smem:$0x3FDB];
	_ =	sdelay $0x1  }
0x9a: {  	s5 =	simm.s32 $_scs_section_size  }
0x9b: {  	s6 =	simm.s32 $_size__tile_overlayer_lowered;
	s7 =	simm.s32 $_tile_overlayer_lowered  }
0x9c: {  	s22 =	simm.s32 $0x1BFF;
	s21 =	sshll.u32 s7, $0x1;
	s4 =	sadd.s32 s5, s19  }
0x9d: {  	s8 =	simm.s32 $0x0;
	s20 =	sshll.u32 s6, $0x1;
	s6 =	sadd.s32 s21, s4  }
0x9e: {  	[timem:s8], [sflag:s22] =	dma.local [hbm:s6], s20  }
0x9f: {  	_ =	swait.ge [sflag:s22], s20  }
0xa0: {  	s5 =	ssub.s32 $0x0, s20;
	[sflag:s22] =	ssyncset.done $0x0  }
0xa1: {  	[sflag:s22] =	ssyncadd.s32 s5;
	_ =	sdelay $0x1  }
0xa2: {  	s23 =	simm.s32 $0x1B8B  }
0xa3: {  	_ =	swait.ge [sflag:s23], $0x1  }
0xa4: {  	[sflag:s23] =	ssyncset.done $0x0  }
0xa5: {  	s25 =	simm.s32 $0x1B8E;
	s24 =	sld [smem:$0x3FFE];
	[sflag:s23] =	ssyncadd.s32 $0xFFFFFFFF  }
0xa6: {  	s26 =	simm.s32 $execute0_lowered;
	[smem:$0x3FD2] =	sst s25  }
0xa7: {  	s6 =	sshll.u32 s26, $0x1;
	_ =	strace $0x80000046;
	[dreg:$0x1] =	wrdreg $0xFFFFFFFF  }
0xa8: {  	s28 =	simm.s32 $_size_execute0_lowered;
	s4 =	sadd.s32 s4, s6;
	[dreg:$0x0] =	wrdreg $0x0  }
0xa9: {  	s6 =	sshll.u32 s28, $0x1;
	[dreg:$0x2] =	wrdreg s4  }
0xaa: {  	[dreg:$0x3] =	wrdreg s6  }
0xab: {  	[dreg:$0x4] =	wrdreg $0xC0  }
0xac: {  	_ =	task [dreg:s8], $0x5FFFF  }
0xad: {  	[dreg:$0x1] =	wrdreg $0xFFFFFFFF  }
0xae: {  	[dreg:$0x0] =	wrdreg $0x60  }
0xaf: {  	[dreg:$0x2] =	wrdreg s2  }
0xb0: {  	[dreg:$0x3] =	wrdreg s24  }
0xb1: {  	[dreg:$0x4] =	wrdreg s18  }
0xb2: {  	[dreg:$0x5] =	wrdreg $0x9  }
0xb3: {  	_ =	task.clear_ibuf [dreg:s8], $0x6FFFF;
	_ =	strace $0x90000046  }
0xb4: {  	s29 =	simm.s32 $0x9;
	_ =	strace $0x80000048  }
0xb5: {  	_ =	swait.ge [sflag:s29], $0x1  }
0xb6: {  	[sflag:s29] =	ssyncadd.s32 $0xFFFFFFFF  }
0xb7: {  	_ =	strace $0x90000048  }
0xb8: {  	_ =	sfence  }
0xb9: {  	s30 =	sld [smem:$0x0];
	_ =	sdelay $0x2  }
0xba: {  	s31 =	sshll.u32 s1, $0xD;
	s1 =	sshrl.u32 s1, $0x2  }
0xbb: {  	s3 =	sand.u32 $0x4000, s31;
	s1 =	sadd.s32 s1, s30  }
0xbc: {  	s0 =	sor.u32 s3, s0;
	s1 =	sshll.u32 s1, $0x11  }
0xbd: {  	s0 =	sor.u32 s1, s0  }
0xbe: {  	s0 =	sadd.s32 $0x8F2B, s0  }
0xbf: {  	[sflag:s0] =	ssyncadd.remote.s32 $0x1  }
0xc0: {  	_ =	sfence.sel $0xFFFF  }
0xc1: {  	[dreg:$0x0] =	wrdreg $0xFFFFFFFF;
	(pc) =	sbr.abs _section_cstart, $3  }
0xc2: {  	[dreg:$0x1] =	wrdreg $0xFFFFFFFF  }
0xc3: {  	_ =	task.clear_ibuf [dreg:s8], $0x2FFFF;
	_ =	strace $0x9FFFFFFF  }
0xc4: {  	(tm) =	ssettm $0x7FFFFFFF  }
0xc5: {  	_ =	shalt  }
tec
execute0_lowered:
.L_overlay_start_1:
0x0: {  	(tag) =	ssettag $0x1  }
0x1: {  	s29 =	rddreg [dreg:$0x0]  }
0x2: {  	s0 =	rddreg [dreg:$0x1]  }
0x3: {  	s2 =	rddreg [dreg:$0x2];
	s4 =	simm.s32 $0x0  }
0x4: {  	s1 =	srdreg.scid;
	s3 =	stileid.u32;
	s21 =	simm.s32 $0x3  }
0x5: {  	s22 =	simm.s32 $0x80;
	s23 =	simm.s32 $0x800;
	s8 =	simm.s32 $0x4  }
0x6: {  	s19 =	simm.s32 $0x8800;
	s15 =	simm.s32 $0x1;
	s16 =	simm.s32 $0x10800  }
0x7: {  	s31 =	simm.s32 $0x14400;
	s18 =	simm.s32 $0x17400;
	s9 =	simm.s32 $0x2  }
0x8: {  	s17 =	simm.s32 $0x5;
	s13 =	simm.s32 $0x0;
	[smem:$0x7FF] =	sst s4  }
0x9: {  	s1 =	sand.u32 $0x1, s1;
	s3 =	sshll.u32 s3, $0x1;
	s5 =	sadd.s32 $0x800, s0  }
0xa: {  	s0 =	sadd.s32 $0x400, s0;
	s6 =	ssub.s32 $0x2, s1;
	s1 =	sor.u32 s1, s3  }
0xb: {  	v1 =	vlaneseq.u32;
	_ =	strace $0x80000047;
	[dreg:$0x4] =	wrdreg s0;
	s3 =	sshll.u32 s1, $0x7  }
0xc: {  	v62 =	vand.u32 $0x7, v1;
	v61 =	vmul.u32 $0x20, v1;
	s24 =	sshrl.u32 s6, $0x1;
	s7 =	sshll.u32 s1, $0xA;
	s25 =	sadd.s32 s29, s3  }
0xd: {  	v63 =	vmul.u32 $0x81, v1;
	[tilespmem:$0x1FF90] =	vst v62;
	s26 =	sadd.s32 s3, s2;
	[dreg:$0x5] =	wrdreg s25;
	s1 =	sadd.s32 $0x1000, s25  }
0xe: {  	v2 =	vmul.u32 $0x80, v1;
	[tilespmem:$0x1FFA0] =	vst v61;
	s0 =	ssub.s32 s6, s24;
	s3 =	sadd.s32 $0x300000, s26;
	[dreg:$0x6] =	wrdreg s1  }
0xf: {  	[tilespmem:$0x1FFD0] =	vst v63;
	s10 =	sor.u32 $0x10000, s7;
	s28 =	sadd.s32 $0x301000, s26;
	[dreg:$0x7] =	wrdreg s3  }
0x10: {  	v0 =	vshrl.u32 v1, $0x3;
	v62 =	vor.u32 $0x800, v63;
	[tilespmem:$0x1FFF0] =	vst v2;
	s11 =	sor.u32 $0x18000, s7;
	s30 =	sadd.s32 $0x302000, s26;
	[dreg:$0x8] =	wrdreg s28  }
0x11: {  	v8 =	vmul.u32 $0x8, v0;
	v59 =	vor.u32 $0x800, v2;
	s12 =	sor.u32 $0x8000, s7;
	[tilespmem:$0x1FFB0] =	vst v62;
	s0 =	smax.u32 s0, $0x1;
	[dreg:$0x9] =	wrdreg s30  }
0x12: {  	s6 =	simm.s32 $0x18400;
	[tilespmem:$0x1FFC0] =	vst v59;
	s1 =	sadd.s32 $0x303000, s26;
	[dreg:$0xb] =	wrdreg s0  }
0x13: {  	v7 =	vmov v2;
	v60 =	vor.u32 $0x10, v8;
	[tilespmem:$0x1FFE0] =	vst v8;
	s0 =	simm.s32 $0x15400;
	s3 =	simm.s32 $0x16400;
	[dreg:$0xa] =	wrdreg s1  }
.LBB2_1:
0x14: {  	[dreg:$0xc] =	wrdreg s13  }
0x15: {  	s1 =	rddreg [dreg:$0x4];
	s24 =	simm.s32 $0x18800;
	s25 =	simm.s32 $0x6  }
0x16: {  	[tilespmem:s24], [sflag:$0x6] =	stream.linear.gather [hbm4b:s1+s4], $0x1900, $0x38;
	[tilespmem:$0x1A100] =	vst v63  }
0x17: {  	_ =	swait.ge [sflag:s25], $0x1900  }
0x18: {  	[sflag:s25] =	ssyncset.done $0x0  }
0x19: {  	s26 =	rddreg [dreg:$0x5];
	[sflag:s25] =	ssyncadd.s32 $0xFFFFE700  }
0x1a: {  	[tilespmem:s4], [sflag:$0x3] =	stream.linear.gather [hbm4b:s26+s4], $0x400, $0x38;
	[tilespmem:$0x1A100] =	vst v63  }
0x1b: {  	s30 =	simm.s32 $0x400;
	s28 =	rddreg [dreg:$0x6]  }
0x1c: {  	[tilespmem:s30], [sflag:$0x4] =	stream.linear.gather [hbm4b:s28+s4], $0x400, $0x38;
	[tilespmem:$0x1A100] =	vst v63  }
0x1d: {  	_ =	swait.ge [sflag:s21], $0x400  }
0x1e: {  	[sflag:s21] =	ssyncset.done $0x0  }
0x1f: {  	s1 =	simm.s32 $0x0;
	[sflag:s21] =	ssyncadd.s32 $0xFFFFFC00  }
0x20: {  	v0 =	vld [tilespmem:s1+$0x0]  }
0x21: {  	v4 =	vld [tilespmem:s1+$0x10]  }
0x22: {  	v12 =	vld [tilespmem:s1+$0x30];
	_ =	sdelay $0x2  }
0x23: {  	v10 =	vld [tilespmem:s1+$0x20]  }
0x24: {  	v9 =	vshll.u32 v0, $0x2;
	v11 =	vand.u32 $0xFFFFE000, v0;
	v0 =	vshrl.u32 v0, $0xB  }
0x25: {  	v13 =	vand.u32 $0xFFFFE000, v4;
	v14 =	vshll.u32 v12, $0x2;
	v9 =	vand.u32 $0x1FFC, v9  }
0x26: {  	v16 =	vand.u32 $0xFFFFE000, v12;
	v9 =	vor.u32 v11, v9;
	v11 =	vshll.u32 v4, $0x2  }
0x27: {  	v12 =	vshrl.u32 v12, $0xB;
	v0 =	vand.u32 $0x3, v0;
	v11 =	vand.u32 $0x1FFC, v11  }
0x28: {  	v9 =	vor.u32 v0, v9;
	v0 =	vor.u32 v13, v11;
	v13 =	vshll.u32 v10, $0x2  }
0x29: {  	v15 =	vld [tilespmem:s1+$0x40];
	v14 =	vand.u32 $0x1FFC, v14;
	v11 =	vand.u32 $0xFFFFE000, v10;
	v13 =	vand.u32 $0x1FFC, v13  }
0x2a: {  	v11 =	vor.u32 v11, v13;
	v13 =	vor.u32 v16, v14;
	v14 =	vand.u32 $0x3, v12;
	v12 =	vld [tilespmem:s1+$0x50]  }
0x2b: {  	v4 =	vshrl.u32 v4, $0xB;
	v10 =	vshrl.u32 v10, $0xB  }
0x2c: {  	v4 =	vand.u32 $0x3, v4;
	v10 =	vand.u32 $0x3, v10  }
0x2d: {  	v0 =	vor.u32 v4, v0;
	v11 =	vor.u32 v10, v11;
	v4 =	vor.u32 v14, v13;
	v10 =	vld [tilespmem:s1+$0x60]  }
0x2e: {  	s13 =	simm.s32 $0x200;
	v13 =	vand.u32 $0xFFFFE000, v15;
	v14 =	vshll.u32 v15, $0x2;
	v15 =	vshrl.u32 v15, $0xB  }
.LBB2_2:
0x2f: {  	p0 =	sne.s32 s13, $0xE00;
	v14 =	vand.u32 $0x1FFC, v14;
	v15 =	vand.u32 $0x3, v15;
	v16 =	vshll.u32 v12, $0x2;
	v17 =	vld [tilespmem:s1+$0x70]  }
0x30: {  	v18 =	vand.u32 $0xFFFFE000, v12;
	v12 =	vshrl.u32 v12, $0xB;
	v16 =	vand.u32 $0x1FFC, v16  }
0x31: {  	s14 =	sshra.s32 s13, $0x2;
	v12 =	vand.u32 $0x3, v12;
	[tilespmem:s1+$0x0] =	vst v9;
	v9 =	vor.u32 v13, v14;
	v13 =	vor.u32 v18, v16  }
0x32: {  	v14 =	vld [tilespmem:s14+$0x0];
	[tilespmem:s1+$0x10] =	vst v0;
	v0 =	vor.u32 v15, v9;
	v9 =	vor.u32 v12, v13;
	v12 =	vshll.u32 v10, $0x2  }
0x33: {  	[tilespmem:s1+$0x20] =	vst v11;
	v11 =	vand.u32 $0xFFFFE000, v10;
	v12 =	vand.u32 $0x1FFC, v12;
	v10 =	vshrl.u32 v10, $0xB  }
0x34: {  	v13 =	vld [tilespmem:s14+$0x10];
	[tilespmem:s1+$0x30] =	vst v4;
	v4 =	vor.u32 v11, v12;
	v10 =	vand.u32 $0x3, v10;
	v11 =	vshll.u32 v17, $0x2  }
0x35: {  	v12 =	vshrl.u32 v17, $0xB;
	[tilespmem:s1+$0x40] =	vst v0;
	v0 =	vand.u32 $0xFFFFE000, v17;
	v11 =	vand.u32 $0x1FFC, v11  }
0x36: {  	v4 =	vor.u32 v10, v4;
	[tilespmem:s1+$0x50] =	vst v9;
	v0 =	vor.u32 v0, v11;
	v9 =	vand.u32 $0x3, v12  }
0x37: {  	v10 =	vshll.u32 v14, $0x2;
	v11 =	vld [tilespmem:s14+$0x20];
	[tilespmem:s1+$0x60] =	vst v4;
	v0 =	vor.u32 v9, v0  }
0x38: {  	v4 =	vand.u32 $0xFFFFE000, v14;
	v9 =	vand.u32 $0x1FFC, v10;
	v10 =	vshrl.u32 v14, $0xB;
	v14 =	vld [tilespmem:s14+$0x30];
	[tilespmem:s1+$0x70] =	vst v0;
	s1 =	smov.u32 s14  }
0x39: {  	v0 =	vor.u32 v4, v9;
	v4 =	vand.u32 $0x3, v10;
	v9 =	vshll.u32 v13, $0x2  }
0x3a: {  	v10 =	vand.u32 $0xFFFFE000, v13;
	v13 =	vshrl.u32 v13, $0xB;
	v12 =	vand.u32 $0x1FFC, v9  }
0x3b: {  	v9 =	vor.u32 v4, v0;
	v4 =	vand.u32 $0x3, v13;
	v0 =	vor.u32 v10, v12  }
0x3c: {  	v10 =	vand.u32 $0xFFFFE000, v11;
	v12 =	vshll.u32 v11, $0x2;
	v11 =	vshrl.u32 v11, $0xB;
	v15 =	vld [tilespmem:s1+$0x40]  }
.Ltmp0:
0x3d: {  	v13 =	vand.u32 $0x1FFC, v12;
	v11 =	vand.u32 $0x3, v11;
	v16 =	vshll.u32 v14, $0x2;
	v12 =	vld [tilespmem:s1+$0x50];
	(pc) =	sbr.rel @p0 .LBB2_2-.Ltmp0, $4  }
0x3e: {  	v17 =	vand.u32 $0xFFFFE000, v14;
	v14 =	vshrl.u32 v14, $0xB;
	v16 =	vand.u32 $0x1FFC, v16  }
0x3f: {  	v10 =	vor.u32 v10, v13;
	v14 =	vand.u32 $0x3, v14;
	v13 =	vor.u32 v17, v16  }
0x40: {  	v0 =	vor.u32 v4, v0;
	v11 =	vor.u32 v11, v10;
	v4 =	vor.u32 v14, v13;
	v10 =	vld [tilespmem:s1+$0x60]  }
0x41: {  	s13 =	sadd.s32 $0x200, s13;
	v13 =	vand.u32 $0xFFFFE000, v15;
	v14 =	vshll.u32 v15, $0x2;
	v15 =	vshrl.u32 v15, $0xB  }
0x42: {  	v14 =	vand.u32 $0x1FFC, v14;
	v15 =	vand.u32 $0x3, v15;
	v16 =	vshll.u32 v12, $0x2;
	v17 =	vld [tilespmem:s1+$0x70]  }
0x43: {  	v18 =	vand.u32 $0xFFFFE000, v12;
	v53 =	vshrl.u32 v12, $0xB;
	v16 =	vand.u32 $0x1FFC, v16  }
0x44: {  	[tilespmem:s1+$0x0] =	vst v9;
	v9 =	vor.u32 v13, v14;
	v12 =	vand.u32 $0x3, v53;
	v54 =	vor.u32 v18, v16  }
0x45: {  	[tilespmem:s1+$0x10] =	vst v0;
	v55 =	vor.u32 v15, v9;
	v9 =	vor.u32 v12, v54;
	v56 =	vshll.u32 v10, $0x2  }
0x46: {  	[tilespmem:s1+$0x20] =	vst v11;
	v11 =	vand.u32 $0xFFFFE000, v10;
	v10 =	vshrl.u32 v10, $0xB;
	v12 =	vand.u32 $0x1FFC, v56  }
0x47: {  	[tilespmem:s1+$0x30] =	vst v4;
	v10 =	vand.u32 $0x3, v10;
	v4 =	vor.u32 v11, v12;
	v11 =	vshll.u32 v17, $0x2  }
0x48: {  	[tilespmem:s1+$0x40] =	vst v55;
	v57 =	vand.u32 $0xFFFFE000, v17;
	v58 =	vshrl.u32 v17, $0xB;
	v11 =	vand.u32 $0x1FFC, v11  }
0x49: {  	[tilespmem:s1+$0x50] =	vst v9;
	v4 =	vor.u32 v10, v4;
	v9 =	vand.u32 $0x3, v58;
	v0 =	vor.u32 v57, v11  }
0x4a: {  	[tilespmem:s1+$0x60] =	vst v4;
	v0 =	vor.u32 v9, v0  }
0x4b: {  	[tilespmem:s1+$0x70] =	vst v0;
	s1 =	simm.s32 $0x0  }
0x4c: {  	[tilespmem:s23], [sflag:$0x1] =	stream.indirect.gather [hbm4b:s5+s22], $0x20, s1, s22, $0xb8;
	[tilespmem:$0x1A100] =	vst v63  }
0x4d: {  	s13 =	simm.s32 $0x1800  }
0x4e: {  	[tilespmem:s13], [sflag:$0x1] =	stream.indirect.gather [hbm4b:s5+s22], $0x20, s22, s22, $0xb8;
	[tilespmem:$0x1A100] =	vst v63  }
0x4f: {  	s24 =	simm.s32 $0x100;
	s14 =	simm.s32 $0x2800  }
0x50: {  	[tilespmem:s14], [sflag:$0x1] =	stream.indirect.gather [hbm4b:s5+s22], $0x20, s24, s22, $0xb8;
	[tilespmem:$0x1A100] =	vst v63  }
0x51: {  	s25 =	simm.s32 $0x180;
	s26 =	simm.s32 $0x3800  }
0x52: {  	[tilespmem:s26], [sflag:$0x1] =	stream.indirect.gather [hbm4b:s5+s22], $0x20, s25, s22, $0xb8;
	[tilespmem:$0x1A100] =	vst v63  }
0x53: {  	s28 =	simm.s32 $0x200;
	s30 =	simm.s32 $0x4800  }
0x54: {  	[tilespmem:s30], [sflag:$0x1] =	stream.indirect.gather [hbm4b:s5+s22], $0x20, s28, s22, $0xb8;
	[tilespmem:$0x1A100] =	vst v63  }
0x55: {  	s20 =	simm.s32 $0x280;
	s24 =	simm.s32 $0x5800  }
0x56: {  	[tilespmem:s24], [sflag:$0x1] =	stream.indirect.gather [hbm4b:s5+s22], $0x20, s20, s22, $0xb8;
	[tilespmem:$0x1A100] =	vst v63  }
0x57: {  	s25 =	simm.s32 $0x300;
	s26 =	simm.s32 $0x6800  }
0x58: {  	[tilespmem:s26], [sflag:$0x1] =	stream.indirect.gather [hbm4b:s5+s22], $0x20, s25, s22, $0xb8;
	[tilespmem:$0x1A100] =	vst v63  }
0x59: {  	s28 =	simm.s32 $0x380;
	s30 =	simm.s32 $0x7800  }
0x5a: {  	[tilespmem:s30], [sflag:$0x1] =	stream.indirect.gather [hbm4b:s5+s22], $0x20, s28, s22, $0xb8;
	[tilespmem:$0x1A100] =	vst v63  }
.LBB2_4:
0x5b: {  	_ =	swait.ge [sflag:s8], $0x400  }
0x5c: {  	[sflag:s8] =	ssyncset.done $0x0  }
0x5d: {  	s13 =	simm.s32 $0x0;
	[sflag:s8] =	ssyncadd.s32 $0xFFFFFC00  }
0x5e: {  	v0 =	vld [tilespmem:s13+$0x400]  }
0x5f: {  	v4 =	vld [tilespmem:s13+$0x410]  }
0x60: {  	v12 =	vld [tilespmem:s13+$0x430];
	_ =	sdelay $0x2  }
0x61: {  	v10 =	vld [tilespmem:s13+$0x420]  }
0x62: {  	v9 =	vshll.u32 v0, $0x2;
	v11 =	vand.u32 $0xFFFFE000, v0;
	v0 =	vshrl.u32 v0, $0xB  }
0x63: {  	v13 =	vand.u32 $0xFFFFE000, v4;
	v14 =	vshll.u32 v12, $0x2;
	v9 =	vand.u32 $0x1FFC, v9  }
0x64: {  	v16 =	vand.u32 $0xFFFFE000, v12;
	v9 =	vor.u32 v11, v9;
	v11 =	vshll.u32 v4, $0x2  }
0x65: {  	v12 =	vshrl.u32 v12, $0xB;
	v0 =	vand.u32 $0x3, v0;
	v11 =	vand.u32 $0x1FFC, v11  }
0x66: {  	v9 =	vor.u32 v0, v9;
	v0 =	vor.u32 v13, v11;
	v13 =	vshll.u32 v10, $0x2  }
0x67: {  	v15 =	vld [tilespmem:s13+$0x440];
	v14 =	vand.u32 $0x1FFC, v14;
	v11 =	vand.u32 $0xFFFFE000, v10;
	v13 =	vand.u32 $0x1FFC, v13  }
0x68: {  	v11 =	vor.u32 v11, v13;
	v13 =	vor.u32 v16, v14;
	v14 =	vand.u32 $0x3, v12;
	v12 =	vld [tilespmem:s13+$0x450]  }
0x69: {  	v4 =	vshrl.u32 v4, $0xB;
	v10 =	vshrl.u32 v10, $0xB  }
0x6a: {  	v4 =	vand.u32 $0x3, v4;
	v10 =	vand.u32 $0x3, v10  }
0x6b: {  	v0 =	vor.u32 v4, v0;
	v11 =	vor.u32 v10, v11;
	v4 =	vor.u32 v14, v13;
	v10 =	vld [tilespmem:s13+$0x460]  }
0x6c: {  	s14 =	simm.s32 $0x200;
	v13 =	vand.u32 $0xFFFFE000, v15;
	v14 =	vshll.u32 v15, $0x2;
	v15 =	vshrl.u32 v15, $0xB  }
.LBB2_5:
0x6d: {  	p0 =	sne.s32 s14, $0xE00;
	v14 =	vand.u32 $0x1FFC, v14;
	v15 =	vand.u32 $0x3, v15;
	v16 =	vshll.u32 v12, $0x2;
	v17 =	vld [tilespmem:s13+$0x470]  }
0x6e: {  	v18 =	vand.u32 $0xFFFFE000, v12;
	v12 =	vshrl.u32 v12, $0xB;
	v16 =	vand.u32 $0x1FFC, v16  }
0x6f: {  	s20 =	sshra.s32 s14, $0x2;
	v12 =	vand.u32 $0x3, v12;
	[tilespmem:s13+$0x400] =	vst v9;
	v9 =	vor.u32 v13, v14;
	v13 =	vor.u32 v18, v16  }
0x70: {  	v14 =	vld [tilespmem:s20+$0x400];
	[tilespmem:s13+$0x410] =	vst v0;
	v0 =	vor.u32 v15, v9;
	v9 =	vor.u32 v12, v13;
	v12 =	vshll.u32 v10, $0x2  }
0x71: {  	[tilespmem:s13+$0x420] =	vst v11;
	v11 =	vand.u32 $0xFFFFE000, v10;
	v12 =	vand.u32 $0x1FFC, v12;
	v10 =	vshrl.u32 v10, $0xB  }
0x72: {  	v13 =	vld [tilespmem:s20+$0x410];
	[tilespmem:s13+$0x430] =	vst v4;
	v4 =	vor.u32 v11, v12;
	v10 =	vand.u32 $0x3, v10;
	v11 =	vshll.u32 v17, $0x2  }
0x73: {  	v12 =	vshrl.u32 v17, $0xB;
	[tilespmem:s13+$0x440] =	vst v0;
	v0 =	vand.u32 $0xFFFFE000, v17;
	v11 =	vand.u32 $0x1FFC, v11  }
0x74: {  	v4 =	vor.u32 v10, v4;
	[tilespmem:s13+$0x450] =	vst v9;
	v0 =	vor.u32 v0, v11;
	v9 =	vand.u32 $0x3, v12  }
0x75: {  	v10 =	vshll.u32 v14, $0x2;
	v11 =	vld [tilespmem:s20+$0x420];
	[tilespmem:s13+$0x460] =	vst v4;
	v0 =	vor.u32 v9, v0  }
0x76: {  	v4 =	vand.u32 $0xFFFFE000, v14;
	v9 =	vand.u32 $0x1FFC, v10;
	v10 =	vshrl.u32 v14, $0xB;
	v14 =	vld [tilespmem:s20+$0x430];
	[tilespmem:s13+$0x470] =	vst v0;
	s13 =	smov.u32 s20  }
0x77: {  	v0 =	vor.u32 v4, v9;
	v4 =	vand.u32 $0x3, v10;
	v9 =	vshll.u32 v13, $0x2  }
0x78: {  	v10 =	vand.u32 $0xFFFFE000, v13;
	v13 =	vshrl.u32 v13, $0xB;
	v12 =	vand.u32 $0x1FFC, v9  }
0x79: {  	v9 =	vor.u32 v4, v0;
	v4 =	vand.u32 $0x3, v13;
	v0 =	vor.u32 v10, v12  }
0x7a: {  	v10 =	vand.u32 $0xFFFFE000, v11;
	v12 =	vshll.u32 v11, $0x2;
	v11 =	vshrl.u32 v11, $0xB;
	v15 =	vld [tilespmem:s13+$0x440]  }
.Ltmp1:
0x7b: {  	v13 =	vand.u32 $0x1FFC, v12;
	v11 =	vand.u32 $0x3, v11;
	v16 =	vshll.u32 v14, $0x2;
	v12 =	vld [tilespmem:s13+$0x450];
	(pc) =	sbr.rel @p0 .LBB2_5-.Ltmp1, $4  }
0x7c: {  	v17 =	vand.u32 $0xFFFFE000, v14;
	v14 =	vshrl.u32 v14, $0xB;
	v16 =	vand.u32 $0x1FFC, v16  }
0x7d: {  	v10 =	vor.u32 v10, v13;
	v14 =	vand.u32 $0x3, v14;
	v13 =	vor.u32 v17, v16  }
0x7e: {  	v0 =	vor.u32 v4, v0;
	v11 =	vor.u32 v11, v10;
	v4 =	vor.u32 v14, v13;
	v10 =	vld [tilespmem:s13+$0x460]  }
0x7f: {  	s14 =	sadd.s32 $0x200, s14;
	v13 =	vand.u32 $0xFFFFE000, v15;
	v14 =	vshll.u32 v15, $0x2;
	v15 =	vshrl.u32 v15, $0xB  }
0x80: {  	v14 =	vand.u32 $0x1FFC, v14;
	v15 =	vand.u32 $0x3, v15;
	v16 =	vshll.u32 v12, $0x2;
	v17 =	vld [tilespmem:s13+$0x470]  }
0x81: {  	v18 =	vand.u32 $0xFFFFE000, v12;
	v46 =	vshrl.u32 v12, $0xB;
	v16 =	vand.u32 $0x1FFC, v16  }
0x82: {  	[tilespmem:s13+$0x400] =	vst v9;
	v47 =	vor.u32 v13, v14;
	v12 =	vand.u32 $0x3, v46;
	v48 =	vor.u32 v18, v16  }
0x83: {  	[tilespmem:s13+$0x410] =	vst v0;
	v49 =	vor.u32 v15, v47;
	v50 =	vor.u32 v12, v48;
	v51 =	vshll.u32 v10, $0x2  }
0x84: {  	[tilespmem:s13+$0x420] =	vst v11;
	v52 =	vand.u32 $0xFFFFE000, v10;
	v53 =	vshrl.u32 v10, $0xB;
	v12 =	vand.u32 $0x1FFC, v51  }
0x85: {  	[tilespmem:s13+$0x430] =	vst v4;
	v10 =	vand.u32 $0x3, v53;
	v4 =	vor.u32 v52, v12;
	v54 =	vshll.u32 v17, $0x2  }
0x86: {  	[tilespmem:s13+$0x440] =	vst v49;
	v55 =	vand.u32 $0xFFFFE000, v17;
	v56 =	vshrl.u32 v17, $0xB;
	v11 =	vand.u32 $0x1FFC, v54  }
0x87: {  	[tilespmem:s13+$0x450] =	vst v50;
	v4 =	vor.u32 v10, v4;
	v57 =	vand.u32 $0x3, v56;
	v0 =	vor.u32 v55, v11  }
0x88: {  	[tilespmem:s13+$0x460] =	vst v4;
	v0 =	vor.u32 v57, v0  }
0x89: {  	s24 =	simm.s32 $0x400;
	[tilespmem:s13+$0x470] =	vst v0  }
0x8a: {  	[tilespmem:s19], [sflag:$0x2] =	stream.indirect.gather [hbm4b:s5+s22], $0x20, s24, s22, $0xb8;
	[tilespmem:$0x1A100] =	vst v63  }
0x8b: {  	s25 =	simm.s32 $0x480;
	s14 =	simm.s32 $0x9800  }
0x8c: {  	[tilespmem:s14], [sflag:$0x2] =	stream.indirect.gather [hbm4b:s5+s22], $0x20, s25, s22, $0xb8;
	[tilespmem:$0x1A100] =	vst v63  }
0x8d: {  	s26 =	simm.s32 $0x500;
	s28 =	simm.s32 $0xA800  }
0x8e: {  	[tilespmem:s28], [sflag:$0x2] =	stream.indirect.gather [hbm4b:s5+s22], $0x20, s26, s22, $0xb8;
	[tilespmem:$0x1A100] =	vst v63  }
0x8f: {  	s20 =	simm.s32 $0xB800;
	s14 =	simm.s32 $0x580  }
0x90: {  	[tilespmem:s20], [sflag:$0x2] =	stream.indirect.gather [hbm4b:s5+s22], $0x20, s14, s22, $0xb8;
	[tilespmem:$0x1A100] =	vst v63  }
0x91: {  	s24 =	simm.s32 $0x600;
	s25 =	simm.s32 $0xC800  }
0x92: {  	[tilespmem:s25], [sflag:$0x2] =	stream.indirect.gather [hbm4b:s5+s22], $0x20, s24, s22, $0xb8;
	[tilespmem:$0x1A100] =	vst v63  }
0x93: {  	s26 =	simm.s32 $0x680;
	s28 =	simm.s32 $0xD800  }
0x94: {  	[tilespmem:s28], [sflag:$0x2] =	stream.indirect.gather [hbm4b:s5+s22], $0x20, s26, s22, $0xb8;
	[tilespmem:$0x1A100] =	vst v63  }
0x95: {  	s20 =	simm.s32 $0x700;
	s24 =	simm.s32 $0xE800  }
0x96: {  	[tilespmem:s24], [sflag:$0x2] =	stream.indirect.gather [hbm4b:s5+s22], $0x20, s20, s22, $0xb8;
	[tilespmem:$0x1A100] =	vst v63  }
0x97: {  	s13 =	sshll.u32 s1, $0x10;
	s25 =	simm.s32 $0x780;
	s26 =	simm.s32 $0xF800  }
0x98: {  	[tilespmem:s26], [sflag:$0x2] =	stream.indirect.gather [hbm4b:s5+s22], $0x20, s25, s22, $0xb8;
	[tilespmem:$0x1A100] =	vst v63  }
0x99: {  	s28 =	sadd.s32 s10, s13;
	_ =	swait.ge [sflag:s15], $0x8000  }
0x9a: {  	p0 =	seq.s32 s1, $0x0;
	s14 =	sshrl.u32 s28, $0x3;
	[sflag:s15] =	ssyncset.done $0x0  }
0x9b: {  	s14 =	sadd.s32 s29, s14;
	s20 =	simm.s32 @!p0 $0x5;
	[sflag:s15] =	ssyncadd.s32 $0xFFFF8000  }
0x9c: {  	[tilespmem:s4], [sflag:$0x3] =	stream.linear.gather [hbm4b:s14+s4], $0x400, $0x38;
	[tilespmem:$0x1A100] =	vst v63  }
0x9d: {  	_ =	swait.ge @!p0 [sflag:s20], $0x2000  }
0x9e: {  	[sflag:s20] =	ssyncset.done @!p0 $0x0  }
0x9f: {  	[sflag:s20] =	ssyncadd.s32 @!p0 $0xFFFFE000  }
0xa0: {  	_ =	swait.ge @!p0 [sflag:s20], $0x2000  }
0xa1: {  	[sflag:s20] =	ssyncset.done @!p0 $0x0  }
0xa2: {  	[sflag:s20] =	ssyncadd.s32 @!p0 $0xFFFFE000  }
0xa3: {  	_ =	swait.ge @!p0 [sflag:s20], $0x2000  }
0xa4: {  	s30 =	smov.u32 s29;
	s29 =	sshll.u32 s1, $0x9;
	[sflag:s20] =	ssyncset.done @!p0 $0x0  }
0xa5: {  	s24 =	sand.u32 $0x3FFFFE00, s29;
	[sflag:s20] =	ssyncadd.s32 @!p0 $0xFFFFE000  }
0xa6: {  	s24 =	sadd.s32 $0x18800, s24;
	_ =	swait.ge @!p0 [sflag:s20], $0x2000  }
0xa7: {  	v58 =	vmov s24;
	s24 =	simm.s32 $0x0;
	[sflag:s20] =	ssyncset.done @!p0 $0x0  }
0xa8: {  	v5 =	vlaneseq.u32;
	v6 =	vmov v8;
	s14 =	sshll.u32 s1, $0x1;
	[tilespmem:$0x1FF80] =	vst v58;
	[sflag:s20] =	ssyncadd.s32 @!p0 $0xFFFFE000;
	s20 =	simm.s32 $0x0  }
.LBB2_7:
0xa9: {  	v1 =	vld [tilespmem:$0x1FF90]  }
0xaa: {  	v0 =	vmov s20  }
0xab: {  	v2 =	vld [tilespmem:$0x1FF80];
	v0 =	vshll.u32 v0, $0x5  }
0xac: {  	v0 =	vadd.s32 v61, v0  }
0xad: {  	s25 =	sshll.u32 s24, $0xC;
	v27 =	vand.u32 $0x1E0, v0  }
0xae: {  	v12 =	vor.u32 v6, v27;
	v26 =	vor.u32 s25, v1  }
0xaf: {  	s26 =	simm.s32 $0x1;
	v0 =	vor.u32 v26, v12  }
0xb0: {  	v4 =	vadd.s32 s26, v5  }
0xb1: {  	s26 =	sshll.u32 s24, $0x5;
	v29 =	vand.u32 $0xF, v4  }
0xb2: {  	s26 =	sand.u32 $0x3FFFFFE0, s26;
	v32 =	vshll.u32 v29, $0x5  }
0xb3: {  	v37 =	vor.u32 v6, v32;
	v28 =	vld.idx.msk [tilespmem:v2+s26+$0x0 ss:$0x1], $0xffff  }
0xb4: {  	v35 =	vadd.s32 s20, v63;
	v9 =	vor.u32 v26, v37;
	v0 =	vld.idx.msk [tilespmem:v0+s23+$0x0], $0xffff  }
0xb5: {  	v24 =	vmov s25;
	s28 =	sor.u32 $0x200, s25;
	v41 =	vand.u32 $0x78F, v35  }
0xb6: {  	v11 =	vor.u32 v24, v41;
	v25 =	vor.u32 s28, v1  }
0xb7: {  	v13 =	vor.u32 v25, v12  }
0xb8: {  	v10 =	vor.u32 v7, v29  }
0xb9: {  	v33 =	vand.u32 $0x7, v4;
	v4 =	vld.idx.msk [tilespmem:v9+s23+$0x0], $0xffff;
	v9 =	vand.u32 $0x788, v10;
	v0 =	vadd.f32 v0, v28  }
0xba: {  	v34 =	vor.u32 v33, v9  }
0xbb: {  	v10 =	vld.idx.msk [tilespmem:v2+s26+$0x10 ss:$0x1], $0xffff;
	[tilespmem:v11+s16+$0x0] =	vst.idx.msk $0xffff, v0;
	v0 =	vor.u32 v24, v34  }
0xbc: {  	s26 =	sor.u32 $0x10, s25;
	v11 =	vor.u32 v25, v37;
	v9 =	vld.idx.msk [tilespmem:v13+s23+$0x0], $0xffff  }
0xbd: {  	v23 =	vmov s26;
	s26 =	sor.u32 $0x400, s25  }
0xbe: {  	v22 =	vor.u32 s26, v1;
	v4 =	vadd.f32 v4, v28;
	v13 =	vor.u32 v23, v35  }
0xbf: {  	v14 =	vor.u32 v22, v12  }
0xc0: {  	[tilespmem:v0+s16+$0x0] =	vst.idx.msk $0xffff, v4  }
0xc1: {  	v0 =	vadd.f32 v9, v28;
	v4 =	vld.idx.msk [tilespmem:v11+s23+$0x0], $0xffff;
	_ =	sdelay $0x1  }
0xc2: {  	[tilespmem:v13+s16+$0x0] =	vst.idx.msk $0xffff, v0;
	v0 =	vor.u32 v23, v34  }
0xc3: {  	s26 =	sor.u32 $0x20, s25;
	v11 =	vor.u32 v22, v37;
	v9 =	vld.idx.msk [tilespmem:v14+s23+$0x0], $0xffff  }
0xc4: {  	v21 =	vmov s26;
	s26 =	sor.u32 $0x600, s25  }
0xc5: {  	v20 =	vor.u32 s26, v1;
	v13 =	vor.u32 v21, v41;
	v4 =	vadd.f32 v4, v28  }
0xc6: {  	v14 =	vor.u32 v20, v12  }
0xc7: {  	[tilespmem:v0+s16+$0x0] =	vst.idx.msk $0xffff, v4  }
0xc8: {  	v0 =	vadd.f32 v9, v28;
	v4 =	vld.idx.msk [tilespmem:v11+s23+$0x0], $0xffff;
	_ =	sdelay $0x1  }
0xc9: {  	[tilespmem:v13+s16+$0x0] =	vst.idx.msk $0xffff, v0;
	v0 =	vor.u32 v21, v34  }
0xca: {  	s26 =	sor.u32 $0x30, s25;
	v11 =	vor.u32 v20, v37;
	v9 =	vld.idx.msk [tilespmem:v14+s23+$0x0], $0xffff  }
0xcb: {  	v19 =	vmov s26;
	s26 =	sor.u32 $0x800, s25  }
0xcc: {  	v18 =	vor.u32 s26, v1;
	v13 =	vor.u32 v19, v35;
	v4 =	vadd.f32 v4, v28  }
0xcd: {  	s26 =	simm.s32 $0x2;
	v14 =	vor.u32 v18, v12  }
0xce: {  	v15 =	vmov s26;
	[tilespmem:v0+s16+$0x0] =	vst.idx.msk $0xffff, v4  }
0xcf: {  	v0 =	vshll.u32 v15, $0x5;
	v4 =	vadd.f32 v9, v28;
	v9 =	vld.idx.msk [tilespmem:v11+s23+$0x0], $0xffff  }
0xd0: {  	v0 =	vadd.s32 v61, v0  }
0xd1: {  	v30 =	vand.u32 $0x1E0, v0;
	v0 =	vor.u32 v19, v34;
	[tilespmem:v13+s16+$0x0] =	vst.idx.msk $0xffff, v4  }
0xd2: {  	s28 =	sor.u32 $0x40, s25;
	v11 =	vor.u32 v18, v37;
	v38 =	vor.u32 v6, v30;
	v4 =	vld.idx.msk [tilespmem:v14+s23+$0x0], $0xffff  }
0xd3: {  	v17 =	vmov s28;
	s28 =	sor.u32 $0xA00, s25;
	v14 =	vor.u32 v26, v38  }
0xd4: {  	v16 =	vor.u32 s28, v1;
	v15 =	vor.u32 v17, v41;
	v9 =	vadd.f32 v9, v28  }
0xd5: {  	v40 =	vor.u32 v16, v12  }
0xd6: {  	s29 =	simm.s32 $0x3;
	[tilespmem:v0+s16+$0x0] =	vst.idx.msk $0xffff, v9  }
0xd7: {  	v42 =	vadd.s32 s29, v5;
	v0 =	vadd.f32 v4, v28;
	v4 =	vld.idx.msk [tilespmem:v11+s23+$0x0], $0xffff  }
0xd8: {  	v36 =	vand.u32 $0xF, v42;
	v31 =	vadd.s32 s26, v63;
	v9 =	vld.idx.msk [tilespmem:v14+s23+$0x0], $0xffff  }
0xd9: {  	s28 =	sor.u32 $0x50, s25;
	v43 =	vor.u32 v16, v37;
	v39 =	vand.u32 $0x78F, v31;
	[tilespmem:v15+s16+$0x0] =	vst.idx.msk $0xffff, v0;
	v0 =	vor.u32 v17, v34  }
0xda: {  	v13 =	vmov s28;
	v11 =	vor.u32 v24, v39;
	v15 =	vld.idx.msk [tilespmem:v40+s23+$0x0], $0xffff;
	v40 =	vshll.u32 v36, $0x5  }
0xdb: {  	s28 =	sor.u32 $0xC00, s25;
	v44 =	vor.u32 v25, v38;
	v45 =	vor.u32 v13, v35;
	v48 =	vor.u32 v6, v40  }
0xdc: {  	v14 =	vor.u32 s28, v1;
	v46 =	vor.u32 v26, v48;
	v4 =	vadd.f32 v4, v28  }
0xdd: {  	v47 =	vor.u32 v14, v12;
	v9 =	vadd.f32 v9, v28  }
0xde: {  	[tilespmem:v0+s16+$0x0] =	vst.idx.msk $0xffff, v4  }
0xdf: {  	[tilespmem:v11+s16+$0x0] =	vst.idx.msk $0xffff, v9;
	v0 =	vadd.f32 v15, v28;
	v4 =	vld.idx.msk [tilespmem:v43+s23+$0x0], $0xffff  }
0xe0: {  	v57 =	vor.u32 v23, v31;
	v9 =	vld.idx.msk [tilespmem:v44+s23+$0x0], $0xffff;
	v15 =	vor.u32 v7, v36  }
0xe1: {  	v44 =	vand.u32 $0x7, v42;
	v42 =	vor.u32 v13, v34;
	v15 =	vand.u32 $0x788, v15;
	[tilespmem:v45+s16+$0x0] =	vst.idx.msk $0xffff, v0;
	v0 =	vld.idx.msk [tilespmem:v46+s23+$0x0], $0xffff  }
0xe2: {  	v49 =	vor.u32 v22, v38;
	s28 =	sor.u32 $0x60, s25;
	v56 =	vor.u32 v14, v37;
	v45 =	vor.u32 v44, v15;
	v58 =	vld.idx.msk [tilespmem:v47+s23+$0x0], $0xffff  }
0xe3: {  	v51 =	vor.u32 v25, v48;
	v11 =	vmov s28;
	s28 =	sor.u32 $0xE00, s25;
	v50 =	vor.u32 v24, v45  }
0xe4: {  	v41 =	vor.u32 v11, v41;
	v15 =	vor.u32 s28, v1;
	v4 =	vadd.f32 v4, v28  }
0xe5: {  	v52 =	vor.u32 v15, v12;
	v9 =	vadd.f32 v9, v28  }
0xe6: {  	v0 =	vadd.f32 v0, v28;
	[tilespmem:v42+s16+$0x0] =	vst.idx.msk $0xffff, v4  }
0xe7: {  	[tilespmem:v57+s16+$0x0] =	vst.idx.msk $0xffff, v9;
	v4 =	vadd.f32 v58, v28;
	v9 =	vld.idx.msk [tilespmem:v56+s23+$0x0], $0xffff  }
0xe8: {  	v57 =	vld.idx.msk [tilespmem:v49+s23+$0x0], $0xffff;
	[tilespmem:v50+s16+$0x0] =	vst.idx.msk $0xffff, v0  }
0xe9: {  	[tilespmem:v41+s16+$0x0] =	vst.idx.msk $0xffff, v4;
	v0 =	vld.idx.msk [tilespmem:v51+s23+$0x0], $0xffff;
	v4 =	vor.u32 v11, v34  }
0xea: {  	s25 =	sor.u32 $0x70, s25;
	v37 =	vor.u32 v15, v37;
	v58 =	vor.u32 v21, v39;
	v41 =	vld.idx.msk [tilespmem:v52+s23+$0x0], $0xffff  }
0xeb: {  	v12 =	vmov s25;
	v53 =	vor.u32 v23, v45;
	v52 =	vor.u32 v20, v38  }
0xec: {  	v54 =	vor.u32 v22, v48;
	v35 =	vor.u32 v12, v35;
	v9 =	vadd.f32 v9, v28  }
0xed: {  	v46 =	vor.u32 v60, v27;
	v27 =	vadd.f32 v57, v28  }
0xee: {  	v55 =	vor.u32 v26, v46;
	v0 =	vadd.f32 v0, v28;
	[tilespmem:v4+s16+$0x0] =	vst.idx.msk $0xffff, v9  }
0xef: {  	[tilespmem:v58+s16+$0x0] =	vst.idx.msk $0xffff, v27;
	v4 =	vadd.f32 v41, v28;
	v9 =	vld.idx.msk [tilespmem:v37+s23+$0x0], $0xffff  }
0xf0: {  	v43 =	vor.u32 v18, v38;
	v47 =	vor.u32 v60, v32;
	v37 =	vld.idx.msk [tilespmem:v52+s23+$0x0], $0xffff;
	[tilespmem:v53+s16+$0x0] =	vst.idx.msk $0xffff, v0  }
0xf1: {  	v56 =	vor.u32 v26, v47;
	v34 =	vor.u32 v12, v34;
	[tilespmem:v35+s16+$0x0] =	vst.idx.msk $0xffff, v4;
	v4 =	vld.idx.msk [tilespmem:v54+s23+$0x0], $0xffff  }
0xf2: {  	s25 =	simm.s32 $0x4;
	v50 =	vor.u32 v21, v45;
	v27 =	vadd.s32 s20, v62;
	v35 =	vor.u32 v19, v31  }
0xf3: {  	v58 =	vor.u32 v20, v48;
	v49 =	vand.u32 $0xF8F, v27;
	v0 =	vmov s25;
	v41 =	vld.idx.msk [tilespmem:v55+s23+$0x0], $0xffff  }
0xf4: {  	v57 =	vor.u32 v24, v49;
	v0 =	vshll.u32 v0, $0x5;
	v9 =	vadd.f32 v9, v28  }
0xf5: {  	v53 =	vor.u32 v25, v46;
	v0 =	vadd.s32 v61, v0;
	v37 =	vadd.f32 v37, v28  }
0xf6: {  	v32 =	vand.u32 $0x1E0, v0;
	v4 =	vadd.f32 v4, v28;
	[tilespmem:v34+s16+$0x0] =	vst.idx.msk $0xffff, v9;
	v9 =	vor.u32 v59, v29  }
0xf7: {  	[tilespmem:v35+s16+$0x0] =	vst.idx.msk $0xffff, v37;
	v34 =	vor.u32 v6, v32;
	v56 =	vld.idx.msk [tilespmem:v56+s23+$0x0], $0xffff;
	v9 =	vand.u32 $0xF88, v9  }
0xf8: {  	v0 =	vadd.f32 v41, v10;
	v37 =	vld.idx.msk [tilespmem:v43+s23+$0x0], $0xffff;
	[tilespmem:v50+s16+$0x0] =	vst.idx.msk $0xffff, v4;
	v29 =	vor.u32 v33, v9  }
0xf9: {  	v9 =	vor.u32 v26, v34;
	v4 =	vld.idx.msk [tilespmem:v58+s23+$0x0], $0xffff;
	v33 =	vor.u32 v24, v29  }
0xfa: {  	v41 =	vor.u32 v25, v47;
	[tilespmem:v57+s16+$0x0] =	vst.idx.msk $0xffff, v0;
	v0 =	vor.u32 v17, v39  }
0xfb: {  	v51 =	vor.u32 v16, v38;
	v52 =	vor.u32 v19, v45  }
0xfc: {  	v57 =	vor.u32 v18, v48;
	v58 =	vld.idx.msk [tilespmem:v53+s23+$0x0], $0xffff;
	v35 =	vadd.f32 v56, v10  }
0xfd: {  	v54 =	vor.u32 v23, v27;
	v37 =	vadd.f32 v37, v28  }
0xfe: {  	v43 =	vadd.s32 s25, v63;
	v9 =	vld.idx.msk [tilespmem:v9+s23+$0x0], $0xffff;
	v4 =	vadd.f32 v4, v28;
	[tilespmem:v33+s16+$0x0] =	vst.idx.msk $0xffff, v35  }
0xff: {  	v2 =	vmov v60;
	v55 =	vor.u32 v22, v46;
	v42 =	vand.u32 $0x78F, v43;
	[tilespmem:v0+s16+$0x0] =	vst.idx.msk $0xffff, v37;
	v0 =	vld.idx.msk [tilespmem:v41+s23+$0x0], $0xffff  }
0x100: {  	v40 =	vor.u32 v2, v40;
	v37 =	vor.u32 v24, v42;
	v41 =	vld.idx.msk [tilespmem:v51+s23+$0x0], $0xffff;
	[tilespmem:v52+s16+$0x0] =	vst.idx.msk $0xffff, v4  }
0x101: {  	v60 =	vor.u32 v13, v45;
	v58 =	vadd.f32 v58, v10;
	v51 =	vor.u32 v23, v29;
	v50 =	vld.idx.msk [tilespmem:v57+s23+$0x0], $0xffff  }
0x102: {  	v53 =	vor.u32 v22, v47;
	v4 =	vor.u32 v13, v31;
	v52 =	vor.u32 v25, v34  }
0x103: {  	s28 =	simm.s32 $0x5;
	v56 =	vor.u32 v17, v45;
	[tilespmem:v54+s16+$0x0] =	vst.idx.msk $0xffff, v58;
	v9 =	vadd.f32 v9, v28  }
0x104: {  	v1 =	vmovc v59;
	v57 =	vor.u32 v16, v48;
	v54 =	vld.idx.msk [tilespmem:v55+s23+$0x0], $0xffff;
	v55 =	vadd.s32 s28, v5;
	v0 =	vadd.f32 v0, v10  }
0x105: {  	v58 =	vor.u32 v14, v38;
	v33 =	vand.u32 $0xF, v55;
	[tilespmem:v37+s16+$0x0] =	vst.idx.msk $0xffff, v9;
	v9 =	vadd.f32 v41, v28  }
0x106: {  	v36 =	vor.u32 v1, v36;
	v35 =	vshll.u32 v33, $0x5;
	v59 =	vadd.f32 v50, v28;
	[tilespmem:v51+s16+$0x0] =	vst.idx.msk $0xffff, v0  }
0x107: {  	v36 =	vand.u32 $0xF88, v36;
	v37 =	vor.u32 v6, v35;
	[tilespmem:v4+s16+$0x0] =	vst.idx.msk $0xffff, v9;
	v9 =	vld.idx.msk [tilespmem:v52+s23+$0x0], $0xffff  }
0x108: {  	v0 =	vor.u32 v21, v49;
	v50 =	vor.u32 v26, v37;
	v4 =	vld.idx.msk [tilespmem:v53+s23+$0x0], $0xffff;
	[tilespmem:v56+s16+$0x0] =	vst.idx.msk $0xffff, v59  }
0x109: {  	v36 =	vor.u32 v44, v36;
	v51 =	vor.u32 v23, v43;
	v41 =	vadd.f32 v54, v10;
	v54 =	vld.idx.msk [tilespmem:v57+s23+$0x0], $0xffff  }
0x10a: {  	v52 =	vor.u32 v22, v34;
	v56 =	vor.u32 v21, v29;
	v57 =	vld.idx.msk [tilespmem:v58+s23+$0x0], $0xffff;
	v58 =	vor.u32 v20, v46  }
0x10b: {  	v53 =	vor.u32 v11, v39;
	v39 =	vand.u32 $0x7, v55;
	v55 =	vor.u32 v7, v33  }
0x10c: {  	v59 =	vor.u32 v20, v47;
	v55 =	vand.u32 $0x788, v55;
	v9 =	vadd.f32 v9, v28  }
0x10d: {  	[tilespmem:v0+s16+$0x0] =	vst.idx.msk $0xffff, v41;
	v0 =	vld.idx.msk [tilespmem:v50+s23+$0x0], $0xffff;
	v50 =	vor.u32 v14, v48;
	v4 =	vadd.f32 v4, v10  }
0x10e: {  	v38 =	vor.u32 v15, v38;
	v41 =	vor.u32 v39, v55;
	[tilespmem:v51+s16+$0x0] =	vst.idx.msk $0xffff, v9  }
0x10f: {  	v55 =	vor.u32 v24, v41;
	v54 =	vadd.f32 v54, v28;
	[tilespmem:v56+s16+$0x0] =	vst.idx.msk $0xffff, v4;
	v4 =	vld.idx.msk [tilespmem:v58+s23+$0x0], $0xffff  }
0x110: {  	v48 =	vor.u32 v15, v48;
	v56 =	vor.u32 v25, v37;
	v9 =	vadd.f32 v57, v28;
	v52 =	vld.idx.msk [tilespmem:v52+s23+$0x0], $0xffff  }
0x111: {  	v57 =	vor.u32 v19, v29;
	v51 =	vld.idx.msk [tilespmem:v59+s23+$0x0], $0xffff;
	[tilespmem:v60+s16+$0x0] =	vst.idx.msk $0xffff, v54;
	v54 =	vor.u32 v19, v27  }
0x112: {  	v0 =	vadd.f32 v0, v28;
	[tilespmem:v53+s16+$0x0] =	vst.idx.msk $0xffff, v9;
	v9 =	vld.idx.msk [tilespmem:v50+s23+$0x0], $0xffff;
	v50 =	vor.u32 v18, v46  }
0x113: {  	v58 =	vor.u32 v18, v47;
	v59 =	vor.u32 v20, v34;
	v53 =	vor.u32 v13, v27  }
0x114: {  	[tilespmem:v55+s16+$0x0] =	vst.idx.msk $0xffff, v0;
	v0 =	vld.idx.msk [tilespmem:v38+s23+$0x0], $0xffff;
	v55 =	vor.u32 v21, v42;
	v4 =	vadd.f32 v4, v10  }
0x115: {  	v60 =	vor.u32 v11, v45;
	v38 =	vor.u32 v12, v31;
	v31 =	vor.u32 v2, v30  }
0x116: {  	v56 =	vld.idx.msk [tilespmem:v56+s23+$0x0], $0xffff;
	v30 =	vadd.f32 v51, v10;
	v51 =	vor.u32 v23, v41;
	[tilespmem:v54+s16+$0x0] =	vst.idx.msk $0xffff, v4  }
0x117: {  	v4 =	vadd.f32 v52, v28;
	v52 =	vor.u32 v26, v31;
	v54 =	vor.u32 v22, v37;
	v50 =	vld.idx.msk [tilespmem:v50+s23+$0x0], $0xffff  }
0x118: {  	[tilespmem:v57+s16+$0x0] =	vst.idx.msk $0xffff, v30;
	v30 =	vadd.s32 s26, v62;
	v9 =	vadd.f32 v9, v28;
	v62 =	vor.u32 v26, v40  }
0x119: {  	s26 =	simm.s32 $0x6;
	v57 =	vor.u32 v22, v31;
	[tilespmem:v55+s16+$0x0] =	vst.idx.msk $0xffff, v4;
	v0 =	vadd.f32 v0, v28  }
0x11a: {  	v5 =	vor.u32 v23, v30;
	v4 =	vld.idx.msk [tilespmem:v58+s23+$0x0], $0xffff;
	v58 =	vmov s26;
	[tilespmem:v60+s16+$0x0] =	vst.idx.msk $0xffff, v9;
	v9 =	vor.u32 v17, v49  }
0x11b: {  	v55 =	vadd.f32 v56, v28;
	v56 =	vld.idx.msk [tilespmem:v59+s23+$0x0], $0xffff;
	v59 =	vor.u32 v19, v43;
	v60 =	vor.u32 v17, v29  }
0x11c: {  	v58 =	vshll.u32 v58, $0x5;
	[tilespmem:v38+s16+$0x0] =	vst.idx.msk $0xffff, v0;
	v0 =	vor.u32 v16, v46;
	v48 =	vld.idx.msk [tilespmem:v48+s23+$0x0], $0xffff  }
0x11d: {  	[tilespmem:v51+s16+$0x0] =	vst.idx.msk $0xffff, v55;
	v52 =	vld.idx.msk [tilespmem:v52+s23+$0x0], $0xffff;
	v55 =	vor.u32 v16, v47;
	v50 =	vadd.f32 v50, v10  }
0x11e: {  	v38 =	vand.u32 $0xF8F, v30;
	v58 =	vadd.s32 v61, v58;
	v61 =	vor.u32 v12, v45;
	v54 =	vld.idx.msk [tilespmem:v54+s23+$0x0], $0xffff  }
0x11f: {  	v44 =	vadd.s32 s26, v63;
	v51 =	vor.u32 v24, v38;
	v4 =	vadd.f32 v4, v10;
	[tilespmem:v9+s16+$0x0] =	vst.idx.msk $0xffff, v50  }
0x120: {  	v9 =	vadd.f32 v56, v28;
	v50 =	vor.u32 v18, v34;
	v56 =	vor.u32 v21, v41  }
0x121: {  	v0 =	vld.idx.msk [tilespmem:v0+s23+$0x0], $0xffff;
	[tilespmem:v60+s16+$0x0] =	vst.idx.msk $0xffff, v4;
	v4 =	vor.u32 v20, v37;
	v60 =	vadd.f32 v48, v28  }
0x122: {  	[tilespmem:v59+s16+$0x0] =	vst.idx.msk $0xffff, v9;
	v9 =	vadd.f32 v52, v10;
	v52 =	vor.u32 v25, v31;
	v55 =	vld.idx.msk [tilespmem:v55+s23+$0x0], $0xffff  }
0x123: {  	v63 =	vor.u32 v18, v37;
	v45 =	vand.u32 $0x1E0, v58;
	v54 =	vadd.f32 v54, v28;
	[tilespmem:v61+s16+$0x0] =	vst.idx.msk $0xffff, v60  }
0x124: {  	v58 =	vor.u32 v14, v46;
	[tilespmem:v51+s16+$0x0] =	vst.idx.msk $0xffff, v9;
	v9 =	vld.idx.msk [tilespmem:v62+s23+$0x0], $0xffff;
	v51 =	vor.u32 v13, v29  }
0x125: {  	v48 =	vor.u32 v6, v45;
	v50 =	vld.idx.msk [tilespmem:v50+s23+$0x0], $0xffff;
	[tilespmem:v56+s16+$0x0] =	vst.idx.msk $0xffff, v54;
	v54 =	vor.u32 v14, v47  }
0x126: {  	v59 =	vor.u32 v26, v48;
	v56 =	vor.u32 v24, v36;
	v0 =	vadd.f32 v0, v10;
	v4 =	vld.idx.msk [tilespmem:v4+s23+$0x0], $0xffff  }
0x127: {  	v61 =	vor.u32 v17, v42;
	v62 =	vor.u32 v25, v40;
	v55 =	vadd.f32 v55, v10;
	v52 =	vld.idx.msk [tilespmem:v52+s23+$0x0], $0xffff  }
0x128: {  	[tilespmem:v53+s16+$0x0] =	vst.idx.msk $0xffff, v0;
	v0 =	vor.u32 v16, v34;
	v53 =	vor.u32 v19, v41  }
0x129: {  	v46 =	vor.u32 v15, v46;
	v9 =	vadd.f32 v9, v10;
	[tilespmem:v51+s16+$0x0] =	vst.idx.msk $0xffff, v55;
	v51 =	vld.idx.msk [tilespmem:v58+s23+$0x0], $0xffff  }
0x12a: {  	v60 =	vor.u32 v13, v43;
	v47 =	vor.u32 v15, v47;
	v55 =	vadd.f32 v50, v28;
	v54 =	vld.idx.msk [tilespmem:v54+s23+$0x0], $0xffff  }
0x12b: {  	v58 =	vor.u32 v11, v49;
	[tilespmem:v56+s16+$0x0] =	vst.idx.msk $0xffff, v9;
	v9 =	vld.idx.msk [tilespmem:v59+s23+$0x0], $0xffff;
	v56 =	vadd.f32 v4, v28  }
0x12c: {  	v50 =	vand.u32 $0x78F, v44;
	[tilespmem:v61+s16+$0x0] =	vst.idx.msk $0xffff, v55;
	v52 =	vadd.f32 v52, v10;
	v55 =	vld.idx.msk [tilespmem:v62+s23+$0x0], $0xffff  }
0x12d: {  	v49 =	vor.u32 v21, v38;
	v4 =	vor.u32 v24, v50;
	v61 =	vld.idx.msk [tilespmem:v0+s23+$0x0], $0xffff;
	[tilespmem:v53+s16+$0x0] =	vst.idx.msk $0xffff, v56  }
0x12e: {  	v62 =	vor.u32 v14, v34;
	v56 =	vor.u32 v11, v29;
	v63 =	vld.idx.msk [tilespmem:v63+s23+$0x0], $0xffff;
	[tilespmem:v5+s16+$0x0] =	vst.idx.msk $0xffff, v52  }
0x12f: {  	s29 =	simm.s32 $0x7;
	s28 =	simm.s32 $0x8;
	v0 =	vor.u32 v25, v48;
	v59 =	vadd.f32 v51, v10;
	v53 =	vld.idx.msk [tilespmem:v57+s23+$0x0], $0xffff;
	v57 =	vor.u32 v23, v36  }
.LBB2_8:
0x130: {  	v1 =	vlaneseq.u32  }
0x131: {  	v3 =	vor.u32 v22, v40;
	v52 =	vmovc v31;
	v31 =	vor.u32 v17, v41;
	v29 =	vor.u32 v12, v29  }
0x132: {  	v43 =	vor.u32 v12, v43;
	v1 =	vadd.s32 s29, v1;
	[tilespmem:v58+s16+$0x0] =	vst.idx.msk $0xffff, v59;
	v9 =	vadd.f32 v9, v28  }
0x133: {  	v51 =	vmovc v40;
	v58 =	vmovc v39;
	v39 =	vor.u32 v16, v37;
	v5 =	vadd.f32 v54, v10;
	v59 =	vand.u32 $0xF, v1  }
0x134: {  	v54 =	vmov v38;
	v38 =	vld.idx.msk [tilespmem:v46+s23+$0x0], $0xffff;
	v46 =	vshll.u32 v59, $0x5;
	v40 =	vadd.f32 v55, v10;
	[tilespmem:v4+s16+$0x0] =	vst.idx.msk $0xffff, v9  }
0x135: {  	v55 =	vor.u32 v20, v52;
	[tilespmem:v56+s16+$0x0] =	vst.idx.msk $0xffff, v5;
	v4 =	vor.u32 v6, v46  }
0x136: {  	v5 =	vadd.f32 v61, v28;
	v0 =	vld.idx.msk [tilespmem:v0+s23+$0x0], $0xffff;
	v61 =	vadd.f32 v63, v28;
	v63 =	vor.u32 v7, v59  }
0x137: {  	v9 =	vld.idx.msk [tilespmem:v47+s23+$0x0], $0xffff;
	v47 =	vor.u32 v26, v4;
	[tilespmem:v57+s16+$0x0] =	vst.idx.msk $0xffff, v40;
	v40 =	vor.u32 v23, v44  }
0x138: {  	v57 =	vor.u32 v13, v41;
	[tilespmem:v60+s16+$0x0] =	vst.idx.msk $0xffff, v5;
	v5 =	vor.u32 v12, v27  }
0x139: {  	v3 =	vld.idx.msk [tilespmem:v3+s23+$0x0], $0xffff;
	[tilespmem:v31+s16+$0x0] =	vst.idx.msk $0xffff, v61;
	v27 =	vadd.f32 v53, v10;
	v31 =	vor.u32 v22, v48  }
0x13a: {  	v53 =	vor.u32 v11, v42;
	v60 =	vor.u32 v14, v37;
	v42 =	vld.idx.msk [tilespmem:v39+s23+$0x0], $0xffff;
	v39 =	vand.u32 $0x7, v1  }
0x13b: {  	v56 =	vld.idx.msk [tilespmem:v62+s23+$0x0], $0xffff;
	v1 =	vor.u32 v21, v36;
	v8 =	vadd.f32 v38, v10;
	v62 =	vor.u32 v18, v52  }
0x13c: {  	[tilespmem:v49+s16+$0x0] =	vst.idx.msk $0xffff, v27;
	v49 =	vor.u32 v20, v51;
	v0 =	vadd.f32 v0, v28  }
0x13d: {  	v38 =	vand.u32 $0x788, v63;
	v47 =	vld.idx.msk [tilespmem:v47+s23+$0x0], $0xffff;
	v9 =	vadd.f32 v9, v10;
	v27 =	vmovc v30;
	v30 =	vor.u32 v15, v34  }
0x13e: {  	v34 =	vmov v48;
	[tilespmem:v5+s16+$0x0] =	vst.idx.msk $0xffff, v8;
	v5 =	vor.u32 v39, v38;
	v3 =	vadd.f32 v3, v10  }
0x13f: {  	v63 =	vor.u32 v20, v34;
	v8 =	vld [tilespmem:$0x1FFB0];
	[tilespmem:v29+s16+$0x0] =	vst.idx.msk $0xffff, v9;
	v9 =	vor.u32 v24, v5  }
0x140: {  	v38 =	vld.idx.msk [tilespmem:v55+s23+$0x0], $0xffff;
	v55 =	vor.u32 v25, v4;
	v61 =	vadd.f32 v42, v28;
	[tilespmem:v40+s16+$0x0] =	vst.idx.msk $0xffff, v0  }
0x141: {  	v0 =	vadd.f32 v56, v28;
	v42 =	vmov v50;
	[tilespmem:v1+s16+$0x0] =	vst.idx.msk $0xffff, v3;
	v3 =	vld.idx.msk [tilespmem:v31+s23+$0x0], $0xffff  }
0x142: {  	v1 =	vld.idx.msk [tilespmem:v49+s23+$0x0], $0xffff;
	[tilespmem:v57+s16+$0x0] =	vst.idx.msk $0xffff, v61;
	v57 =	vor.u32 v19, v27;
	v31 =	vadd.f32 v47, v28  }
0x143: {  	v29 =	vmov v36;
	[tilespmem:v53+s16+$0x0] =	vst.idx.msk $0xffff, v0;
	v49 =	vor.u32 v21, v42;
	v0 =	vld.idx.msk [tilespmem:v60+s23+$0x0], $0xffff  }
0x144: {  	v48 =	vor.u32 v19, v29;
	v61 =	vor.u32 v15, v37;
	[tilespmem:v9+s16+$0x0] =	vst.idx.msk $0xffff, v31;
	v9 =	vld.idx.msk [tilespmem:v30+s23+$0x0], $0xffff  }
0x145: {  	v60 =	vor.u32 v11, v41;
	v30 =	vadd.f32 v38, v10;
	v38 =	vor.u32 v18, v51;
	v50 =	vld.idx.msk [tilespmem:v55+s23+$0x0], $0xffff  }
0x146: {  	v37 =	vmovc v4;
	v4 =	vor.u32 v23, v5;
	v31 =	vor.u32 v2, v32;
	v3 =	vadd.f32 v3, v28  }
0x147: {  	v36 =	vor.u32 v26, v31;
	[tilespmem:v57+s16+$0x0] =	vst.idx.msk $0xffff, v30;
	v1 =	vadd.f32 v1, v10;
	v30 =	vadd.s32 s25, v8;
	v8 =	vld [tilespmem:$0x1FFA0]  }
0x148: {  	v40 =	vld.idx.msk [tilespmem:v62+s23+$0x0], $0xffff;
	v62 =	vor.u32 v22, v37;
	v0 =	vadd.f32 v0, v28;
	[tilespmem:v49+s16+$0x0] =	vst.idx.msk $0xffff, v3  }
0x149: {  	[tilespmem:v48+s16+$0x0] =	vst.idx.msk $0xffff, v1;
	v63 =	vld.idx.msk [tilespmem:v63+s23+$0x0], $0xffff;
	v1 =	vadd.f32 v9, v28  }
0x14a: {  	v9 =	vld.idx.msk [tilespmem:v38+s23+$0x0], $0xffff;
	[tilespmem:v60+s16+$0x0] =	vst.idx.msk $0xffff, v0;
	v0 =	vor.u32 v17, v54;
	v53 =	vadd.f32 v50, v28  }
0x14b: {  	[tilespmem:v43+s16+$0x0] =	vst.idx.msk $0xffff, v1;
	v1 =	vld.idx.msk [tilespmem:v61+s23+$0x0], $0xffff  }
0x14c: {  	v60 =	vor.u32 v16, v52;
	[tilespmem:v4+s16+$0x0] =	vst.idx.msk $0xffff, v53;
	v4 =	vld.idx.msk [tilespmem:v36+s23+$0x0], $0xffff;
	v36 =	vor.u32 v17, v29  }
0x14d: {  	v38 =	vand.u32 $0xF8F, v30;
	v50 =	vor.u32 v19, v44;
	v49 =	vld.idx.msk [tilespmem:v62+s23+$0x0], $0xffff;
	v62 =	vadd.f32 v40, v10  }
0x14e: {  	v53 =	vor.u32 v24, v38  }
0x14f: {  	v57 =	vmov s28;
	[tilespmem:v0+s16+$0x0] =	vst.idx.msk $0xffff, v62;
	v0 =	vadd.f32 v9, v10  }
0x150: {  	v61 =	vshll.u32 v57, $0x5;
	v57 =	vor.u32 v12, v41;
	v41 =	vmovc v5;
	v5 =	vadd.f32 v63, v28  }
0x151: {  	v32 =	vmov v45;
	v45 =	vadd.s32 v8, v61;
	v8 =	vld [tilespmem:$0x1FFD0];
	[tilespmem:v36+s16+$0x0] =	vst.idx.msk $0xffff, v0;
	v0 =	vadd.f32 v4, v10  }
0x152: {  	v56 =	vor.u32 v16, v51;
	v40 =	vor.u32 v2, v35;
	v60 =	vld.idx.msk [tilespmem:v60+s23+$0x0], $0xffff;
	[tilespmem:v50+s16+$0x0] =	vst.idx.msk $0xffff, v5  }
0x153: {  	v47 =	vor.u32 v13, v27;
	v35 =	vmov v46;
	v46 =	vor.u32 v26, v40;
	[tilespmem:v53+s16+$0x0] =	vst.idx.msk $0xffff, v0;
	v0 =	vld [tilespmem:$0x1FFC0]  }
0x154: {  	v3 =	vor.u32 v23, v30;
	v55 =	vor.u32 v21, v41;
	v9 =	vor.u32 v18, v34  }
0x155: {  	v61 =	vor.u32 v20, v37;
	v45 =	vand.u32 $0x1E0, v45;
	v1 =	vadd.f32 v1, v28  }
0x156: {  	v43 =	vmovc v44;
	v48 =	vor.u32 v6, v45;
	v4 =	vor.u32 v25, v31;
	v44 =	vadd.s32 s28, v8;
	v8 =	vmovc v6  }
0x157: {  	v6 =	vor.u32 v22, v31;
	v5 =	vld.idx.msk [tilespmem:v56+s23+$0x0], $0xffff;
	v63 =	vadd.f32 v49, v28;
	[tilespmem:v57+s16+$0x0] =	vst.idx.msk $0xffff, v1  }
0x158: {  	v49 =	vor.u32 v13, v29;
	v56 =	vor.u32 v26, v48;
	v1 =	vld.idx.msk [tilespmem:v46+s23+$0x0], $0xffff;
	v0 =	vor.u32 v0, v33  }
0x159: {  	v46 =	vor.u32 v14, v52;
	v9 =	vld.idx.msk [tilespmem:v9+s23+$0x0], $0xffff;
	[tilespmem:v55+s16+$0x0] =	vst.idx.msk $0xffff, v63;
	v0 =	vand.u32 $0xF88, v0  }
0x15a: {  	v57 =	vor.u32 v17, v42;
	v53 =	vld.idx.msk [tilespmem:v61+s23+$0x0], $0xffff;
	v36 =	vor.u32 v58, v0;
	v0 =	vadd.f32 v60, v10  }
0x15b: {  	v50 =	vand.u32 $0x78F, v44;
	v55 =	vor.u32 v14, v51;
	v33 =	vmovc v59;
	v59 =	vor.u32 v24, v36  }
0x15c: {  	v63 =	vor.u32 v18, v37;
	v61 =	vor.u32 v25, v40;
	v4 =	vld.idx.msk [tilespmem:v4+s23+$0x0], $0xffff;
	[tilespmem:v47+s16+$0x0] =	vst.idx.msk $0xffff, v0  }
0x15d: {  	v0 =	vadd.f32 v5, v10;
	v5 =	vor.u32 v16, v34;
	v47 =	vor.u32 v19, v41  }
0x15e: {  	v1 =	vadd.f32 v1, v10;
	v60 =	vor.u32 v13, v43;
	v58 =	vor.u32 v11, v54;
	v62 =	vld.idx.msk [tilespmem:v46+s23+$0x0], $0xffff  }
0x15f: {  	p0 =	slt.u32 s28, $0xE;
	v53 =	vadd.f32 v53, v28;
	[tilespmem:v49+s16+$0x0] =	vst.idx.msk $0xffff, v0;
	v0 =	vadd.f32 v9, v28;
	v9 =	vld.idx.msk [tilespmem:v56+s23+$0x0], $0xffff  }
.Ltmp2:
0x160: {  	v46 =	vor.u32 v15, v52;
	v49 =	vor.u32 v21, v38;
	v54 =	vld.idx.msk [tilespmem:v55+s23+$0x0], $0xffff;
	[tilespmem:v59+s16+$0x0] =	vst.idx.msk $0xffff, v1;
	(pc) =	sbr.rel @p0 .LBB2_8-.Ltmp2, $4  }
0x161: {  	v56 =	vor.u32 v11, v29;
	[tilespmem:v57+s16+$0x0] =	vst.idx.msk $0xffff, v0;
	v0 =	vadd.f32 v4, v10;
	v55 =	vld.idx.msk [tilespmem:v61+s23+$0x0], $0xffff  }
0x162: {  	v4 =	vor.u32 v24, v50;
	v57 =	vor.u32 v23, v36;
	v61 =	vld.idx.msk [tilespmem:v5+s23+$0x0], $0xffff;
	[tilespmem:v47+s16+$0x0] =	vst.idx.msk $0xffff, v53  }
0x163: {  	s25 =	smov.u32 s26;
	s26 =	smov.u32 s28;
	v47 =	vor.u32 v15, v51;
	v63 =	vld.idx.msk [tilespmem:v63+s23+$0x0], $0xffff;
	[tilespmem:v3+s16+$0x0] =	vst.idx.msk $0xffff, v0;
	v59 =	vadd.f32 v62, v10  }
0x164: {  	s29 =	sadd.s32 $0x1, s26;
	s28 =	sadd.s32 $0x2, s28;
	v0 =	vor.u32 v25, v48;
	v62 =	vor.u32 v14, v34;
	v53 =	vld.idx.msk [tilespmem:v6+s23+$0x0], $0xffff;
	v6 =	vmov v8  }
0x165: {  	v1 =	vlaneseq.u32  }
0x166: {  	v1 =	vadd.s32 s29, v1  }
0x167: {  	v3 =	vand.u32 $0xF, v1  }
0x168: {  	v5 =	vshll.u32 v3, $0x5  }
0x169: {  	[tilespmem:$0x1FF60] =	vst v5;
	v5 =	vor.u32 v6, v5  }
0x16a: {  	v6 =	vor.u32 v26, v5;
	_ =	sdelay $0x3  }
0x16b: {  	[tilespmem:$0x1FF70] =	vst v3;
	v51 =	vor.u32 v7, v3  }
0x16c: {  	v7 =	vand.u32 $0x7, v1;
	v51 =	vand.u32 $0x788, v51;
	v6 =	vld.idx.msk [tilespmem:v6+s23+$0x0], $0xffff  }
0x16d: {  	v51 =	vor.u32 v7, v51  }
0x16e: {  	v52 =	vor.u32 v24, v51  }
0x16f: {  	v9 =	vadd.f32 v9, v28;
	v3 =	vor.u32 v25, v5;
	_ =	sdelay $0x1  }
0x170: {  	[tilespmem:v4+s16+$0x0] =	vst.idx.msk $0xffff, v9;
	v6 =	vadd.f32 v6, v28  }
0x171: {  	v0 =	vld.idx.msk [tilespmem:v0+s23+$0x0], $0xffff  }
0x172: {  	[tilespmem:v52+s16+$0x0] =	vst.idx.msk $0xffff, v6  }
0x173: {  	v1 =	vld.idx.msk [tilespmem:v3+s23+$0x0], $0xffff;
	v3 =	vor.u32 v23, v44  }
0x174: {  	v4 =	vor.u32 v22, v48;
	_ =	sdelay $0x1  }
0x175: {  	v0 =	vadd.f32 v0, v28;
	_ =	sdelay $0x1  }
0x176: {  	[tilespmem:v3+s16+$0x0] =	vst.idx.msk $0xffff, v0  }
0x177: {  	v6 =	vor.u32 v23, v51;
	v0 =	vld.idx.msk [tilespmem:v4+s23+$0x0], $0xffff  }
0x178: {  	v52 =	vor.u32 v22, v5  }
0x179: {  	v3 =	vor.u32 v21, v50  }
0x17a: {  	v1 =	vadd.f32 v1, v28;
	v4 =	vor.u32 v20, v48;
	_ =	sdelay $0x1  }
0x17b: {  	[tilespmem:v6+s16+$0x0] =	vst.idx.msk $0xffff, v1;
	v0 =	vadd.f32 v0, v28  }
0x17c: {  	v1 =	vld.idx.msk [tilespmem:v52+s23+$0x0], $0xffff  }
0x17d: {  	[tilespmem:v3+s16+$0x0] =	vst.idx.msk $0xffff, v0  }
0x17e: {  	v6 =	vor.u32 v21, v51;
	v0 =	vld.idx.msk [tilespmem:v4+s23+$0x0], $0xffff  }
0x17f: {  	v52 =	vor.u32 v20, v5  }
0x180: {  	v3 =	vor.u32 v19, v44  }
0x181: {  	v1 =	vadd.f32 v1, v28;
	_ =	sdelay $0x1  }
0x182: {  	v4 =	vor.u32 v18, v48;
	[tilespmem:v6+s16+$0x0] =	vst.idx.msk $0xffff, v1;
	v0 =	vadd.f32 v0, v28  }
0x183: {  	v1 =	vld.idx.msk [tilespmem:v52+s23+$0x0], $0xffff;
	[tilespmem:$0x1FF40] =	vst v4  }
0x184: {  	[tilespmem:v3+s16+$0x0] =	vst.idx.msk $0xffff, v0  }
0x185: {  	v3 =	vld [tilespmem:$0x1FF40];
	_ =	sdelay $0x2  }
0x186: {  	v6 =	vor.u32 v19, v51  }
0x187: {  	v9 =	vor.u32 v18, v5;
	_ =	sdelay $0x1  }
0x188: {  	v1 =	vadd.f32 v1, v28;
	_ =	sdelay $0x1  }
0x189: {  	v52 =	vor.u32 v17, v41;
	[tilespmem:v6+s16+$0x0] =	vst.idx.msk $0xffff, v1;
	v3 =	vld.idx.msk [tilespmem:v3+s23+$0x0], $0xffff  }
0x18a: {  	v4 =	vor.u32 v16, v37;
	v1 =	vld.idx.msk [tilespmem:v9+s23+$0x0], $0xffff  }
0x18b: {  	v0 =	vor.u32 v17, v50  }
0x18c: {  	v63 =	vadd.f32 v63, v28;
	v9 =	vor.u32 v17, v51  }
0x18d: {  	v6 =	vor.u32 v16, v48  }
0x18e: {  	[tilespmem:v52+s16+$0x0] =	vst.idx.msk $0xffff, v63;
	v63 =	vor.u32 v13, v41;
	v3 =	vadd.f32 v3, v28  }
0x18f: {  	v4 =	vld.idx.msk [tilespmem:v4+s23+$0x0], $0xffff;
	v1 =	vadd.f32 v1, v28;
	[tilespmem:$0x1FF50] =	vst v63  }
0x190: {  	[tilespmem:v0+s16+$0x0] =	vst.idx.msk $0xffff, v3;
	v0 =	vadd.f32 v61, v28  }
0x191: {  	[tilespmem:v9+s16+$0x0] =	vst.idx.msk $0xffff, v1  }
0x192: {  	v3 =	vld.idx.msk [tilespmem:v6+s23+$0x0], $0xffff;
	[tilespmem:v60+s16+$0x0] =	vst.idx.msk $0xffff, v0  }
0x193: {  	v6 =	vld [tilespmem:$0x1FF50]  }
0x194: {  	v52 =	vor.u32 v16, v5;
	_ =	sdelay $0x2  }
0x195: {  	v63 =	vor.u32 v14, v37;
	_ =	sdelay $0x1  }
0x196: {  	v61 =	vadd.f32 v4, v28;
	v0 =	vld.idx.msk [tilespmem:v52+s23+$0x0], $0xffff  }
0x197: {  	v1 =	vor.u32 v13, v44;
	v4 =	vld.idx.msk [tilespmem:v62+s23+$0x0], $0xffff  }
0x198: {  	v9 =	vor.u32 v14, v48;
	v52 =	vor.u32 v13, v51;
	[tilespmem:v6+s16+$0x0] =	vst.idx.msk $0xffff, v61  }
0x199: {  	v42 =	vor.u32 v11, v42;
	v60 =	vor.u32 v14, v5;
	v6 =	vld.idx.msk [tilespmem:v63+s23+$0x0], $0xffff  }
0x19a: {  	v34 =	vor.u32 v15, v34;
	v3 =	vadd.f32 v3, v28  }
0x19b: {  	v0 =	vadd.f32 v0, v28;
	v61 =	vor.u32 v11, v41  }
0x19c: {  	v37 =	vor.u32 v15, v37;
	[tilespmem:v1+s16+$0x0] =	vst.idx.msk $0xffff, v3;
	v63 =	vadd.f32 v4, v28  }
0x19d: {  	[tilespmem:v52+s16+$0x0] =	vst.idx.msk $0xffff, v0;
	v3 =	vld.idx.msk [tilespmem:v9+s23+$0x0], $0xffff  }
0x19e: {  	v60 =	vld.idx.msk [tilespmem:v60+s23+$0x0], $0xffff;
	[tilespmem:v42+s16+$0x0] =	vst.idx.msk $0xffff, v63;
	v52 =	vadd.f32 v6, v28  }
0x19f: {  	v4 =	vor.u32 v11, v50;
	v62 =	vld.idx.msk [tilespmem:v34+s23+$0x0], $0xffff  }
0x1a0: {  	v63 =	vor.u32 v15, v48;
	v48 =	vor.u32 v11, v51;
	[tilespmem:v61+s16+$0x0] =	vst.idx.msk $0xffff, v52  }
0x1a1: {  	v5 =	vor.u32 v15, v5;
	v50 =	vor.u32 v12, v43;
	v6 =	vld.idx.msk [tilespmem:v37+s23+$0x0], $0xffff  }
0x1a2: {  	[tilespmem:v58+s16+$0x0] =	vst.idx.msk $0xffff, v59;
	v3 =	vadd.f32 v3, v28;
	v34 =	vor.u32 v2, v32  }
0x1a3: {  	v1 =	vadd.f32 v60, v28;
	v59 =	vor.u32 v26, v34;
	v52 =	vor.u32 v12, v41  }
0x1a4: {  	[tilespmem:v4+s16+$0x0] =	vst.idx.msk $0xffff, v3;
	v0 =	vadd.f32 v62, v28  }
0x1a5: {  	[tilespmem:v48+s16+$0x0] =	vst.idx.msk $0xffff, v1;
	v4 =	vld.idx.msk [tilespmem:v63+s23+$0x0], $0xffff  }
0x1a6: {  	[tilespmem:v50+s16+$0x0] =	vst.idx.msk $0xffff, v0;
	v50 =	vld.idx.msk [tilespmem:v5+s23+$0x0], $0xffff;
	v3 =	vadd.f32 v6, v28  }
0x1a7: {  	v62 =	vld [tilespmem:$0x1FFB0]  }
0x1a8: {  	v35 =	vor.u32 v2, v35;
	v51 =	vor.u32 v12, v51;
	v5 =	vld.idx.msk [tilespmem:v59+s23+$0x0], $0xffff;
	[tilespmem:v52+s16+$0x0] =	vst.idx.msk $0xffff, v3  }
0x1a9: {  	v48 =	vor.u32 v26, v35;
	v3 =	vor.u32 v12, v44;
	v59 =	vld [tilespmem:$0x1FFC0]  }
0x1aa: {  	v41 =	vld [tilespmem:$0x1FF60]  }
0x1ab: {  	v0 =	vadd.f32 v50, v28  }
0x1ac: {  	v4 =	vadd.f32 v4, v28  }
0x1ad: {  	v37 =	vor.u32 v2, v45;
	[tilespmem:v51+s16+$0x0] =	vst.idx.msk $0xffff, v0  }
0x1ae: {  	v52 =	vor.u32 v26, v37;
	v32 =	vadd.s32 s25, v62;
	v1 =	vld.idx.msk [tilespmem:v48+s23+$0x0], $0xffff;
	[tilespmem:v3+s16+$0x0] =	vst.idx.msk $0xffff, v4  }
0x1af: {  	v42 =	vand.u32 $0xF8F, v32;
	v33 =	vor.u32 v59, v33;
	v41 =	vor.u32 v2, v41;
	v48 =	vld [tilespmem:$0x1FF70]  }
0x1b0: {  	v6 =	vor.u32 v24, v42;
	v33 =	vand.u32 $0xF88, v33;
	v58 =	vor.u32 v26, v41  }
0x1b1: {  	v60 =	vor.u32 v25, v34;
	v26 =	vor.u32 v39, v33  }
0x1b2: {  	v55 =	vadd.f32 v55, v10;
	v3 =	vor.u32 v24, v26  }
0x1b3: {  	v61 =	vor.u32 v25, v35;
	v5 =	vadd.f32 v5, v10;
	v4 =	vor.u32 v22, v40  }
0x1b4: {  	v28 =	vadd.s32 s26, v62;
	v51 =	vadd.f32 v54, v10;
	v63 =	vld.idx.msk [tilespmem:v52+s23+$0x0], $0xffff;
	v50 =	vor.u32 v59, v48  }
0x1b5: {  	v1 =	vadd.f32 v1, v10;
	[tilespmem:v6+s16+$0x0] =	vst.idx.msk $0xffff, v5;
	v39 =	vand.u32 $0xF8F, v28;
	v5 =	vld.idx.msk [tilespmem:v58+s23+$0x0], $0xffff;
	v6 =	vand.u32 $0xF88, v50  }
0x1b6: {  	[tilespmem:v57+s16+$0x0] =	vst.idx.msk $0xffff, v55;
	v52 =	vld.idx.msk [tilespmem:v60+s23+$0x0], $0xffff;
	v33 =	vor.u32 v7, v6;
	v6 =	vor.u32 v24, v39  }
0x1b7: {  	v54 =	vor.u32 v25, v37;
	[tilespmem:v3+s16+$0x0] =	vst.idx.msk $0xffff, v1;
	v3 =	vor.u32 v24, v33  }
0x1b8: {  	v60 =	vor.u32 v25, v41;
	v4 =	vld.idx.msk [tilespmem:v4+s23+$0x0], $0xffff;
	v58 =	vor.u32 v23, v32  }
0x1b9: {  	[tilespmem:v56+s16+$0x0] =	vst.idx.msk $0xffff, v51;
	v9 =	vadd.f32 v63, v10;
	v0 =	vld.idx.msk [tilespmem:v61+s23+$0x0], $0xffff  }
0x1ba: {  	v51 =	vor.u32 v23, v28;
	v61 =	vor.u32 v22, v34;
	v5 =	vadd.f32 v5, v10  }
0x1bb: {  	v63 =	vor.u32 v23, v26;
	[tilespmem:v6+s16+$0x0] =	vst.idx.msk $0xffff, v9;
	v6 =	vadd.f32 v52, v10  }
0x1bc: {  	v48 =	vor.u32 v21, v36;
	[tilespmem:v3+s16+$0x0] =	vst.idx.msk $0xffff, v5;
	v3 =	vor.u32 v22, v35;
	v1 =	vld.idx.msk [tilespmem:v54+s23+$0x0], $0xffff  }
0x1bd: {  	v55 =	vor.u32 v20, v40;
	v5 =	vadd.f32 v53, v10;
	[tilespmem:v58+s16+$0x0] =	vst.idx.msk $0xffff, v6;
	v6 =	vld.idx.msk [tilespmem:v60+s23+$0x0], $0xffff  }
0x1be: {  	v50 =	vor.u32 v20, v31;
	v4 =	vadd.f32 v4, v10;
	v0 =	vadd.f32 v0, v10  }
0x1bf: {  	v52 =	vor.u32 v22, v37;
	v53 =	vor.u32 v23, v33;
	[tilespmem:v49+s16+$0x0] =	vst.idx.msk $0xffff, v5;
	v5 =	vld.idx.msk [tilespmem:v61+s23+$0x0], $0xffff  }
0x1c0: {  	v54 =	vor.u32 v22, v41;
	[tilespmem:v63+s16+$0x0] =	vst.idx.msk $0xffff, v0  }
0x1c1: {  	v56 =	vor.u32 v21, v42;
	[tilespmem:v48+s16+$0x0] =	vst.idx.msk $0xffff, v4;
	v3 =	vld.idx.msk [tilespmem:v3+s23+$0x0], $0xffff;
	v1 =	vadd.f32 v1, v10  }
0x1c2: {  	v4 =	vor.u32 v20, v34;
	v9 =	vld.idx.msk [tilespmem:v55+s23+$0x0], $0xffff;
	v6 =	vadd.f32 v6, v10  }
0x1c3: {  	v25 =	vld.idx.msk [tilespmem:v50+s23+$0x0], $0xffff;
	[tilespmem:v51+s16+$0x0] =	vst.idx.msk $0xffff, v1  }
0x1c4: {  	v57 =	vor.u32 v21, v26;
	v58 =	vadd.f32 v5, v10;
	v5 =	vld.idx.msk [tilespmem:v52+s23+$0x0], $0xffff;
	[tilespmem:v53+s16+$0x0] =	vst.idx.msk $0xffff, v6  }
0x1c5: {  	v61 =	vor.u32 v20, v35;
	v6 =	vor.u32 v19, v30;
	v0 =	vld.idx.msk [tilespmem:v54+s23+$0x0], $0xffff  }
0x1c6: {  	[tilespmem:v56+s16+$0x0] =	vst.idx.msk $0xffff, v58;
	v63 =	vadd.f32 v3, v10;
	v3 =	vor.u32 v21, v39  }
0x1c7: {  	v48 =	vor.u32 v19, v36;
	v49 =	vor.u32 v20, v37;
	v50 =	vor.u32 v21, v33;
	v4 =	vld.idx.msk [tilespmem:v4+s23+$0x0], $0xffff  }
0x1c8: {  	v60 =	vor.u32 v18, v31;
	v51 =	vor.u32 v20, v41;
	v25 =	vadd.f32 v25, v10  }
0x1c9: {  	v53 =	vor.u32 v19, v32;
	[tilespmem:v57+s16+$0x0] =	vst.idx.msk $0xffff, v63;
	v5 =	vadd.f32 v5, v10  }
0x1ca: {  	v9 =	vadd.f32 v9, v10;
	[tilespmem:v6+s16+$0x0] =	vst.idx.msk $0xffff, v25;
	v6 =	vld.idx.msk [tilespmem:v61+s23+$0x0], $0xffff;
	v0 =	vadd.f32 v0, v10  }
0x1cb: {  	v52 =	vor.u32 v18, v40;
	[tilespmem:v3+s16+$0x0] =	vst.idx.msk $0xffff, v5;
	v3 =	vor.u32 v18, v34  }
0x1cc: {  	v5 =	vor.u32 v19, v26;
	v4 =	vadd.f32 v4, v10;
	v54 =	vld.idx.msk [tilespmem:v49+s23+$0x0], $0xffff;
	[tilespmem:v50+s16+$0x0] =	vst.idx.msk $0xffff, v0  }
0x1cd: {  	[tilespmem:v48+s16+$0x0] =	vst.idx.msk $0xffff, v9;
	v56 =	vor.u32 v18, v35;
	v1 =	vld.idx.msk [tilespmem:v51+s23+$0x0], $0xffff  }
0x1ce: {  	v23 =	vld.idx.msk [tilespmem:v60+s23+$0x0], $0xffff;
	[tilespmem:v53+s16+$0x0] =	vst.idx.msk $0xffff, v4;
	v4 =	vor.u32 v19, v28  }
0x1cf: {  	v58 =	vor.u32 v18, v37;
	v60 =	vor.u32 v19, v33;
	v6 =	vadd.f32 v6, v10  }
0x1d0: {  	v55 =	vor.u32 v17, v38;
	v63 =	vor.u32 v18, v41;
	v20 =	vld.idx.msk [tilespmem:v52+s23+$0x0], $0xffff  }
0x1d1: {  	v57 =	vor.u32 v16, v31;
	[tilespmem:v5+s16+$0x0] =	vst.idx.msk $0xffff, v6;
	v3 =	vld.idx.msk [tilespmem:v3+s23+$0x0], $0xffff;
	v5 =	vadd.f32 v54, v10  }
0x1d2: {  	v43 =	vor.u32 v16, v40;
	v61 =	vor.u32 v17, v36;
	v6 =	vld.idx.msk [tilespmem:v56+s23+$0x0], $0xffff;
	v1 =	vadd.f32 v1, v10  }
0x1d3: {  	v23 =	vadd.f32 v23, v10;
	[tilespmem:v4+s16+$0x0] =	vst.idx.msk $0xffff, v5;
	v4 =	vor.u32 v17, v42  }
0x1d4: {  	v48 =	vor.u32 v17, v26;
	v5 =	vor.u32 v16, v34;
	[tilespmem:v60+s16+$0x0] =	vst.idx.msk $0xffff, v1;
	v49 =	vld.idx.msk [tilespmem:v58+s23+$0x0], $0xffff  }
0x1d5: {  	v52 =	vor.u32 v17, v39;
	v44 =	vadd.f32 v20, v10;
	[tilespmem:v55+s16+$0x0] =	vst.idx.msk $0xffff, v23;
	v50 =	vld.idx.msk [tilespmem:v63+s23+$0x0], $0xffff  }
0x1d6: {  	v51 =	vor.u32 v16, v35;
	v53 =	vor.u32 v16, v37;
	v45 =	vld.idx.msk [tilespmem:v57+s23+$0x0], $0xffff;
	v3 =	vadd.f32 v3, v10  }
0x1d7: {  	[tilespmem:v61+s16+$0x0] =	vst.idx.msk $0xffff, v44;
	v54 =	vor.u32 v17, v33;
	v6 =	vadd.f32 v6, v10  }
0x1d8: {  	v0 =	vld.idx.msk [tilespmem:v43+s23+$0x0], $0xffff;
	[tilespmem:v4+s16+$0x0] =	vst.idx.msk $0xffff, v3;
	v3 =	vor.u32 v13, v30;
	v4 =	vor.u32 v16, v41  }
0x1d9: {  	[tilespmem:v48+s16+$0x0] =	vst.idx.msk $0xffff, v6;
	v5 =	vld.idx.msk [tilespmem:v5+s23+$0x0], $0xffff;
	v6 =	vadd.f32 v49, v10  }
0x1da: {  	v56 =	vor.u32 v13, v36;
	v58 =	vor.u32 v13, v32;
	v9 =	vadd.f32 v50, v10  }
0x1db: {  	v57 =	vadd.f32 v45, v10;
	v18 =	vld.idx.msk [tilespmem:v51+s23+$0x0], $0xffff;
	[tilespmem:v52+s16+$0x0] =	vst.idx.msk $0xffff, v6;
	v6 =	vor.u32 v14, v40  }
0x1dc: {  	v55 =	vor.u32 v14, v31;
	[tilespmem:v54+s16+$0x0] =	vst.idx.msk $0xffff, v9;
	v60 =	vld.idx.msk [tilespmem:v53+s23+$0x0], $0xffff  }
0x1dd: {  	v0 =	vadd.f32 v0, v10;
	[tilespmem:v3+s16+$0x0] =	vst.idx.msk $0xffff, v57;
	v3 =	vor.u32 v13, v26;
	v4 =	vld.idx.msk [tilespmem:v4+s23+$0x0], $0xffff  }
0x1de: {  	v61 =	vor.u32 v14, v34;
	v63 =	vor.u32 v13, v28;
	v5 =	vadd.f32 v5, v10  }
0x1df: {  	v22 =	vor.u32 v14, v35;
	v23 =	vor.u32 v13, v33;
	[tilespmem:v56+s16+$0x0] =	vst.idx.msk $0xffff, v0  }
0x1e0: {  	v24 =	vor.u32 v14, v37;
	[tilespmem:v58+s16+$0x0] =	vst.idx.msk $0xffff, v5;
	v5 =	vld.idx.msk [tilespmem:v6+s23+$0x0], $0xffff;
	v6 =	vadd.f32 v18, v10  }
0x1e1: {  	v25 =	vor.u32 v11, v38;
	v38 =	vor.u32 v14, v41;
	v21 =	vld.idx.msk [tilespmem:v55+s23+$0x0], $0xffff;
	v9 =	vadd.f32 v60, v10  }
0x1e2: {  	[tilespmem:v3+s16+$0x0] =	vst.idx.msk $0xffff, v6;
	v3 =	vor.u32 v11, v36;
	v4 =	vadd.f32 v4, v10  }
0x1e3: {  	v6 =	vld.idx.msk [tilespmem:v61+s23+$0x0], $0xffff;
	[tilespmem:v63+s16+$0x0] =	vst.idx.msk $0xffff, v9  }
0x1e4: {  	v44 =	vor.u32 v15, v34;
	v1 =	vld.idx.msk [tilespmem:v22+s23+$0x0], $0xffff;
	[tilespmem:v23+s16+$0x0] =	vst.idx.msk $0xffff, v4;
	v4 =	vor.u32 v15, v31  }
0x1e5: {  	v43 =	vor.u32 v11, v42;
	v40 =	vor.u32 v15, v40;
	v16 =	vld.idx.msk [tilespmem:v24+s23+$0x0], $0xffff;
	v5 =	vadd.f32 v5, v10  }
0x1e6: {  	v45 =	vor.u32 v11, v26;
	v49 =	vor.u32 v15, v37;
	v0 =	vadd.f32 v21, v10;
	v14 =	vld.idx.msk [tilespmem:v38+s23+$0x0], $0xffff  }
0x1e7: {  	[tilespmem:v3+s16+$0x0] =	vst.idx.msk $0xffff, v5;
	v3 =	vld.idx.msk [tilespmem:v46+s23+$0x0], $0xffff;
	v5 =	vor.u32 v15, v35;
	v46 =	vor.u32 v11, v39  }
0x1e8: {  	v48 =	vld.idx.msk [tilespmem:v47+s23+$0x0], $0xffff;
	v50 =	vor.u32 v11, v33;
	[tilespmem:v25+s16+$0x0] =	vst.idx.msk $0xffff, v0;
	v6 =	vadd.f32 v6, v10  }
0x1e9: {  	v51 =	vor.u32 v15, v41;
	v52 =	vor.u32 v12, v27;
	v1 =	vadd.f32 v1, v10;
	v4 =	vld.idx.msk [tilespmem:v4+s23+$0x0], $0xffff  }
0x1ea: {  	v9 =	vld.idx.msk [tilespmem:v40+s23+$0x0], $0xffff;
	[tilespmem:v43+s16+$0x0] =	vst.idx.msk $0xffff, v6;
	v6 =	vor.u32 v12, v29;
	v53 =	vadd.f32 v16, v10  }
0x1eb: {  	v54 =	vor.u32 v12, v30;
	[tilespmem:v45+s16+$0x0] =	vst.idx.msk $0xffff, v1;
	v0 =	vld.idx.msk [tilespmem:v44+s23+$0x0], $0xffff;
	v14 =	vadd.f32 v14, v10  }
0x1ec: {  	v55 =	vor.u32 v12, v36;
	[tilespmem:v46+s16+$0x0] =	vst.idx.msk $0xffff, v53;
	v3 =	vadd.f32 v3, v10;
	v5 =	vld.idx.msk [tilespmem:v5+s23+$0x0], $0xffff  }
0x1ed: {  	v56 =	vadd.f32 v48, v10;
	v57 =	vor.u32 v12, v32;
	[tilespmem:v50+s16+$0x0] =	vst.idx.msk $0xffff, v14;
	v58 =	vld.idx.msk [tilespmem:v49+s23+$0x0], $0xffff  }
0x1ee: {  	v15 =	vld.idx.msk [tilespmem:v51+s23+$0x0], $0xffff;
	[tilespmem:v52+s16+$0x0] =	vst.idx.msk $0xffff, v3;
	v3 =	vadd.f32 v4, v10;
	v4 =	vor.u32 v12, v26  }
0x1ef: {  	v60 =	vor.u32 v12, v28;
	[tilespmem:v6+s16+$0x0] =	vst.idx.msk $0xffff, v56;
	v6 =	vadd.f32 v9, v10  }
0x1f0: {  	v61 =	vor.u32 v12, v33;
	v0 =	vadd.f32 v0, v10;
	[tilespmem:v54+s16+$0x0] =	vst.idx.msk $0xffff, v3  }
0x1f1: {  	[tilespmem:v55+s16+$0x0] =	vst.idx.msk $0xffff, v6;
	v3 =	vadd.f32 v5, v10  }
0x1f2: {  	s24 =	sadd.s32 $0x1, s24;
	v6 =	vld [tilespmem:$0x1FFE0];
	[tilespmem:v57+s16+$0x0] =	vst.idx.msk $0xffff, v0;
	v63 =	vadd.f32 v58, v10  }
0x1f3: {  	p0 =	sne.s32 s24, $0x8;
	[tilespmem:v4+s16+$0x0] =	vst.idx.msk $0xffff, v3;
	v3 =	vadd.f32 v15, v10  }
.Ltmp3:
0x1f4: {  	[tilespmem:v60+s16+$0x0] =	vst.idx.msk $0xffff, v63;
	(pc) =	sbr.rel @p0 .LBB2_7-.Ltmp3, $4  }
0x1f5: {  	[tilespmem:v61+s16+$0x0] =	vst.idx.msk $0xffff, v3  }
0x1f6: {  	v63 =	vld [tilespmem:$0x1FFD0]  }
0x1f7: {  	v61 =	vld [tilespmem:$0x1FFA0]  }
0x1f8: {  	v5 =	vlaneseq.u32;
	v60 =	vmov v2;
	v7 =	vld [tilespmem:$0x1FFF0]  }
0x1f9: {  	s24 =	sshll.u32 s1, $0x15  }
0x1fa: {  	s20 =	sor.u32 s7, s24  }
0x1fb: {  	s20 =	sshrl.u32 s20, $0x3  }
0x1fc: {  	s25 =	sadd.s32 s2, s20;
	s20 =	simm.s32 $0x0  }
0x1fd: {  	[hbm4b:s25+s20] =	stream.linear.scatter [tilespmem:s16], [sflag:$0x5], $0x400, $0x38;
	[tilespmem:$0x1A100] =	vst v63  }
0x1fe: {  	s28 =	simm.s32 $0x11800;
	s26 =	sadd.s32 $0x4000, s25  }
0x1ff: {  	[hbm4b:s26+s20] =	stream.linear.scatter [tilespmem:s28], [sflag:$0x5], $0x400, $0x38;
	[tilespmem:$0x1A100] =	vst v63  }
0x200: {  	s29 =	simm.s32 $0x12800;
	s26 =	sadd.s32 $0x8000, s25  }
0x201: {  	[hbm4b:s26+s20] =	stream.linear.scatter [tilespmem:s29], [sflag:$0x5], $0x400, $0x38;
	[tilespmem:$0x1A100] =	vst v63  }
0x202: {  	s26 =	sadd.s32 $0xC000, s25;
	s29 =	simm.s32 $0x13800  }
0x203: {  	[hbm4b:s26+s20] =	stream.linear.scatter [tilespmem:s29], [sflag:$0x5], $0x400, $0x38;
	[tilespmem:$0x1A100] =	vst v63  }
0x204: {  	s26 =	sadd.s32 $0x10000, s25;
	s29 =	simm.s32 $0x14800  }
0x205: {  	[hbm4b:s26+s20] =	stream.linear.scatter [tilespmem:s29], [sflag:$0x5], $0x400, $0x38;
	[tilespmem:$0x1A100] =	vst v63  }
0x206: {  	s26 =	sadd.s32 $0x14000, s25;
	s29 =	simm.s32 $0x15800  }
0x207: {  	[hbm4b:s26+s20] =	stream.linear.scatter [tilespmem:s29], [sflag:$0x5], $0x400, $0x38;
	[tilespmem:$0x1A100] =	vst v63  }
0x208: {  	s26 =	sadd.s32 $0x18000, s25;
	s29 =	simm.s32 $0x16800  }
0x209: {  	[hbm4b:s26+s20] =	stream.linear.scatter [tilespmem:s29], [sflag:$0x5], $0x400, $0x38;
	[tilespmem:$0x1A100] =	vst v63  }
0x20a: {  	s25 =	sadd.s32 $0x1C000, s25;
	s29 =	simm.s32 $0x17800;
	s26 =	sor.u32 s12, s24  }
0x20b: {  	[hbm4b:s25+s20] =	stream.linear.scatter [tilespmem:s29], [sflag:$0x5], $0x400, $0x38;
	[tilespmem:$0x1A100] =	vst v63  }
0x20c: {  	s25 =	sshrl.u32 s26, $0x3  }
0x20d: {  	s28 =	simm.s32 $0x10C00;
	s25 =	sadd.s32 s2, s25  }
0x20e: {  	[hbm4b:s25+s20] =	stream.linear.scatter [tilespmem:s28], [sflag:$0x5], $0x400, $0x38;
	[tilespmem:$0x1A100] =	vst v63  }
0x20f: {  	s29 =	simm.s32 $0x11C00;
	s26 =	sadd.s32 $0x4000, s25  }
0x210: {  	[hbm4b:s26+s20] =	stream.linear.scatter [tilespmem:s29], [sflag:$0x5], $0x400, $0x38;
	[tilespmem:$0x1A100] =	vst v63  }
0x211: {  	s26 =	sadd.s32 $0x8000, s25;
	s29 =	simm.s32 $0x12C00  }
0x212: {  	[hbm4b:s26+s20] =	stream.linear.scatter [tilespmem:s29], [sflag:$0x5], $0x400, $0x38;
	[tilespmem:$0x1A100] =	vst v63  }
0x213: {  	s26 =	sadd.s32 $0xC000, s25;
	s29 =	simm.s32 $0x13C00  }
0x214: {  	[hbm4b:s26+s20] =	stream.linear.scatter [tilespmem:s29], [sflag:$0x5], $0x400, $0x38;
	[tilespmem:$0x1A100] =	vst v63  }
0x215: {  	s26 =	sadd.s32 $0x10000, s25;
	s29 =	simm.s32 $0x14C00  }
0x216: {  	[hbm4b:s26+s20] =	stream.linear.scatter [tilespmem:s29], [sflag:$0x5], $0x400, $0x38;
	[tilespmem:$0x1A100] =	vst v63  }
0x217: {  	s26 =	sadd.s32 $0x14000, s25;
	s29 =	simm.s32 $0x15C00  }
0x218: {  	[hbm4b:s26+s20] =	stream.linear.scatter [tilespmem:s29], [sflag:$0x5], $0x400, $0x38;
	[tilespmem:$0x1A100] =	vst v63  }
0x219: {  	s26 =	sadd.s32 $0x18000, s25;
	s29 =	simm.s32 $0x16C00  }
0x21a: {  	[hbm4b:s26+s20] =	stream.linear.scatter [tilespmem:s29], [sflag:$0x5], $0x400, $0x38;
	[tilespmem:$0x1A100] =	vst v63  }
0x21b: {  	s25 =	sadd.s32 $0x1C000, s25;
	s29 =	simm.s32 $0x17C00;
	s26 =	sor.u32 s10, s24  }
0x21c: {  	[hbm4b:s25+s20] =	stream.linear.scatter [tilespmem:s29], [sflag:$0x5], $0x400, $0x38;
	[tilespmem:$0x1A100] =	vst v63  }
0x21d: {  	s25 =	sshrl.u32 s26, $0x3  }
0x21e: {  	s28 =	simm.s32 $0x11000;
	s25 =	sadd.s32 s2, s25  }
0x21f: {  	[hbm4b:s25+s20] =	stream.linear.scatter [tilespmem:s28], [sflag:$0x5], $0x400, $0x38;
	[tilespmem:$0x1A100] =	vst v63  }
0x220: {  	s29 =	simm.s32 $0x12000;
	s26 =	sadd.s32 $0x4000, s25  }
0x221: {  	[hbm4b:s26+s20] =	stream.linear.scatter [tilespmem:s29], [sflag:$0x5], $0x400, $0x38;
	[tilespmem:$0x1A100] =	vst v63  }
0x222: {  	s26 =	sadd.s32 $0x8000, s25;
	s29 =	simm.s32 $0x13000  }
0x223: {  	[hbm4b:s26+s20] =	stream.linear.scatter [tilespmem:s29], [sflag:$0x5], $0x400, $0x38;
	[tilespmem:$0x1A100] =	vst v63  }
0x224: {  	s26 =	sadd.s32 $0xC000, s25;
	s29 =	simm.s32 $0x14000  }
0x225: {  	[hbm4b:s26+s20] =	stream.linear.scatter [tilespmem:s29], [sflag:$0x5], $0x400, $0x38;
	[tilespmem:$0x1A100] =	vst v63  }
0x226: {  	s26 =	sadd.s32 $0x10000, s25;
	s29 =	simm.s32 $0x15000  }
0x227: {  	[hbm4b:s26+s20] =	stream.linear.scatter [tilespmem:s29], [sflag:$0x5], $0x400, $0x38;
	[tilespmem:$0x1A100] =	vst v63  }
0x228: {  	s26 =	sadd.s32 $0x14000, s25;
	s29 =	simm.s32 $0x16000  }
0x229: {  	[hbm4b:s26+s20] =	stream.linear.scatter [tilespmem:s29], [sflag:$0x5], $0x400, $0x38;
	[tilespmem:$0x1A100] =	vst v63  }
0x22a: {  	s24 =	sor.u32 s11, s24;
	s26 =	sadd.s32 $0x18000, s25;
	s29 =	simm.s32 $0x17000  }
0x22b: {  	[hbm4b:s26+s20] =	stream.linear.scatter [tilespmem:s29], [sflag:$0x5], $0x400, $0x38;
	[tilespmem:$0x1A100] =	vst v63  }
0x22c: {  	s24 =	sshrl.u32 s24, $0x3;
	s25 =	sadd.s32 $0x1C000, s25;
	s29 =	simm.s32 $0x18000  }
0x22d: {  	[hbm4b:s25+s20] =	stream.linear.scatter [tilespmem:s29], [sflag:$0x5], $0x400, $0x38;
	[tilespmem:$0x1A100] =	vst v63  }
0x22e: {  	s24 =	sadd.s32 s2, s24;
	s26 =	simm.s32 $0x11400  }
0x22f: {  	[hbm4b:s24+s20] =	stream.linear.scatter [tilespmem:s26], [sflag:$0x5], $0x400, $0x38;
	[tilespmem:$0x1A100] =	vst v63  }
0x230: {  	s28 =	sadd.s32 $0x4000, s24;
	s29 =	simm.s32 $0x12400  }
0x231: {  	[hbm4b:s28+s20] =	stream.linear.scatter [tilespmem:s29], [sflag:$0x5], $0x400, $0x38;
	[tilespmem:$0x1A100] =	vst v63  }
0x232: {  	s26 =	sadd.s32 $0x8000, s24;
	s28 =	simm.s32 $0x13400  }
0x233: {  	[hbm4b:s26+s20] =	stream.linear.scatter [tilespmem:s28], [sflag:$0x5], $0x400, $0x38;
	[tilespmem:$0x1A100] =	vst v63  }
0x234: {  	s29 =	sadd.s32 $0xC000, s24  }
0x235: {  	[hbm4b:s29+s20] =	stream.linear.scatter [tilespmem:s31], [sflag:$0x5], $0x400, $0x38;
	[tilespmem:$0x1A100] =	vst v63  }
0x236: {  	s26 =	sadd.s32 $0x10000, s24  }
0x237: {  	[hbm4b:s26+s20] =	stream.linear.scatter [tilespmem:s0], [sflag:$0x5], $0x400, $0x38;
	[tilespmem:$0x1A100] =	vst v63  }
0x238: {  	s28 =	sadd.s32 $0x14000, s24  }
0x239: {  	[hbm4b:s28+s20] =	stream.linear.scatter [tilespmem:s3], [sflag:$0x5], $0x400, $0x38;
	[tilespmem:$0x1A100] =	vst v63  }
0x23a: {  	s29 =	sadd.s32 $0x18000, s24  }
0x23b: {  	[hbm4b:s29+s20] =	stream.linear.scatter [tilespmem:s18], [sflag:$0x5], $0x400, $0x38;
	[tilespmem:$0x1A100] =	vst v63  }
0x23c: {  	s24 =	sadd.s32 $0x1C000, s24  }
0x23d: {  	[hbm4b:s24+s20] =	stream.linear.scatter [tilespmem:s6], [sflag:$0x5], $0x400, $0x38;
	[tilespmem:$0x1A100] =	vst v63  }
0x23e: {  	_ =	swait.ge [sflag:s21], $0x400  }
0x23f: {  	[sflag:s21] =	ssyncset.done $0x0  }
0x240: {  	s20 =	simm.s32 $0x0;
	[sflag:s21] =	ssyncadd.s32 $0xFFFFFC00  }
0x241: {  	v0 =	vld [tilespmem:s20+$0x0]  }
0x242: {  	v1 =	vld [tilespmem:s20+$0x10]  }
0x243: {  	v6 =	vld [tilespmem:s20+$0x30]  }
0x244: {  	v15 =	vld [tilespmem:s20+$0x40];
	_ =	sdelay $0x2  }
0x245: {  	v3 =	vshll.u32 v0, $0x2  }
0x246: {  	v4 =	vld [tilespmem:s20+$0x20];
	v5 =	vand.u32 $0xFFFFE000, v0;
	v0 =	vshrl.u32 v0, $0xB;
	v10 =	vand.u32 $0xFFFFE000, v1  }
0x247: {  	v11 =	vand.u32 $0xFFFFE000, v6;
	v13 =	vand.u32 $0xFFFFE000, v15;
	v14 =	vshll.u32 v15, $0x2  }
0x248: {  	v15 =	vshrl.u32 v15, $0xB;
	v3 =	vand.u32 $0x1FFC, v3;
	v0 =	vand.u32 $0x3, v0  }
0x249: {  	v3 =	vor.u32 v5, v3;
	v5 =	vshll.u32 v1, $0x2;
	v1 =	vshrl.u32 v1, $0xB  }
0x24a: {  	v5 =	vand.u32 $0x1FFC, v5;
	v9 =	vor.u32 v0, v3;
	v1 =	vand.u32 $0x3, v1  }
0x24b: {  	v12 =	vld [tilespmem:s20+$0x50];
	v3 =	vand.u32 $0xFFFFE000, v4;
	v0 =	vor.u32 v10, v5;
	v5 =	vshll.u32 v4, $0x2  }
0x24c: {  	v4 =	vshrl.u32 v4, $0xB;
	v10 =	vshll.u32 v6, $0x2;
	v6 =	vshrl.u32 v6, $0xB  }
0x24d: {  	v5 =	vand.u32 $0x1FFC, v5;
	v4 =	vand.u32 $0x3, v4;
	v10 =	vand.u32 $0x1FFC, v10  }
0x24e: {  	v6 =	vand.u32 $0x3, v6;
	v3 =	vor.u32 v3, v5;
	v5 =	vor.u32 v11, v10;
	v10 =	vld [tilespmem:s20+$0x60]  }
0x24f: {  	s24 =	simm.s32 $0x200;
	v11 =	vor.u32 v1, v0;
	v0 =	vor.u32 v4, v3;
	v4 =	vor.u32 v6, v5  }
.LBB2_11:
0x250: {  	p0 =	sne.s32 s24, $0xE00;
	v1 =	vand.u32 $0x1FFC, v14;
	v3 =	vand.u32 $0x3, v15;
	v5 =	vshll.u32 v12, $0x2;
	v6 =	vld [tilespmem:s20+$0x70]  }
0x251: {  	v14 =	vand.u32 $0xFFFFE000, v12;
	v12 =	vshrl.u32 v12, $0xB;
	v5 =	vand.u32 $0x1FFC, v5  }
0x252: {  	s25 =	sshra.s32 s24, $0x2;
	v1 =	vor.u32 v13, v1;
	[tilespmem:s20+$0x0] =	vst v9;
	v5 =	vor.u32 v14, v5;
	v9 =	vand.u32 $0x3, v12  }
0x253: {  	v1 =	vor.u32 v3, v1;
	v12 =	vld [tilespmem:s25+$0x0];
	[tilespmem:s20+$0x10] =	vst v11;
	v3 =	vor.u32 v9, v5;
	v5 =	vshll.u32 v10, $0x2  }
0x254: {  	v9 =	vshrl.u32 v10, $0xB;
	[tilespmem:s20+$0x20] =	vst v0;
	v0 =	vand.u32 $0xFFFFE000, v10;
	v5 =	vand.u32 $0x1FFC, v5  }
0x255: {  	v10 =	vld [tilespmem:s25+$0x10];
	[tilespmem:s20+$0x30] =	vst v4;
	v0 =	vor.u32 v0, v5;
	v4 =	vand.u32 $0x3, v9;
	v5 =	vshll.u32 v6, $0x2  }
0x256: {  	[tilespmem:s20+$0x40] =	vst v1;
	v1 =	vand.u32 $0xFFFFE000, v6;
	v5 =	vand.u32 $0x1FFC, v5;
	v6 =	vshrl.u32 v6, $0xB  }
0x257: {  	v0 =	vor.u32 v4, v0;
	[tilespmem:s20+$0x50] =	vst v3;
	v1 =	vor.u32 v1, v5;
	v3 =	vand.u32 $0x3, v6  }
0x258: {  	v4 =	vshll.u32 v12, $0x2;
	v5 =	vld [tilespmem:s25+$0x20];
	[tilespmem:s20+$0x60] =	vst v0;
	v0 =	vor.u32 v3, v1  }
0x259: {  	v1 =	vand.u32 $0xFFFFE000, v12;
	v3 =	vand.u32 $0x1FFC, v4;
	v4 =	vshrl.u32 v12, $0xB;
	v6 =	vld [tilespmem:s25+$0x30];
	[tilespmem:s20+$0x70] =	vst v0;
	s20 =	smov.u32 s25  }
0x25a: {  	v0 =	vor.u32 v1, v3;
	v1 =	vand.u32 $0x3, v4;
	v3 =	vshll.u32 v10, $0x2  }
0x25b: {  	v4 =	vand.u32 $0xFFFFE000, v10;
	v10 =	vshrl.u32 v10, $0xB;
	v3 =	vand.u32 $0x1FFC, v3  }
0x25c: {  	v9 =	vor.u32 v1, v0;
	v1 =	vand.u32 $0x3, v10;
	v0 =	vor.u32 v4, v3  }
0x25d: {  	v3 =	vand.u32 $0xFFFFE000, v5;
	v4 =	vshll.u32 v5, $0x2;
	v5 =	vshrl.u32 v5, $0xB;
	v15 =	vld [tilespmem:s20+$0x40]  }
.Ltmp4:
0x25e: {  	v4 =	vand.u32 $0x1FFC, v4;
	v5 =	vand.u32 $0x3, v5;
	v10 =	vshll.u32 v6, $0x2;
	v12 =	vld [tilespmem:s20+$0x50];
	(pc) =	sbr.rel @p0 .LBB2_11-.Ltmp4, $4  }
0x25f: {  	v11 =	vand.u32 $0xFFFFE000, v6;
	v6 =	vshrl.u32 v6, $0xB;
	v10 =	vand.u32 $0x1FFC, v10  }
0x260: {  	v3 =	vor.u32 v3, v4;
	v6 =	vand.u32 $0x3, v6;
	v4 =	vor.u32 v11, v10  }
0x261: {  	v11 =	vor.u32 v1, v0;
	v0 =	vor.u32 v5, v3;
	v4 =	vor.u32 v6, v4;
	v10 =	vld [tilespmem:s20+$0x60]  }
0x262: {  	s24 =	sadd.s32 $0x200, s24;
	v13 =	vand.u32 $0xFFFFE000, v15;
	v14 =	vshll.u32 v15, $0x2;
	v15 =	vshrl.u32 v15, $0xB  }
0x263: {  	v1 =	vand.u32 $0x1FFC, v14;
	v3 =	vand.u32 $0x3, v15;
	v5 =	vshll.u32 v12, $0x2;
	v6 =	vld [tilespmem:s20+$0x70]  }
0x264: {  	v49 =	vand.u32 $0xFFFFE000, v12;
	v50 =	vshrl.u32 v12, $0xB;
	v5 =	vand.u32 $0x1FFC, v5  }
0x265: {  	[tilespmem:s20+$0x0] =	vst v9;
	v1 =	vor.u32 v13, v1;
	v51 =	vand.u32 $0x3, v50;
	v5 =	vor.u32 v49, v5  }
0x266: {  	[tilespmem:s20+$0x10] =	vst v11;
	v1 =	vor.u32 v3, v1;
	v52 =	vor.u32 v51, v5;
	v5 =	vshll.u32 v10, $0x2  }
0x267: {  	[tilespmem:s20+$0x20] =	vst v0;
	v53 =	vand.u32 $0xFFFFE000, v10;
	v54 =	vshrl.u32 v10, $0xB;
	v5 =	vand.u32 $0x1FFC, v5  }
0x268: {  	[tilespmem:s20+$0x30] =	vst v4;
	v4 =	vand.u32 $0x3, v54;
	v0 =	vor.u32 v53, v5;
	v5 =	vshll.u32 v6, $0x2  }
0x269: {  	[tilespmem:s20+$0x40] =	vst v1;
	v55 =	vand.u32 $0xFFFFE000, v6;
	v6 =	vshrl.u32 v6, $0xB;
	v5 =	vand.u32 $0x1FFC, v5  }
0x26a: {  	[tilespmem:s20+$0x50] =	vst v52;
	v0 =	vor.u32 v4, v0;
	v56 =	vand.u32 $0x3, v6;
	v1 =	vor.u32 v55, v5  }
0x26b: {  	[tilespmem:s20+$0x60] =	vst v0;
	v57 =	vor.u32 v56, v1  }
0x26c: {  	[tilespmem:s20+$0x70] =	vst v57  }
0x26d: {  	[tilespmem:s23], [sflag:$0x1] =	stream.indirect.gather [hbm4b:s5+s22], $0x20, s4, s22, $0xb8;
	[tilespmem:$0x1A100] =	vst v63  }
0x26e: {  	s24 =	simm.s32 $0x1800  }
0x26f: {  	[tilespmem:s24], [sflag:$0x1] =	stream.indirect.gather [hbm4b:s5+s22], $0x20, s22, s22, $0xb8;
	[tilespmem:$0x1A100] =	vst v63  }
0x270: {  	s25 =	simm.s32 $0x100;
	s24 =	simm.s32 $0x2800  }
0x271: {  	[tilespmem:s24], [sflag:$0x1] =	stream.indirect.gather [hbm4b:s5+s22], $0x20, s25, s22, $0xb8;
	[tilespmem:$0x1A100] =	vst v63  }
0x272: {  	s26 =	simm.s32 $0x180;
	s28 =	simm.s32 $0x3800  }
0x273: {  	[tilespmem:s28], [sflag:$0x1] =	stream.indirect.gather [hbm4b:s5+s22], $0x20, s26, s22, $0xb8;
	[tilespmem:$0x1A100] =	vst v63  }
0x274: {  	s24 =	simm.s32 $0x200;
	s25 =	simm.s32 $0x4800  }
0x275: {  	[tilespmem:s25], [sflag:$0x1] =	stream.indirect.gather [hbm4b:s5+s22], $0x20, s24, s22, $0xb8;
	[tilespmem:$0x1A100] =	vst v63  }
0x276: {  	s26 =	simm.s32 $0x280;
	s28 =	simm.s32 $0x5800  }
0x277: {  	[tilespmem:s28], [sflag:$0x1] =	stream.indirect.gather [hbm4b:s5+s22], $0x20, s26, s22, $0xb8;
	[tilespmem:$0x1A100] =	vst v63  }
0x278: {  	p0 =	seq.s32 s1, $0xB;
	s24 =	simm.s32 $0x300;
	s25 =	simm.s32 $0x6800  }
0x279: {  	[tilespmem:s25], [sflag:$0x1] =	stream.indirect.gather [hbm4b:s5+s22], $0x20, s24, s22, $0xb8;
	[tilespmem:$0x1A100] =	vst v63  }
0x27a: {  	s13 =	sadd.s32 @!p0 s11, s13;
	s26 =	simm.s32 $0x380;
	s28 =	simm.s32 $0x7800  }
0x27b: {  	[tilespmem:s28], [sflag:$0x1] =	stream.indirect.gather [hbm4b:s5+s22], $0x20, s26, s22, $0xb8;
	[tilespmem:$0x1A100] =	vst v63  }
0x27c: {  	s13 =	sshrl.u32 @!p0 s13, $0x3;
	_ =	swait.ge [sflag:s9], $0x8000  }
0x27d: {  	s13 =	sadd.s32 @!p0 s30, s13;
	[sflag:s9] =	ssyncset.done $0x0  }
0x27e: {  	s20 =	simm.s32 @!p0 $0x0;
	s24 =	simm.s32 @!p0 $0x400;
	[sflag:s9] =	ssyncadd.s32 $0xFFFF8000  }
0x27f: {  	[tilespmem:s24], [sflag:$0x4] =	stream.linear.gather @!p0 [hbm4b:s13+s20], $0x400, $0x38;
	[tilespmem:$0x1A100] =	vst v63  }
0x280: {  	_ =	swait.ge [sflag:s17], $0x2000  }
0x281: {  	[sflag:s17] =	ssyncset.done $0x0  }
0x282: {  	[sflag:s17] =	ssyncadd.s32 $0xFFFFE000  }
0x283: {  	_ =	swait.ge [sflag:s17], $0x2000  }
0x284: {  	[sflag:s17] =	ssyncset.done $0x0  }
0x285: {  	[sflag:s17] =	ssyncadd.s32 $0xFFFFE000  }
0x286: {  	s13 =	sor.u32 $0x1, s14;
	_ =	swait.ge [sflag:s17], $0x2000  }
0x287: {  	s14 =	sshll.u32 s13, $0x8;
	[sflag:s17] =	ssyncset.done $0x0  }
0x288: {  	s14 =	sand.u32 $0x3FFFFF00, s14;
	[sflag:s17] =	ssyncadd.s32 $0xFFFFE000  }
0x289: {  	s29 =	smov.u32 s30;
	s30 =	sadd.s32 $0x18800, s14;
	_ =	swait.ge [sflag:s17], $0x2000  }
0x28a: {  	v58 =	vmov s30;
	[sflag:s17] =	ssyncset.done $0x0  }
0x28b: {  	s20 =	simm.s32 $0x0;
	s14 =	simm.s32 $0x0;
	[tilespmem:$0x1FF30] =	vst v58;
	[sflag:s17] =	ssyncadd.s32 $0xFFFFE000  }
.LBB2_13:
0x28c: {  	v2 =	vld [tilespmem:$0x1FF90]  }
0x28d: {  	v8 =	vld [tilespmem:$0x1FFE0]  }
0x28e: {  	v0 =	vmov s14  }
0x28f: {  	v10 =	vld [tilespmem:$0x1FF30];
	v0 =	vshll.u32 v0, $0x5  }
0x290: {  	v0 =	vadd.s32 v61, v0  }
0x291: {  	s24 =	sshll.u32 s20, $0xC;
	v27 =	vand.u32 $0x1E0, v0  }
0x292: {  	v26 =	vor.u32 s24, v2;
	v12 =	vor.u32 v8, v27  }
0x293: {  	s25 =	simm.s32 $0x1;
	v52 =	vlaneseq.u32;
	v0 =	vor.u32 v26, v12  }
0x294: {  	v1 =	vadd.s32 s25, v52  }
0x295: {  	s26 =	sshll.u32 s20, $0x5;
	v29 =	vand.u32 $0xF, v1  }
0x296: {  	s25 =	sand.u32 $0x3FFFFFE0, s26;
	v32 =	vshll.u32 v29, $0x5  }
0x297: {  	v37 =	vor.u32 v8, v32;
	v28 =	vld.idx.msk [tilespmem:v10+s25+$0x0 ss:$0x1], $0xffff  }
0x298: {  	v35 =	vadd.s32 s14, v63;
	v3 =	vor.u32 v26, v37;
	v0 =	vld.idx.msk [tilespmem:v0+s19+$0x0], $0xffff  }
0x299: {  	v24 =	vmov s24;
	s26 =	sor.u32 $0x200, s24;
	v4 =	vand.u32 $0x78F, v35  }
0x29a: {  	v5 =	vor.u32 v24, v4;
	v25 =	vor.u32 s26, v2  }
0x29b: {  	v6 =	vor.u32 v25, v12  }
0x29c: {  	v9 =	vor.u32 v7, v29  }
0x29d: {  	v33 =	vand.u32 $0x7, v1;
	v1 =	vld.idx.msk [tilespmem:v3+s19+$0x0], $0xffff;
	v3 =	vand.u32 $0x788, v9;
	v0 =	vadd.f32 v0, v28  }
0x29e: {  	v34 =	vor.u32 v33, v3  }
0x29f: {  	v10 =	vld.idx.msk [tilespmem:v10+s25+$0x10 ss:$0x1], $0xffff;
	[tilespmem:v5+s16+$0x0] =	vst.idx.msk $0xffff, v0;
	v0 =	vor.u32 v24, v34  }
0x2a0: {  	s30 =	sor.u32 $0x10, s24;
	v5 =	vor.u32 v25, v37;
	v3 =	vld.idx.msk [tilespmem:v6+s19+$0x0], $0xffff  }
0x2a1: {  	v23 =	vmov s30;
	s26 =	sor.u32 $0x400, s24  }
0x2a2: {  	v22 =	vor.u32 s26, v2;
	v1 =	vadd.f32 v1, v28;
	v6 =	vor.u32 v23, v35  }
0x2a3: {  	v9 =	vor.u32 v22, v12  }
0x2a4: {  	[tilespmem:v0+s16+$0x0] =	vst.idx.msk $0xffff, v1  }
0x2a5: {  	v0 =	vadd.f32 v3, v28;
	v1 =	vld.idx.msk [tilespmem:v5+s19+$0x0], $0xffff;
	_ =	sdelay $0x1  }
0x2a6: {  	[tilespmem:v6+s16+$0x0] =	vst.idx.msk $0xffff, v0;
	v0 =	vor.u32 v23, v34  }
0x2a7: {  	s30 =	sor.u32 $0x20, s24;
	v5 =	vor.u32 v22, v37;
	v3 =	vld.idx.msk [tilespmem:v9+s19+$0x0], $0xffff  }
0x2a8: {  	v21 =	vmov s30;
	s26 =	sor.u32 $0x600, s24  }
0x2a9: {  	v20 =	vor.u32 s26, v2;
	v6 =	vor.u32 v21, v4;
	v1 =	vadd.f32 v1, v28  }
0x2aa: {  	v9 =	vor.u32 v20, v12  }
0x2ab: {  	[tilespmem:v0+s16+$0x0] =	vst.idx.msk $0xffff, v1  }
0x2ac: {  	v0 =	vadd.f32 v3, v28;
	v1 =	vld.idx.msk [tilespmem:v5+s19+$0x0], $0xffff;
	_ =	sdelay $0x1  }
0x2ad: {  	[tilespmem:v6+s16+$0x0] =	vst.idx.msk $0xffff, v0;
	v0 =	vor.u32 v21, v34  }
0x2ae: {  	s30 =	sor.u32 $0x30, s24;
	v5 =	vor.u32 v20, v37;
	v3 =	vld.idx.msk [tilespmem:v9+s19+$0x0], $0xffff  }
0x2af: {  	v19 =	vmov s30;
	s26 =	sor.u32 $0x800, s24  }
0x2b0: {  	v18 =	vor.u32 s26, v2;
	v6 =	vor.u32 v19, v35;
	v1 =	vadd.f32 v1, v28  }
0x2b1: {  	s25 =	simm.s32 $0x2;
	v9 =	vor.u32 v18, v12  }
0x2b2: {  	v11 =	vmov s25;
	[tilespmem:v0+s16+$0x0] =	vst.idx.msk $0xffff, v1  }
0x2b3: {  	v0 =	vshll.u32 v11, $0x5;
	v1 =	vadd.f32 v3, v28;
	v3 =	vld.idx.msk [tilespmem:v5+s19+$0x0], $0xffff  }
0x2b4: {  	v0 =	vadd.s32 v61, v0  }
0x2b5: {  	v30 =	vand.u32 $0x1E0, v0;
	v0 =	vor.u32 v19, v34;
	[tilespmem:v6+s16+$0x0] =	vst.idx.msk $0xffff, v1  }
0x2b6: {  	s30 =	sor.u32 $0x40, s24;
	v5 =	vor.u32 v18, v37;
	v38 =	vor.u32 v8, v30;
	v1 =	vld.idx.msk [tilespmem:v9+s19+$0x0], $0xffff  }
0x2b7: {  	v17 =	vmov s30;
	s30 =	sor.u32 $0xA00, s24;
	v6 =	vor.u32 v26, v38  }
0x2b8: {  	v16 =	vor.u32 s30, v2;
	v9 =	vor.u32 v17, v4;
	v3 =	vadd.f32 v3, v28  }
0x2b9: {  	v11 =	vor.u32 v16, v12  }
0x2ba: {  	[tilespmem:v0+s16+$0x0] =	vst.idx.msk $0xffff, v3  }
0x2bb: {  	s28 =	simm.s32 $0x3;
	s30 =	sor.u32 $0x50, s24;
	v0 =	vadd.f32 v1, v28;
	v1 =	vld.idx.msk [tilespmem:v5+s19+$0x0], $0xffff  }
0x2bc: {  	v13 =	vmov s30;
	v31 =	vadd.s32 s25, v63;
	v3 =	vld.idx.msk [tilespmem:v6+s19+$0x0], $0xffff;
	v5 =	vadd.s32 s28, v52  }
0x2bd: {  	v39 =	vand.u32 $0x78F, v31;
	v36 =	vand.u32 $0xF, v5;
	[tilespmem:v9+s16+$0x0] =	vst.idx.msk $0xffff, v0;
	v0 =	vor.u32 v17, v34  }
0x2be: {  	s30 =	sor.u32 $0xC00, s24;
	v6 =	vor.u32 v24, v39;
	v40 =	vshll.u32 v36, $0x5;
	v9 =	vld.idx.msk [tilespmem:v11+s19+$0x0], $0xffff;
	v11 =	vor.u32 v16, v37  }
0x2bf: {  	v14 =	vor.u32 s30, v2;
	v15 =	vor.u32 v25, v38;
	v48 =	vor.u32 v8, v40  }
0x2c0: {  	v41 =	vor.u32 v13, v35;
	v42 =	vor.u32 v26, v48;
	v1 =	vadd.f32 v1, v28  }
0x2c1: {  	v43 =	vor.u32 v14, v12;
	v3 =	vadd.f32 v3, v28  }
0x2c2: {  	[tilespmem:v0+s16+$0x0] =	vst.idx.msk $0xffff, v1  }
0x2c3: {  	[tilespmem:v6+s16+$0x0] =	vst.idx.msk $0xffff, v3;
	v0 =	vadd.f32 v9, v28;
	v1 =	vld.idx.msk [tilespmem:v11+s19+$0x0], $0xffff  }
0x2c4: {  	v51 =	vor.u32 v14, v37;
	v6 =	vor.u32 v7, v36;
	v3 =	vld.idx.msk [tilespmem:v15+s19+$0x0], $0xffff  }
0x2c5: {  	v44 =	vand.u32 $0x7, v5;
	v5 =	vand.u32 $0x788, v6;
	v6 =	vor.u32 v13, v34;
	[tilespmem:v41+s16+$0x0] =	vst.idx.msk $0xffff, v0;
	v0 =	vld.idx.msk [tilespmem:v42+s19+$0x0], $0xffff  }
0x2c6: {  	s30 =	sor.u32 $0x60, s24;
	v46 =	vor.u32 v25, v48;
	v9 =	vor.u32 v23, v31;
	v45 =	vor.u32 v44, v5;
	v41 =	vld.idx.msk [tilespmem:v43+s19+$0x0], $0xffff  }
0x2c7: {  	v11 =	vmov s30;
	s30 =	sor.u32 $0xE00, s24;
	v5 =	vor.u32 v22, v38;
	v53 =	vor.u32 v24, v45  }
0x2c8: {  	v15 =	vor.u32 s30, v2;
	v4 =	vor.u32 v11, v4;
	v1 =	vadd.f32 v1, v28  }
0x2c9: {  	v47 =	vor.u32 v15, v12;
	v3 =	vadd.f32 v3, v28  }
0x2ca: {  	v0 =	vadd.f32 v0, v28;
	[tilespmem:v6+s16+$0x0] =	vst.idx.msk $0xffff, v1  }
0x2cb: {  	[tilespmem:v9+s16+$0x0] =	vst.idx.msk $0xffff, v3;
	v1 =	vadd.f32 v41, v28;
	v3 =	vld.idx.msk [tilespmem:v51+s19+$0x0], $0xffff  }
0x2cc: {  	v5 =	vld.idx.msk [tilespmem:v5+s19+$0x0], $0xffff;
	[tilespmem:v53+s16+$0x0] =	vst.idx.msk $0xffff, v0  }
0x2cd: {  	[tilespmem:v4+s16+$0x0] =	vst.idx.msk $0xffff, v1;
	v0 =	vld.idx.msk [tilespmem:v46+s19+$0x0], $0xffff;
	v1 =	vor.u32 v11, v34  }
0x2ce: {  	s24 =	sor.u32 $0x70, s24;
	v6 =	vor.u32 v21, v39;
	v9 =	vor.u32 v15, v37;
	v4 =	vld.idx.msk [tilespmem:v47+s19+$0x0], $0xffff  }
0x2cf: {  	v54 =	vor.u32 v20, v38;
	v12 =	vmov s24;
	v55 =	vor.u32 v23, v45  }
0x2d0: {  	v56 =	vor.u32 v22, v48;
	v35 =	vor.u32 v12, v35;
	v3 =	vadd.f32 v3, v28  }
0x2d1: {  	v46 =	vor.u32 v60, v27;
	v5 =	vadd.f32 v5, v28  }
0x2d2: {  	v57 =	vor.u32 v26, v46;
	v0 =	vadd.f32 v0, v28;
	[tilespmem:v1+s16+$0x0] =	vst.idx.msk $0xffff, v3  }
0x2d3: {  	[tilespmem:v6+s16+$0x0] =	vst.idx.msk $0xffff, v5;
	v1 =	vadd.f32 v4, v28;
	v3 =	vld.idx.msk [tilespmem:v9+s19+$0x0], $0xffff  }
0x2d4: {  	v53 =	vor.u32 v18, v38;
	v27 =	vadd.s32 s14, v62;
	v4 =	vld.idx.msk [tilespmem:v54+s19+$0x0], $0xffff;
	[tilespmem:v55+s16+$0x0] =	vst.idx.msk $0xffff, v0  }
0x2d5: {  	v47 =	vor.u32 v60, v32;
	v5 =	vor.u32 v12, v34;
	[tilespmem:v35+s16+$0x0] =	vst.idx.msk $0xffff, v1;
	v1 =	vld.idx.msk [tilespmem:v56+s19+$0x0], $0xffff  }
0x2d6: {  	s24 =	simm.s32 $0x4;
	v49 =	vand.u32 $0xF8F, v27;
	v58 =	vor.u32 v26, v47;
	v6 =	vor.u32 v19, v31  }
0x2d7: {  	v54 =	vor.u32 v21, v45;
	v0 =	vmov s24;
	v55 =	vor.u32 v24, v49;
	v9 =	vld.idx.msk [tilespmem:v57+s19+$0x0], $0xffff  }
0x2d8: {  	v0 =	vshll.u32 v0, $0x5;
	v56 =	vor.u32 v20, v48;
	v3 =	vadd.f32 v3, v28  }
0x2d9: {  	v0 =	vadd.s32 v61, v0;
	v57 =	vor.u32 v25, v46;
	v4 =	vadd.f32 v4, v28  }
0x2da: {  	v32 =	vand.u32 $0x1E0, v0;
	v1 =	vadd.f32 v1, v28;
	[tilespmem:v5+s16+$0x0] =	vst.idx.msk $0xffff, v3;
	v3 =	vor.u32 v59, v29  }
0x2db: {  	v34 =	vor.u32 v8, v32;
	[tilespmem:v6+s16+$0x0] =	vst.idx.msk $0xffff, v4;
	v4 =	vld.idx.msk [tilespmem:v58+s19+$0x0], $0xffff;
	v3 =	vand.u32 $0xF88, v3  }
0x2dc: {  	v0 =	vadd.f32 v9, v10;
	v5 =	vld.idx.msk [tilespmem:v53+s19+$0x0], $0xffff;
	[tilespmem:v54+s16+$0x0] =	vst.idx.msk $0xffff, v1;
	v29 =	vor.u32 v33, v3  }
0x2dd: {  	v3 =	vor.u32 v26, v34;
	v1 =	vld.idx.msk [tilespmem:v56+s19+$0x0], $0xffff;
	v6 =	vor.u32 v24, v29  }
0x2de: {  	v9 =	vor.u32 v25, v47;
	[tilespmem:v55+s16+$0x0] =	vst.idx.msk $0xffff, v0;
	v0 =	vor.u32 v17, v39  }
0x2df: {  	v40 =	vor.u32 v60, v40;
	v54 =	vor.u32 v16, v38;
	v55 =	vor.u32 v19, v45;
	v58 =	vld.idx.msk [tilespmem:v57+s19+$0x0], $0xffff  }
0x2e0: {  	v36 =	vor.u32 v59, v36;
	v56 =	vor.u32 v18, v48;
	v4 =	vadd.f32 v4, v10  }
0x2e1: {  	s30 =	simm.s32 $0x5;
	v43 =	vadd.s32 s24, v63;
	v50 =	vor.u32 v23, v27;
	v5 =	vadd.f32 v5, v28  }
0x2e2: {  	v52 =	vadd.s32 s30, v52;
	v42 =	vand.u32 $0x78F, v43;
	v3 =	vld.idx.msk [tilespmem:v3+s19+$0x0], $0xffff;
	v1 =	vadd.f32 v1, v28;
	[tilespmem:v6+s16+$0x0] =	vst.idx.msk $0xffff, v4  }
0x2e3: {  	v51 =	vor.u32 v22, v46;
	v59 =	vor.u32 v25, v40;
	[tilespmem:v0+s16+$0x0] =	vst.idx.msk $0xffff, v5;
	v0 =	vld.idx.msk [tilespmem:v9+s19+$0x0], $0xffff  }
0x2e4: {  	v5 =	vor.u32 v24, v42;
	v4 =	vadd.f32 v58, v10;
	v6 =	vld.idx.msk [tilespmem:v54+s19+$0x0], $0xffff;
	[tilespmem:v55+s16+$0x0] =	vst.idx.msk $0xffff, v1  }
0x2e5: {  	v53 =	vor.u32 v17, v45;
	v33 =	vand.u32 $0xF, v52;
	v57 =	vor.u32 v23, v29;
	v9 =	vld.idx.msk [tilespmem:v56+s19+$0x0], $0xffff  }
0x2e6: {  	v35 =	vshll.u32 v33, $0x5;
	v1 =	vor.u32 v13, v31;
	[tilespmem:v50+s16+$0x0] =	vst.idx.msk $0xffff, v4;
	v4 =	vor.u32 v25, v34  }
0x2e7: {  	v37 =	vor.u32 v8, v35;
	v58 =	vor.u32 v22, v47;
	v3 =	vadd.f32 v3, v28  }
0x2e8: {  	v54 =	vor.u32 v16, v48;
	v55 =	vor.u32 v14, v38;
	v51 =	vld.idx.msk [tilespmem:v51+s19+$0x0], $0xffff;
	v0 =	vadd.f32 v0, v10  }
0x2e9: {  	v38 =	vor.u32 v15, v38;
	[tilespmem:v5+s16+$0x0] =	vst.idx.msk $0xffff, v3;
	v3 =	vadd.f32 v6, v28  }
0x2ea: {  	v50 =	vor.u32 v11, v39;
	v5 =	vadd.f32 v9, v28;
	[tilespmem:v57+s16+$0x0] =	vst.idx.msk $0xffff, v0  }
0x2eb: {  	v6 =	vor.u32 v26, v37;
	v0 =	vor.u32 v21, v49;
	[tilespmem:v1+s16+$0x0] =	vst.idx.msk $0xffff, v3;
	v3 =	vld.idx.msk [tilespmem:v4+s19+$0x0], $0xffff  }
0x2ec: {  	v39 =	vand.u32 $0x7, v52;
	v52 =	vor.u32 v20, v47;
	v1 =	vld.idx.msk [tilespmem:v58+s19+$0x0], $0xffff;
	[tilespmem:v53+s16+$0x0] =	vst.idx.msk $0xffff, v5  }
0x2ed: {  	v56 =	vor.u32 v13, v45;
	v4 =	vor.u32 v23, v43;
	v5 =	vadd.f32 v51, v10;
	v51 =	vld.idx.msk [tilespmem:v54+s19+$0x0], $0xffff  }
0x2ee: {  	v57 =	vor.u32 v7, v33;
	v53 =	vor.u32 v21, v29;
	v54 =	vld.idx.msk [tilespmem:v55+s19+$0x0], $0xffff;
	v55 =	vor.u32 v20, v46  }
0x2ef: {  	v9 =	vor.u32 v22, v34;
	v41 =	vand.u32 $0x788, v57;
	v58 =	vor.u32 v25, v37  }
0x2f0: {  	v57 =	vor.u32 v12, v45;
	[tilespmem:v0+s16+$0x0] =	vst.idx.msk $0xffff, v5;
	v0 =	vld.idx.msk [tilespmem:v6+s19+$0x0], $0xffff;
	v3 =	vadd.f32 v3, v28  }
0x2f1: {  	v41 =	vor.u32 v39, v41;
	v5 =	vor.u32 v14, v48;
	v1 =	vadd.f32 v1, v10  }
0x2f2: {  	v6 =	vor.u32 v24, v41;
	v48 =	vor.u32 v15, v48;
	[tilespmem:v4+s16+$0x0] =	vst.idx.msk $0xffff, v3  }
0x2f3: {  	v51 =	vadd.f32 v51, v28;
	[tilespmem:v53+s16+$0x0] =	vst.idx.msk $0xffff, v1;
	v1 =	vld.idx.msk [tilespmem:v55+s19+$0x0], $0xffff;
	v3 =	vadd.f32 v54, v28  }
0x2f4: {  	v54 =	vor.u32 v18, v47;
	v55 =	vor.u32 v20, v34;
	v4 =	vld.idx.msk [tilespmem:v52+s19+$0x0], $0xffff;
	v52 =	vor.u32 v19, v29  }
0x2f5: {  	v9 =	vld.idx.msk [tilespmem:v9+s19+$0x0], $0xffff;
	[tilespmem:v56+s16+$0x0] =	vst.idx.msk $0xffff, v51;
	v0 =	vadd.f32 v0, v28;
	v51 =	vor.u32 v19, v27  }
0x2f6: {  	[tilespmem:v50+s16+$0x0] =	vst.idx.msk $0xffff, v3;
	v50 =	vor.u32 v13, v27;
	v3 =	vld.idx.msk [tilespmem:v5+s19+$0x0], $0xffff;
	v5 =	vor.u32 v18, v46  }
0x2f7: {  	v56 =	vor.u32 v11, v45;
	[tilespmem:v6+s16+$0x0] =	vst.idx.msk $0xffff, v0;
	v0 =	vld.idx.msk [tilespmem:v38+s19+$0x0], $0xffff;
	v38 =	vor.u32 v21, v42  }
0x2f8: {  	v2 =	vmovc v60;
	v6 =	vor.u32 v12, v31;
	v31 =	vor.u32 v60, v30;
	v1 =	vadd.f32 v1, v10  }
0x2f9: {  	v60 =	vor.u32 v13, v43;
	v53 =	vld.idx.msk [tilespmem:v58+s19+$0x0], $0xffff;
	v58 =	vor.u32 v21, v41;
	v4 =	vadd.f32 v4, v10  }
0x2fa: {  	v30 =	vadd.s32 s25, v62;
	[tilespmem:v51+s16+$0x0] =	vst.idx.msk $0xffff, v1;
	v1 =	vadd.f32 v9, v28;
	v51 =	vor.u32 v26, v31  }
0x2fb: {  	v9 =	vor.u32 v23, v41;
	v5 =	vld.idx.msk [tilespmem:v5+s19+$0x0], $0xffff;
	[tilespmem:v52+s16+$0x0] =	vst.idx.msk $0xffff, v4;
	v3 =	vadd.f32 v3, v28  }
0x2fc: {  	v4 =	vor.u32 v22, v37;
	[tilespmem:v38+s16+$0x0] =	vst.idx.msk $0xffff, v1;
	v0 =	vadd.f32 v0, v28;
	v52 =	vld.idx.msk [tilespmem:v54+s19+$0x0], $0xffff  }
0x2fd: {  	s25 =	simm.s32 $0x6;
	v1 =	vor.u32 v23, v30;
	v54 =	vld.idx.msk [tilespmem:v55+s19+$0x0], $0xffff;
	[tilespmem:v56+s16+$0x0] =	vst.idx.msk $0xffff, v3;
	v3 =	vor.u32 v17, v49  }
0x2fe: {  	v62 =	vmov s25;
	v53 =	vadd.f32 v53, v28;
	[tilespmem:v6+s16+$0x0] =	vst.idx.msk $0xffff, v0;
	v6 =	vor.u32 v17, v29;
	v48 =	vld.idx.msk [tilespmem:v48+s19+$0x0], $0xffff  }
0x2ff: {  	v38 =	vand.u32 $0xF8F, v30;
	v56 =	vor.u32 v19, v43;
	v0 =	vor.u32 v16, v46;
	v51 =	vld.idx.msk [tilespmem:v51+s19+$0x0], $0xffff  }
0x300: {  	v55 =	vshll.u32 v62, $0x5;
	[tilespmem:v9+s16+$0x0] =	vst.idx.msk $0xffff, v53;
	v53 =	vor.u32 v16, v47;
	v5 =	vadd.f32 v5, v10  }
0x301: {  	v9 =	vor.u32 v24, v38;
	v4 =	vld.idx.msk [tilespmem:v4+s19+$0x0], $0xffff;
	v62 =	vadd.f32 v52, v10;
	v52 =	vor.u32 v26, v40  }
0x302: {  	v55 =	vadd.s32 v61, v55;
	[tilespmem:v3+s16+$0x0] =	vst.idx.msk $0xffff, v5;
	v3 =	vadd.f32 v54, v28  }
0x303: {  	v45 =	vand.u32 $0x1E0, v55;
	v5 =	vor.u32 v18, v34;
	[tilespmem:v6+s16+$0x0] =	vst.idx.msk $0xffff, v62;
	v61 =	vadd.f32 v48, v28  }
0x304: {  	v0 =	vld.idx.msk [tilespmem:v0+s19+$0x0], $0xffff;
	v6 =	vor.u32 v20, v37;
	[tilespmem:v56+s16+$0x0] =	vst.idx.msk $0xffff, v3;
	v3 =	vadd.f32 v51, v10  }
0x305: {  	v55 =	vor.u32 v14, v46;
	v62 =	vor.u32 v25, v31;
	v53 =	vld.idx.msk [tilespmem:v53+s19+$0x0], $0xffff;
	[tilespmem:v57+s16+$0x0] =	vst.idx.msk $0xffff, v61  }
0x306: {  	v4 =	vadd.f32 v4, v28;
	[tilespmem:v9+s16+$0x0] =	vst.idx.msk $0xffff, v3;
	v3 =	vld.idx.msk [tilespmem:v52+s19+$0x0], $0xffff;
	v9 =	vand.u32 $0xF88, v36  }
0x307: {  	v48 =	vor.u32 v8, v45;
	v52 =	vor.u32 v13, v29;
	v36 =	vor.u32 v44, v9  }
0x308: {  	v5 =	vld.idx.msk [tilespmem:v5+s19+$0x0], $0xffff;
	[tilespmem:v58+s16+$0x0] =	vst.idx.msk $0xffff, v4;
	v4 =	vor.u32 v14, v47;
	v9 =	vor.u32 v24, v36  }
0x309: {  	v46 =	vor.u32 v15, v46;
	v56 =	vor.u32 v26, v48;
	v0 =	vadd.f32 v0, v10;
	v6 =	vld.idx.msk [tilespmem:v6+s19+$0x0], $0xffff  }
0x30a: {  	v57 =	vor.u32 v17, v42;
	v51 =	vld.idx.msk [tilespmem:v62+s19+$0x0], $0xffff;
	v62 =	vor.u32 v19, v41;
	v53 =	vadd.f32 v53, v10  }
0x30b: {  	[tilespmem:v50+s16+$0x0] =	vst.idx.msk $0xffff, v0;
	v0 =	vor.u32 v16, v34;
	v3 =	vadd.f32 v3, v10  }
0x30c: {  	v44 =	vadd.s32 s25, v63;
	[tilespmem:v52+s16+$0x0] =	vst.idx.msk $0xffff, v53;
	v52 =	vld.idx.msk [tilespmem:v55+s19+$0x0], $0xffff;
	v53 =	vor.u32 v18, v37  }
0x30d: {  	v5 =	vadd.f32 v5, v28;
	v54 =	vld.idx.msk [tilespmem:v4+s19+$0x0], $0xffff;
	[tilespmem:v9+s16+$0x0] =	vst.idx.msk $0xffff, v3;
	v3 =	vor.u32 v22, v31  }
0x30e: {  	v58 =	vor.u32 v11, v49;
	v49 =	vor.u32 v21, v38;
	v9 =	vld.idx.msk [tilespmem:v56+s19+$0x0], $0xffff;
	v6 =	vadd.f32 v6, v28  }
0x30f: {  	v50 =	vand.u32 $0x78F, v44;
	[tilespmem:v57+s16+$0x0] =	vst.idx.msk $0xffff, v5;
	v5 =	vadd.f32 v51, v10;
	v55 =	vld.idx.msk [tilespmem:v59+s19+$0x0], $0xffff  }
0x310: {  	v47 =	vor.u32 v15, v47;
	v4 =	vor.u32 v24, v50;
	v61 =	vld.idx.msk [tilespmem:v0+s19+$0x0], $0xffff;
	[tilespmem:v62+s16+$0x0] =	vst.idx.msk $0xffff, v6  }
0x311: {  	v56 =	vor.u32 v11, v29;
	v57 =	vor.u32 v23, v36;
	v63 =	vld.idx.msk [tilespmem:v53+s19+$0x0], $0xffff;
	[tilespmem:v1+s16+$0x0] =	vst.idx.msk $0xffff, v5  }
0x312: {  	s26 =	simm.s32 $0x8;
	s28 =	simm.s32 $0x7;
	v0 =	vor.u32 v25, v48;
	v62 =	vor.u32 v14, v34;
	v59 =	vadd.f32 v52, v10;
	v53 =	vld.idx.msk [tilespmem:v3+s19+$0x0], $0xffff  }
.LBB2_14:
0x313: {  	v1 =	vlaneseq.u32  }
0x314: {  	v3 =	vor.u32 v22, v40;
	v52 =	vmov v31;
	v1 =	vadd.s32 s28, v1  }
0x315: {  	v8 =	vld [tilespmem:$0x1FFE0];
	[tilespmem:v58+s16+$0x0] =	vst.idx.msk $0xffff, v59;
	v5 =	vadd.f32 v54, v10;
	v58 =	vmov v39;
	v6 =	vadd.f32 v9, v28  }
0x316: {  	v54 =	vmovc v38;
	v9 =	vor.u32 v17, v41;
	v38 =	vor.u32 v16, v37;
	v59 =	vand.u32 $0xF, v1;
	v31 =	vld.idx.msk [tilespmem:v46+s19+$0x0], $0xffff  }
0x317: {  	v39 =	vand.u32 $0x7, v1;
	v1 =	vor.u32 v21, v36;
	v55 =	vadd.f32 v55, v10;
	[tilespmem:v56+s16+$0x0] =	vst.idx.msk $0xffff, v5  }
0x318: {  	v46 =	vshll.u32 v59, $0x5;
	[tilespmem:v4+s16+$0x0] =	vst.idx.msk $0xffff, v6;
	v5 =	vadd.f32 v61, v28;
	v61 =	vor.u32 v20, v52  }
0x319: {  	v6 =	vld.idx.msk [tilespmem:v47+s19+$0x0], $0xffff;
	v63 =	vadd.f32 v63, v28;
	v47 =	vor.u32 v22, v48;
	[tilespmem:v57+s16+$0x0] =	vst.idx.msk $0xffff, v55  }
0x31a: {  	v0 =	vld.idx.msk [tilespmem:v0+s19+$0x0], $0xffff;
	v4 =	vor.u32 v8, v46;
	v55 =	vor.u32 v23, v44;
	[tilespmem:v60+s16+$0x0] =	vst.idx.msk $0xffff, v5  }
0x31b: {  	v51 =	vmovc v40;
	v5 =	vor.u32 v12, v27;
	v27 =	vor.u32 v12, v29;
	v40 =	vor.u32 v26, v4  }
0x31c: {  	v60 =	vor.u32 v14, v37;
	v3 =	vld.idx.msk [tilespmem:v3+s19+$0x0], $0xffff;
	[tilespmem:v9+s16+$0x0] =	vst.idx.msk $0xffff, v63;
	v9 =	vadd.f32 v53, v10  }
0x31d: {  	v56 =	vld.idx.msk [tilespmem:v62+s19+$0x0], $0xffff;
	v53 =	vor.u32 v11, v42;
	v62 =	vor.u32 v20, v51;
	v63 =	vor.u32 v13, v41  }
0x31e: {  	v29 =	vld.idx.msk [tilespmem:v38+s19+$0x0], $0xffff;
	[tilespmem:v49+s16+$0x0] =	vst.idx.msk $0xffff, v9;
	v9 =	vadd.f32 v31, v10;
	v31 =	vor.u32 v7, v59  }
0x31f: {  	v49 =	vor.u32 v18, v51;
	v6 =	vadd.f32 v6, v10;
	v31 =	vand.u32 $0x788, v31  }
0x320: {  	v0 =	vadd.f32 v0, v28;
	[tilespmem:v5+s16+$0x0] =	vst.idx.msk $0xffff, v9;
	v5 =	vor.u32 v39, v31;
	v40 =	vld.idx.msk [tilespmem:v40+s19+$0x0], $0xffff  }
0x321: {  	v9 =	vor.u32 v15, v34;
	v3 =	vadd.f32 v3, v10;
	[tilespmem:v27+s16+$0x0] =	vst.idx.msk $0xffff, v6  }
0x322: {  	v27 =	vmov v30;
	v6 =	vor.u32 v24, v5;
	v30 =	vld.idx.msk [tilespmem:v61+s19+$0x0], $0xffff;
	[tilespmem:v55+s16+$0x0] =	vst.idx.msk $0xffff, v0  }
0x323: {  	v42 =	vmov v50;
	v31 =	vor.u32 v25, v4;
	v61 =	vadd.f32 v29, v28;
	[tilespmem:v1+s16+$0x0] =	vst.idx.msk $0xffff, v3  }
0x324: {  	v34 =	vmovc v48;
	v0 =	vadd.f32 v56, v28;
	v56 =	vor.u32 v18, v52;
	v29 =	vmov v36;
	v1 =	vld.idx.msk [tilespmem:v62+s19+$0x0], $0xffff  }
0x325: {  	v3 =	vld.idx.msk [tilespmem:v47+s19+$0x0], $0xffff;
	[tilespmem:v63+s16+$0x0] =	vst.idx.msk $0xffff, v61;
	v63 =	vor.u32 v19, v27;
	v62 =	vadd.f32 v40, v28  }
0x326: {  	v57 =	vor.u32 v20, v34;
	[tilespmem:v53+s16+$0x0] =	vst.idx.msk $0xffff, v0;
	v36 =	vor.u32 v19, v29;
	v0 =	vld.idx.msk [tilespmem:v60+s19+$0x0], $0xffff  }
0x327: {  	[tilespmem:v6+s16+$0x0] =	vst.idx.msk $0xffff, v62;
	v6 =	vld.idx.msk [tilespmem:v9+s19+$0x0], $0xffff;
	v9 =	vor.u32 v12, v43;
	v43 =	vor.u32 v21, v42  }
0x328: {  	v61 =	vor.u32 v15, v37;
	v60 =	vor.u32 v11, v41;
	v30 =	vadd.f32 v30, v10;
	v48 =	vld.idx.msk [tilespmem:v31+s19+$0x0], $0xffff  }
0x329: {  	v37 =	vmovc v4;
	v4 =	vor.u32 v23, v5;
	v31 =	vor.u32 v2, v32;
	v1 =	vadd.f32 v1, v10  }
0x32a: {  	v3 =	vadd.f32 v3, v28;
	[tilespmem:v63+s16+$0x0] =	vst.idx.msk $0xffff, v30;
	v30 =	vld [tilespmem:$0x1FFB0];
	v62 =	vor.u32 v26, v31  }
0x32b: {  	v40 =	vld.idx.msk [tilespmem:v56+s19+$0x0], $0xffff;
	v0 =	vadd.f32 v0, v28;
	[tilespmem:v36+s16+$0x0] =	vst.idx.msk $0xffff, v1  }
0x32c: {  	[tilespmem:v43+s16+$0x0] =	vst.idx.msk $0xffff, v3;
	v1 =	vadd.f32 v6, v28;
	v6 =	vld.idx.msk [tilespmem:v49+s19+$0x0], $0xffff  }
0x32d: {  	[tilespmem:v60+s16+$0x0] =	vst.idx.msk $0xffff, v0;
	v0 =	vor.u32 v17, v54;
	v36 =	vld.idx.msk [tilespmem:v57+s19+$0x0], $0xffff;
	v57 =	vadd.f32 v48, v28  }
0x32e: {  	v63 =	vor.u32 v22, v37;
	v49 =	vor.u32 v19, v44;
	[tilespmem:v9+s16+$0x0] =	vst.idx.msk $0xffff, v1;
	v1 =	vld.idx.msk [tilespmem:v61+s19+$0x0], $0xffff  }
0x32f: {  	v43 =	vor.u32 v17, v29;
	v30 =	vadd.s32 s24, v30;
	[tilespmem:v4+s16+$0x0] =	vst.idx.msk $0xffff, v57;
	v4 =	vld.idx.msk [tilespmem:v62+s19+$0x0], $0xffff  }
0x330: {  	v9 =	vor.u32 v16, v52;
	v38 =	vand.u32 $0xF8F, v30;
	v62 =	vadd.f32 v40, v10  }
0x331: {  	v53 =	vor.u32 v24, v38  }
0x332: {  	v57 =	vld [tilespmem:$0x1FFA0];
	[tilespmem:v0+s16+$0x0] =	vst.idx.msk $0xffff, v62;
	v0 =	vadd.f32 v6, v10  }
0x333: {  	v56 =	vor.u32 v12, v41;
	v41 =	vmovc v5;
	v40 =	vor.u32 v2, v35;
	v5 =	vadd.f32 v36, v28  }
0x334: {  	v60 =	vmov s26;
	v50 =	vld.idx.msk [tilespmem:v63+s19+$0x0], $0xffff;
	v63 =	vor.u32 v16, v51;
	[tilespmem:v43+s16+$0x0] =	vst.idx.msk $0xffff, v0;
	v0 =	vadd.f32 v4, v10  }
0x335: {  	v61 =	vshll.u32 v60, $0x5;
	v60 =	vor.u32 v26, v40;
	v9 =	vld.idx.msk [tilespmem:v9+s19+$0x0], $0xffff;
	[tilespmem:v49+s16+$0x0] =	vst.idx.msk $0xffff, v5  }
0x336: {  	v6 =	vor.u32 v18, v34;
	[tilespmem:v53+s16+$0x0] =	vst.idx.msk $0xffff, v0;
	v0 =	vld [tilespmem:$0x1FFC0]  }
0x337: {  	v32 =	vmovc v45;
	v1 =	vadd.f32 v1, v28;
	v45 =	vadd.s32 v57, v61;
	v61 =	vor.u32 v21, v41  }
0x338: {  	v47 =	vor.u32 v13, v27;
	v3 =	vor.u32 v23, v30;
	v35 =	vmovc v46;
	v4 =	vor.u32 v25, v31  }
0x339: {  	v46 =	vor.u32 v14, v52;
	v62 =	vor.u32 v20, v37;
	v5 =	vld.idx.msk [tilespmem:v63+s19+$0x0], $0xffff;
	[tilespmem:v56+s16+$0x0] =	vst.idx.msk $0xffff, v1  }
0x33a: {  	v49 =	vor.u32 v13, v29;
	v45 =	vand.u32 $0x1E0, v45;
	v63 =	vadd.f32 v50, v28;
	v1 =	vld.idx.msk [tilespmem:v60+s19+$0x0], $0xffff  }
0x33b: {  	v43 =	vmovc v44;
	v56 =	vor.u32 v17, v42;
	v48 =	vor.u32 v8, v45;
	v8 =	vld [tilespmem:$0x1FFD0];
	v0 =	vor.u32 v0, v33  }
0x33c: {  	v60 =	vor.u32 v13, v43;
	v6 =	vld.idx.msk [tilespmem:v6+s19+$0x0], $0xffff;
	[tilespmem:v61+s16+$0x0] =	vst.idx.msk $0xffff, v63;
	v0 =	vand.u32 $0xF88, v0  }
0x33d: {  	v4 =	vld.idx.msk [tilespmem:v4+s19+$0x0], $0xffff;
	v36 =	vor.u32 v58, v0;
	v0 =	vadd.f32 v9, v10;
	v9 =	vor.u32 v14, v51  }
0x33e: {  	v55 =	vor.u32 v26, v48;
	v63 =	vor.u32 v18, v37;
	v53 =	vld.idx.msk [tilespmem:v62+s19+$0x0], $0xffff;
	v57 =	vor.u32 v24, v36  }
0x33f: {  	v33 =	vmov v59;
	v59 =	vor.u32 v25, v40;
	[tilespmem:v47+s16+$0x0] =	vst.idx.msk $0xffff, v0;
	v0 =	vadd.f32 v5, v10  }
0x340: {  	v44 =	vadd.s32 s26, v8;
	v5 =	vor.u32 v16, v34;
	v47 =	vor.u32 v19, v41  }
0x341: {  	v1 =	vadd.f32 v1, v10;
	v50 =	vand.u32 $0x78F, v44;
	v62 =	vld.idx.msk [tilespmem:v46+s19+$0x0], $0xffff;
	[tilespmem:v49+s16+$0x0] =	vst.idx.msk $0xffff, v0  }
0x342: {  	p0 =	slt.u32 s26, $0xE;
	v58 =	vor.u32 v11, v54;
	v0 =	vadd.f32 v6, v28;
	v6 =	vor.u32 v22, v31;
	v54 =	vld.idx.msk [tilespmem:v9+s19+$0x0], $0xffff  }
.Ltmp5:
0x343: {  	v53 =	vadd.f32 v53, v28;
	v46 =	vor.u32 v15, v52;
	v9 =	vld.idx.msk [tilespmem:v55+s19+$0x0], $0xffff;
	[tilespmem:v57+s16+$0x0] =	vst.idx.msk $0xffff, v1;
	(pc) =	sbr.rel @p0 .LBB2_14-.Ltmp5, $4  }
0x344: {  	v49 =	vor.u32 v21, v38;
	[tilespmem:v56+s16+$0x0] =	vst.idx.msk $0xffff, v0;
	v0 =	vadd.f32 v4, v10;
	v55 =	vld.idx.msk [tilespmem:v59+s19+$0x0], $0xffff  }
0x345: {  	v4 =	vor.u32 v24, v50;
	v56 =	vor.u32 v11, v29;
	v61 =	vld.idx.msk [tilespmem:v5+s19+$0x0], $0xffff;
	[tilespmem:v47+s16+$0x0] =	vst.idx.msk $0xffff, v53  }
0x346: {  	s24 =	smov.u32 s25;
	s25 =	smov.u32 s26;
	v57 =	vor.u32 v23, v36;
	v47 =	vor.u32 v15, v51;
	v63 =	vld.idx.msk [tilespmem:v63+s19+$0x0], $0xffff;
	[tilespmem:v3+s16+$0x0] =	vst.idx.msk $0xffff, v0  }
0x347: {  	s28 =	sadd.s32 $0x1, s25;
	s26 =	sadd.s32 $0x2, s26;
	v59 =	vadd.f32 v62, v10;
	v0 =	vor.u32 v25, v48;
	v62 =	vor.u32 v14, v34;
	v53 =	vld.idx.msk [tilespmem:v6+s19+$0x0], $0xffff  }
0x348: {  	v3 =	vld [tilespmem:$0x1FFE0]  }
0x349: {  	v1 =	vlaneseq.u32  }
0x34a: {  	v1 =	vadd.s32 s28, v1  }
0x34b: {  	v8 =	vand.u32 $0xF, v1  }
0x34c: {  	v5 =	vshll.u32 v8, $0x5  }
0x34d: {  	[tilespmem:$0x1FF20] =	vst v5;
	v5 =	vor.u32 v3, v5  }
0x34e: {  	v6 =	vor.u32 v26, v5;
	_ =	sdelay $0x3  }
0x34f: {  	v51 =	vor.u32 v7, v8  }
0x350: {  	v7 =	vand.u32 $0x7, v1;
	v51 =	vand.u32 $0x788, v51;
	v6 =	vld.idx.msk [tilespmem:v6+s19+$0x0], $0xffff  }
0x351: {  	v51 =	vor.u32 v7, v51  }
0x352: {  	v52 =	vor.u32 v24, v51  }
0x353: {  	v9 =	vadd.f32 v9, v28;
	v3 =	vor.u32 v25, v5;
	_ =	sdelay $0x1  }
0x354: {  	[tilespmem:v4+s16+$0x0] =	vst.idx.msk $0xffff, v9;
	v6 =	vadd.f32 v6, v28  }
0x355: {  	v0 =	vld.idx.msk [tilespmem:v0+s19+$0x0], $0xffff  }
0x356: {  	[tilespmem:v52+s16+$0x0] =	vst.idx.msk $0xffff, v6  }
0x357: {  	v1 =	vld.idx.msk [tilespmem:v3+s19+$0x0], $0xffff;
	v3 =	vor.u32 v23, v44  }
0x358: {  	v4 =	vor.u32 v22, v48;
	_ =	sdelay $0x1  }
0x359: {  	v0 =	vadd.f32 v0, v28;
	_ =	sdelay $0x1  }
0x35a: {  	[tilespmem:v3+s16+$0x0] =	vst.idx.msk $0xffff, v0  }
0x35b: {  	v6 =	vor.u32 v23, v51;
	v0 =	vld.idx.msk [tilespmem:v4+s19+$0x0], $0xffff  }
0x35c: {  	v52 =	vor.u32 v22, v5  }
0x35d: {  	v3 =	vor.u32 v21, v50  }
0x35e: {  	v1 =	vadd.f32 v1, v28;
	v4 =	vor.u32 v20, v48;
	_ =	sdelay $0x1  }
0x35f: {  	[tilespmem:v6+s16+$0x0] =	vst.idx.msk $0xffff, v1;
	v0 =	vadd.f32 v0, v28  }
0x360: {  	v1 =	vld.idx.msk [tilespmem:v52+s19+$0x0], $0xffff  }
0x361: {  	[tilespmem:v3+s16+$0x0] =	vst.idx.msk $0xffff, v0  }
0x362: {  	v6 =	vor.u32 v21, v51;
	v0 =	vld.idx.msk [tilespmem:v4+s19+$0x0], $0xffff  }
0x363: {  	v52 =	vor.u32 v20, v5  }
0x364: {  	v3 =	vor.u32 v19, v44  }
0x365: {  	v1 =	vadd.f32 v1, v28;
	_ =	sdelay $0x1  }
0x366: {  	v4 =	vor.u32 v18, v48;
	[tilespmem:v6+s16+$0x0] =	vst.idx.msk $0xffff, v1;
	v0 =	vadd.f32 v0, v28  }
0x367: {  	v1 =	vld.idx.msk [tilespmem:v52+s19+$0x0], $0xffff;
	[tilespmem:$0x1FF00] =	vst v4  }
0x368: {  	[tilespmem:v3+s16+$0x0] =	vst.idx.msk $0xffff, v0  }
0x369: {  	v3 =	vld [tilespmem:$0x1FF00];
	_ =	sdelay $0x2  }
0x36a: {  	v6 =	vor.u32 v19, v51  }
0x36b: {  	v9 =	vor.u32 v18, v5;
	_ =	sdelay $0x1  }
0x36c: {  	v1 =	vadd.f32 v1, v28;
	_ =	sdelay $0x1  }
0x36d: {  	v52 =	vor.u32 v17, v41;
	[tilespmem:v6+s16+$0x0] =	vst.idx.msk $0xffff, v1;
	v3 =	vld.idx.msk [tilespmem:v3+s19+$0x0], $0xffff  }
0x36e: {  	v4 =	vor.u32 v16, v37;
	v1 =	vld.idx.msk [tilespmem:v9+s19+$0x0], $0xffff  }
0x36f: {  	v0 =	vor.u32 v17, v50  }
0x370: {  	v63 =	vadd.f32 v63, v28;
	v9 =	vor.u32 v17, v51  }
0x371: {  	v6 =	vor.u32 v16, v48  }
0x372: {  	[tilespmem:v52+s16+$0x0] =	vst.idx.msk $0xffff, v63;
	v63 =	vor.u32 v13, v41;
	v3 =	vadd.f32 v3, v28  }
0x373: {  	v4 =	vld.idx.msk [tilespmem:v4+s19+$0x0], $0xffff;
	v1 =	vadd.f32 v1, v28;
	[tilespmem:$0x1FF10] =	vst v63  }
0x374: {  	[tilespmem:v0+s16+$0x0] =	vst.idx.msk $0xffff, v3;
	v0 =	vadd.f32 v61, v28  }
0x375: {  	[tilespmem:v9+s16+$0x0] =	vst.idx.msk $0xffff, v1  }
0x376: {  	v3 =	vld.idx.msk [tilespmem:v6+s19+$0x0], $0xffff;
	[tilespmem:v60+s16+$0x0] =	vst.idx.msk $0xffff, v0  }
0x377: {  	v6 =	vld [tilespmem:$0x1FF10];
	_ =	sdelay $0x1  }
0x378: {  	v52 =	vor.u32 v16, v5;
	_ =	sdelay $0x1  }
0x379: {  	v63 =	vor.u32 v14, v37;
	_ =	sdelay $0x1  }
0x37a: {  	v61 =	vadd.f32 v4, v28  }
0x37b: {  	v0 =	vld.idx.msk [tilespmem:v52+s19+$0x0], $0xffff  }
0x37c: {  	v1 =	vor.u32 v13, v44;
	v4 =	vld.idx.msk [tilespmem:v62+s19+$0x0], $0xffff;
	[tilespmem:v6+s16+$0x0] =	vst.idx.msk $0xffff, v61  }
0x37d: {  	v9 =	vor.u32 v14, v48;
	v52 =	vor.u32 v13, v51;
	v6 =	vld.idx.msk [tilespmem:v63+s19+$0x0], $0xffff  }
0x37e: {  	v42 =	vor.u32 v11, v42;
	v60 =	vor.u32 v14, v5  }
0x37f: {  	v34 =	vor.u32 v15, v34;
	v3 =	vadd.f32 v3, v28;
	v61 =	vor.u32 v11, v41  }
0x380: {  	v37 =	vor.u32 v15, v37;
	v0 =	vadd.f32 v0, v28  }
0x381: {  	[tilespmem:v1+s16+$0x0] =	vst.idx.msk $0xffff, v3;
	v62 =	vadd.f32 v4, v28  }
0x382: {  	[tilespmem:v52+s16+$0x0] =	vst.idx.msk $0xffff, v0;
	v3 =	vld.idx.msk [tilespmem:v9+s19+$0x0], $0xffff;
	v63 =	vadd.f32 v6, v28  }
0x383: {  	[tilespmem:v42+s16+$0x0] =	vst.idx.msk $0xffff, v62;
	v52 =	vld.idx.msk [tilespmem:v60+s19+$0x0], $0xffff  }
0x384: {  	v4 =	vor.u32 v11, v50;
	v60 =	vld.idx.msk [tilespmem:v34+s19+$0x0], $0xffff;
	[tilespmem:v61+s16+$0x0] =	vst.idx.msk $0xffff, v63  }
0x385: {  	v62 =	vor.u32 v11, v51;
	v6 =	vld.idx.msk [tilespmem:v37+s19+$0x0], $0xffff  }
0x386: {  	v5 =	vor.u32 v15, v5;
	v63 =	vor.u32 v12, v43  }
0x387: {  	v3 =	vadd.f32 v3, v28;
	v61 =	vor.u32 v15, v48;
	v48 =	vor.u32 v12, v41  }
0x388: {  	[tilespmem:v58+s16+$0x0] =	vst.idx.msk $0xffff, v59;
	v1 =	vadd.f32 v52, v28  }
0x389: {  	[tilespmem:v4+s16+$0x0] =	vst.idx.msk $0xffff, v3;
	v0 =	vadd.f32 v60, v28  }
0x38a: {  	[tilespmem:v62+s16+$0x0] =	vst.idx.msk $0xffff, v1;
	v59 =	vadd.f32 v6, v28  }
0x38b: {  	v34 =	vor.u32 v2, v32;
	v60 =	vld.idx.msk [tilespmem:v5+s19+$0x0], $0xffff;
	[tilespmem:v63+s16+$0x0] =	vst.idx.msk $0xffff, v0  }
0x38c: {  	v50 =	vor.u32 v26, v34;
	v62 =	vld [tilespmem:$0x1FFB0];
	[tilespmem:v48+s16+$0x0] =	vst.idx.msk $0xffff, v59  }
0x38d: {  	v41 =	vld [tilespmem:$0x1FF20]  }
0x38e: {  	v35 =	vor.u32 v2, v35;
	v59 =	vld [tilespmem:$0x1FFC0]  }
0x38f: {  	v52 =	vor.u32 v26, v35;
	v4 =	vld.idx.msk [tilespmem:v61+s19+$0x0], $0xffff  }
0x390: {  	v37 =	vor.u32 v2, v45;
	v63 =	vor.u32 v12, v51  }
0x391: {  	v61 =	vor.u32 v12, v44;
	v0 =	vadd.f32 v60, v28;
	v5 =	vld.idx.msk [tilespmem:v50+s19+$0x0], $0xffff;
	v32 =	vadd.s32 s24, v62  }
0x392: {  	v48 =	vor.u32 v26, v37;
	v42 =	vand.u32 $0xF8F, v32;
	v41 =	vor.u32 v2, v41  }
0x393: {  	v6 =	vor.u32 v24, v42;
	v33 =	vor.u32 v59, v33;
	v50 =	vor.u32 v26, v41  }
0x394: {  	v51 =	vor.u32 v25, v34;
	v1 =	vld.idx.msk [tilespmem:v52+s19+$0x0], $0xffff;
	v4 =	vadd.f32 v4, v28;
	v33 =	vand.u32 $0xF88, v33  }
0x395: {  	v58 =	vor.u32 v25, v35;
	[tilespmem:v63+s16+$0x0] =	vst.idx.msk $0xffff, v0;
	v26 =	vor.u32 v39, v33  }
0x396: {  	v5 =	vadd.f32 v5, v10;
	[tilespmem:v61+s16+$0x0] =	vst.idx.msk $0xffff, v4;
	v52 =	vor.u32 v24, v26  }
0x397: {  	v63 =	vadd.f32 v54, v10;
	v28 =	vadd.s32 s25, v62;
	v60 =	vld.idx.msk [tilespmem:v48+s19+$0x0], $0xffff;
	v61 =	vor.u32 v59, v8  }
0x398: {  	v4 =	vor.u32 v22, v40;
	v39 =	vand.u32 $0xF8F, v28;
	[tilespmem:v6+s16+$0x0] =	vst.idx.msk $0xffff, v5;
	v6 =	vand.u32 $0xF88, v61;
	v5 =	vld.idx.msk [tilespmem:v50+s19+$0x0], $0xffff  }
0x399: {  	v1 =	vadd.f32 v1, v10;
	v48 =	vld.idx.msk [tilespmem:v51+s19+$0x0], $0xffff;
	v33 =	vor.u32 v7, v6;
	v6 =	vor.u32 v24, v39  }
0x39a: {  	v54 =	vor.u32 v23, v32;
	v50 =	vor.u32 v25, v37;
	v51 =	vor.u32 v24, v33  }
0x39b: {  	[tilespmem:v52+s16+$0x0] =	vst.idx.msk $0xffff, v1;
	v52 =	vadd.f32 v55, v10;
	v55 =	vor.u32 v25, v41  }
0x39c: {  	[tilespmem:v56+s16+$0x0] =	vst.idx.msk $0xffff, v63;
	v9 =	vadd.f32 v60, v10  }
0x39d: {  	v56 =	vor.u32 v22, v34;
	v0 =	vld.idx.msk [tilespmem:v58+s19+$0x0], $0xffff;
	[tilespmem:v57+s16+$0x0] =	vst.idx.msk $0xffff, v52;
	v5 =	vadd.f32 v5, v10  }
0x39e: {  	[tilespmem:v6+s16+$0x0] =	vst.idx.msk $0xffff, v9;
	v6 =	vadd.f32 v48, v10;
	v4 =	vld.idx.msk [tilespmem:v4+s19+$0x0], $0xffff  }
0x39f: {  	v60 =	vor.u32 v21, v36;
	v57 =	vor.u32 v23, v26;
	v1 =	vld.idx.msk [tilespmem:v50+s19+$0x0], $0xffff;
	[tilespmem:v51+s16+$0x0] =	vst.idx.msk $0xffff, v5  }
0x3a0: {  	v58 =	vor.u32 v22, v35;
	[tilespmem:v54+s16+$0x0] =	vst.idx.msk $0xffff, v6;
	v5 =	vadd.f32 v53, v10;
	v6 =	vld.idx.msk [tilespmem:v55+s19+$0x0], $0xffff  }
0x3a1: {  	v63 =	vor.u32 v23, v28;
	v61 =	vor.u32 v20, v31;
	v48 =	vor.u32 v22, v37  }
0x3a2: {  	v0 =	vadd.f32 v0, v10;
	[tilespmem:v49+s16+$0x0] =	vst.idx.msk $0xffff, v5;
	v5 =	vld.idx.msk [tilespmem:v56+s19+$0x0], $0xffff;
	v49 =	vor.u32 v23, v33  }
0x3a3: {  	v52 =	vor.u32 v21, v42;
	v50 =	vor.u32 v22, v41;
	v4 =	vadd.f32 v4, v10  }
0x3a4: {  	v51 =	vor.u32 v20, v40;
	[tilespmem:v57+s16+$0x0] =	vst.idx.msk $0xffff, v0;
	v1 =	vadd.f32 v1, v10  }
0x3a5: {  	v3 =	vld.idx.msk [tilespmem:v58+s19+$0x0], $0xffff;
	[tilespmem:v60+s16+$0x0] =	vst.idx.msk $0xffff, v4;
	v4 =	vor.u32 v20, v34;
	v6 =	vadd.f32 v6, v10  }
0x3a6: {  	v25 =	vld.idx.msk [tilespmem:v61+s19+$0x0], $0xffff;
	[tilespmem:v63+s16+$0x0] =	vst.idx.msk $0xffff, v1  }
0x3a7: {  	v53 =	vor.u32 v21, v26;
	v54 =	vadd.f32 v5, v10;
	v5 =	vld.idx.msk [tilespmem:v48+s19+$0x0], $0xffff;
	[tilespmem:v49+s16+$0x0] =	vst.idx.msk $0xffff, v6  }
0x3a8: {  	v56 =	vor.u32 v20, v35;
	v6 =	vor.u32 v19, v30;
	v0 =	vld.idx.msk [tilespmem:v50+s19+$0x0], $0xffff  }
0x3a9: {  	v45 =	vor.u32 v20, v41;
	v58 =	vor.u32 v21, v39;
	v9 =	vld.idx.msk [tilespmem:v51+s19+$0x0], $0xffff;
	[tilespmem:v52+s16+$0x0] =	vst.idx.msk $0xffff, v54  }
0x3aa: {  	v61 =	vor.u32 v20, v37;
	v63 =	vor.u32 v21, v33;
	v57 =	vadd.f32 v3, v10;
	v4 =	vld.idx.msk [tilespmem:v4+s19+$0x0], $0xffff  }
0x3ab: {  	v55 =	vor.u32 v18, v31;
	v60 =	vor.u32 v19, v36;
	v25 =	vadd.f32 v25, v10  }
0x3ac: {  	v49 =	vor.u32 v19, v32;
	[tilespmem:v53+s16+$0x0] =	vst.idx.msk $0xffff, v57;
	v5 =	vadd.f32 v5, v10  }
0x3ad: {  	v48 =	vor.u32 v18, v40;
	[tilespmem:v6+s16+$0x0] =	vst.idx.msk $0xffff, v25;
	v6 =	vld.idx.msk [tilespmem:v56+s19+$0x0], $0xffff;
	v0 =	vadd.f32 v0, v10  }
0x3ae: {  	v50 =	vor.u32 v18, v34;
	v9 =	vadd.f32 v9, v10;
	[tilespmem:v58+s16+$0x0] =	vst.idx.msk $0xffff, v5  }
0x3af: {  	v5 =	vor.u32 v19, v26;
	v4 =	vadd.f32 v4, v10;
	v51 =	vld.idx.msk [tilespmem:v61+s19+$0x0], $0xffff;
	[tilespmem:v63+s16+$0x0] =	vst.idx.msk $0xffff, v0  }
0x3b0: {  	v53 =	vor.u32 v18, v35;
	[tilespmem:v60+s16+$0x0] =	vst.idx.msk $0xffff, v9;
	v1 =	vld.idx.msk [tilespmem:v45+s19+$0x0], $0xffff  }
0x3b1: {  	[tilespmem:v49+s16+$0x0] =	vst.idx.msk $0xffff, v4;
	v4 =	vor.u32 v19, v28  }
0x3b2: {  	v56 =	vor.u32 v19, v33;
	v23 =	vld.idx.msk [tilespmem:v55+s19+$0x0], $0xffff;
	v55 =	vor.u32 v18, v37;
	v6 =	vadd.f32 v6, v10  }
0x3b3: {  	v24 =	vor.u32 v17, v26;
	v20 =	vld.idx.msk [tilespmem:v48+s19+$0x0], $0xffff;
	v58 =	vor.u32 v18, v41  }
0x3b4: {  	v52 =	vor.u32 v17, v38;
	v3 =	vld.idx.msk [tilespmem:v50+s19+$0x0], $0xffff;
	[tilespmem:v5+s16+$0x0] =	vst.idx.msk $0xffff, v6;
	v5 =	vadd.f32 v51, v10  }
0x3b5: {  	v54 =	vor.u32 v16, v31;
	v57 =	vor.u32 v17, v36;
	v6 =	vld.idx.msk [tilespmem:v53+s19+$0x0], $0xffff;
	v1 =	vadd.f32 v1, v10  }
0x3b6: {  	v60 =	vor.u32 v16, v40;
	[tilespmem:v4+s16+$0x0] =	vst.idx.msk $0xffff, v5;
	v4 =	vor.u32 v17, v42  }
0x3b7: {  	v23 =	vadd.f32 v23, v10;
	v5 =	vor.u32 v16, v34;
	v43 =	vld.idx.msk [tilespmem:v55+s19+$0x0], $0xffff;
	[tilespmem:v56+s16+$0x0] =	vst.idx.msk $0xffff, v1  }
0x3b8: {  	v48 =	vor.u32 v17, v39;
	v45 =	vor.u32 v16, v35;
	v61 =	vadd.f32 v20, v10;
	v44 =	vld.idx.msk [tilespmem:v58+s19+$0x0], $0xffff  }
0x3b9: {  	v49 =	vor.u32 v16, v37;
	[tilespmem:v52+s16+$0x0] =	vst.idx.msk $0xffff, v23;
	v3 =	vadd.f32 v3, v10  }
0x3ba: {  	v50 =	vor.u32 v17, v33;
	[tilespmem:v57+s16+$0x0] =	vst.idx.msk $0xffff, v61;
	v63 =	vld.idx.msk [tilespmem:v54+s19+$0x0], $0xffff;
	v6 =	vadd.f32 v6, v10  }
0x3bb: {  	v0 =	vld.idx.msk [tilespmem:v60+s19+$0x0], $0xffff;
	[tilespmem:v4+s16+$0x0] =	vst.idx.msk $0xffff, v3;
	v4 =	vor.u32 v16, v41  }
0x3bc: {  	v51 =	vor.u32 v13, v30;
	[tilespmem:v24+s16+$0x0] =	vst.idx.msk $0xffff, v6;
	v5 =	vld.idx.msk [tilespmem:v5+s19+$0x0], $0xffff;
	v6 =	vadd.f32 v43, v10  }
0x3bd: {  	v52 =	vor.u32 v14, v31;
	v53 =	vor.u32 v13, v36;
	v9 =	vadd.f32 v44, v10  }
0x3be: {  	v55 =	vor.u32 v13, v32;
	v18 =	vld.idx.msk [tilespmem:v45+s19+$0x0], $0xffff;
	[tilespmem:v48+s16+$0x0] =	vst.idx.msk $0xffff, v6;
	v6 =	vor.u32 v14, v40  }
0x3bf: {  	v54 =	vadd.f32 v63, v10;
	v56 =	vld.idx.msk [tilespmem:v49+s19+$0x0], $0xffff;
	[tilespmem:v50+s16+$0x0] =	vst.idx.msk $0xffff, v9  }
0x3c0: {  	v57 =	vor.u32 v13, v26;
	v60 =	vor.u32 v13, v28;
	v0 =	vadd.f32 v0, v10;
	v4 =	vld.idx.msk [tilespmem:v4+s19+$0x0], $0xffff  }
0x3c1: {  	v58 =	vor.u32 v14, v34;
	[tilespmem:v51+s16+$0x0] =	vst.idx.msk $0xffff, v54;
	v5 =	vadd.f32 v5, v10  }
0x3c2: {  	v22 =	vor.u32 v14, v37;
	v21 =	vor.u32 v13, v33;
	[tilespmem:v53+s16+$0x0] =	vst.idx.msk $0xffff, v0;
	v61 =	vld.idx.msk [tilespmem:v52+s19+$0x0], $0xffff  }
0x3c3: {  	v63 =	vor.u32 v14, v35;
	[tilespmem:v55+s16+$0x0] =	vst.idx.msk $0xffff, v5;
	v5 =	vld.idx.msk [tilespmem:v6+s19+$0x0], $0xffff;
	v6 =	vadd.f32 v18, v10  }
0x3c4: {  	v24 =	vor.u32 v14, v41;
	v9 =	vadd.f32 v56, v10  }
0x3c5: {  	v23 =	vor.u32 v11, v38;
	v43 =	vld.idx.msk [tilespmem:v46+s19+$0x0], $0xffff;
	[tilespmem:v57+s16+$0x0] =	vst.idx.msk $0xffff, v6;
	v4 =	vadd.f32 v4, v10  }
0x3c6: {  	v25 =	vor.u32 v11, v36;
	v6 =	vld.idx.msk [tilespmem:v58+s19+$0x0], $0xffff;
	[tilespmem:v60+s16+$0x0] =	vst.idx.msk $0xffff, v9  }
0x3c7: {  	v38 =	vor.u32 v11, v42;
	v16 =	vld.idx.msk [tilespmem:v22+s19+$0x0], $0xffff;
	[tilespmem:v21+s16+$0x0] =	vst.idx.msk $0xffff, v4;
	v4 =	vor.u32 v15, v31  }
0x3c8: {  	v42 =	vor.u32 v11, v26;
	v0 =	vadd.f32 v61, v10;
	v1 =	vld.idx.msk [tilespmem:v63+s19+$0x0], $0xffff;
	v31 =	vor.u32 v15, v40  }
0x3c9: {  	v44 =	vor.u32 v11, v39;
	v5 =	vadd.f32 v5, v10;
	v40 =	vor.u32 v15, v34;
	v14 =	vld.idx.msk [tilespmem:v24+s19+$0x0], $0xffff  }
0x3ca: {  	v46 =	vor.u32 v15, v37;
	v45 =	vld.idx.msk [tilespmem:v47+s19+$0x0], $0xffff;
	v47 =	vor.u32 v11, v33;
	[tilespmem:v23+s16+$0x0] =	vst.idx.msk $0xffff, v0  }
0x3cb: {  	[tilespmem:v25+s16+$0x0] =	vst.idx.msk $0xffff, v5;
	v5 =	vor.u32 v15, v35;
	v6 =	vadd.f32 v6, v10  }
0x3cc: {  	v48 =	vor.u32 v15, v41;
	v49 =	vor.u32 v12, v27;
	v50 =	vadd.f32 v16, v10;
	v4 =	vld.idx.msk [tilespmem:v4+s19+$0x0], $0xffff  }
0x3cd: {  	v1 =	vadd.f32 v1, v10;
	[tilespmem:v38+s16+$0x0] =	vst.idx.msk $0xffff, v6;
	v6 =	vor.u32 v12, v29;
	v9 =	vld.idx.msk [tilespmem:v31+s19+$0x0], $0xffff  }
0x3ce: {  	v51 =	vor.u32 v12, v30;
	v0 =	vld.idx.msk [tilespmem:v40+s19+$0x0], $0xffff;
	v14 =	vadd.f32 v14, v10;
	[tilespmem:v44+s16+$0x0] =	vst.idx.msk $0xffff, v50  }
0x3cf: {  	v52 =	vor.u32 v12, v36;
	v3 =	vadd.f32 v43, v10;
	[tilespmem:v42+s16+$0x0] =	vst.idx.msk $0xffff, v1;
	v55 =	vld.idx.msk [tilespmem:v46+s19+$0x0], $0xffff  }
0x3d0: {  	v54 =	vor.u32 v12, v32;
	v53 =	vadd.f32 v45, v10;
	v5 =	vld.idx.msk [tilespmem:v5+s19+$0x0], $0xffff;
	[tilespmem:v47+s16+$0x0] =	vst.idx.msk $0xffff, v14  }
0x3d1: {  	[tilespmem:v49+s16+$0x0] =	vst.idx.msk $0xffff, v3;
	v57 =	vor.u32 v12, v28;
	v15 =	vld.idx.msk [tilespmem:v48+s19+$0x0], $0xffff;
	v56 =	vadd.f32 v4, v10  }
0x3d2: {  	[tilespmem:v6+s16+$0x0] =	vst.idx.msk $0xffff, v53;
	v4 =	vor.u32 v12, v26;
	v6 =	vadd.f32 v9, v10  }
0x3d3: {  	v58 =	vor.u32 v12, v33;
	v0 =	vadd.f32 v0, v10;
	[tilespmem:v51+s16+$0x0] =	vst.idx.msk $0xffff, v56  }
0x3d4: {  	[tilespmem:v52+s16+$0x0] =	vst.idx.msk $0xffff, v6;
	v61 =	vadd.f32 v55, v10  }
0x3d5: {  	s20 =	sadd.s32 $0x1, s20;
	v60 =	vadd.f32 v5, v10;
	[tilespmem:v54+s16+$0x0] =	vst.idx.msk $0xffff, v0  }
0x3d6: {  	p0 =	sne.s32 s20, $0x8;
	v63 =	vadd.f32 v15, v10;
	[tilespmem:v57+s16+$0x0] =	vst.idx.msk $0xffff, v61  }
.Ltmp6:
0x3d7: {  	[tilespmem:v4+s16+$0x0] =	vst.idx.msk $0xffff, v60;
	(pc) =	sbr.rel @p0 .LBB2_13-.Ltmp6, $4  }
0x3d8: {  	[tilespmem:v58+s16+$0x0] =	vst.idx.msk $0xffff, v63  }
0x3d9: {  	v63 =	vld [tilespmem:$0x1FFD0]  }
0x3da: {  	v7 =	vld [tilespmem:$0x1FFF0]  }
0x3db: {  	v60 =	vmov v2;
	v61 =	vld [tilespmem:$0x1FFA0]  }
0x3dc: {  	s13 =	sshll.u32 s13, $0x14  }
0x3dd: {  	s14 =	sor.u32 s7, s13  }
0x3de: {  	s14 =	sshrl.u32 s14, $0x3  }
0x3df: {  	s14 =	sadd.s32 s2, s14  }
0x3e0: {  	[hbm4b:s14+s4] =	stream.linear.scatter [tilespmem:s16], [sflag:$0x5], $0x400, $0x38;
	[tilespmem:$0x1A100] =	vst v63  }
0x3e1: {  	s24 =	simm.s32 $0x11800;
	s20 =	sadd.s32 $0x4000, s14  }
0x3e2: {  	[hbm4b:s20+s4] =	stream.linear.scatter [tilespmem:s24], [sflag:$0x5], $0x400, $0x38;
	[tilespmem:$0x1A100] =	vst v63  }
0x3e3: {  	s30 =	simm.s32 $0x12800;
	s28 =	sadd.s32 $0x8000, s14  }
0x3e4: {  	[hbm4b:s28+s4] =	stream.linear.scatter [tilespmem:s30], [sflag:$0x5], $0x400, $0x38;
	[tilespmem:$0x1A100] =	vst v63  }
0x3e5: {  	s26 =	simm.s32 $0x13800;
	s25 =	sadd.s32 $0xC000, s14  }
0x3e6: {  	[hbm4b:s25+s4] =	stream.linear.scatter [tilespmem:s26], [sflag:$0x5], $0x400, $0x38;
	[tilespmem:$0x1A100] =	vst v63  }
0x3e7: {  	s28 =	sadd.s32 $0x10000, s14;
	s30 =	simm.s32 $0x14800  }
0x3e8: {  	[hbm4b:s28+s4] =	stream.linear.scatter [tilespmem:s30], [sflag:$0x5], $0x400, $0x38;
	[tilespmem:$0x1A100] =	vst v63  }
0x3e9: {  	s24 =	sadd.s32 $0x14000, s14;
	s25 =	simm.s32 $0x15800  }
0x3ea: {  	[hbm4b:s24+s4] =	stream.linear.scatter [tilespmem:s25], [sflag:$0x5], $0x400, $0x38;
	[tilespmem:$0x1A100] =	vst v63  }
0x3eb: {  	s26 =	sadd.s32 $0x18000, s14;
	s28 =	simm.s32 $0x16800  }
0x3ec: {  	[hbm4b:s26+s4] =	stream.linear.scatter [tilespmem:s28], [sflag:$0x5], $0x400, $0x38;
	[tilespmem:$0x1A100] =	vst v63  }
0x3ed: {  	s20 =	sor.u32 s12, s13;
	s14 =	sadd.s32 $0x1C000, s14;
	s30 =	simm.s32 $0x17800  }
0x3ee: {  	[hbm4b:s14+s4] =	stream.linear.scatter [tilespmem:s30], [sflag:$0x5], $0x400, $0x38;
	[tilespmem:$0x1A100] =	vst v63  }
0x3ef: {  	s14 =	sshrl.u32 s20, $0x3  }
0x3f0: {  	s24 =	simm.s32 $0x10C00;
	s14 =	sadd.s32 s2, s14  }
0x3f1: {  	[hbm4b:s14+s4] =	stream.linear.scatter [tilespmem:s24], [sflag:$0x5], $0x400, $0x38;
	[tilespmem:$0x1A100] =	vst v63  }
0x3f2: {  	s26 =	simm.s32 $0x11C00;
	s25 =	sadd.s32 $0x4000, s14  }
0x3f3: {  	[hbm4b:s25+s4] =	stream.linear.scatter [tilespmem:s26], [sflag:$0x5], $0x400, $0x38;
	[tilespmem:$0x1A100] =	vst v63  }
0x3f4: {  	s30 =	simm.s32 $0x12C00;
	s28 =	sadd.s32 $0x8000, s14  }
0x3f5: {  	[hbm4b:s28+s4] =	stream.linear.scatter [tilespmem:s30], [sflag:$0x5], $0x400, $0x38;
	[tilespmem:$0x1A100] =	vst v63  }
0x3f6: {  	s25 =	sadd.s32 $0xC000, s14;
	s26 =	simm.s32 $0x13C00  }
0x3f7: {  	[hbm4b:s25+s4] =	stream.linear.scatter [tilespmem:s26], [sflag:$0x5], $0x400, $0x38;
	[tilespmem:$0x1A100] =	vst v63  }
0x3f8: {  	s28 =	sadd.s32 $0x10000, s14;
	s30 =	simm.s32 $0x14C00  }
0x3f9: {  	[hbm4b:s28+s4] =	stream.linear.scatter [tilespmem:s30], [sflag:$0x5], $0x400, $0x38;
	[tilespmem:$0x1A100] =	vst v63  }
0x3fa: {  	s24 =	sadd.s32 $0x14000, s14;
	s25 =	simm.s32 $0x15C00  }
0x3fb: {  	[hbm4b:s24+s4] =	stream.linear.scatter [tilespmem:s25], [sflag:$0x5], $0x400, $0x38;
	[tilespmem:$0x1A100] =	vst v63  }
0x3fc: {  	s26 =	sadd.s32 $0x18000, s14;
	s28 =	simm.s32 $0x16C00  }
0x3fd: {  	[hbm4b:s26+s4] =	stream.linear.scatter [tilespmem:s28], [sflag:$0x5], $0x400, $0x38;
	[tilespmem:$0x1A100] =	vst v63  }
0x3fe: {  	s20 =	sor.u32 s10, s13;
	s14 =	sadd.s32 $0x1C000, s14;
	s30 =	simm.s32 $0x17C00  }
0x3ff: {  	[hbm4b:s14+s4] =	stream.linear.scatter [tilespmem:s30], [sflag:$0x5], $0x400, $0x38;
	[tilespmem:$0x1A100] =	vst v63  }
0x400: {  	s14 =	sshrl.u32 s20, $0x3  }
0x401: {  	s24 =	simm.s32 $0x11000;
	s14 =	sadd.s32 s2, s14  }
0x402: {  	[hbm4b:s14+s4] =	stream.linear.scatter [tilespmem:s24], [sflag:$0x5], $0x400, $0x38;
	[tilespmem:$0x1A100] =	vst v63  }
0x403: {  	s26 =	simm.s32 $0x12000;
	s25 =	sadd.s32 $0x4000, s14  }
0x404: {  	[hbm4b:s25+s4] =	stream.linear.scatter [tilespmem:s26], [sflag:$0x5], $0x400, $0x38;
	[tilespmem:$0x1A100] =	vst v63  }
0x405: {  	s30 =	simm.s32 $0x13000;
	s28 =	sadd.s32 $0x8000, s14  }
0x406: {  	[hbm4b:s28+s4] =	stream.linear.scatter [tilespmem:s30], [sflag:$0x5], $0x400, $0x38;
	[tilespmem:$0x1A100] =	vst v63  }
0x407: {  	s25 =	sadd.s32 $0xC000, s14;
	s26 =	simm.s32 $0x14000  }
0x408: {  	[hbm4b:s25+s4] =	stream.linear.scatter [tilespmem:s26], [sflag:$0x5], $0x400, $0x38;
	[tilespmem:$0x1A100] =	vst v63  }
0x409: {  	s28 =	sadd.s32 $0x10000, s14;
	s30 =	simm.s32 $0x15000  }
0x40a: {  	[hbm4b:s28+s4] =	stream.linear.scatter [tilespmem:s30], [sflag:$0x5], $0x400, $0x38;
	[tilespmem:$0x1A100] =	vst v63  }
0x40b: {  	s25 =	sadd.s32 $0x14000, s14;
	s26 =	simm.s32 $0x16000  }
0x40c: {  	[hbm4b:s25+s4] =	stream.linear.scatter [tilespmem:s26], [sflag:$0x5], $0x400, $0x38;
	[tilespmem:$0x1A100] =	vst v63  }
0x40d: {  	s13 =	sor.u32 s11, s13;
	s28 =	sadd.s32 $0x18000, s14;
	s30 =	simm.s32 $0x17000  }
0x40e: {  	[hbm4b:s28+s4] =	stream.linear.scatter [tilespmem:s30], [sflag:$0x5], $0x400, $0x38;
	[tilespmem:$0x1A100] =	vst v63  }
0x40f: {  	s13 =	sshrl.u32 s13, $0x3;
	s14 =	sadd.s32 $0x1C000, s14;
	s25 =	simm.s32 $0x18000  }
0x410: {  	[hbm4b:s14+s4] =	stream.linear.scatter [tilespmem:s25], [sflag:$0x5], $0x400, $0x38;
	[tilespmem:$0x1A100] =	vst v63  }
0x411: {  	s13 =	sadd.s32 s2, s13;
	s26 =	simm.s32 $0x11400  }
0x412: {  	[hbm4b:s13+s4] =	stream.linear.scatter [tilespmem:s26], [sflag:$0x5], $0x400, $0x38;
	[tilespmem:$0x1A100] =	vst v63  }
0x413: {  	s28 =	sadd.s32 $0x4000, s13;
	s30 =	simm.s32 $0x12400  }
0x414: {  	[hbm4b:s28+s4] =	stream.linear.scatter [tilespmem:s30], [sflag:$0x5], $0x400, $0x38;
	[tilespmem:$0x1A100] =	vst v63  }
0x415: {  	s20 =	sadd.s32 $0x8000, s13;
	s24 =	simm.s32 $0x13400  }
0x416: {  	[hbm4b:s20+s4] =	stream.linear.scatter [tilespmem:s24], [sflag:$0x5], $0x400, $0x38;
	[tilespmem:$0x1A100] =	vst v63  }
0x417: {  	s25 =	sadd.s32 $0xC000, s13  }
0x418: {  	[hbm4b:s25+s4] =	stream.linear.scatter [tilespmem:s31], [sflag:$0x5], $0x400, $0x38;
	[tilespmem:$0x1A100] =	vst v63  }
0x419: {  	s1 =	sadd.s32 $0x1, s1;
	s26 =	sadd.s32 $0x10000, s13  }
0x41a: {  	[hbm4b:s26+s4] =	stream.linear.scatter [tilespmem:s0], [sflag:$0x5], $0x400, $0x38;
	[tilespmem:$0x1A100] =	vst v63  }
0x41b: {  	p0 =	sne.s32 s1, $0xC;
	s28 =	sadd.s32 $0x14000, s13  }
0x41c: {  	[hbm4b:s28+s4] =	stream.linear.scatter [tilespmem:s3], [sflag:$0x5], $0x400, $0x38;
	[tilespmem:$0x1A100] =	vst v63  }
.Ltmp7:
0x41d: {  	_ = 	snop;
	(pc) =	sbr.rel @p0 .LBB2_4-.Ltmp7, $4  }
0x41e: {  	s30 =	sadd.s32 $0x18000, s13  }
0x41f: {  	[hbm4b:s30+s4] =	stream.linear.scatter [tilespmem:s18], [sflag:$0x5], $0x400, $0x38;
	[tilespmem:$0x1A100] =	vst v63  }
0x420: {  	s13 =	sadd.s32 $0x1C000, s13  }
0x421: {  	v8 =	vld [tilespmem:$0x1FFE0];
	[hbm4b:s13+s4] =	stream.linear.scatter [tilespmem:s6], [sflag:$0x5], $0x400, $0x38  }
0x422: {  	_ =	swait.ge [sflag:s15], $0x8000  }
0x423: {  	[sflag:s15] =	ssyncset.done $0x0  }
0x424: {  	[sflag:s15] =	ssyncadd.s32 $0xFFFF8000  }
0x425: {  	_ =	swait.ge [sflag:s17], $0x2000  }
0x426: {  	[sflag:s17] =	ssyncset.done $0x0  }
0x427: {  	[sflag:s17] =	ssyncadd.s32 $0xFFFFE000  }
0x428: {  	_ =	swait.ge [sflag:s17], $0x2000  }
0x429: {  	[sflag:s17] =	ssyncset.done $0x0  }
0x42a: {  	[sflag:s17] =	ssyncadd.s32 $0xFFFFE000  }
0x42b: {  	_ =	swait.ge [sflag:s17], $0x2000  }
0x42c: {  	[sflag:s17] =	ssyncset.done $0x0  }
0x42d: {  	[sflag:s17] =	ssyncadd.s32 $0xFFFFE000  }
0x42e: {  	_ =	swait.ge [sflag:s17], $0x2000  }
0x42f: {  	[sflag:s17] =	ssyncset.done $0x0  }
0x430: {  	s1 =	simm.s32 $0x0;
	s13 =	simm.s32 $0x0;
	[sflag:s17] =	ssyncadd.s32 $0xFFFFE000  }
.LBB2_18:
0x431: {  	v2 =	vld [tilespmem:$0x1FF90]  }
0x432: {  	v0 =	vmov s1  }
0x433: {  	v0 =	vshll.u32 v0, $0x5  }
0x434: {  	v0 =	vadd.s32 v61, v0  }
0x435: {  	s14 =	sshll.u32 s13, $0xC;
	v26 =	vand.u32 $0x1E0, v0  }
0x436: {  	v11 =	vor.u32 v8, v26;
	v25 =	vor.u32 s14, v2  }
0x437: {  	s20 =	simm.s32 $0x1;
	v52 =	vlaneseq.u32;
	v0 =	vor.u32 v25, v11  }
0x438: {  	v1 =	vadd.s32 s20, v52  }
0x439: {  	s24 =	sshll.u32 s13, $0x5;
	v28 =	vand.u32 $0xF, v1  }
0x43a: {  	s20 =	sand.u32 $0x3FFFFFE0, s24;
	v31 =	vshll.u32 v28, $0x5  }
0x43b: {  	v27 =	vld [tilespmem:s20+$0x1A000];
	v36 =	vor.u32 v8, v31  }
0x43c: {  	v34 =	vadd.s32 s1, v63;
	v3 =	vor.u32 v25, v36;
	v0 =	vld.idx.msk [tilespmem:v0+s23+$0x0], $0xffff  }
0x43d: {  	v23 =	vmov s14;
	s24 =	sor.u32 $0x200, s14;
	v4 =	vand.u32 $0x78F, v34  }
0x43e: {  	v5 =	vor.u32 v23, v4;
	v24 =	vor.u32 s24, v2  }
0x43f: {  	v6 =	vor.u32 v24, v11  }
0x440: {  	v9 =	vor.u32 v7, v28  }
0x441: {  	v32 =	vand.u32 $0x7, v1;
	v1 =	vld.idx.msk [tilespmem:v3+s23+$0x0], $0xffff;
	v3 =	vand.u32 $0x788, v9;
	v0 =	vadd.f32 v0, v27  }
0x442: {  	v33 =	vor.u32 v32, v3  }
0x443: {  	v9 =	vld [tilespmem:s20+$0x1A010];
	[tilespmem:v5+s16+$0x0] =	vst.idx.msk $0xffff, v0;
	v0 =	vor.u32 v23, v33  }
0x444: {  	s25 =	sor.u32 $0x10, s14;
	v5 =	vor.u32 v24, v36;
	v3 =	vld.idx.msk [tilespmem:v6+s23+$0x0], $0xffff  }
0x445: {  	s26 =	sor.u32 $0x400, s14;
	v22 =	vmov s25  }
0x446: {  	v21 =	vor.u32 s26, v2;
	v1 =	vadd.f32 v1, v27;
	v6 =	vor.u32 v22, v34  }
0x447: {  	v10 =	vor.u32 v21, v11  }
0x448: {  	[tilespmem:v0+s16+$0x0] =	vst.idx.msk $0xffff, v1  }
0x449: {  	v0 =	vadd.f32 v3, v27;
	v1 =	vld.idx.msk [tilespmem:v5+s23+$0x0], $0xffff;
	_ =	sdelay $0x1  }
0x44a: {  	[tilespmem:v6+s16+$0x0] =	vst.idx.msk $0xffff, v0;
	v0 =	vor.u32 v22, v33  }
0x44b: {  	s28 =	sor.u32 $0x20, s14;
	v5 =	vor.u32 v21, v36;
	v3 =	vld.idx.msk [tilespmem:v10+s23+$0x0], $0xffff  }
0x44c: {  	s30 =	sor.u32 $0x600, s14;
	v20 =	vmov s28  }
0x44d: {  	v19 =	vor.u32 s30, v2;
	v6 =	vor.u32 v20, v4;
	v1 =	vadd.f32 v1, v27  }
0x44e: {  	v10 =	vor.u32 v19, v11  }
0x44f: {  	[tilespmem:v0+s16+$0x0] =	vst.idx.msk $0xffff, v1  }
0x450: {  	v0 =	vadd.f32 v3, v27;
	v1 =	vld.idx.msk [tilespmem:v5+s23+$0x0], $0xffff;
	_ =	sdelay $0x1  }
0x451: {  	[tilespmem:v6+s16+$0x0] =	vst.idx.msk $0xffff, v0;
	v0 =	vor.u32 v20, v33  }
0x452: {  	s24 =	sor.u32 $0x30, s14;
	v5 =	vor.u32 v19, v36;
	v3 =	vld.idx.msk [tilespmem:v10+s23+$0x0], $0xffff  }
0x453: {  	s25 =	sor.u32 $0x800, s14;
	v18 =	vmov s24  }
0x454: {  	v17 =	vor.u32 s25, v2;
	v6 =	vor.u32 v18, v34;
	v1 =	vadd.f32 v1, v27  }
0x455: {  	s20 =	simm.s32 $0x2;
	v10 =	vor.u32 v17, v11  }
0x456: {  	v12 =	vmov s20;
	[tilespmem:v0+s16+$0x0] =	vst.idx.msk $0xffff, v1  }
0x457: {  	v0 =	vshll.u32 v12, $0x5;
	v1 =	vadd.f32 v3, v27;
	v3 =	vld.idx.msk [tilespmem:v5+s23+$0x0], $0xffff  }
0x458: {  	v0 =	vadd.s32 v61, v0  }
0x459: {  	v29 =	vand.u32 $0x1E0, v0;
	v0 =	vor.u32 v18, v33;
	[tilespmem:v6+s16+$0x0] =	vst.idx.msk $0xffff, v1  }
0x45a: {  	s26 =	sor.u32 $0x40, s14;
	v5 =	vor.u32 v17, v36;
	v37 =	vor.u32 v8, v29;
	v1 =	vld.idx.msk [tilespmem:v10+s23+$0x0], $0xffff  }
0x45b: {  	s28 =	sor.u32 $0xA00, s14;
	v16 =	vmov s26;
	v6 =	vor.u32 v25, v37  }
0x45c: {  	v15 =	vor.u32 s28, v2;
	v10 =	vor.u32 v16, v4;
	v3 =	vadd.f32 v3, v27  }
0x45d: {  	v13 =	vor.u32 v15, v11  }
0x45e: {  	[tilespmem:v0+s16+$0x0] =	vst.idx.msk $0xffff, v3  }
0x45f: {  	s25 =	simm.s32 $0x3;
	v0 =	vadd.f32 v1, v27;
	v1 =	vld.idx.msk [tilespmem:v5+s23+$0x0], $0xffff  }
0x460: {  	v14 =	vor.u32 v15, v36;
	v30 =	vadd.s32 s20, v63;
	v3 =	vld.idx.msk [tilespmem:v6+s23+$0x0], $0xffff;
	v5 =	vadd.s32 s25, v52  }
0x461: {  	s30 =	sor.u32 $0x50, s14;
	v38 =	vand.u32 $0x78F, v30;
	v35 =	vand.u32 $0xF, v5;
	[tilespmem:v10+s16+$0x0] =	vst.idx.msk $0xffff, v0;
	v0 =	vor.u32 v16, v33  }
0x462: {  	v12 =	vmov s30;
	v6 =	vor.u32 v23, v38;
	v39 =	vshll.u32 v35, $0x5;
	v10 =	vld.idx.msk [tilespmem:v13+s23+$0x0], $0xffff  }
0x463: {  	v41 =	vor.u32 v12, v34;
	v40 =	vor.u32 v24, v37;
	s25 =	sor.u32 $0xC00, s14;
	v47 =	vor.u32 v8, v39  }
0x464: {  	v13 =	vor.u32 s25, v2;
	v42 =	vor.u32 v25, v47;
	v1 =	vadd.f32 v1, v27  }
0x465: {  	v44 =	vor.u32 v13, v11;
	v3 =	vadd.f32 v3, v27  }
0x466: {  	[tilespmem:v0+s16+$0x0] =	vst.idx.msk $0xffff, v1  }
0x467: {  	[tilespmem:v6+s16+$0x0] =	vst.idx.msk $0xffff, v3;
	v0 =	vadd.f32 v10, v27;
	v1 =	vld.idx.msk [tilespmem:v14+s23+$0x0], $0xffff  }
0x468: {  	v57 =	vor.u32 v22, v30;
	v6 =	vor.u32 v7, v35;
	v3 =	vld.idx.msk [tilespmem:v40+s23+$0x0], $0xffff  }
0x469: {  	v43 =	vand.u32 $0x7, v5;
	v5 =	vand.u32 $0x788, v6;
	v6 =	vor.u32 v12, v33;
	[tilespmem:v41+s16+$0x0] =	vst.idx.msk $0xffff, v0;
	v0 =	vld.idx.msk [tilespmem:v42+s23+$0x0], $0xffff  }
0x46a: {  	s26 =	sor.u32 $0x60, s14;
	v58 =	vor.u32 v13, v36;
	v46 =	vor.u32 v24, v47;
	v41 =	vld.idx.msk [tilespmem:v44+s23+$0x0], $0xffff;
	v44 =	vor.u32 v43, v5  }
0x46b: {  	s28 =	sor.u32 $0xE00, s14;
	v10 =	vmov s26;
	v5 =	vor.u32 v21, v37;
	v45 =	vor.u32 v23, v44  }
0x46c: {  	v14 =	vor.u32 s28, v2;
	v4 =	vor.u32 v10, v4;
	v1 =	vadd.f32 v1, v27  }
0x46d: {  	v48 =	vor.u32 v14, v11;
	v3 =	vadd.f32 v3, v27  }
0x46e: {  	v0 =	vadd.f32 v0, v27;
	[tilespmem:v6+s16+$0x0] =	vst.idx.msk $0xffff, v1  }
0x46f: {  	[tilespmem:v57+s16+$0x0] =	vst.idx.msk $0xffff, v3;
	v1 =	vadd.f32 v41, v27;
	v3 =	vld.idx.msk [tilespmem:v58+s23+$0x0], $0xffff  }
0x470: {  	v5 =	vld.idx.msk [tilespmem:v5+s23+$0x0], $0xffff;
	[tilespmem:v45+s16+$0x0] =	vst.idx.msk $0xffff, v0  }
0x471: {  	[tilespmem:v4+s16+$0x0] =	vst.idx.msk $0xffff, v1;
	v0 =	vld.idx.msk [tilespmem:v46+s23+$0x0], $0xffff;
	v1 =	vor.u32 v10, v33  }
0x472: {  	s14 =	sor.u32 $0x70, s14;
	v36 =	vor.u32 v14, v36;
	v6 =	vor.u32 v20, v38;
	v4 =	vld.idx.msk [tilespmem:v48+s23+$0x0], $0xffff  }
0x473: {  	v53 =	vor.u32 v19, v37;
	v11 =	vmov s14;
	v54 =	vor.u32 v22, v44  }
0x474: {  	v55 =	vor.u32 v21, v47;
	v34 =	vor.u32 v11, v34;
	v3 =	vadd.f32 v3, v27  }
0x475: {  	v45 =	vor.u32 v60, v26;
	v5 =	vadd.f32 v5, v27  }
0x476: {  	v56 =	vor.u32 v25, v45;
	v0 =	vadd.f32 v0, v27;
	[tilespmem:v1+s16+$0x0] =	vst.idx.msk $0xffff, v3  }
0x477: {  	[tilespmem:v6+s16+$0x0] =	vst.idx.msk $0xffff, v5;
	v1 =	vadd.f32 v4, v27;
	v3 =	vld.idx.msk [tilespmem:v36+s23+$0x0], $0xffff  }
0x478: {  	v26 =	vadd.s32 s1, v62;
	v46 =	vor.u32 v60, v31;
	v4 =	vld.idx.msk [tilespmem:v53+s23+$0x0], $0xffff;
	[tilespmem:v54+s16+$0x0] =	vst.idx.msk $0xffff, v0  }
0x479: {  	v49 =	vor.u32 v24, v45;
	v5 =	vor.u32 v11, v33;
	[tilespmem:v34+s16+$0x0] =	vst.idx.msk $0xffff, v1;
	v1 =	vld.idx.msk [tilespmem:v55+s23+$0x0], $0xffff  }
0x47a: {  	s14 =	simm.s32 $0x4;
	v58 =	vor.u32 v25, v46;
	v48 =	vand.u32 $0xF8F, v26;
	v6 =	vor.u32 v18, v30  }
0x47b: {  	v53 =	vor.u32 v17, v37;
	v0 =	vmov s14;
	v54 =	vor.u32 v20, v44;
	v57 =	vld.idx.msk [tilespmem:v56+s23+$0x0], $0xffff  }
0x47c: {  	v0 =	vshll.u32 v0, $0x5;
	v56 =	vor.u32 v19, v47;
	v3 =	vadd.f32 v3, v27  }
0x47d: {  	v55 =	vor.u32 v23, v48;
	v0 =	vadd.s32 v61, v0;
	v4 =	vadd.f32 v4, v27  }
0x47e: {  	v31 =	vand.u32 $0x1E0, v0;
	v1 =	vadd.f32 v1, v27;
	[tilespmem:v5+s16+$0x0] =	vst.idx.msk $0xffff, v3;
	v3 =	vor.u32 v59, v28  }
0x47f: {  	v33 =	vor.u32 v8, v31;
	[tilespmem:v6+s16+$0x0] =	vst.idx.msk $0xffff, v4;
	v4 =	vld.idx.msk [tilespmem:v58+s23+$0x0], $0xffff;
	v3 =	vand.u32 $0xF88, v3  }
0x480: {  	v0 =	vadd.f32 v57, v9;
	v5 =	vld.idx.msk [tilespmem:v53+s23+$0x0], $0xffff;
	[tilespmem:v54+s16+$0x0] =	vst.idx.msk $0xffff, v1;
	v28 =	vor.u32 v32, v3  }
0x481: {  	v3 =	vor.u32 v25, v33;
	v1 =	vld.idx.msk [tilespmem:v56+s23+$0x0], $0xffff;
	v6 =	vor.u32 v23, v28  }
0x482: {  	v57 =	vor.u32 v24, v46;
	[tilespmem:v55+s16+$0x0] =	vst.idx.msk $0xffff, v0;
	v0 =	vor.u32 v16, v38  }
0x483: {  	v54 =	vor.u32 v15, v37;
	v55 =	vor.u32 v18, v44;
	v58 =	vld.idx.msk [tilespmem:v49+s23+$0x0], $0xffff  }
0x484: {  	v39 =	vor.u32 v60, v39;
	v56 =	vor.u32 v17, v47;
	v4 =	vadd.f32 v4, v9  }
0x485: {  	v35 =	vor.u32 v59, v35;
	v50 =	vor.u32 v22, v26;
	v5 =	vadd.f32 v5, v27  }
0x486: {  	v42 =	vadd.s32 s14, v63;
	v3 =	vld.idx.msk [tilespmem:v3+s23+$0x0], $0xffff;
	v1 =	vadd.f32 v1, v27;
	[tilespmem:v6+s16+$0x0] =	vst.idx.msk $0xffff, v4  }
0x487: {  	v35 =	vand.u32 $0xF88, v35;
	v41 =	vand.u32 $0x78F, v42;
	v51 =	vor.u32 v21, v45;
	[tilespmem:v0+s16+$0x0] =	vst.idx.msk $0xffff, v5;
	v0 =	vld.idx.msk [tilespmem:v57+s23+$0x0], $0xffff  }
0x488: {  	v5 =	vor.u32 v23, v41;
	v4 =	vadd.f32 v58, v9;
	v6 =	vld.idx.msk [tilespmem:v54+s23+$0x0], $0xffff;
	[tilespmem:v55+s16+$0x0] =	vst.idx.msk $0xffff, v1  }
0x489: {  	s30 =	simm.s32 $0x5;
	v35 =	vor.u32 v43, v35;
	v59 =	vor.u32 v12, v42;
	v57 =	vor.u32 v22, v28;
	v40 =	vld.idx.msk [tilespmem:v56+s23+$0x0], $0xffff  }
0x48a: {  	v52 =	vadd.s32 s30, v52;
	v1 =	vor.u32 v12, v30;
	[tilespmem:v50+s16+$0x0] =	vst.idx.msk $0xffff, v4;
	v4 =	vor.u32 v24, v33  }
0x48b: {  	v53 =	vor.u32 v16, v44;
	v58 =	vor.u32 v21, v46;
	v3 =	vadd.f32 v3, v27  }
0x48c: {  	v32 =	vand.u32 $0xF, v52;
	v54 =	vor.u32 v15, v47;
	v51 =	vld.idx.msk [tilespmem:v51+s23+$0x0], $0xffff;
	v0 =	vadd.f32 v0, v9  }
0x48d: {  	v34 =	vshll.u32 v32, $0x5;
	v55 =	vor.u32 v13, v37;
	[tilespmem:v5+s16+$0x0] =	vst.idx.msk $0xffff, v3;
	v3 =	vadd.f32 v6, v27  }
0x48e: {  	v36 =	vor.u32 v8, v34;
	v5 =	vadd.f32 v40, v27;
	[tilespmem:v57+s16+$0x0] =	vst.idx.msk $0xffff, v0  }
0x48f: {  	v6 =	vor.u32 v25, v36;
	v0 =	vor.u32 v20, v48;
	[tilespmem:v1+s16+$0x0] =	vst.idx.msk $0xffff, v3;
	v3 =	vld.idx.msk [tilespmem:v4+s23+$0x0], $0xffff  }
0x490: {  	v49 =	vor.u32 v21, v33;
	v37 =	vor.u32 v14, v37;
	v1 =	vld.idx.msk [tilespmem:v58+s23+$0x0], $0xffff;
	[tilespmem:v53+s16+$0x0] =	vst.idx.msk $0xffff, v5  }
0x491: {  	v50 =	vor.u32 v10, v38;
	v38 =	vand.u32 $0x7, v52;
	v5 =	vadd.f32 v51, v9;
	v51 =	vld.idx.msk [tilespmem:v54+s23+$0x0], $0xffff  }
0x492: {  	v52 =	vor.u32 v19, v46;
	v53 =	vor.u32 v20, v28;
	v54 =	vld.idx.msk [tilespmem:v55+s23+$0x0], $0xffff;
	v55 =	vor.u32 v19, v45  }
0x493: {  	v56 =	vor.u32 v12, v44;
	v4 =	vor.u32 v22, v42;
	v57 =	vor.u32 v7, v32  }
0x494: {  	v40 =	vand.u32 $0x788, v57;
	v58 =	vor.u32 v24, v36;
	[tilespmem:v0+s16+$0x0] =	vst.idx.msk $0xffff, v5;
	v0 =	vld.idx.msk [tilespmem:v6+s23+$0x0], $0xffff  }
0x495: {  	v40 =	vor.u32 v38, v40;
	v5 =	vor.u32 v13, v47;
	v1 =	vadd.f32 v1, v9  }
0x496: {  	v57 =	vor.u32 v11, v44;
	v3 =	vadd.f32 v3, v27;
	v6 =	vor.u32 v23, v40  }
0x497: {  	v47 =	vor.u32 v14, v47;
	v51 =	vadd.f32 v51, v27;
	[tilespmem:v53+s16+$0x0] =	vst.idx.msk $0xffff, v1;
	v1 =	vld.idx.msk [tilespmem:v55+s23+$0x0], $0xffff  }
0x498: {  	[tilespmem:v4+s16+$0x0] =	vst.idx.msk $0xffff, v3;
	v3 =	vadd.f32 v54, v27;
	v54 =	vor.u32 v17, v46;
	v4 =	vld.idx.msk [tilespmem:v52+s23+$0x0], $0xffff  }
0x499: {  	v49 =	vld.idx.msk [tilespmem:v49+s23+$0x0], $0xffff;
	[tilespmem:v56+s16+$0x0] =	vst.idx.msk $0xffff, v51;
	v0 =	vadd.f32 v0, v27;
	v51 =	vor.u32 v18, v26  }
0x49a: {  	v52 =	vor.u32 v18, v28;
	[tilespmem:v50+s16+$0x0] =	vst.idx.msk $0xffff, v3;
	v3 =	vld.idx.msk [tilespmem:v5+s23+$0x0], $0xffff;
	v5 =	vor.u32 v17, v45  }
0x49b: {  	v55 =	vor.u32 v19, v33;
	[tilespmem:v6+s16+$0x0] =	vst.idx.msk $0xffff, v0;
	v0 =	vld.idx.msk [tilespmem:v37+s23+$0x0], $0xffff;
	v37 =	vor.u32 v20, v41  }
0x49c: {  	v50 =	vor.u32 v12, v26;
	v56 =	vor.u32 v10, v44;
	v53 =	vld.idx.msk [tilespmem:v58+s23+$0x0], $0xffff;
	v1 =	vadd.f32 v1, v9  }
0x49d: {  	v6 =	vor.u32 v11, v30;
	v30 =	vor.u32 v60, v29;
	v4 =	vadd.f32 v4, v9  }
0x49e: {  	v29 =	vadd.s32 s20, v62;
	[tilespmem:v51+s16+$0x0] =	vst.idx.msk $0xffff, v1;
	v1 =	vadd.f32 v49, v27;
	v51 =	vor.u32 v25, v30  }
0x49f: {  	v49 =	vor.u32 v22, v40;
	v5 =	vld.idx.msk [tilespmem:v5+s23+$0x0], $0xffff;
	[tilespmem:v52+s16+$0x0] =	vst.idx.msk $0xffff, v4;
	v3 =	vadd.f32 v3, v27  }
0x4a0: {  	v4 =	vor.u32 v21, v36;
	[tilespmem:v37+s16+$0x0] =	vst.idx.msk $0xffff, v1;
	v0 =	vadd.f32 v0, v27;
	v52 =	vld.idx.msk [tilespmem:v54+s23+$0x0], $0xffff  }
0x4a1: {  	s20 =	simm.s32 $0x6;
	v53 =	vadd.f32 v53, v27;
	v54 =	vld.idx.msk [tilespmem:v55+s23+$0x0], $0xffff;
	[tilespmem:v56+s16+$0x0] =	vst.idx.msk $0xffff, v3;
	v3 =	vor.u32 v16, v48  }
0x4a2: {  	v62 =	vmov s20;
	[tilespmem:v6+s16+$0x0] =	vst.idx.msk $0xffff, v0;
	v0 =	vor.u32 v15, v45;
	v6 =	vor.u32 v16, v28;
	v47 =	vld.idx.msk [tilespmem:v47+s23+$0x0], $0xffff  }
0x4a3: {  	v56 =	vor.u32 v18, v42;
	v55 =	vshll.u32 v62, $0x5;
	v62 =	vor.u32 v25, v39;
	v51 =	vld.idx.msk [tilespmem:v51+s23+$0x0], $0xffff  }
0x4a4: {  	v37 =	vand.u32 $0xF8F, v29;
	[tilespmem:v49+s16+$0x0] =	vst.idx.msk $0xffff, v53;
	v53 =	vor.u32 v15, v46;
	v5 =	vadd.f32 v5, v9  }
0x4a5: {  	v55 =	vadd.s32 v61, v55;
	v49 =	vor.u32 v23, v37;
	v4 =	vld.idx.msk [tilespmem:v4+s23+$0x0], $0xffff;
	v61 =	vadd.f32 v52, v9  }
0x4a6: {  	[tilespmem:v3+s16+$0x0] =	vst.idx.msk $0xffff, v5;
	v3 =	vadd.f32 v54, v27;
	v5 =	vor.u32 v17, v33  }
0x4a7: {  	v54 =	vor.u32 v20, v40;
	v0 =	vld.idx.msk [tilespmem:v0+s23+$0x0], $0xffff;
	[tilespmem:v6+s16+$0x0] =	vst.idx.msk $0xffff, v61;
	v58 =	vadd.f32 v47, v27  }
0x4a8: {  	v6 =	vor.u32 v19, v36;
	[tilespmem:v56+s16+$0x0] =	vst.idx.msk $0xffff, v3;
	v3 =	vadd.f32 v51, v9  }
0x4a9: {  	v43 =	vadd.s32 s20, v63;
	v44 =	vand.u32 $0x1E0, v55;
	v51 =	vor.u32 v24, v30;
	v53 =	vld.idx.msk [tilespmem:v53+s23+$0x0], $0xffff;
	[tilespmem:v57+s16+$0x0] =	vst.idx.msk $0xffff, v58  }
0x4aa: {  	v47 =	vor.u32 v8, v44;
	v4 =	vadd.f32 v4, v27;
	[tilespmem:v49+s16+$0x0] =	vst.idx.msk $0xffff, v3;
	v3 =	vld.idx.msk [tilespmem:v62+s23+$0x0], $0xffff  }
0x4ab: {  	v61 =	vor.u32 v12, v28;
	v55 =	vor.u32 v25, v47;
	v62 =	vor.u32 v13, v45  }
0x4ac: {  	v5 =	vld.idx.msk [tilespmem:v5+s23+$0x0], $0xffff;
	[tilespmem:v54+s16+$0x0] =	vst.idx.msk $0xffff, v4;
	v54 =	vor.u32 v23, v35;
	v0 =	vadd.f32 v0, v9  }
0x4ad: {  	v1 =	vor.u32 v22, v29;
	v56 =	vor.u32 v16, v41;
	v4 =	vor.u32 v13, v46;
	v6 =	vld.idx.msk [tilespmem:v6+s23+$0x0], $0xffff  }
0x4ae: {  	v58 =	vor.u32 v24, v39;
	v53 =	vadd.f32 v53, v9;
	v51 =	vld.idx.msk [tilespmem:v51+s23+$0x0], $0xffff;
	[tilespmem:v50+s16+$0x0] =	vst.idx.msk $0xffff, v0  }
0x4af: {  	v0 =	vor.u32 v15, v33;
	v50 =	vor.u32 v18, v40;
	v3 =	vadd.f32 v3, v9  }
0x4b0: {  	v57 =	vor.u32 v10, v48;
	v63 =	vld.idx.msk [tilespmem:v55+s23+$0x0], $0xffff;
	[tilespmem:v61+s16+$0x0] =	vst.idx.msk $0xffff, v53;
	v61 =	vor.u32 v17, v36  }
0x4b1: {  	v52 =	vld.idx.msk [tilespmem:v62+s23+$0x0], $0xffff;
	v5 =	vadd.f32 v5, v27;
	[tilespmem:v54+s16+$0x0] =	vst.idx.msk $0xffff, v3;
	v3 =	vor.u32 v21, v30  }
0x4b2: {  	v2 =	vmovc v60;
	v48 =	vor.u32 v20, v37;
	v49 =	vand.u32 $0x78F, v43;
	v53 =	vld.idx.msk [tilespmem:v4+s23+$0x0], $0xffff;
	v6 =	vadd.f32 v6, v27  }
0x4b3: {  	v45 =	vor.u32 v14, v45;
	[tilespmem:v56+s16+$0x0] =	vst.idx.msk $0xffff, v5;
	v5 =	vadd.f32 v51, v9;
	v54 =	vld.idx.msk [tilespmem:v58+s23+$0x0], $0xffff  }
0x4b4: {  	v46 =	vor.u32 v14, v46;
	v55 =	vor.u32 v10, v28;
	v60 =	vld.idx.msk [tilespmem:v0+s23+$0x0], $0xffff;
	[tilespmem:v50+s16+$0x0] =	vst.idx.msk $0xffff, v6  }
0x4b5: {  	v4 =	vor.u32 v23, v49;
	v56 =	vor.u32 v22, v35;
	v62 =	vld.idx.msk [tilespmem:v61+s23+$0x0], $0xffff;
	[tilespmem:v1+s16+$0x0] =	vst.idx.msk $0xffff, v5  }
0x4b6: {  	s24 =	simm.s32 $0x8;
	s25 =	simm.s32 $0x7;
	v0 =	vor.u32 v24, v47;
	v58 =	vadd.f32 v52, v9;
	v61 =	vor.u32 v13, v33;
	v52 =	vld.idx.msk [tilespmem:v3+s23+$0x0], $0xffff  }
.LBB2_19:
0x4b7: {  	v1 =	vlaneseq.u32;
	v3 =	vor.u32 v21, v39  }
0x4b8: {  	v51 =	vmovc v30;
	v30 =	vor.u32 v16, v40;
	v28 =	vor.u32 v11, v28;
	v42 =	vor.u32 v11, v42  }
0x4b9: {  	v50 =	vmovc v39;
	v1 =	vadd.s32 s25, v1;
	[tilespmem:v57+s16+$0x0] =	vst.idx.msk $0xffff, v58;
	v57 =	vmov v38;
	v6 =	vadd.f32 v63, v27  }
0x4ba: {  	v38 =	vor.u32 v15, v36;
	v5 =	vadd.f32 v53, v9;
	v53 =	vmovc v37;
	v58 =	vand.u32 $0xF, v1;
	v37 =	vld.idx.msk [tilespmem:v45+s23+$0x0], $0xffff  }
0x4bb: {  	v45 =	vshll.u32 v58, $0x5;
	v39 =	vadd.f32 v54, v9;
	[tilespmem:v4+s16+$0x0] =	vst.idx.msk $0xffff, v6;
	v54 =	vor.u32 v19, v51  }
0x4bc: {  	[tilespmem:v55+s16+$0x0] =	vst.idx.msk $0xffff, v5;
	v4 =	vor.u32 v8, v45;
	v5 =	vadd.f32 v60, v27  }
0x4bd: {  	v63 =	vadd.f32 v62, v27;
	v6 =	vld.idx.msk [tilespmem:v46+s23+$0x0], $0xffff;
	v46 =	vor.u32 v25, v4;
	[tilespmem:v56+s16+$0x0] =	vst.idx.msk $0xffff, v39  }
0x4be: {  	v0 =	vld.idx.msk [tilespmem:v0+s23+$0x0], $0xffff;
	v39 =	vor.u32 v22, v43;
	v56 =	vor.u32 v12, v40;
	[tilespmem:v59+s16+$0x0] =	vst.idx.msk $0xffff, v5  }
0x4bf: {  	v3 =	vld.idx.msk [tilespmem:v3+s23+$0x0], $0xffff;
	v5 =	vor.u32 v11, v26;
	[tilespmem:v30+s16+$0x0] =	vst.idx.msk $0xffff, v63;
	v26 =	vadd.f32 v52, v9  }
0x4c0: {  	v30 =	vor.u32 v21, v47;
	v52 =	vor.u32 v10, v41;
	v59 =	vor.u32 v7, v58;
	v55 =	vld.idx.msk [tilespmem:v61+s23+$0x0], $0xffff  }
0x4c1: {  	v63 =	vor.u32 v10, v40;
	v41 =	vld.idx.msk [tilespmem:v38+s23+$0x0], $0xffff;
	v38 =	vand.u32 $0x7, v1;
	v1 =	vor.u32 v20, v35  }
0x4c2: {  	v60 =	vadd.f32 v37, v9;
	v37 =	vand.u32 $0x788, v59;
	v59 =	vor.u32 v13, v36;
	[tilespmem:v48+s16+$0x0] =	vst.idx.msk $0xffff, v26  }
0x4c3: {  	v48 =	vor.u32 v19, v50;
	v0 =	vadd.f32 v0, v27;
	v46 =	vld.idx.msk [tilespmem:v46+s23+$0x0], $0xffff;
	v6 =	vadd.f32 v6, v9  }
0x4c4: {  	v26 =	vmov v29;
	v29 =	vor.u32 v14, v33;
	[tilespmem:v5+s16+$0x0] =	vst.idx.msk $0xffff, v60;
	v5 =	vor.u32 v38, v37  }
0x4c5: {  	v33 =	vmov v47;
	v3 =	vadd.f32 v3, v9;
	[tilespmem:v28+s16+$0x0] =	vst.idx.msk $0xffff, v6;
	v6 =	vor.u32 v23, v5  }
0x4c6: {  	v37 =	vld.idx.msk [tilespmem:v54+s23+$0x0], $0xffff;
	v54 =	vor.u32 v24, v4;
	v60 =	vadd.f32 v41, v27;
	[tilespmem:v39+s16+$0x0] =	vst.idx.msk $0xffff, v0  }
0x4c7: {  	v0 =	vadd.f32 v55, v27;
	v28 =	vmov v35;
	v41 =	vmov v49;
	[tilespmem:v1+s16+$0x0] =	vst.idx.msk $0xffff, v3;
	v3 =	vld.idx.msk [tilespmem:v30+s23+$0x0], $0xffff  }
0x4c8: {  	v35 =	vor.u32 v18, v26;
	v1 =	vld.idx.msk [tilespmem:v48+s23+$0x0], $0xffff;
	[tilespmem:v56+s16+$0x0] =	vst.idx.msk $0xffff, v60;
	v30 =	vadd.f32 v46, v27  }
0x4c9: {  	[tilespmem:v52+s16+$0x0] =	vst.idx.msk $0xffff, v0;
	v60 =	vor.u32 v17, v51;
	v48 =	vor.u32 v20, v41;
	v0 =	vld.idx.msk [tilespmem:v59+s23+$0x0], $0xffff  }
0x4ca: {  	v62 =	vor.u32 v19, v33;
	v47 =	vor.u32 v18, v28;
	[tilespmem:v6+s16+$0x0] =	vst.idx.msk $0xffff, v30;
	v6 =	vld.idx.msk [tilespmem:v29+s23+$0x0], $0xffff  }
0x4cb: {  	v61 =	vor.u32 v17, v50;
	v59 =	vor.u32 v14, v36;
	v29 =	vadd.f32 v37, v9;
	v49 =	vld.idx.msk [tilespmem:v54+s23+$0x0], $0xffff  }
0x4cc: {  	v36 =	vmovc v4;
	v4 =	vor.u32 v22, v5;
	v30 =	vor.u32 v2, v31;
	v3 =	vadd.f32 v3, v27  }
0x4cd: {  	[tilespmem:v35+s16+$0x0] =	vst.idx.msk $0xffff, v29;
	v1 =	vadd.f32 v1, v9;
	v35 =	vor.u32 v25, v30;
	v29 =	vld [tilespmem:$0x1FFB0]  }
0x4ce: {  	v39 =	vld.idx.msk [tilespmem:v60+s23+$0x0], $0xffff;
	v0 =	vadd.f32 v0, v27;
	[tilespmem:v48+s16+$0x0] =	vst.idx.msk $0xffff, v3  }
0x4cf: {  	v60 =	vor.u32 v21, v36;
	[tilespmem:v47+s16+$0x0] =	vst.idx.msk $0xffff, v1;
	v47 =	vld.idx.msk [tilespmem:v62+s23+$0x0], $0xffff;
	v1 =	vadd.f32 v6, v27  }
0x4d0: {  	v6 =	vld.idx.msk [tilespmem:v61+s23+$0x0], $0xffff;
	[tilespmem:v63+s16+$0x0] =	vst.idx.msk $0xffff, v0;
	v61 =	vadd.f32 v49, v27  }
0x4d1: {  	v0 =	vor.u32 v16, v53;
	[tilespmem:v42+s16+$0x0] =	vst.idx.msk $0xffff, v1;
	v1 =	vld.idx.msk [tilespmem:v59+s23+$0x0], $0xffff  }
0x4d2: {  	[tilespmem:v4+s16+$0x0] =	vst.idx.msk $0xffff, v61;
	v4 =	vld.idx.msk [tilespmem:v35+s23+$0x0], $0xffff  }
0x4d3: {  	v63 =	vor.u32 v15, v51;
	v29 =	vadd.s32 s14, v29;
	v35 =	vor.u32 v16, v28;
	v61 =	vld [tilespmem:$0x1FFA0]  }
0x4d4: {  	v49 =	vor.u32 v18, v43;
	v37 =	vand.u32 $0xF8F, v29;
	v48 =	vld.idx.msk [tilespmem:v60+s23+$0x0], $0xffff;
	v60 =	vadd.f32 v39, v9  }
0x4d5: {  	v52 =	vor.u32 v23, v37  }
0x4d6: {  	v55 =	vor.u32 v15, v50;
	[tilespmem:v0+s16+$0x0] =	vst.idx.msk $0xffff, v60;
	v0 =	vadd.f32 v6, v9  }
0x4d7: {  	v56 =	vor.u32 v11, v40;
	v40 =	vmovc v5;
	v62 =	vmov s24;
	v5 =	vadd.f32 v47, v27  }
0x4d8: {  	v31 =	vmov v44;
	v59 =	vshll.u32 v62, $0x5;
	[tilespmem:v35+s16+$0x0] =	vst.idx.msk $0xffff, v0;
	v0 =	vadd.f32 v4, v9  }
0x4d9: {  	v39 =	vor.u32 v2, v34;
	v44 =	vadd.s32 v61, v59;
	v59 =	vld.idx.msk [tilespmem:v63+s23+$0x0], $0xffff;
	[tilespmem:v49+s16+$0x0] =	vst.idx.msk $0xffff, v5  }
0x4da: {  	v34 =	vmov v45;
	v45 =	vor.u32 v25, v39;
	[tilespmem:v52+s16+$0x0] =	vst.idx.msk $0xffff, v0;
	v0 =	vld [tilespmem:$0x1FFC0]  }
0x4db: {  	v46 =	vor.u32 v12, v26;
	v54 =	vor.u32 v20, v40  }
0x4dc: {  	v3 =	vor.u32 v22, v29;
	v6 =	vor.u32 v17, v33;
	v1 =	vadd.f32 v1, v27  }
0x4dd: {  	v42 =	vmovc v43;
	v60 =	vor.u32 v19, v36;
	v4 =	vor.u32 v24, v30;
	v63 =	vld [tilespmem:$0x1FFD0];
	v44 =	vand.u32 $0x1E0, v44  }
0x4de: {  	v5 =	vld.idx.msk [tilespmem:v55+s23+$0x0], $0xffff;
	v62 =	vadd.f32 v48, v27;
	[tilespmem:v56+s16+$0x0] =	vst.idx.msk $0xffff, v1;
	v48 =	vor.u32 v12, v28  }
0x4df: {  	v56 =	vor.u32 v16, v41;
	v47 =	vor.u32 v8, v44;
	v1 =	vld.idx.msk [tilespmem:v45+s23+$0x0], $0xffff;
	v0 =	vor.u32 v0, v32  }
0x4e0: {  	v45 =	vor.u32 v13, v51;
	[tilespmem:v54+s16+$0x0] =	vst.idx.msk $0xffff, v62;
	v54 =	vor.u32 v13, v50;
	v0 =	vand.u32 $0xF88, v0  }
0x4e1: {  	v6 =	vld.idx.msk [tilespmem:v6+s23+$0x0], $0xffff;
	v55 =	vor.u32 v25, v47;
	v35 =	vor.u32 v57, v0;
	v0 =	vadd.f32 v59, v9  }
0x4e2: {  	v62 =	vor.u32 v17, v36;
	v52 =	vld.idx.msk [tilespmem:v60+s23+$0x0], $0xffff;
	v43 =	vadd.s32 s24, v63;
	v32 =	vmovc v58;
	v58 =	vor.u32 v23, v35  }
0x4e3: {  	v60 =	vor.u32 v24, v39;
	v4 =	vld.idx.msk [tilespmem:v4+s23+$0x0], $0xffff;
	v49 =	vand.u32 $0x78F, v43;
	[tilespmem:v46+s16+$0x0] =	vst.idx.msk $0xffff, v0  }
0x4e4: {  	v0 =	vadd.f32 v5, v9;
	v5 =	vor.u32 v15, v33;
	v46 =	vor.u32 v18, v40  }
0x4e5: {  	v1 =	vadd.f32 v1, v9;
	v59 =	vor.u32 v12, v42;
	v57 =	vor.u32 v10, v53;
	v61 =	vld.idx.msk [tilespmem:v45+s23+$0x0], $0xffff  }
0x4e6: {  	p0 =	slt.u32 s24, $0xE;
	v63 =	vld.idx.msk [tilespmem:v55+s23+$0x0], $0xffff;
	[tilespmem:v48+s16+$0x0] =	vst.idx.msk $0xffff, v0;
	v0 =	vadd.f32 v6, v27;
	v6 =	vor.u32 v21, v30  }
.Ltmp8:
0x4e7: {  	v52 =	vadd.f32 v52, v27;
	v45 =	vor.u32 v14, v51;
	v53 =	vld.idx.msk [tilespmem:v54+s23+$0x0], $0xffff;
	[tilespmem:v58+s16+$0x0] =	vst.idx.msk $0xffff, v1;
	(pc) =	sbr.rel @p0 .LBB2_19-.Ltmp8, $4  }
0x4e8: {  	v55 =	vor.u32 v10, v28;
	[tilespmem:v56+s16+$0x0] =	vst.idx.msk $0xffff, v0;
	v0 =	vadd.f32 v4, v9;
	v54 =	vld.idx.msk [tilespmem:v60+s23+$0x0], $0xffff  }
0x4e9: {  	v48 =	vor.u32 v20, v37;
	v4 =	vor.u32 v23, v49;
	v60 =	vld.idx.msk [tilespmem:v5+s23+$0x0], $0xffff;
	[tilespmem:v46+s16+$0x0] =	vst.idx.msk $0xffff, v52  }
0x4ea: {  	s14 =	smov.u32 s20;
	s20 =	smov.u32 s24;
	v56 =	vor.u32 v22, v35;
	v46 =	vor.u32 v14, v50;
	v62 =	vld.idx.msk [tilespmem:v62+s23+$0x0], $0xffff;
	[tilespmem:v3+s16+$0x0] =	vst.idx.msk $0xffff, v0  }
0x4eb: {  	s25 =	sadd.s32 $0x1, s20;
	s24 =	sadd.s32 $0x2, s24;
	v58 =	vadd.f32 v61, v9;
	v0 =	vor.u32 v24, v47;
	v61 =	vor.u32 v13, v33;
	v52 =	vld.idx.msk [tilespmem:v6+s23+$0x0], $0xffff  }
0x4ec: {  	v1 =	vlaneseq.u32  }
0x4ed: {  	v1 =	vadd.s32 s25, v1  }
0x4ee: {  	v3 =	vand.u32 $0xF, v1  }
0x4ef: {  	v5 =	vshll.u32 v3, $0x5  }
0x4f0: {  	[tilespmem:$0x1FEE0] =	vst v5;
	v5 =	vor.u32 v8, v5  }
0x4f1: {  	v6 =	vor.u32 v25, v5;
	_ =	sdelay $0x3  }
0x4f2: {  	[tilespmem:$0x1FEF0] =	vst v3;
	v50 =	vor.u32 v7, v3  }
0x4f3: {  	v8 =	vand.u32 $0x7, v1;
	v50 =	vand.u32 $0x788, v50;
	v6 =	vld.idx.msk [tilespmem:v6+s23+$0x0], $0xffff  }
0x4f4: {  	v50 =	vor.u32 v8, v50  }
0x4f5: {  	v1 =	vor.u32 v23, v50  }
0x4f6: {  	v51 =	vor.u32 v24, v5  }
0x4f7: {  	v63 =	vadd.f32 v63, v27  }
0x4f8: {  	v6 =	vadd.f32 v6, v27  }
0x4f9: {  	[tilespmem:v4+s16+$0x0] =	vst.idx.msk $0xffff, v63  }
0x4fa: {  	v0 =	vld.idx.msk [tilespmem:v0+s23+$0x0], $0xffff;
	[tilespmem:v1+s16+$0x0] =	vst.idx.msk $0xffff, v6  }
0x4fb: {  	v1 =	vld.idx.msk [tilespmem:v51+s23+$0x0], $0xffff  }
0x4fc: {  	v3 =	vor.u32 v22, v43  }
0x4fd: {  	v4 =	vor.u32 v21, v47;
	v6 =	vor.u32 v22, v50  }
0x4fe: {  	v51 =	vor.u32 v21, v5  }
0x4ff: {  	v0 =	vadd.f32 v0, v27  }
0x500: {  	v1 =	vadd.f32 v1, v27  }
0x501: {  	[tilespmem:v3+s16+$0x0] =	vst.idx.msk $0xffff, v0  }
0x502: {  	v0 =	vld.idx.msk [tilespmem:v4+s23+$0x0], $0xffff;
	[tilespmem:v6+s16+$0x0] =	vst.idx.msk $0xffff, v1  }
0x503: {  	v1 =	vld.idx.msk [tilespmem:v51+s23+$0x0], $0xffff  }
0x504: {  	v3 =	vor.u32 v20, v49  }
0x505: {  	v4 =	vor.u32 v19, v47;
	v6 =	vor.u32 v20, v50  }
0x506: {  	v51 =	vor.u32 v19, v5  }
0x507: {  	v0 =	vadd.f32 v0, v27  }
0x508: {  	v1 =	vadd.f32 v1, v27  }
0x509: {  	[tilespmem:v3+s16+$0x0] =	vst.idx.msk $0xffff, v0  }
0x50a: {  	v0 =	vld.idx.msk [tilespmem:v4+s23+$0x0], $0xffff;
	[tilespmem:v6+s16+$0x0] =	vst.idx.msk $0xffff, v1  }
0x50b: {  	v1 =	vld.idx.msk [tilespmem:v51+s23+$0x0], $0xffff  }
0x50c: {  	v3 =	vor.u32 v18, v43  }
0x50d: {  	v7 =	vor.u32 v17, v47;
	v6 =	vor.u32 v18, v50  }
0x50e: {  	v63 =	vor.u32 v17, v5  }
0x50f: {  	v0 =	vadd.f32 v0, v27  }
0x510: {  	v51 =	vor.u32 v16, v40;
	v1 =	vadd.f32 v1, v27  }
0x511: {  	v4 =	vor.u32 v15, v36;
	[tilespmem:v3+s16+$0x0] =	vst.idx.msk $0xffff, v0  }
0x512: {  	v3 =	vld.idx.msk [tilespmem:v7+s23+$0x0], $0xffff;
	[tilespmem:v6+s16+$0x0] =	vst.idx.msk $0xffff, v1  }
0x513: {  	v62 =	vadd.f32 v62, v27;
	v1 =	vld.idx.msk [tilespmem:v63+s23+$0x0], $0xffff  }
0x514: {  	v0 =	vor.u32 v16, v49  }
0x515: {  	[tilespmem:v51+s16+$0x0] =	vst.idx.msk $0xffff, v62;
	v51 =	vor.u32 v16, v50;
	v6 =	vor.u32 v15, v47  }
0x516: {  	v62 =	vor.u32 v15, v5;
	v4 =	vld.idx.msk [tilespmem:v4+s23+$0x0], $0xffff  }
0x517: {  	v3 =	vadd.f32 v3, v27  }
0x518: {  	v7 =	vor.u32 v12, v40;
	v1 =	vadd.f32 v1, v27  }
0x519: {  	[tilespmem:v0+s16+$0x0] =	vst.idx.msk $0xffff, v3;
	v0 =	vadd.f32 v60, v27;
	v63 =	vor.u32 v13, v36  }
0x51a: {  	v3 =	vld.idx.msk [tilespmem:v6+s23+$0x0], $0xffff;
	[tilespmem:v51+s16+$0x0] =	vst.idx.msk $0xffff, v1  }
0x51b: {  	[tilespmem:v59+s16+$0x0] =	vst.idx.msk $0xffff, v0;
	v60 =	vadd.f32 v4, v27;
	v0 =	vld.idx.msk [tilespmem:v62+s23+$0x0], $0xffff  }
0x51c: {  	v4 =	vld.idx.msk [tilespmem:v61+s23+$0x0], $0xffff;
	v1 =	vor.u32 v12, v43  }
0x51d: {  	v59 =	vor.u32 v12, v50;
	[tilespmem:v7+s16+$0x0] =	vst.idx.msk $0xffff, v60;
	v51 =	vor.u32 v13, v47  }
0x51e: {  	v41 =	vor.u32 v10, v41;
	v60 =	vor.u32 v13, v5;
	v6 =	vld.idx.msk [tilespmem:v63+s23+$0x0], $0xffff  }
0x51f: {  	v33 =	vor.u32 v14, v33;
	v3 =	vadd.f32 v3, v27  }
0x520: {  	v61 =	vor.u32 v10, v40;
	v0 =	vadd.f32 v0, v27  }
0x521: {  	v36 =	vor.u32 v14, v36;
	v63 =	vadd.f32 v4, v27;
	[tilespmem:v1+s16+$0x0] =	vst.idx.msk $0xffff, v3  }
0x522: {  	v3 =	vld.idx.msk [tilespmem:v51+s23+$0x0], $0xffff;
	[tilespmem:v59+s16+$0x0] =	vst.idx.msk $0xffff, v0  }
0x523: {  	[tilespmem:v41+s16+$0x0] =	vst.idx.msk $0xffff, v63;
	v59 =	vadd.f32 v6, v27;
	v60 =	vld.idx.msk [tilespmem:v60+s23+$0x0], $0xffff  }
0x524: {  	v4 =	vor.u32 v10, v49;
	v62 =	vld.idx.msk [tilespmem:v33+s23+$0x0], $0xffff  }
0x525: {  	v63 =	vor.u32 v14, v47;
	v51 =	vor.u32 v10, v50;
	[tilespmem:v61+s16+$0x0] =	vst.idx.msk $0xffff, v59  }
0x526: {  	v42 =	vor.u32 v11, v42;
	v5 =	vor.u32 v14, v5;
	v6 =	vld.idx.msk [tilespmem:v36+s23+$0x0], $0xffff  }
0x527: {  	[tilespmem:v57+s16+$0x0] =	vst.idx.msk $0xffff, v58;
	v33 =	vor.u32 v2, v31;
	v3 =	vadd.f32 v3, v27  }
0x528: {  	v40 =	vor.u32 v11, v40;
	v59 =	vor.u32 v25, v33;
	v1 =	vadd.f32 v60, v27  }
0x529: {  	v0 =	vadd.f32 v62, v27;
	[tilespmem:v4+s16+$0x0] =	vst.idx.msk $0xffff, v3  }
0x52a: {  	v4 =	vld.idx.msk [tilespmem:v63+s23+$0x0], $0xffff;
	[tilespmem:v51+s16+$0x0] =	vst.idx.msk $0xffff, v1  }
0x52b: {  	[tilespmem:v42+s16+$0x0] =	vst.idx.msk $0xffff, v0;
	v49 =	vadd.f32 v6, v27;
	v51 =	vld.idx.msk [tilespmem:v5+s23+$0x0], $0xffff  }
0x52c: {  	v60 =	vor.u32 v11, v43;
	v62 =	vld [tilespmem:$0x1FFB0]  }
0x52d: {  	v61 =	vor.u32 v11, v50;
	v5 =	vld.idx.msk [tilespmem:v59+s23+$0x0], $0xffff;
	[tilespmem:v40+s16+$0x0] =	vst.idx.msk $0xffff, v49  }
0x52e: {  	v40 =	vld [tilespmem:$0x1FEE0]  }
0x52f: {  	v34 =	vor.u32 v2, v34;
	v59 =	vld [tilespmem:$0x1FFC0];
	v4 =	vadd.f32 v4, v27  }
0x530: {  	v1 =	vor.u32 v25, v34;
	v0 =	vadd.f32 v51, v27  }
0x531: {  	[tilespmem:v60+s16+$0x0] =	vst.idx.msk $0xffff, v4  }
0x532: {  	v36 =	vor.u32 v2, v44;
	v31 =	vadd.s32 s14, v62;
	[tilespmem:v61+s16+$0x0] =	vst.idx.msk $0xffff, v0  }
0x533: {  	v63 =	vor.u32 v25, v36;
	v41 =	vand.u32 $0xF8F, v31;
	v40 =	vor.u32 v2, v40;
	v58 =	vld [tilespmem:$0x1FEF0]  }
0x534: {  	v6 =	vor.u32 v23, v41;
	v32 =	vor.u32 v59, v32;
	v49 =	vor.u32 v25, v40  }
0x535: {  	v50 =	vor.u32 v24, v33;
	v1 =	vld.idx.msk [tilespmem:v1+s23+$0x0], $0xffff;
	v32 =	vand.u32 $0xF88, v32  }
0x536: {  	v25 =	vor.u32 v38, v32  }
0x537: {  	v4 =	vor.u32 v21, v39;
	v5 =	vadd.f32 v5, v9;
	v51 =	vor.u32 v23, v25  }
0x538: {  	v27 =	vadd.s32 s20, v62;
	v57 =	vld.idx.msk [tilespmem:v63+s23+$0x0], $0xffff;
	v0 =	vor.u32 v24, v34;
	v60 =	vor.u32 v59, v58  }
0x539: {  	v61 =	vadd.f32 v53, v9;
	v38 =	vand.u32 $0xF8F, v27;
	[tilespmem:v6+s16+$0x0] =	vst.idx.msk $0xffff, v5;
	v5 =	vld.idx.msk [tilespmem:v49+s23+$0x0], $0xffff;
	v6 =	vand.u32 $0xF88, v60  }
0x53a: {  	v1 =	vadd.f32 v1, v9;
	v63 =	vld.idx.msk [tilespmem:v50+s23+$0x0], $0xffff;
	v32 =	vor.u32 v8, v6;
	v6 =	vor.u32 v23, v38  }
0x53b: {  	v53 =	vor.u32 v22, v31;
	v49 =	vor.u32 v24, v36;
	v50 =	vor.u32 v23, v32  }
0x53c: {  	[tilespmem:v51+s16+$0x0] =	vst.idx.msk $0xffff, v1;
	v51 =	vadd.f32 v54, v9;
	v54 =	vor.u32 v24, v40  }
0x53d: {  	[tilespmem:v55+s16+$0x0] =	vst.idx.msk $0xffff, v61;
	v42 =	vadd.f32 v57, v9;
	v0 =	vld.idx.msk [tilespmem:v0+s23+$0x0], $0xffff  }
0x53e: {  	[tilespmem:v56+s16+$0x0] =	vst.idx.msk $0xffff, v51;
	v56 =	vor.u32 v21, v33;
	v5 =	vadd.f32 v5, v9  }
0x53f: {  	v4 =	vld.idx.msk [tilespmem:v4+s23+$0x0], $0xffff;
	[tilespmem:v6+s16+$0x0] =	vst.idx.msk $0xffff, v42;
	v6 =	vadd.f32 v63, v9  }
0x540: {  	v57 =	vor.u32 v22, v25;
	v58 =	vor.u32 v21, v34;
	[tilespmem:v50+s16+$0x0] =	vst.idx.msk $0xffff, v5;
	v1 =	vld.idx.msk [tilespmem:v49+s23+$0x0], $0xffff  }
0x541: {  	v60 =	vor.u32 v20, v35;
	v5 =	vadd.f32 v52, v9;
	[tilespmem:v53+s16+$0x0] =	vst.idx.msk $0xffff, v6;
	v6 =	vld.idx.msk [tilespmem:v54+s23+$0x0], $0xffff  }
0x542: {  	v61 =	vor.u32 v19, v30;
	v63 =	vor.u32 v22, v27;
	v0 =	vadd.f32 v0, v9  }
0x543: {  	v49 =	vor.u32 v21, v36;
	v50 =	vor.u32 v22, v32;
	[tilespmem:v48+s16+$0x0] =	vst.idx.msk $0xffff, v5;
	v5 =	vld.idx.msk [tilespmem:v56+s23+$0x0], $0xffff  }
0x544: {  	v51 =	vor.u32 v21, v40;
	v52 =	vor.u32 v19, v39;
	v4 =	vadd.f32 v4, v9  }
0x545: {  	v53 =	vor.u32 v20, v41;
	[tilespmem:v57+s16+$0x0] =	vst.idx.msk $0xffff, v0;
	v1 =	vadd.f32 v1, v9  }
0x546: {  	v3 =	vld.idx.msk [tilespmem:v58+s23+$0x0], $0xffff;
	[tilespmem:v60+s16+$0x0] =	vst.idx.msk $0xffff, v4;
	v4 =	vor.u32 v19, v33;
	v6 =	vadd.f32 v6, v9  }
0x547: {  	v24 =	vld.idx.msk [tilespmem:v61+s23+$0x0], $0xffff;
	[tilespmem:v63+s16+$0x0] =	vst.idx.msk $0xffff, v1  }
0x548: {  	v54 =	vor.u32 v20, v25;
	v55 =	vadd.f32 v5, v9;
	v5 =	vld.idx.msk [tilespmem:v49+s23+$0x0], $0xffff;
	[tilespmem:v50+s16+$0x0] =	vst.idx.msk $0xffff, v6  }
0x549: {  	v57 =	vor.u32 v19, v34;
	v6 =	vor.u32 v18, v29;
	v0 =	vld.idx.msk [tilespmem:v51+s23+$0x0], $0xffff  }
0x54a: {  	v47 =	vor.u32 v20, v32;
	v60 =	vor.u32 v20, v38;
	v21 =	vld.idx.msk [tilespmem:v52+s23+$0x0], $0xffff;
	[tilespmem:v53+s16+$0x0] =	vst.idx.msk $0xffff, v55  }
0x54b: {  	v48 =	vor.u32 v19, v40;
	v63 =	vor.u32 v19, v36;
	v58 =	vadd.f32 v3, v9;
	v4 =	vld.idx.msk [tilespmem:v4+s23+$0x0], $0xffff  }
0x54c: {  	v61 =	vor.u32 v18, v35;
	v24 =	vadd.f32 v24, v9;
	v49 =	vor.u32 v17, v39  }
0x54d: {  	v50 =	vor.u32 v18, v31;
	[tilespmem:v54+s16+$0x0] =	vst.idx.msk $0xffff, v58;
	v5 =	vadd.f32 v5, v9  }
0x54e: {  	v56 =	vor.u32 v17, v30;
	[tilespmem:v6+s16+$0x0] =	vst.idx.msk $0xffff, v24;
	v6 =	vld.idx.msk [tilespmem:v57+s23+$0x0], $0xffff;
	v0 =	vadd.f32 v0, v9  }
0x54f: {  	v51 =	vor.u32 v17, v33;
	v21 =	vadd.f32 v21, v9;
	[tilespmem:v60+s16+$0x0] =	vst.idx.msk $0xffff, v5  }
0x550: {  	v5 =	vor.u32 v18, v25;
	v4 =	vadd.f32 v4, v9;
	v52 =	vld.idx.msk [tilespmem:v63+s23+$0x0], $0xffff;
	[tilespmem:v47+s16+$0x0] =	vst.idx.msk $0xffff, v0  }
0x551: {  	v54 =	vor.u32 v17, v34;
	[tilespmem:v61+s16+$0x0] =	vst.idx.msk $0xffff, v21;
	v1 =	vld.idx.msk [tilespmem:v48+s23+$0x0], $0xffff  }
0x552: {  	v19 =	vld.idx.msk [tilespmem:v49+s23+$0x0], $0xffff;
	[tilespmem:v50+s16+$0x0] =	vst.idx.msk $0xffff, v4;
	v4 =	vor.u32 v18, v27  }
0x553: {  	v57 =	vor.u32 v18, v32;
	v22 =	vld.idx.msk [tilespmem:v56+s23+$0x0], $0xffff;
	v56 =	vor.u32 v17, v36;
	v6 =	vadd.f32 v6, v9  }
0x554: {  	v43 =	vor.u32 v16, v25;
	v60 =	vor.u32 v17, v40  }
0x555: {  	v58 =	vor.u32 v16, v35;
	v3 =	vld.idx.msk [tilespmem:v51+s23+$0x0], $0xffff;
	[tilespmem:v5+s16+$0x0] =	vst.idx.msk $0xffff, v6;
	v5 =	vadd.f32 v52, v9  }
0x556: {  	v53 =	vor.u32 v16, v37;
	v61 =	vor.u32 v15, v39;
	v6 =	vld.idx.msk [tilespmem:v54+s23+$0x0], $0xffff;
	v1 =	vadd.f32 v1, v9  }
0x557: {  	v55 =	vor.u32 v15, v30;
	[tilespmem:v4+s16+$0x0] =	vst.idx.msk $0xffff, v5;
	v4 =	vor.u32 v16, v41  }
0x558: {  	v19 =	vadd.f32 v19, v9;
	v5 =	vor.u32 v15, v33;
	[tilespmem:v57+s16+$0x0] =	vst.idx.msk $0xffff, v1;
	v44 =	vld.idx.msk [tilespmem:v56+s23+$0x0], $0xffff  }
0x559: {  	v49 =	vor.u32 v15, v36;
	v47 =	vor.u32 v15, v34;
	v22 =	vadd.f32 v22, v9;
	v17 =	vld.idx.msk [tilespmem:v60+s23+$0x0], $0xffff  }
0x55a: {  	v48 =	vor.u32 v16, v38;
	[tilespmem:v58+s16+$0x0] =	vst.idx.msk $0xffff, v19;
	v3 =	vadd.f32 v3, v9  }
0x55b: {  	v50 =	vor.u32 v16, v32;
	[tilespmem:v53+s16+$0x0] =	vst.idx.msk $0xffff, v22;
	v0 =	vld.idx.msk [tilespmem:v61+s23+$0x0], $0xffff;
	v6 =	vadd.f32 v6, v9  }
0x55c: {  	v63 =	vld.idx.msk [tilespmem:v55+s23+$0x0], $0xffff;
	[tilespmem:v4+s16+$0x0] =	vst.idx.msk $0xffff, v3;
	v4 =	vor.u32 v15, v40  }
0x55d: {  	v53 =	vor.u32 v12, v35;
	[tilespmem:v43+s16+$0x0] =	vst.idx.msk $0xffff, v6;
	v5 =	vld.idx.msk [tilespmem:v5+s23+$0x0], $0xffff;
	v6 =	vadd.f32 v44, v9  }
0x55e: {  	v51 =	vor.u32 v12, v29;
	v17 =	vadd.f32 v17, v9  }
0x55f: {  	v55 =	vor.u32 v12, v31;
	v19 =	vld.idx.msk [tilespmem:v47+s23+$0x0], $0xffff;
	[tilespmem:v48+s16+$0x0] =	vst.idx.msk $0xffff, v6;
	v6 =	vor.u32 v13, v39  }
0x560: {  	v52 =	vor.u32 v13, v30;
	v0 =	vadd.f32 v0, v9;
	[tilespmem:v50+s16+$0x0] =	vst.idx.msk $0xffff, v17;
	v56 =	vld.idx.msk [tilespmem:v49+s23+$0x0], $0xffff  }
0x561: {  	v58 =	vor.u32 v13, v33;
	v57 =	vor.u32 v12, v25;
	v54 =	vadd.f32 v63, v9;
	v4 =	vld.idx.msk [tilespmem:v4+s23+$0x0], $0xffff  }
0x562: {  	v60 =	vor.u32 v12, v27;
	[tilespmem:v53+s16+$0x0] =	vst.idx.msk $0xffff, v0;
	v5 =	vadd.f32 v5, v9  }
0x563: {  	v21 =	vor.u32 v12, v32;
	v63 =	vor.u32 v13, v34;
	[tilespmem:v51+s16+$0x0] =	vst.idx.msk $0xffff, v54  }
0x564: {  	v22 =	vor.u32 v13, v36;
	[tilespmem:v55+s16+$0x0] =	vst.idx.msk $0xffff, v5;
	v5 =	vld.idx.msk [tilespmem:v6+s23+$0x0], $0xffff;
	v6 =	vadd.f32 v19, v9  }
0x565: {  	v23 =	vor.u32 v10, v37;
	v24 =	vor.u32 v13, v40;
	v61 =	vld.idx.msk [tilespmem:v52+s23+$0x0], $0xffff;
	v16 =	vadd.f32 v56, v9  }
0x566: {  	v37 =	vor.u32 v10, v35;
	[tilespmem:v57+s16+$0x0] =	vst.idx.msk $0xffff, v6;
	v4 =	vadd.f32 v4, v9  }
0x567: {  	v6 =	vld.idx.msk [tilespmem:v58+s23+$0x0], $0xffff;
	[tilespmem:v60+s16+$0x0] =	vst.idx.msk $0xffff, v16  }
0x568: {  	v42 =	vor.u32 v10, v41;
	v1 =	vld.idx.msk [tilespmem:v63+s23+$0x0], $0xffff;
	[tilespmem:v21+s16+$0x0] =	vst.idx.msk $0xffff, v4;
	v4 =	vor.u32 v14, v30  }
0x569: {  	v43 =	vor.u32 v14, v33;
	v39 =	vor.u32 v14, v39;
	v15 =	vld.idx.msk [tilespmem:v22+s23+$0x0], $0xffff;
	v5 =	vadd.f32 v5, v9  }
0x56a: {  	v44 =	vor.u32 v10, v25;
	v48 =	vor.u32 v10, v38;
	v0 =	vadd.f32 v61, v9;
	v13 =	vld.idx.msk [tilespmem:v24+s23+$0x0], $0xffff  }
0x56b: {  	v47 =	vld.idx.msk [tilespmem:v45+s23+$0x0], $0xffff;
	v10 =	vor.u32 v10, v32;
	[tilespmem:v37+s16+$0x0] =	vst.idx.msk $0xffff, v5;
	v5 =	vor.u32 v14, v34  }
0x56c: {  	v49 =	vld.idx.msk [tilespmem:v46+s23+$0x0], $0xffff;
	v50 =	vor.u32 v14, v36;
	[tilespmem:v23+s16+$0x0] =	vst.idx.msk $0xffff, v0;
	v6 =	vadd.f32 v6, v9  }
0x56d: {  	v51 =	vor.u32 v14, v40;
	v52 =	vor.u32 v11, v26;
	v1 =	vadd.f32 v1, v9;
	v4 =	vld.idx.msk [tilespmem:v4+s23+$0x0], $0xffff  }
0x56e: {  	v12 =	vld.idx.msk [tilespmem:v39+s23+$0x0], $0xffff;
	[tilespmem:v42+s16+$0x0] =	vst.idx.msk $0xffff, v6;
	v6 =	vor.u32 v11, v28;
	v15 =	vadd.f32 v15, v9  }
0x56f: {  	v53 =	vor.u32 v11, v29;
	[tilespmem:v44+s16+$0x0] =	vst.idx.msk $0xffff, v1;
	v0 =	vld.idx.msk [tilespmem:v43+s23+$0x0], $0xffff;
	v13 =	vadd.f32 v13, v9  }
0x570: {  	v54 =	vor.u32 v11, v35;
	v3 =	vadd.f32 v47, v9;
	[tilespmem:v48+s16+$0x0] =	vst.idx.msk $0xffff, v15;
	v5 =	vld.idx.msk [tilespmem:v5+s23+$0x0], $0xffff  }
0x571: {  	v55 =	vor.u32 v11, v31;
	[tilespmem:v10+s16+$0x0] =	vst.idx.msk $0xffff, v13;
	v10 =	vadd.f32 v49, v9;
	v56 =	vld.idx.msk [tilespmem:v50+s23+$0x0], $0xffff  }
0x572: {  	[tilespmem:v52+s16+$0x0] =	vst.idx.msk $0xffff, v3;
	v14 =	vld.idx.msk [tilespmem:v51+s23+$0x0], $0xffff;
	v57 =	vadd.f32 v4, v9;
	v4 =	vor.u32 v11, v25  }
0x573: {  	[tilespmem:v6+s16+$0x0] =	vst.idx.msk $0xffff, v10;
	v6 =	vadd.f32 v12, v9;
	v10 =	vor.u32 v11, v27  }
0x574: {  	v58 =	vor.u32 v11, v32;
	v0 =	vadd.f32 v0, v9;
	[tilespmem:v53+s16+$0x0] =	vst.idx.msk $0xffff, v57  }
0x575: {  	[tilespmem:v54+s16+$0x0] =	vst.idx.msk $0xffff, v6;
	v60 =	vadd.f32 v5, v9  }
0x576: {  	[tilespmem:v55+s16+$0x0] =	vst.idx.msk $0xffff, v0;
	v61 =	vadd.f32 v56, v9  }
0x577: {  	s13 =	sadd.s32 $0x1, s13;
	v63 =	vadd.f32 v14, v9;
	[tilespmem:v4+s16+$0x0] =	vst.idx.msk $0xffff, v60  }
0x578: {  	p0 =	sne.s32 s13, $0x8;
	[tilespmem:v10+s16+$0x0] =	vst.idx.msk $0xffff, v61  }
.Ltmp9:
0x579: {  	[tilespmem:v58+s16+$0x0] =	vst.idx.msk $0xffff, v63;
	(pc) =	sbr.rel @p0 .LBB2_18-.Ltmp9, $4  }
0x57a: {  	v63 =	vld [tilespmem:$0x1FFD0]  }
0x57b: {  	v8 =	vld [tilespmem:$0x1FFE0]  }
0x57c: {  	v61 =	vld [tilespmem:$0x1FFA0]  }
0x57d: {  	v7 =	vld [tilespmem:$0x1FFF0];
	v60 =	vmov v2  }
0x57e: {  	s13 =	rddreg [dreg:$0x7]  }
0x57f: {  	[hbm4b:s13+s4] =	stream.linear.scatter [tilespmem:s16], [sflag:$0x5], $0x400, $0x38;
	[tilespmem:$0x1A100] =	vst v63  }
0x580: {  	s14 =	simm.s32 $0x11800;
	s1 =	sadd.s32 $0x4000, s13  }
0x581: {  	[hbm4b:s1+s4] =	stream.linear.scatter [tilespmem:s14], [sflag:$0x5], $0x400, $0x38;
	[tilespmem:$0x1A100] =	vst v63  }
0x582: {  	s30 =	simm.s32 $0x12800;
	s28 =	sadd.s32 $0x8000, s13  }
0x583: {  	[hbm4b:s28+s4] =	stream.linear.scatter [tilespmem:s30], [sflag:$0x5], $0x400, $0x38;
	[tilespmem:$0x1A100] =	vst v63  }
0x584: {  	s24 =	simm.s32 $0x13800;
	s20 =	sadd.s32 $0xC000, s13  }
0x585: {  	[hbm4b:s20+s4] =	stream.linear.scatter [tilespmem:s24], [sflag:$0x5], $0x400, $0x38;
	[tilespmem:$0x1A100] =	vst v63  }
0x586: {  	s26 =	simm.s32 $0x14800;
	s25 =	sadd.s32 $0x10000, s13  }
0x587: {  	[hbm4b:s25+s4] =	stream.linear.scatter [tilespmem:s26], [sflag:$0x5], $0x400, $0x38;
	[tilespmem:$0x1A100] =	vst v63  }
0x588: {  	s28 =	sadd.s32 $0x14000, s13;
	s30 =	simm.s32 $0x15800  }
0x589: {  	[hbm4b:s28+s4] =	stream.linear.scatter [tilespmem:s30], [sflag:$0x5], $0x400, $0x38;
	[tilespmem:$0x1A100] =	vst v63  }
0x58a: {  	s14 =	sadd.s32 $0x18000, s13;
	s20 =	simm.s32 $0x16800  }
0x58b: {  	[hbm4b:s14+s4] =	stream.linear.scatter [tilespmem:s20], [sflag:$0x5], $0x400, $0x38;
	[tilespmem:$0x1A100] =	vst v63  }
0x58c: {  	s24 =	sadd.s32 $0x1C000, s13;
	s25 =	simm.s32 $0x17800  }
0x58d: {  	[hbm4b:s24+s4] =	stream.linear.scatter [tilespmem:s25], [sflag:$0x5], $0x400, $0x38;
	[tilespmem:$0x1A100] =	vst v63  }
0x58e: {  	s13 =	rddreg [dreg:$0x8];
	s26 =	simm.s32 $0x10C00  }
0x58f: {  	[hbm4b:s13+s4] =	stream.linear.scatter [tilespmem:s26], [sflag:$0x5], $0x400, $0x38;
	[tilespmem:$0x1A100] =	vst v63  }
0x590: {  	s28 =	sadd.s32 $0x4000, s13;
	s30 =	simm.s32 $0x11C00  }
0x591: {  	[hbm4b:s28+s4] =	stream.linear.scatter [tilespmem:s30], [sflag:$0x5], $0x400, $0x38;
	[tilespmem:$0x1A100] =	vst v63  }
0x592: {  	s20 =	sadd.s32 $0x8000, s13;
	s24 =	simm.s32 $0x12C00  }
0x593: {  	[hbm4b:s20+s4] =	stream.linear.scatter [tilespmem:s24], [sflag:$0x5], $0x400, $0x38;
	[tilespmem:$0x1A100] =	vst v63  }
0x594: {  	s25 =	sadd.s32 $0xC000, s13;
	s26 =	simm.s32 $0x13C00  }
0x595: {  	[hbm4b:s25+s4] =	stream.linear.scatter [tilespmem:s26], [sflag:$0x5], $0x400, $0x38;
	[tilespmem:$0x1A100] =	vst v63  }
0x596: {  	s28 =	sadd.s32 $0x10000, s13;
	s30 =	simm.s32 $0x14C00  }
0x597: {  	[hbm4b:s28+s4] =	stream.linear.scatter [tilespmem:s30], [sflag:$0x5], $0x400, $0x38;
	[tilespmem:$0x1A100] =	vst v63  }
0x598: {  	s20 =	sadd.s32 $0x14000, s13;
	s24 =	simm.s32 $0x15C00  }
0x599: {  	[hbm4b:s20+s4] =	stream.linear.scatter [tilespmem:s24], [sflag:$0x5], $0x400, $0x38;
	[tilespmem:$0x1A100] =	vst v63  }
0x59a: {  	s25 =	sadd.s32 $0x18000, s13;
	s26 =	simm.s32 $0x16C00  }
0x59b: {  	[hbm4b:s25+s4] =	stream.linear.scatter [tilespmem:s26], [sflag:$0x5], $0x400, $0x38;
	[tilespmem:$0x1A100] =	vst v63  }
0x59c: {  	s28 =	sadd.s32 $0x1C000, s13;
	s30 =	simm.s32 $0x17C00  }
0x59d: {  	[hbm4b:s28+s4] =	stream.linear.scatter [tilespmem:s30], [sflag:$0x5], $0x400, $0x38;
	[tilespmem:$0x1A100] =	vst v63  }
0x59e: {  	s14 =	simm.s32 $0x11000;
	s13 =	rddreg [dreg:$0x9]  }
0x59f: {  	[hbm4b:s13+s4] =	stream.linear.scatter [tilespmem:s14], [sflag:$0x5], $0x400, $0x38;
	[tilespmem:$0x1A100] =	vst v63  }
0x5a0: {  	s20 =	sadd.s32 $0x4000, s13;
	s24 =	simm.s32 $0x12000  }
0x5a1: {  	[hbm4b:s20+s4] =	stream.linear.scatter [tilespmem:s24], [sflag:$0x5], $0x400, $0x38;
	[tilespmem:$0x1A100] =	vst v63  }
0x5a2: {  	s25 =	sadd.s32 $0x8000, s13;
	s26 =	simm.s32 $0x13000  }
0x5a3: {  	[hbm4b:s25+s4] =	stream.linear.scatter [tilespmem:s26], [sflag:$0x5], $0x400, $0x38;
	[tilespmem:$0x1A100] =	vst v63  }
0x5a4: {  	s28 =	sadd.s32 $0xC000, s13;
	s30 =	simm.s32 $0x14000  }
0x5a5: {  	[hbm4b:s28+s4] =	stream.linear.scatter [tilespmem:s30], [sflag:$0x5], $0x400, $0x38;
	[tilespmem:$0x1A100] =	vst v63  }
0x5a6: {  	s20 =	sadd.s32 $0x10000, s13;
	s24 =	simm.s32 $0x15000  }
0x5a7: {  	[hbm4b:s20+s4] =	stream.linear.scatter [tilespmem:s24], [sflag:$0x5], $0x400, $0x38;
	[tilespmem:$0x1A100] =	vst v63  }
0x5a8: {  	s25 =	sadd.s32 $0x14000, s13;
	s26 =	simm.s32 $0x16000  }
0x5a9: {  	[hbm4b:s25+s4] =	stream.linear.scatter [tilespmem:s26], [sflag:$0x5], $0x400, $0x38;
	[tilespmem:$0x1A100] =	vst v63  }
0x5aa: {  	s28 =	sadd.s32 $0x18000, s13;
	s30 =	simm.s32 $0x17000  }
0x5ab: {  	[hbm4b:s28+s4] =	stream.linear.scatter [tilespmem:s30], [sflag:$0x5], $0x400, $0x38;
	[tilespmem:$0x1A100] =	vst v63  }
0x5ac: {  	s14 =	sadd.s32 $0x1C000, s13;
	s20 =	simm.s32 $0x18000  }
0x5ad: {  	[hbm4b:s14+s4] =	stream.linear.scatter [tilespmem:s20], [sflag:$0x5], $0x400, $0x38;
	[tilespmem:$0x1A100] =	vst v63  }
0x5ae: {  	s13 =	rddreg [dreg:$0xa];
	s24 =	simm.s32 $0x11400  }
0x5af: {  	[hbm4b:s13+s4] =	stream.linear.scatter [tilespmem:s24], [sflag:$0x5], $0x400, $0x38;
	[tilespmem:$0x1A100] =	vst v63  }
0x5b0: {  	s25 =	sadd.s32 $0x4000, s13;
	s26 =	simm.s32 $0x12400  }
0x5b1: {  	[hbm4b:s25+s4] =	stream.linear.scatter [tilespmem:s26], [sflag:$0x5], $0x400, $0x38;
	[tilespmem:$0x1A100] =	vst v63  }
0x5b2: {  	s28 =	sadd.s32 $0x8000, s13;
	s30 =	simm.s32 $0x13400  }
0x5b3: {  	[hbm4b:s28+s4] =	stream.linear.scatter [tilespmem:s30], [sflag:$0x5], $0x400, $0x38;
	[tilespmem:$0x1A100] =	vst v63  }
0x5b4: {  	s14 =	sadd.s32 $0xC000, s13  }
0x5b5: {  	[hbm4b:s14+s4] =	stream.linear.scatter [tilespmem:s31], [sflag:$0x5], $0x400, $0x38;
	[tilespmem:$0x1A100] =	vst v63  }
0x5b6: {  	s20 =	sadd.s32 $0x10000, s13  }
0x5b7: {  	[hbm4b:s20+s4] =	stream.linear.scatter [tilespmem:s0], [sflag:$0x5], $0x400, $0x38;
	[tilespmem:$0x1A100] =	vst v63  }
0x5b8: {  	s24 =	sadd.s32 $0x14000, s13  }
0x5b9: {  	[hbm4b:s24+s4] =	stream.linear.scatter [tilespmem:s3], [sflag:$0x5], $0x400, $0x38;
	[tilespmem:$0x1A100] =	vst v63  }
0x5ba: {  	s25 =	sadd.s32 $0x18000, s13  }
0x5bb: {  	[hbm4b:s25+s4] =	stream.linear.scatter [tilespmem:s18], [sflag:$0x5], $0x400, $0x38;
	[tilespmem:$0x1A100] =	vst v63  }
0x5bc: {  	s26 =	sadd.s32 $0x1C000, s13  }
0x5bd: {  	[hbm4b:s26+s4] =	stream.linear.scatter [tilespmem:s6], [sflag:$0x5], $0x400, $0x38;
	[tilespmem:$0x1A100] =	vst v63  }
0x5be: {  	_ =	swait.ge [sflag:s17], $0x2000  }
0x5bf: {  	[sflag:s17] =	ssyncset.done $0x0  }
0x5c0: {  	[sflag:s17] =	ssyncadd.s32 $0xFFFFE000  }
0x5c1: {  	_ =	swait.ge [sflag:s17], $0x2000  }
0x5c2: {  	[sflag:s17] =	ssyncset.done $0x0  }
0x5c3: {  	[sflag:s17] =	ssyncadd.s32 $0xFFFFE000  }
0x5c4: {  	_ =	swait.ge [sflag:s17], $0x2000  }
0x5c5: {  	[sflag:s17] =	ssyncset.done $0x0  }
0x5c6: {  	[sflag:s17] =	ssyncadd.s32 $0xFFFFE000  }
0x5c7: {  	_ =	swait.ge [sflag:s17], $0x2000  }
0x5c8: {  	s28 =	rddreg [dreg:$0xc]  }
0x5c9: {  	s30 =	rddreg [dreg:$0xb];
	s13 =	sadd.s32 $0x1, s28  }
0x5ca: {  	p0 =	sne.s32 s13, s30  }
.Ltmp10:
0x5cb: {  	_ = 	snop;
	(pc) =	sbr.rel @p0 .LBB2_1-.Ltmp10, $3  }
0x5cc: {  	_ =	sdelay $0x1  }
0x5cd: {  	[sflag:s17] =	ssyncset.done $0x0  }
0x5ce: {  	[sflag:s17] =	ssyncadd.s32 $0xFFFFE000  }
0x5cf: {  	_ =	sfence.sel $0x180000  }
0x5d0: {  	[bflag:$0x0] =	sbarrier.arrive $0xFFFF  }
0x5d1: {  	_ =	strace $0x90000047  }
0x5d2: {  	s0 =	stileid.u32;
	[bflag:$0x2] =	sbarrier.arrive $0xFFFF  }
0x5d3: {  	p0 =	sne.s32 s0, $0x0;
	s0 =	rddreg [dreg:$0x3]  }
0x5d4: {  	s0 =	sadd.s32 @!p0 $0x100000, s0  }
0x5d5: {  	[sflag:s0] =	ssyncadd.tile.s32 @!p0 $0x1;
	_ =	shalt  }
.Lfunc_end2:
_tile_overlayer_lowered:
.L_overlay_start_2:
0x5d6: {  	(tag) =	ssettag $0x2  }
0x5d7: {  	s0 =	rddreg [dreg:$0x0];
	s2 =	stileid.u32  }
0x5d8: {  	s1 =	rddreg [dreg:$0x1];
	p0 =	sne.s32 s2, $0x0  }
0x5d9: {  	s3 =	rddreg [dreg:$0x2];
	[bflag:$0x3] =	sbarrier.arrive $0xFFFF;
	s2 =	simm.s32 @!p0 $0x1C06  }
0x5da: {  	[timem:s3], [sflag:s2] =	dma.local @!p0 [hbm:s0], s1  }
0x5db: {  	s0 =	simm.s32 @!p0 $0x6  }
0x5dc: {  	_ =	swait.ge @!p0 [sflag:s0], s1  }
0x5dd: {  	s1 =	ssub.s32 @!p0 $0x0, s1;
	[sflag:s0] =	ssyncset.done @!p0 $0x0  }
0x5de: {  	[sflag:s0] =	ssyncadd.s32 @!p0 s1  }
0x5df: {  	[bflag:$0x3] =	sbarrier.arrive $0xFFFF  }
0x5e0: {  	_ =	shalt  }

</sc_bundles>
